<compile_context>
chip_gen: v7x
topology: tpu7x:2x2x1
jax: 0.10.2.dev20260603
libtpu: 0.0.44.dev20260713+nightly
codegen_flags: <defaults>
</compile_context>

<pallas_src>
import functools

import jax
import jax.numpy as jnp
from jax import lax
from jax.experimental import pallas as pl
from jax.experimental.pallas import tpu as pltpu
from jax.experimental.pallas import tpu_sc as plsc

_NUM_DOMAINS = 1000
_PLEN = 10
_EDIM = 768
_BATCH = 4096
_NC, _NS = 2, 16
_NW = _NC * _NS
_BPW = _BATCH // _NW
_CH = 32
_CPP = _BPW // _CH
_NBUF = 5
_LANES = 16

_mesh = plsc.VectorSubcoreMesh(core_axis_name="c", subcore_axis_name="s")


@functools.partial(
    pl.kernel,
    mesh=_mesh,
    out_type=jax.ShapeDtypeStruct((_PLEN * _BATCH, _EDIM), jnp.float32),
    scratch_types=[
        pltpu.VMEM((_BPW,), jnp.int32),
        pltpu.VMEM((_PLEN * _BPW,), jnp.int32),
        pltpu.VMEM((_NBUF, _CH, _EDIM), jnp.float32),
        pltpu.SemaphoreType.DMA,
        pltpu.SemaphoreType.DMA,
    ],
)
def _gather_rows(idx_hbm, table_hbm, out_hbm, idx_v, idxs_v, rows_v, gsem, ssem):
    wid = lax.axis_index("s") * _NC + lax.axis_index("c")
    base = wid * _BPW
    pltpu.sync_copy(idx_hbm.at[pl.ds(base, _BPW)], idx_v)

    chunks = [(p, cc) for p in range(_PLEN) for cc in range(_CPP)]
    n = len(chunks)

    def gather(k, buf):
        p, cc = chunks[k]
        if p == 0:
            idx_ref = idx_v.at[pl.ds(cc * _CH, _CH)]
        else:
            idx_ref = idxs_v.at[pl.ds(p * _BPW + cc * _CH, _CH)]
        return pltpu.async_copy(table_hbm.at[idx_ref], rows_v.at[buf], gsem)

    def put(k, buf):
        p, cc = chunks[k]
        return pltpu.async_copy(
            rows_v.at[buf],
            out_hbm.at[pl.ds(p * _BATCH + base + cc * _CH, _CH)],
            ssem,
        )

    g = [None] * _NBUF
    s = [None] * _NBUF
    for i in range(_NBUF - 1):
        g[i] = gather(i, i)

    for p in range(1, _PLEN):
        for j in range(0, _BPW, _LANES):
            idxs_v[pl.ds(p * _BPW + j, _LANES)] = (
                idx_v[pl.ds(j, _LANES)] + p * _NUM_DOMAINS
            )

    for k in range(n):
        buf = k % _NBUF
        g[buf].wait()
        s[buf] = put(k, buf)
        nk = k + _NBUF - 1
        if nk < n:
            nbuf = nk % _NBUF
            if s[nbuf] is not None:
                s[nbuf].wait()
            g[nbuf] = gather(nk, nbuf)
    for i in range(_NBUF):
        if s[i] is not None:
            s[i].wait()


def kernel(domain_labels, domain_prompts):
    idx = domain_labels.astype(jnp.int32)
    tab2 = jnp.transpose(domain_prompts, (1, 0, 2)).reshape(
        _PLEN * _NUM_DOMAINS, _EDIM
    )
    out2 = _gather_rows(idx, tab2)
    out = jnp.transpose(out2.reshape(_PLEN, _BATCH, _EDIM), (1, 0, 2))
    return out

# --- scband reference (transcript-rebuilt; emitter-appended) ---
"""Pipeline reference for scband-domain-prompt-53420803227944 (READ-ONLY COPY).

The authoritative reference and input builder live on the scoring server;
editing this copy changes nothing except your own understanding.
"""

import jax, jax.numpy as jnp
import numpy as np

NUM_DOMAINS = 1000
PROMPT_LENGTH = 10
EMBED_DIM = 768
BATCH = 4096

def setup_inputs(seed: int = 0) -> dict:
    key = jax.random.key(seed)
    k1, k2 = jax.random.split(key)
    domain_labels = jax.random.randint(k1, (BATCH,), 0, NUM_DOMAINS, dtype=jnp.int64 if jax.config.jax_enable_x64 else jnp.int32)
    domain_prompts = jax.random.normal(k2, (NUM_DOMAINS, PROMPT_LENGTH, EMBED_DIM), dtype=jnp.float32) * 0.02
    return {"domain_labels": domain_labels, "domain_prompts": domain_prompts}

def reference(domain_labels, domain_prompts):
    # Embedding lookup: [B] -> [B, prompt_length, embed_dim]
    domain_prompt_embeds = jnp.take(domain_prompts, domain_labels, axis=0)
    return domain_prompt_embeds

if __name__ == "__main__":
    import jax
    _d = setup_inputs()
    print(jax.jit(kernel)(*tuple(_d.values())))

</pallas_src>

<mosaic_0001>
#map = affine_map<(d0, d1) -> (0)>
#map1 = affine_map<(d0, d1) -> (0, 0)>
module attributes {stable_mosaic.version = 14 : i64} {
  func.func @_gather_rows(%arg0: i32, %arg1: i32, %arg2: memref<4096xi32, #tpu.memory_space<hbm>>, %arg3: memref<10000x768xf32, #tpu.memory_space<hbm>>, %arg4: memref<40960x768xf32, #tpu.memory_space<hbm>>, %arg5: memref<128xi32, #tpu.memory_space<vmem>>, %arg6: memref<1280xi32, #tpu.memory_space<vmem>>, %arg7: memref<5x32x768xf32, #tpu.memory_space<vmem>>, %arg8: memref<!tpu.dma_semaphore, #tpu.memory_space<semaphore_mem>>, %arg9: memref<!tpu.dma_semaphore, #tpu.memory_space<semaphore_mem>>) attributes {dimension_semantics = [#tpu.dimension_semantics<core_parallel>, #tpu.dimension_semantics<subcore_parallel>], iteration_bounds = array<i64: 2, 16>, scalar_prefetch = 0 : i64, scratch_operands = 5 : i64, tpu.core_type = #tpu.core_type<sc_vector_subcore>, window_params = [{transform_indices = #map}, {transform_indices = #map1}, {transform_indices = #map1}]} {
    %mul3A = arith.constant 2 : i32
    %mul3A_0 = arith.muli %arg1, %mul3A : i32
    %add3A = arith.addi %mul3A_0, %arg0 : i32
    %mul3A_1 = arith.constant 128 : i32
    %mul3A_2 = arith.muli %add3A, %mul3A_1 : i32
    "tpu.region"() ({
      %run_scoped3A = tpu.sem_alloc : memref<!tpu.dma_semaphore, #tpu.memory_space<semaphore_mem>>
      %dma_start3A_2719 = tpu.memref_slice %arg2[%mul3A_2] : memref<4096xi32, #tpu.memory_space<hbm>> -> memref<128xi32, #tpu.memory_space<hbm>>
      %dma_start3A_2720 = tpu.memref_slice %arg2[%mul3A_2] : memref<4096xi32, #tpu.memory_space<hbm>> -> memref<128xi32, #tpu.memory_space<hbm>>
      tpu.enqueue_dma source(%dma_start3A_2720 : memref<128xi32, #tpu.memory_space<hbm>>) target(%arg5 : memref<128xi32, #tpu.memory_space<vmem>>) target_semaphore(%run_scoped3A : memref<!tpu.dma_semaphore, #tpu.memory_space<semaphore_mem>>)
      %dma_wait3A_2721 = tpu.memref_slice %arg2[%mul3A_2] : memref<4096xi32, #tpu.memory_space<hbm>> -> memref<128xi32, #tpu.memory_space<hbm>>
      %dma_wait3A_2722 = tpu.memref_slice %arg2[%mul3A_2] : memref<4096xi32, #tpu.memory_space<hbm>> -> memref<128xi32, #tpu.memory_space<hbm>>
      tpu.wait_dma2 semaphore(%run_scoped3A : memref<!tpu.dma_semaphore, #tpu.memory_space<semaphore_mem>>) src(%dma_wait3A_2722 : memref<128xi32, #tpu.memory_space<hbm>>) dst(%arg5 : memref<128xi32, #tpu.memory_space<vmem>>)
      tpu.yield
    }) : () -> ()
    %dma_start3A = arith.constant 0 : i32
    %dma_start3A_3 = arith.constant 0 : i32
    %dma_start3A_4 = arith.constant 0 : i32
    %dma_start3A_5 = tpu.memref_slice %arg7[%dma_start3A, %dma_start3A_3, %dma_start3A_4] : memref<5x32x768xf32, #tpu.memory_space<vmem>> -> memref<1x32x768xf32, #tpu.memory_space<vmem>>
    %dma_start3A_6 = tpu.memref_squeeze %dma_start3A_5 : memref<1x32x768xf32, #tpu.memory_space<vmem>> -> memref<32x768xf32, #tpu.memory_space<vmem>>
    %dma_start3A_7 = arith.constant 0 : i32
    %dma_start3A_8 = tpu.memref_slice %arg5[%dma_start3A_7] : memref<128xi32, #tpu.memory_space<vmem>> -> memref<32xi32, #tpu.memory_space<vmem>>
    %dma_start3A_9 = arith.constant 0 : i32
    %dma_start3A_10 = arith.constant 0 : i32
    %dma_start3A_11 = tpu.memref_slice %arg3[%dma_start3A_9, %dma_start3A_10] : memref<10000x768xf32, #tpu.memory_space<hbm>> -> memref<10000x768xf32, #tpu.memory_space<hbm>>
    tpu.enqueue_indirect_dma source(%dma_start3A_11 : memref<10000x768xf32, #tpu.memory_space<hbm>>) target(%dma_start3A_6 : memref<32x768xf32, #tpu.memory_space<vmem>>) offsets(%dma_start3A_8 : memref<32xi32, #tpu.memory_space<vmem>>) semaphore(%arg8 : memref<!tpu.dma_semaphore, #tpu.memory_space<semaphore_mem>>)
    %dma_start3A_12 = arith.constant 1 : i32
    %dma_start3A_13 = arith.constant 0 : i32
    %dma_start3A_14 = arith.constant 0 : i32
    %dma_start3A_15 = tpu.memref_slice %arg7[%dma_start3A_12, %dma_start3A_13, %dma_start3A_14] : memref<5x32x768xf32, #tpu.memory_space<vmem>> -> memref<1x32x768xf32, #tpu.memory_space<vmem>>
    %dma_start3A_16 = tpu.memref_squeeze %dma_start3A_15 : memref<1x32x768xf32, #tpu.memory_space<vmem>> -> memref<32x768xf32, #tpu.memory_space<vmem>>
    %dma_start3A_17 = arith.constant 32 : i32
    %dma_start3A_18 = tpu.memref_slice %arg5[%dma_start3A_17] : memref<128xi32, #tpu.memory_space<vmem>> -> memref<32xi32, #tpu.memory_space<vmem>>
    %dma_start3A_19 = arith.constant 0 : i32
    %dma_start3A_20 = arith.constant 0 : i32
    %dma_start3A_21 = tpu.memref_slice %arg3[%dma_start3A_19, %dma_start3A_20] : memref<10000x768xf32, #tpu.memory_space<hbm>> -> memref<10000x768xf32, #tpu.memory_space<hbm>>
    tpu.enqueue_indirect_dma source(%dma_start3A_21 : memref<10000x768xf32, #tpu.memory_space<hbm>>) target(%dma_start3A_16 : memref<32x768xf32, #tpu.memory_space<vmem>>) offsets(%dma_start3A_18 : memref<32xi32, #tpu.memory_space<vmem>>) semaphore(%arg8 : memref<!tpu.dma_semaphore, #tpu.memory_space<semaphore_mem>>)
    %dma_start3A_22 = arith.constant 2 : i32
    %dma_start3A_23 = arith.constant 0 : i32
    %dma_start3A_24 = arith.constant 0 : i32
    %dma_start3A_25 = tpu.memref_slice %arg7[%dma_start3A_22, %dma_start3A_23, %dma_start3A_24] : memref<5x32x768xf32, #tpu.memory_space<vmem>> -> memref<1x32x768xf32, #tpu.memory_space<vmem>>
    %dma_start3A_26 = tpu.memref_squeeze %dma_start3A_25 : memref<1x32x768xf32, #tpu.memory_space<vmem>> -> memref<32x768xf32, #tpu.memory_space<vmem>>
    %dma_start3A_27 = arith.constant 64 : i32
    %dma_start3A_28 = tpu.memref_slice %arg5[%dma_start3A_27] : memref<128xi32, #tpu.memory_space<vmem>> -> memref<32xi32, #tpu.memory_space<vmem>>
    %dma_start3A_29 = arith.constant 0 : i32
    %dma_start3A_30 = arith.constant 0 : i32
    %dma_start3A_31 = tpu.memref_slice %arg3[%dma_start3A_29, %dma_start3A_30] : memref<10000x768xf32, #tpu.memory_space<hbm>> -> memref<10000x768xf32, #tpu.memory_space<hbm>>
    tpu.enqueue_indirect_dma source(%dma_start3A_31 : memref<10000x768xf32, #tpu.memory_space<hbm>>) target(%dma_start3A_26 : memref<32x768xf32, #tpu.memory_space<vmem>>) offsets(%dma_start3A_28 : memref<32xi32, #tpu.memory_space<vmem>>) semaphore(%arg8 : memref<!tpu.dma_semaphore, #tpu.memory_space<semaphore_mem>>)
    %dma_start3A_32 = arith.constant 3 : i32
    %dma_start3A_33 = arith.constant 0 : i32
    %dma_start3A_34 = arith.constant 0 : i32
    %dma_start3A_35 = tpu.memref_slice %arg7[%dma_start3A_32, %dma_start3A_33, %dma_start3A_34] : memref<5x32x768xf32, #tpu.memory_space<vmem>> -> memref<1x32x768xf32, #tpu.memory_space<vmem>>
    %dma_start3A_36 = tpu.memref_squeeze %dma_start3A_35 : memref<1x32x768xf32, #tpu.memory_space<vmem>> -> memref<32x768xf32, #tpu.memory_space<vmem>>
    %dma_start3A_37 = arith.constant 96 : i32
    %dma_start3A_38 = tpu.memref_slice %arg5[%dma_start3A_37] : memref<128xi32, #tpu.memory_space<vmem>> -> memref<32xi32, #tpu.memory_space<vmem>>
    %dma_start3A_39 = arith.constant 0 : i32
    %dma_start3A_40 = arith.constant 0 : i32
    %dma_start3A_41 = tpu.memref_slice %arg3[%dma_start3A_39, %dma_start3A_40] : memref<10000x768xf32, #tpu.memory_space<hbm>> -> memref<10000x768xf32, #tpu.memory_space<hbm>>
    tpu.enqueue_indirect_dma source(%dma_start3A_41 : memref<10000x768xf32, #tpu.memory_space<hbm>>) target(%dma_start3A_36 : memref<32x768xf32, #tpu.memory_space<vmem>>) offsets(%dma_start3A_38 : memref<32xi32, #tpu.memory_space<vmem>>) semaphore(%arg8 : memref<!tpu.dma_semaphore, #tpu.memory_space<semaphore_mem>>)
    %get3A = arith.constant 0 : index
    %get3A_42 = tpu.vector_load %arg5[%get3A] {strides = array<i32>} : memref<128xi32, #tpu.memory_space<vmem>>, vector<16xi32>,
    %get3A_43 = vector.shape_cast %get3A_42 : vector<16xi32> to vector<16xi32>
    %add3A_44 = arith.constant 1000 : i32
    %add3A_45 = vector.broadcast %add3A_44 : i32 to vector<16xi32>
    %add3A_46 = arith.addi %get3A_43, %add3A_45 : vector<16xi32>
    %swap3A = arith.constant 128 : index
    %swap3A_47 = tpu.vector_load %arg6[%swap3A] {strides = array<i32>} : memref<1280xi32, #tpu.memory_space<vmem>>, vector<16xi32>,
    %swap3A_48 = vector.shape_cast %swap3A_47 : vector<16xi32> to vector<16xi32>
    %swap3A_49 = vector.shape_cast %add3A_46 : vector<16xi32> to vector<16xi32>
    tpu.vector_store %arg6[%swap3A], %swap3A_49 {strides = array<i32>} : memref<1280xi32, #tpu.memory_space<vmem>>, vector<16xi32>,
    %get3A_50 = arith.constant 16 : index
    %get3A_51 = tpu.vector_load %arg5[%get3A_50] {strides = array<i32>} : memref<128xi32, #tpu.memory_space<vmem>>, vector<16xi32>,
    %get3A_52 = vector.shape_cast %get3A_51 : vector<16xi32> to vector<16xi32>
    %add3A_53 = arith.constant 1000 : i32
    %add3A_54 = vector.broadcast %add3A_53 : i32 to vector<16xi32>
    %add3A_55 = arith.addi %get3A_52, %add3A_54 : vector<16xi32>
    %swap3A_56 = arith.constant 144 : index
    %swap3A_57 = tpu.vector_load %arg6[%swap3A_56] {strides = array<i32>} : memref<1280xi32, #tpu.memory_space<vmem>>, vector<16xi32>,
    %swap3A_58 = vector.shape_cast %swap3A_57 : vector<16xi32> to vector<16xi32>
    %swap3A_59 = vector.shape_cast %add3A_55 : vector<16xi32> to vector<16xi32>
    tpu.vector_store %arg6[%swap3A_56], %swap3A_59 {strides = array<i32>} : memref<1280xi32, #tpu.memory_space<vmem>>, vector<16xi32>,
    %get3A_60 = arith.constant 32 : index
    %get3A_61 = tpu.vector_load %arg5[%get3A_60] {strides = array<i32>} : memref<128xi32, #tpu.memory_space<vmem>>, vector<16xi32>,
    %get3A_62 = vector.shape_cast %get3A_61 : vector<16xi32> to vector<16xi32>
    %add3A_63 = arith.constant 1000 : i32
    %add3A_64 = vector.broadcast %add3A_63 : i32 to vector<16xi32>
    %add3A_65 = arith.addi %get3A_62, %add3A_64 : vector<16xi32>
    %swap3A_66 = arith.constant 160 : index
    %swap3A_67 = tpu.vector_load %arg6[%swap3A_66] {strides = array<i32>} : memref<1280xi32, #tpu.memory_space<vmem>>, vector<16xi32>,
    %swap3A_68 = vector.shape_cast %swap3A_67 : vector<16xi32> to vector<16xi32>
    %swap3A_69 = vector.shape_cast %add3A_65 : vector<16xi32> to vector<16xi32>
    tpu.vector_store %arg6[%swap3A_66], %swap3A_69 {strides = array<i32>} : memref<1280xi32, #tpu.memory_space<vmem>>, vector<16xi32>,
    %get3A_70 = arith.constant 48 : index
    %get3A_71 = tpu.vector_load %arg5[%get3A_70] {strides = array<i32>} : memref<128xi32, #tpu.memory_space<vmem>>, vector<16xi32>,
    %get3A_72 = vector.shape_cast %get3A_71 : vector<16xi32> to vector<16xi32>
    %add3A_73 = arith.constant 1000 : i32
    %add3A_74 = vector.broadcast %add3A_73 : i32 to vector<16xi32>
    %add3A_75 = arith.addi %get3A_72, %add3A_74 : vector<16xi32>
    %swap3A_76 = arith.constant 176 : index
    %swap3A_77 = tpu.vector_load %arg6[%swap3A_76] {strides = array<i32>} : memref<1280xi32, #tpu.memory_space<vmem>>, vector<16xi32>,
    %swap3A_78 = vector.shape_cast %swap3A_77 : vector<16xi32> to vector<16xi32>
    %swap3A_79 = vector.shape_cast %add3A_75 : vector<16xi32> to vector<16xi32>
    tpu.vector_store %arg6[%swap3A_76], %swap3A_79 {strides = array<i32>} : memref<1280xi32, #tpu.memory_space<vmem>>, vector<16xi32>,
    %get3A_80 = arith.constant 64 : index
    %get3A_81 = tpu.vector_load %arg5[%get3A_80] {strides = array<i32>} : memref<128xi32, #tpu.memory_space<vmem>>, vector<16xi32>,
    %get3A_82 = vector.shape_cast %get3A_81 : vector<16xi32> to vector<16xi32>
    %add3A_83 = arith.constant 1000 : i32
    %add3A_84 = vector.broadcast %add3A_83 : i32 to vector<16xi32>
    %add3A_85 = arith.addi %get3A_82, %add3A_84 : vector<16xi32>
    %swap3A_86 = arith.constant 192 : index
    %swap3A_87 = tpu.vector_load %arg6[%swap3A_86] {strides = array<i32>} : memref<1280xi32, #tpu.memory_space<vmem>>, vector<16xi32>,
    %swap3A_88 = vector.shape_cast %swap3A_87 : vector<16xi32> to vector<16xi32>
    %swap3A_89 = vector.shape_cast %add3A_85 : vector<16xi32> to vector<16xi32>
    tpu.vector_store %arg6[%swap3A_86], %swap3A_89 {strides = array<i32>} : memref<1280xi32, #tpu.memory_space<vmem>>, vector<16xi32>,
    %get3A_90 = arith.constant 80 : index
    %get3A_91 = tpu.vector_load %arg5[%get3A_90] {strides = array<i32>} : memref<128xi32, #tpu.memory_space<vmem>>, vector<16xi32>,
    %get3A_92 = vector.shape_cast %get3A_91 : vector<16xi32> to vector<16xi32>
    %add3A_93 = arith.constant 1000 : i32
    %add3A_94 = vector.broadcast %add3A_93 : i32 to vector<16xi32>
    %add3A_95 = arith.addi %get3A_92, %add3A_94 : vector<16xi32>
    %swap3A_96 = arith.constant 208 : index
    %swap3A_97 = tpu.vector_load %arg6[%swap3A_96] {strides = array<i32>} : memref<1280xi32, #tpu.memory_space<vmem>>, vector<16xi32>,
    %swap3A_98 = vector.shape_cast %swap3A_97 : vector<16xi32> to vector<16xi32>
    %swap3A_99 = vector.shape_cast %add3A_95 : vector<16xi32> to vector<16xi32>
    tpu.vector_store %arg6[%swap3A_96], %swap3A_99 {strides = array<i32>} : memref<1280xi32, #tpu.memory_space<vmem>>, vector<16xi32>,
    %get3A_100 = arith.constant 96 : index
    %get3A_101 = tpu.vector_load %arg5[%get3A_100] {strides = array<i32>} : memref<128xi32, #tpu.memory_space<vmem>>, vector<16xi32>,
    %get3A_102 = vector.shape_cast %get3A_101 : vector<16xi32> to vector<16xi32>
    %add3A_103 = arith.constant 1000 : i32
    %add3A_104 = vector.broadcast %add3A_103 : i32 to vector<16xi32>
    %add3A_105 = arith.addi %get3A_102, %add3A_104 : vector<16xi32>
    %swap3A_106 = arith.constant 224 : index
    %swap3A_107 = tpu.vector_load %arg6[%swap3A_106] {strides = array<i32>} : memref<1280xi32, #tpu.memory_space<vmem>>, vector<16xi32>,
    %swap3A_108 = vector.shape_cast %swap3A_107 : vector<16xi32> to vector<16xi32>
    %swap3A_109 = vector.shape_cast %add3A_105 : vector<16xi32> to vector<16xi32>
    tpu.vector_store %arg6[%swap3A_106], %swap3A_109 {strides = array<i32>} : memref<1280xi32, #tpu.memory_space<vmem>>, vector<16xi32>,
    %get3A_110 = arith.constant 112 : index
    %get3A_111 = tpu.vector_load %arg5[%get3A_110] {strides = array<i32>} : memref<128xi32, #tpu.memory_space<vmem>>, vector<16xi32>,
    %get3A_112 = vector.shape_cast %get3A_111 : vector<16xi32> to vector<16xi32>
    %add3A_113 = arith.constant 1000 : i32
    %add3A_114 = vector.broadcast %add3A_113 : i32 to vector<16xi32>
    %add3A_115 = arith.addi %get3A_112, %add3A_114 : vector<16xi32>
    %swap3A_116 = arith.constant 240 : index
    %swap3A_117 = tpu.vector_load %arg6[%swap3A_116] {strides = array<i32>} : memref<1280xi32, #tpu.memory_space<vmem>>, vector<16xi32>,
    %swap3A_118 = vector.shape_cast %swap3A_117 : vector<16xi32> to vector<16xi32>
    %swap3A_119 = vector.shape_cast %add3A_115 : vector<16xi32> to vector<16xi32>
    tpu.vector_store %arg6[%swap3A_116], %swap3A_119 {strides = array<i32>} : memref<1280xi32, #tpu.memory_space<vmem>>, vector<16xi32>,
    %get3A_120 = arith.constant 0 : index
    %get3A_121 = tpu.vector_load %arg5[%get3A_120] {strides = array<i32>} : memref<128xi32, #tpu.memory_space<vmem>>, vector<16xi32>,
    %get3A_122 = vector.shape_cast %get3A_121 : vector<16xi32> to vector<16xi32>
    %add3A_123 = arith.constant 2000 : i32
    %add3A_124 = vector.broadcast %add3A_123 : i32 to vector<16xi32>
    %add3A_125 = arith.addi %get3A_122, %add3A_124 : vector<16xi32>
    %swap3A_126 = arith.constant 256 : index
    %swap3A_127 = tpu.vector_load %arg6[%swap3A_126] {strides = array<i32>} : memref<1280xi32, #tpu.memory_space<vmem>>, vector<16xi32>,
    %swap3A_128 = vector.shape_cast %swap3A_127 : vector<16xi32> to vector<16xi32>
    %swap3A_129 = vector.shape_cast %add3A_125 : vector<16xi32> to vector<16xi32>
    tpu.vector_store %arg6[%swap3A_126], %swap3A_129 {strides = array<i32>} : memref<1280xi32, #tpu.memory_space<vmem>>, vector<16xi32>,
    %get3A_130 = arith.constant 16 : index
    %get3A_131 = tpu.vector_load %arg5[%get3A_130] {strides = array<i32>} : memref<128xi32, #tpu.memory_space<vmem>>, vector<16xi32>,
    %get3A_132 = vector.shape_cast %get3A_131 : vector<16xi32> to vector<16xi32>
    %add3A_133 = arith.constant 2000 : i32
    %add3A_134 = vector.broadcast %add3A_133 : i32 to vector<16xi32>
    %add3A_135 = arith.addi %get3A_132, %add3A_134 : vector<16xi32>
    %swap3A_136 = arith.constant 272 : index
    %swap3A_137 = tpu.vector_load %arg6[%swap3A_136] {strides = array<i32>} : memref<1280xi32, #tpu.memory_space<vmem>>, vector<16xi32>,
    %swap3A_138 = vector.shape_cast %swap3A_137 : vector<16xi32> to vector<16xi32>
    %swap3A_139 = vector.shape_cast %add3A_135 : vector<16xi32> to vector<16xi32>
    tpu.vector_store %arg6[%swap3A_136], %swap3A_139 {strides = array<i32>} : memref<1280xi32, #tpu.memory_space<vmem>>, vector<16xi32>,
    %get3A_140 = arith.constant 32 : index
    %get3A_141 = tpu.vector_load %arg5[%get3A_140] {strides = array<i32>} : memref<128xi32, #tpu.memory_space<vmem>>, vector<16xi32>,
    %get3A_142 = vector.shape_cast %get3A_141 : vector<16xi32> to vector<16xi32>
    %add3A_143 = arith.constant 2000 : i32
    %add3A_144 = vector.broadcast %add3A_143 : i32 to vector<16xi32>
    %add3A_145 = arith.addi %get3A_142, %add3A_144 : vector<16xi32>
    %swap3A_146 = arith.constant 288 : index
    %swap3A_147 = tpu.vector_load %arg6[%swap3A_146] {strides = array<i32>} : memref<1280xi32, #tpu.memory_space<vmem>>, vector<16xi32>,
    %swap3A_148 = vector.shape_cast %swap3A_147 : vector<16xi32> to vector<16xi32>
    %swap3A_149 = vector.shape_cast %add3A_145 : vector<16xi32> to vector<16xi32>
    tpu.vector_store %arg6[%swap3A_146], %swap3A_149 {strides = array<i32>} : memref<1280xi32, #tpu.memory_space<vmem>>, vector<16xi32>,
    %get3A_150 = arith.constant 48 : index
    %get3A_151 = tpu.vector_load %arg5[%get3A_150] {strides = array<i32>} : memref<128xi32, #tpu.memory_space<vmem>>, vector<16xi32>,
    %get3A_152 = vector.shape_cast %get3A_151 : vector<16xi32> to vector<16xi32>
    %add3A_153 = arith.constant 2000 : i32
    %add3A_154 = vector.broadcast %add3A_153 : i32 to vector<16xi32>
    %add3A_155 = arith.addi %get3A_152, %add3A_154 : vector<16xi32>
    %swap3A_156 = arith.constant 304 : index
    %swap3A_157 = tpu.vector_load %arg6[%swap3A_156] {strides = array<i32>} : memref<1280xi32, #tpu.memory_space<vmem>>, vector<16xi32>,
    %swap3A_158 = vector.shape_cast %swap3A_157 : vector<16xi32> to vector<16xi32>
    %swap3A_159 = vector.shape_cast %add3A_155 : vector<16xi32> to vector<16xi32>
    tpu.vector_store %arg6[%swap3A_156], %swap3A_159 {strides = array<i32>} : memref<1280xi32, #tpu.memory_space<vmem>>, vector<16xi32>,
    %get3A_160 = arith.constant 64 : index
    %get3A_161 = tpu.vector_load %arg5[%get3A_160] {strides = array<i32>} : memref<128xi32, #tpu.memory_space<vmem>>, vector<16xi32>,
    %get3A_162 = vector.shape_cast %get3A_161 : vector<16xi32> to vector<16xi32>
    %add3A_163 = arith.constant 2000 : i32
    %add3A_164 = vector.broadcast %add3A_163 : i32 to vector<16xi32>
    %add3A_165 = arith.addi %get3A_162, %add3A_164 : vector<16xi32>
    %swap3A_166 = arith.constant 320 : index
    %swap3A_167 = tpu.vector_load %arg6[%swap3A_166] {strides = array<i32>} : memref<1280xi32, #tpu.memory_space<vmem>>, vector<16xi32>,
    %swap3A_168 = vector.shape_cast %swap3A_167 : vector<16xi32> to vector<16xi32>
    %swap3A_169 = vector.shape_cast %add3A_165 : vector<16xi32> to vector<16xi32>
    tpu.vector_store %arg6[%swap3A_166], %swap3A_169 {strides = array<i32>} : memref<1280xi32, #tpu.memory_space<vmem>>, vector<16xi32>,
    %get3A_170 = arith.constant 80 : index
    %get3A_171 = tpu.vector_load %arg5[%get3A_170] {strides = array<i32>} : memref<128xi32, #tpu.memory_space<vmem>>, vector<16xi32>,
    %get3A_172 = vector.shape_cast %get3A_171 : vector<16xi32> to vector<16xi32>
    %add3A_173 = arith.constant 2000 : i32
    %add3A_174 = vector.broadcast %add3A_173 : i32 to vector<16xi32>
    %add3A_175 = arith.addi %get3A_172, %add3A_174 : vector<16xi32>
    %swap3A_176 = arith.constant 336 : index
    %swap3A_177 = tpu.vector_load %arg6[%swap3A_176] {strides = array<i32>} : memref<1280xi32, #tpu.memory_space<vmem>>, vector<16xi32>,
    %swap3A_178 = vector.shape_cast %swap3A_177 : vector<16xi32> to vector<16xi32>
    %swap3A_179 = vector.shape_cast %add3A_175 : vector<16xi32> to vector<16xi32>
    tpu.vector_store %arg6[%swap3A_176], %swap3A_179 {strides = array<i32>} : memref<1280xi32, #tpu.memory_space<vmem>>, vector<16xi32>,
    %get3A_180 = arith.constant 96 : index
    %get3A_181 = tpu.vector_load %arg5[%get3A_180] {strides = array<i32>} : memref<128xi32, #tpu.memory_space<vmem>>, vector<16xi32>,
    %get3A_182 = vector.shape_cast %get3A_181 : vector<16xi32> to vector<16xi32>
    %add3A_183 = arith.constant 2000 : i32
    %add3A_184 = vector.broadcast %add3A_183 : i32 to vector<16xi32>
    %add3A_185 = arith.addi %get3A_182, %add3A_184 : vector<16xi32>
    %swap3A_186 = arith.constant 352 : index
    %swap3A_187 = tpu.vector_load %arg6[%swap3A_186] {strides = array<i32>} : memref<1280xi32, #tpu.memory_space<vmem>>, vector<16xi32>,
    %swap3A_188 = vector.shape_cast %swap3A_187 : vector<16xi32> to vector<16xi32>
    %swap3A_189 = vector.shape_cast %add3A_185 : vector<16xi32> to vector<16xi32>
    tpu.vector_store %arg6[%swap3A_186], %swap3A_189 {strides = array<i32>} : memref<1280xi32, #tpu.memory_space<vmem>>, vector<16xi32>,
    %get3A_190 = arith.constant 112 : index
    %get3A_191 = tpu.vector_load %arg5[%get3A_190] {strides = array<i32>} : memref<128xi32, #tpu.memory_space<vmem>>, vector<16xi32>,
    %get3A_192 = vector.shape_cast %get3A_191 : vector<16xi32> to vector<16xi32>
    %add3A_193 = arith.constant 2000 : i32
    %add3A_194 = vector.broadcast %add3A_193 : i32 to vector<16xi32>
    %add3A_195 = arith.addi %get3A_192, %add3A_194 : vector<16xi32>
    %swap3A_196 = arith.constant 368 : index
    %swap3A_197 = tpu.vector_load %arg6[%swap3A_196] {strides = array<i32>} : memref<1280xi32, #tpu.memory_space<vmem>>, vector<16xi32>,
    %swap3A_198 = vector.shape_cast %swap3A_197 : vector<16xi32> to vector<16xi32>
    %swap3A_199 = vector.shape_cast %add3A_195 : vector<16xi32> to vector<16xi32>
    tpu.vector_store %arg6[%swap3A_196], %swap3A_199 {strides = array<i32>} : memref<1280xi32, #tpu.memory_space<vmem>>, vector<16xi32>,
    %get3A_200 = arith.constant 0 : index
    %get3A_201 = tpu.vector_load %arg5[%get3A_200] {strides = array<i32>} : memref<128xi32, #tpu.memory_space<vmem>>, vector<16xi32>,
    %get3A_202 = vector.shape_cast %get3A_201 : vector<16xi32> to vector<16xi32>
    %add3A_203 = arith.constant 3000 : i32
    %add3A_204 = vector.broadcast %add3A_203 : i32 to vector<16xi32>
    %add3A_205 = arith.addi %get3A_202, %add3A_204 : vector<16xi32>
    %swap3A_206 = arith.constant 384 : index
    %swap3A_207 = tpu.vector_load %arg6[%swap3A_206] {strides = array<i32>} : memref<1280xi32, #tpu.memory_space<vmem>>, vector<16xi32>,
    %swap3A_208 = vector.shape_cast %swap3A_207 : vector<16xi32> to vector<16xi32>
    %swap3A_209 = vector.shape_cast %add3A_205 : vector<16xi32> to vector<16xi32>
    tpu.vector_store %arg6[%swap3A_206], %swap3A_209 {strides = array<i32>} : memref<1280xi32, #tpu.memory_space<vmem>>, vector<16xi32>,
    %get3A_210 = arith.constant 16 : index
    %get3A_211 = tpu.vector_load %arg5[%get3A_210] {strides = array<i32>} : memref<128xi32, #tpu.memory_space<vmem>>, vector<16xi32>,
    %get3A_212 = vector.shape_cast %get3A_211 : vector<16xi32> to vector<16xi32>
    %add3A_213 = arith.constant 3000 : i32
    %add3A_214 = vector.broadcast %add3A_213 : i32 to vector<16xi32>
    %add3A_215 = arith.addi %get3A_212, %add3A_214 : vector<16xi32>
    %swap3A_216 = arith.constant 400 : index
    %swap3A_217 = tpu.vector_load %arg6[%swap3A_216] {strides = array<i32>} : memref<1280xi32, #tpu.memory_space<vmem>>, vector<16xi32>,
    %swap3A_218 = vector.shape_cast %swap3A_217 : vector<16xi32> to vector<16xi32>
    %swap3A_219 = vector.shape_cast %add3A_215 : vector<16xi32> to vector<16xi32>
    tpu.vector_store %arg6[%swap3A_216], %swap3A_219 {strides = array<i32>} : memref<1280xi32, #tpu.memory_space<vmem>>, vector<16xi32>,
    %get3A_220 = arith.constant 32 : index
    %get3A_221 = tpu.vector_load %arg5[%get3A_220] {strides = array<i32>} : memref<128xi32, #tpu.memory_space<vmem>>, vector<16xi32>,
    %get3A_222 = vector.shape_cast %get3A_221 : vector<16xi32> to vector<16xi32>
    %add3A_223 = arith.constant 3000 : i32
    %add3A_224 = vector.broadcast %add3A_223 : i32 to vector<16xi32>
    %add3A_225 = arith.addi %get3A_222, %add3A_224 : vector<16xi32>
    %swap3A_226 = arith.constant 416 : index
    %swap3A_227 = tpu.vector_load %arg6[%swap3A_226] {strides = array<i32>} : memref<1280xi32, #tpu.memory_space<vmem>>, vector<16xi32>,
    %swap3A_228 = vector.shape_cast %swap3A_227 : vector<16xi32> to vector<16xi32>
    %swap3A_229 = vector.shape_cast %add3A_225 : vector<16xi32> to vector<16xi32>
    tpu.vector_store %arg6[%swap3A_226], %swap3A_229 {strides = array<i32>} : memref<1280xi32, #tpu.memory_space<vmem>>, vector<16xi32>,
    %get3A_230 = arith.constant 48 : index
    %get3A_231 = tpu.vector_load %arg5[%get3A_230] {strides = array<i32>} : memref<128xi32, #tpu.memory_space<vmem>>, vector<16xi32>,
    %get3A_232 = vector.shape_cast %get3A_231 : vector<16xi32> to vector<16xi32>
    %add3A_233 = arith.constant 3000 : i32
    %add3A_234 = vector.broadcast %add3A_233 : i32 to vector<16xi32>
    %add3A_235 = arith.addi %get3A_232, %add3A_234 : vector<16xi32>
    %swap3A_236 = arith.constant 432 : index
    %swap3A_237 = tpu.vector_load %arg6[%swap3A_236] {strides = array<i32>} : memref<1280xi32, #tpu.memory_space<vmem>>, vector<16xi32>,
    %swap3A_238 = vector.shape_cast %swap3A_237 : vector<16xi32> to vector<16xi32>
    %swap3A_239 = vector.shape_cast %add3A_235 : vector<16xi32> to vector<16xi32>
    tpu.vector_store %arg6[%swap3A_236], %swap3A_239 {strides = array<i32>} : memref<1280xi32, #tpu.memory_space<vmem>>, vector<16xi32>,
    %get3A_240 = arith.constant 64 : index
    %get3A_241 = tpu.vector_load %arg5[%get3A_240] {strides = array<i32>} : memref<128xi32, #tpu.memory_space<vmem>>, vector<16xi32>,
    %get3A_242 = vector.shape_cast %get3A_241 : vector<16xi32> to vector<16xi32>
    %add3A_243 = arith.constant 3000 : i32
    %add3A_244 = vector.broadcast %add3A_243 : i32 to vector<16xi32>
    %add3A_245 = arith.addi %get3A_242, %add3A_244 : vector<16xi32>
    %swap3A_246 = arith.constant 448 : index
    %swap3A_247 = tpu.vector_load %arg6[%swap3A_246] {strides = array<i32>} : memref<1280xi32, #tpu.memory_space<vmem>>, vector<16xi32>,
    %swap3A_248 = vector.shape_cast %swap3A_247 : vector<16xi32> to vector<16xi32>
    %swap3A_249 = vector.shape_cast %add3A_245 : vector<16xi32> to vector<16xi32>
    tpu.vector_store %arg6[%swap3A_246], %swap3A_249 {strides = array<i32>} : memref<1280xi32, #tpu.memory_space<vmem>>, vector<16xi32>,
    %get3A_250 = arith.constant 80 : index
    %get3A_251 = tpu.vector_load %arg5[%get3A_250] {strides = array<i32>} : memref<128xi32, #tpu.memory_space<vmem>>, vector<16xi32>,
    %get3A_252 = vector.shape_cast %get3A_251 : vector<16xi32> to vector<16xi32>
    %add3A_253 = arith.constant 3000 : i32
    %add3A_254 = vector.broadcast %add3A_253 : i32 to vector<16xi32>
    %add3A_255 = arith.addi %get3A_252, %add3A_254 : vector<16xi32>
    %swap3A_256 = arith.constant 464 : index
    %swap3A_257 = tpu.vector_load %arg6[%swap3A_256] {strides = array<i32>} : memref<1280xi32, #tpu.memory_space<vmem>>, vector<16xi32>,
    %swap3A_258 = vector.shape_cast %swap3A_257 : vector<16xi32> to vector<16xi32>
    %swap3A_259 = vector.shape_cast %add3A_255 : vector<16xi32> to vector<16xi32>
    tpu.vector_store %arg6[%swap3A_256], %swap3A_259 {strides = array<i32>} : memref<1280xi32, #tpu.memory_space<vmem>>, vector<16xi32>,
    %get3A_260 = arith.constant 96 : index
    %get3A_261 = tpu.vector_load %arg5[%get3A_260] {strides = array<i32>} : memref<128xi32, #tpu.memory_space<vmem>>, vector<16xi32>,
    %get3A_262 = vector.shape_cast %get3A_261 : vector<16xi32> to vector<16xi32>
    %add3A_263 = arith.constant 3000 : i32
    %add3A_264 = vector.broadcast %add3A_263 : i32 to vector<16xi32>
    %add3A_265 = arith.addi %get3A_262, %add3A_264 : vector<16xi32>
    %swap3A_266 = arith.constant 480 : index
    %swap3A_267 = tpu.vector_load %arg6[%swap3A_266] {strides = array<i32>} : memref<1280xi32, #tpu.memory_space<vmem>>, vector<16xi32>,
    %swap3A_268 = vector.shape_cast %swap3A_267 : vector<16xi32> to vector<16xi32>
    %swap3A_269 = vector.shape_cast %add3A_265 : vector<16xi32> to vector<16xi32>
    tpu.vector_store %arg6[%swap3A_266], %swap3A_269 {strides = array<i32>} : memref<1280xi32, #tpu.memory_space<vmem>>, vector<16xi32>,
    %get3A_270 = arith.constant 112 : index
    %get3A_271 = tpu.vector_load %arg5[%get3A_270] {strides = array<i32>} : memref<128xi32, #tpu.memory_space<vmem>>, vector<16xi32>,
    %get3A_272 = vector.shape_cast %get3A_271 : vector<16xi32> to vector<16xi32>
    %add3A_273 = arith.constant 3000 : i32
    %add3A_274 = vector.broadcast %add3A_273 : i32 to vector<16xi32>
    %add3A_275 = arith.addi %get3A_272, %add3A_274 : vector<16xi32>
    %swap3A_276 = arith.constant 496 : index
    %swap3A_277 = tpu.vector_load %arg6[%swap3A_276] {strides = array<i32>} : memref<1280xi32, #tpu.memory_space<vmem>>, vector<16xi32>,
    %swap3A_278 = vector.shape_cast %swap3A_277 : vector<16xi32> to vector<16xi32>
    %swap3A_279 = vector.shape_cast %add3A_275 : vector<16xi32> to vector<16xi32>
    tpu.vector_store %arg6[%swap3A_276], %swap3A_279 {strides = array<i32>} : memref<1280xi32, #tpu.memory_space<vmem>>, vector<16xi32>,
    %get3A_280 = arith.constant 0 : index
    %get3A_281 = tpu.vector_load %arg5[%get3A_280] {strides = array<i32>} : memref<128xi32, #tpu.memory_space<vmem>>, vector<16xi32>,
    %get3A_282 = vector.shape_cast %get3A_281 : vector<16xi32> to vector<16xi32>
    %add3A_283 = arith.constant 4000 : i32
    %add3A_284 = vector.broadcast %add3A_283 : i32 to vector<16xi32>
    %add3A_285 = arith.addi %get3A_282, %add3A_284 : vector<16xi32>
    %swap3A_286 = arith.constant 512 : index
    %swap3A_287 = tpu.vector_load %arg6[%swap3A_286] {strides = array<i32>} : memref<1280xi32, #tpu.memory_space<vmem>>, vector<16xi32>,
    %swap3A_288 = vector.shape_cast %swap3A_287 : vector<16xi32> to vector<16xi32>
    %swap3A_289 = vector.shape_cast %add3A_285 : vector<16xi32> to vector<16xi32>
    tpu.vector_store %arg6[%swap3A_286], %swap3A_289 {strides = array<i32>} : memref<1280xi32, #tpu.memory_space<vmem>>, vector<16xi32>,
    %get3A_290 = arith.constant 16 : index
    %get3A_291 = tpu.vector_load %arg5[%get3A_290] {strides = array<i32>} : memref<128xi32, #tpu.memory_space<vmem>>, vector<16xi32>,
    %get3A_292 = vector.shape_cast %get3A_291 : vector<16xi32> to vector<16xi32>
    %add3A_293 = arith.constant 4000 : i32
    %add3A_294 = vector.broadcast %add3A_293 : i32 to vector<16xi32>
    %add3A_295 = arith.addi %get3A_292, %add3A_294 : vector<16xi32>
    %swap3A_296 = arith.constant 528 : index
    %swap3A_297 = tpu.vector_load %arg6[%swap3A_296] {strides = array<i32>} : memref<1280xi32, #tpu.memory_space<vmem>>, vector<16xi32>,
    %swap3A_298 = vector.shape_cast %swap3A_297 : vector<16xi32> to vector<16xi32>
    %swap3A_299 = vector.shape_cast %add3A_295 : vector<16xi32> to vector<16xi32>
    tpu.vector_store %arg6[%swap3A_296], %swap3A_299 {strides = array<i32>} : memref<1280xi32, #tpu.memory_space<vmem>>, vector<16xi32>,
    %get3A_300 = arith.constant 32 : index
    %get3A_301 = tpu.vector_load %arg5[%get3A_300] {strides = array<i32>} : memref<128xi32, #tpu.memory_space<vmem>>, vector<16xi32>,
    %get3A_302 = vector.shape_cast %get3A_301 : vector<16xi32> to vector<16xi32>
    %add3A_303 = arith.constant 4000 : i32
    %add3A_304 = vector.broadcast %add3A_303 : i32 to vector<16xi32>
    %add3A_305 = arith.addi %get3A_302, %add3A_304 : vector<16xi32>
    %swap3A_306 = arith.constant 544 : index
    %swap3A_307 = tpu.vector_load %arg6[%swap3A_306] {strides = array<i32>} : memref<1280xi32, #tpu.memory_space<vmem>>, vector<16xi32>,
    %swap3A_308 = vector.shape_cast %swap3A_307 : vector<16xi32> to vector<16xi32>
    %swap3A_309 = vector.shape_cast %add3A_305 : vector<16xi32> to vector<16xi32>
    tpu.vector_store %arg6[%swap3A_306], %swap3A_309 {strides = array<i32>} : memref<1280xi32, #tpu.memory_space<vmem>>, vector<16xi32>,
    %get3A_310 = arith.constant 48 : index
    %get3A_311 = tpu.vector_load %arg5[%get3A_310] {strides = array<i32>} : memref<128xi32, #tpu.memory_space<vmem>>, vector<16xi32>,
    %get3A_312 = vector.shape_cast %get3A_311 : vector<16xi32> to vector<16xi32>
    %add3A_313 = arith.constant 4000 : i32
    %add3A_314 = vector.broadcast %add3A_313 : i32 to vector<16xi32>
    %add3A_315 = arith.addi %get3A_312, %add3A_314 : vector<16xi32>
    %swap3A_316 = arith.constant 560 : index
    %swap3A_317 = tpu.vector_load %arg6[%swap3A_316] {strides = array<i32>} : memref<1280xi32, #tpu.memory_space<vmem>>, vector<16xi32>,
    %swap3A_318 = vector.shape_cast %swap3A_317 : vector<16xi32> to vector<16xi32>
    %swap3A_319 = vector.shape_cast %add3A_315 : vector<16xi32> to vector<16xi32>
    tpu.vector_store %arg6[%swap3A_316], %swap3A_319 {strides = array<i32>} : memref<1280xi32, #tpu.memory_space<vmem>>, vector<16xi32>,
    %get3A_320 = arith.constant 64 : index
    %get3A_321 = tpu.vector_load %arg5[%get3A_320] {strides = array<i32>} : memref<128xi32, #tpu.memory_space<vmem>>, vector<16xi32>,
    %get3A_322 = vector.shape_cast %get3A_321 : vector<16xi32> to vector<16xi32>
    %add3A_323 = arith.constant 4000 : i32
    %add3A_324 = vector.broadcast %add3A_323 : i32 to vector<16xi32>
    %add3A_325 = arith.addi %get3A_322, %add3A_324 : vector<16xi32>
    %swap3A_326 = arith.constant 576 : index
    %swap3A_327 = tpu.vector_load %arg6[%swap3A_326] {strides = array<i32>} : memref<1280xi32, #tpu.memory_space<vmem>>, vector<16xi32>,
    %swap3A_328 = vector.shape_cast %swap3A_327 : vector<16xi32> to vector<16xi32>
    %swap3A_329 = vector.shape_cast %add3A_325 : vector<16xi32> to vector<16xi32>
    tpu.vector_store %arg6[%swap3A_326], %swap3A_329 {strides = array<i32>} : memref<1280xi32, #tpu.memory_space<vmem>>, vector<16xi32>,
    %get3A_330 = arith.constant 80 : index
    %get3A_331 = tpu.vector_load %arg5[%get3A_330] {strides = array<i32>} : memref<128xi32, #tpu.memory_space<vmem>>, vector<16xi32>,
    %get3A_332 = vector.shape_cast %get3A_331 : vector<16xi32> to vector<16xi32>
    %add3A_333 = arith.constant 4000 : i32
    %add3A_334 = vector.broadcast %add3A_333 : i32 to vector<16xi32>
    %add3A_335 = arith.addi %get3A_332, %add3A_334 : vector<16xi32>
    %swap3A_336 = arith.constant 592 : index
    %swap3A_337 = tpu.vector_load %arg6[%swap3A_336] {strides = array<i32>} : memref<1280xi32, #tpu.memory_space<vmem>>, vector<16xi32>,
    %swap3A_338 = vector.shape_cast %swap3A_337 : vector<16xi32> to vector<16xi32>
    %swap3A_339 = vector.shape_cast %add3A_335 : vector<16xi32> to vector<16xi32>
    tpu.vector_store %arg6[%swap3A_336], %swap3A_339 {strides = array<i32>} : memref<1280xi32, #tpu.memory_space<vmem>>, vector<16xi32>,
    %get3A_340 = arith.constant 96 : index
    %get3A_341 = tpu.vector_load %arg5[%get3A_340] {strides = array<i32>} : memref<128xi32, #tpu.memory_space<vmem>>, vector<16xi32>,
    %get3A_342 = vector.shape_cast %get3A_341 : vector<16xi32> to vector<16xi32>
    %add3A_343 = arith.constant 4000 : i32
    %add3A_344 = vector.broadcast %add3A_343 : i32 to vector<16xi32>
    %add3A_345 = arith.addi %get3A_342, %add3A_344 : vector<16xi32>
    %swap3A_346 = arith.constant 608 : index
    %swap3A_347 = tpu.vector_load %arg6[%swap3A_346] {strides = array<i32>} : memref<1280xi32, #tpu.memory_space<vmem>>, vector<16xi32>,
    %swap3A_348 = vector.shape_cast %swap3A_347 : vector<16xi32> to vector<16xi32>
    %swap3A_349 = vector.shape_cast %add3A_345 : vector<16xi32> to vector<16xi32>
    tpu.vector_store %arg6[%swap3A_346], %swap3A_349 {strides = array<i32>} : memref<1280xi32, #tpu.memory_space<vmem>>, vector<16xi32>,
    %get3A_350 = arith.constant 112 : index
    %get3A_351 = tpu.vector_load %arg5[%get3A_350] {strides = array<i32>} : memref<128xi32, #tpu.memory_space<vmem>>, vector<16xi32>,
    %get3A_352 = vector.shape_cast %get3A_351 : vector<16xi32> to vector<16xi32>
    %add3A_353 = arith.constant 4000 : i32
    %add3A_354 = vector.broadcast %add3A_353 : i32 to vector<16xi32>
    %add3A_355 = arith.addi %get3A_352, %add3A_354 : vector<16xi32>
    %swap3A_356 = arith.constant 624 : index
    %swap3A_357 = tpu.vector_load %arg6[%swap3A_356] {strides = array<i32>} : memref<1280xi32, #tpu.memory_space<vmem>>, vector<16xi32>,
    %swap3A_358 = vector.shape_cast %swap3A_357 : vector<16xi32> to vector<16xi32>
    %swap3A_359 = vector.shape_cast %add3A_355 : vector<16xi32> to vector<16xi32>
    tpu.vector_store %arg6[%swap3A_356], %swap3A_359 {strides = array<i32>} : memref<1280xi32, #tpu.memory_space<vmem>>, vector<16xi32>,
    %get3A_360 = arith.constant 0 : index
    %get3A_361 = tpu.vector_load %arg5[%get3A_360] {strides = array<i32>} : memref<128xi32, #tpu.memory_space<vmem>>, vector<16xi32>,
    %get3A_362 = vector.shape_cast %get3A_361 : vector<16xi32> to vector<16xi32>
    %add3A_363 = arith.constant 5000 : i32
    %add3A_364 = vector.broadcast %add3A_363 : i32 to vector<16xi32>
    %add3A_365 = arith.addi %get3A_362, %add3A_364 : vector<16xi32>
    %swap3A_366 = arith.constant 640 : index
    %swap3A_367 = tpu.vector_load %arg6[%swap3A_366] {strides = array<i32>} : memref<1280xi32, #tpu.memory_space<vmem>>, vector<16xi32>,
    %swap3A_368 = vector.shape_cast %swap3A_367 : vector<16xi32> to vector<16xi32>
    %swap3A_369 = vector.shape_cast %add3A_365 : vector<16xi32> to vector<16xi32>
    tpu.vector_store %arg6[%swap3A_366], %swap3A_369 {strides = array<i32>} : memref<1280xi32, #tpu.memory_space<vmem>>, vector<16xi32>,
    %get3A_370 = arith.constant 16 : index
    %get3A_371 = tpu.vector_load %arg5[%get3A_370] {strides = array<i32>} : memref<128xi32, #tpu.memory_space<vmem>>, vector<16xi32>,
    %get3A_372 = vector.shape_cast %get3A_371 : vector<16xi32> to vector<16xi32>
    %add3A_373 = arith.constant 5000 : i32
    %add3A_374 = vector.broadcast %add3A_373 : i32 to vector<16xi32>
    %add3A_375 = arith.addi %get3A_372, %add3A_374 : vector<16xi32>
    %swap3A_376 = arith.constant 656 : index
    %swap3A_377 = tpu.vector_load %arg6[%swap3A_376] {strides = array<i32>} : memref<1280xi32, #tpu.memory_space<vmem>>, vector<16xi32>,
    %swap3A_378 = vector.shape_cast %swap3A_377 : vector<16xi32> to vector<16xi32>
    %swap3A_379 = vector.shape_cast %add3A_375 : vector<16xi32> to vector<16xi32>
    tpu.vector_store %arg6[%swap3A_376], %swap3A_379 {strides = array<i32>} : memref<1280xi32, #tpu.memory_space<vmem>>, vector<16xi32>,
    %get3A_380 = arith.constant 32 : index
    %get3A_381 = tpu.vector_load %arg5[%get3A_380] {strides = array<i32>} : memref<128xi32, #tpu.memory_space<vmem>>, vector<16xi32>,
    %get3A_382 = vector.shape_cast %get3A_381 : vector<16xi32> to vector<16xi32>
    %add3A_383 = arith.constant 5000 : i32
    %add3A_384 = vector.broadcast %add3A_383 : i32 to vector<16xi32>
    %add3A_385 = arith.addi %get3A_382, %add3A_384 : vector<16xi32>
    %swap3A_386 = arith.constant 672 : index
    %swap3A_387 = tpu.vector_load %arg6[%swap3A_386] {strides = array<i32>} : memref<1280xi32, #tpu.memory_space<vmem>>, vector<16xi32>,
    %swap3A_388 = vector.shape_cast %swap3A_387 : vector<16xi32> to vector<16xi32>
    %swap3A_389 = vector.shape_cast %add3A_385 : vector<16xi32> to vector<16xi32>
    tpu.vector_store %arg6[%swap3A_386], %swap3A_389 {strides = array<i32>} : memref<1280xi32, #tpu.memory_space<vmem>>, vector<16xi32>,
    %get3A_390 = arith.constant 48 : index
    %get3A_391 = tpu.vector_load %arg5[%get3A_390] {strides = array<i32>} : memref<128xi32, #tpu.memory_space<vmem>>, vector<16xi32>,
    %get3A_392 = vector.shape_cast %get3A_391 : vector<16xi32> to vector<16xi32>
    %add3A_393 = arith.constant 5000 : i32
    %add3A_394 = vector.broadcast %add3A_393 : i32 to vector<16xi32>
    %add3A_395 = arith.addi %get3A_392, %add3A_394 : vector<16xi32>
    %swap3A_396 = arith.constant 688 : index
    %swap3A_397 = tpu.vector_load %arg6[%swap3A_396] {strides = array<i32>} : memref<1280xi32, #tpu.memory_space<vmem>>, vector<16xi32>,
    %swap3A_398 = vector.shape_cast %swap3A_397 : vector<16xi32> to vector<16xi32>
    %swap3A_399 = vector.shape_cast %add3A_395 : vector<16xi32> to vector<16xi32>
    tpu.vector_store %arg6[%swap3A_396], %swap3A_399 {strides = array<i32>} : memref<1280xi32, #tpu.memory_space<vmem>>, vector<16xi32>,
    %get3A_400 = arith.constant 64 : index
    %get3A_401 = tpu.vector_load %arg5[%get3A_400] {strides = array<i32>} : memref<128xi32, #tpu.memory_space<vmem>>, vector<16xi32>,
    %get3A_402 = vector.shape_cast %get3A_401 : vector<16xi32> to vector<16xi32>
    %add3A_403 = arith.constant 5000 : i32
    %add3A_404 = vector.broadcast %add3A_403 : i32 to vector<16xi32>
    %add3A_405 = arith.addi %get3A_402, %add3A_404 : vector<16xi32>
    %swap3A_406 = arith.constant 704 : index
    %swap3A_407 = tpu.vector_load %arg6[%swap3A_406] {strides = array<i32>} : memref<1280xi32, #tpu.memory_space<vmem>>, vector<16xi32>,
    %swap3A_408 = vector.shape_cast %swap3A_407 : vector<16xi32> to vector<16xi32>
    %swap3A_409 = vector.shape_cast %add3A_405 : vector<16xi32> to vector<16xi32>
    tpu.vector_store %arg6[%swap3A_406], %swap3A_409 {strides = array<i32>} : memref<1280xi32, #tpu.memory_space<vmem>>, vector<16xi32>,
    %get3A_410 = arith.constant 80 : index
    %get3A_411 = tpu.vector_load %arg5[%get3A_410] {strides = array<i32>} : memref<128xi32, #tpu.memory_space<vmem>>, vector<16xi32>,
    %get3A_412 = vector.shape_cast %get3A_411 : vector<16xi32> to vector<16xi32>
    %add3A_413 = arith.constant 5000 : i32
    %add3A_414 = vector.broadcast %add3A_413 : i32 to vector<16xi32>
    %add3A_415 = arith.addi %get3A_412, %add3A_414 : vector<16xi32>
    %swap3A_416 = arith.constant 720 : index
    %swap3A_417 = tpu.vector_load %arg6[%swap3A_416] {strides = array<i32>} : memref<1280xi32, #tpu.memory_space<vmem>>, vector<16xi32>,
    %swap3A_418 = vector.shape_cast %swap3A_417 : vector<16xi32> to vector<16xi32>
    %swap3A_419 = vector.shape_cast %add3A_415 : vector<16xi32> to vector<16xi32>
    tpu.vector_store %arg6[%swap3A_416], %swap3A_419 {strides = array<i32>} : memref<1280xi32, #tpu.memory_space<vmem>>, vector<16xi32>,
    %get3A_420 = arith.constant 96 : index
    %get3A_421 = tpu.vector_load %arg5[%get3A_420] {strides = array<i32>} : memref<128xi32, #tpu.memory_space<vmem>>, vector<16xi32>,
    %get3A_422 = vector.shape_cast %get3A_421 : vector<16xi32> to vector<16xi32>
    %add3A_423 = arith.constant 5000 : i32
    %add3A_424 = vector.broadcast %add3A_423 : i32 to vector<16xi32>
    %add3A_425 = arith.addi %get3A_422, %add3A_424 : vector<16xi32>
    %swap3A_426 = arith.constant 736 : index
    %swap3A_427 = tpu.vector_load %arg6[%swap3A_426] {strides = array<i32>} : memref<1280xi32, #tpu.memory_space<vmem>>, vector<16xi32>,
    %swap3A_428 = vector.shape_cast %swap3A_427 : vector<16xi32> to vector<16xi32>
    %swap3A_429 = vector.shape_cast %add3A_425 : vector<16xi32> to vector<16xi32>
    tpu.vector_store %arg6[%swap3A_426], %swap3A_429 {strides = array<i32>} : memref<1280xi32, #tpu.memory_space<vmem>>, vector<16xi32>,
    %get3A_430 = arith.constant 112 : index
    %get3A_431 = tpu.vector_load %arg5[%get3A_430] {strides = array<i32>} : memref<128xi32, #tpu.memory_space<vmem>>, vector<16xi32>,
    %get3A_432 = vector.shape_cast %get3A_431 : vector<16xi32> to vector<16xi32>
    %add3A_433 = arith.constant 5000 : i32
    %add3A_434 = vector.broadcast %add3A_433 : i32 to vector<16xi32>
    %add3A_435 = arith.addi %get3A_432, %add3A_434 : vector<16xi32>
    %swap3A_436 = arith.constant 752 : index
    %swap3A_437 = tpu.vector_load %arg6[%swap3A_436] {strides = array<i32>} : memref<1280xi32, #tpu.memory_space<vmem>>, vector<16xi32>,
    %swap3A_438 = vector.shape_cast %swap3A_437 : vector<16xi32> to vector<16xi32>
    %swap3A_439 = vector.shape_cast %add3A_435 : vector<16xi32> to vector<16xi32>
    tpu.vector_store %arg6[%swap3A_436], %swap3A_439 {strides = array<i32>} : memref<1280xi32, #tpu.memory_space<vmem>>, vector<16xi32>,
    %get3A_440 = arith.constant 0 : index
    %get3A_441 = tpu.vector_load %arg5[%get3A_440] {strides = array<i32>} : memref<128xi32, #tpu.memory_space<vmem>>, vector<16xi32>,
    %get3A_442 = vector.shape_cast %get3A_441 : vector<16xi32> to vector<16xi32>
    %add3A_443 = arith.constant 6000 : i32
    %add3A_444 = vector.broadcast %add3A_443 : i32 to vector<16xi32>
    %add3A_445 = arith.addi %get3A_442, %add3A_444 : vector<16xi32>
    %swap3A_446 = arith.constant 768 : index
    %swap3A_447 = tpu.vector_load %arg6[%swap3A_446] {strides = array<i32>} : memref<1280xi32, #tpu.memory_space<vmem>>, vector<16xi32>,
    %swap3A_448 = vector.shape_cast %swap3A_447 : vector<16xi32> to vector<16xi32>
    %swap3A_449 = vector.shape_cast %add3A_445 : vector<16xi32> to vector<16xi32>
    tpu.vector_store %arg6[%swap3A_446], %swap3A_449 {strides = array<i32>} : memref<1280xi32, #tpu.memory_space<vmem>>, vector<16xi32>,
    %get3A_450 = arith.constant 16 : index
    %get3A_451 = tpu.vector_load %arg5[%get3A_450] {strides = array<i32>} : memref<128xi32, #tpu.memory_space<vmem>>, vector<16xi32>,
    %get3A_452 = vector.shape_cast %get3A_451 : vector<16xi32> to vector<16xi32>
    %add3A_453 = arith.constant 6000 : i32
    %add3A_454 = vector.broadcast %add3A_453 : i32 to vector<16xi32>
    %add3A_455 = arith.addi %get3A_452, %add3A_454 : vector<16xi32>
    %swap3A_456 = arith.constant 784 : index
    %swap3A_457 = tpu.vector_load %arg6[%swap3A_456] {strides = array<i32>} : memref<1280xi32, #tpu.memory_space<vmem>>, vector<16xi32>,
    %swap3A_458 = vector.shape_cast %swap3A_457 : vector<16xi32> to vector<16xi32>
    %swap3A_459 = vector.shape_cast %add3A_455 : vector<16xi32> to vector<16xi32>
    tpu.vector_store %arg6[%swap3A_456], %swap3A_459 {strides = array<i32>} : memref<1280xi32, #tpu.memory_space<vmem>>, vector<16xi32>,
    %get3A_460 = arith.constant 32 : index
    %get3A_461 = tpu.vector_load %arg5[%get3A_460] {strides = array<i32>} : memref<128xi32, #tpu.memory_space<vmem>>, vector<16xi32>,
    %get3A_462 = vector.shape_cast %get3A_461 : vector<16xi32> to vector<16xi32>
    %add3A_463 = arith.constant 6000 : i32
    %add3A_464 = vector.broadcast %add3A_463 : i32 to vector<16xi32>
    %add3A_465 = arith.addi %get3A_462, %add3A_464 : vector<16xi32>
    %swap3A_466 = arith.constant 800 : index
    %swap3A_467 = tpu.vector_load %arg6[%swap3A_466] {strides = array<i32>} : memref<1280xi32, #tpu.memory_space<vmem>>, vector<16xi32>,
    %swap3A_468 = vector.shape_cast %swap3A_467 : vector<16xi32> to vector<16xi32>
    %swap3A_469 = vector.shape_cast %add3A_465 : vector<16xi32> to vector<16xi32>
    tpu.vector_store %arg6[%swap3A_466], %swap3A_469 {strides = array<i32>} : memref<1280xi32, #tpu.memory_space<vmem>>, vector<16xi32>,
    %get3A_470 = arith.constant 48 : index
    %get3A_471 = tpu.vector_load %arg5[%get3A_470] {strides = array<i32>} : memref<128xi32, #tpu.memory_space<vmem>>, vector<16xi32>,
    %get3A_472 = vector.shape_cast %get3A_471 : vector<16xi32> to vector<16xi32>
    %add3A_473 = arith.constant 6000 : i32
    %add3A_474 = vector.broadcast %add3A_473 : i32 to vector<16xi32>
    %add3A_475 = arith.addi %get3A_472, %add3A_474 : vector<16xi32>
    %swap3A_476 = arith.constant 816 : index
    %swap3A_477 = tpu.vector_load %arg6[%swap3A_476] {strides = array<i32>} : memref<1280xi32, #tpu.memory_space<vmem>>, vector<16xi32>,
    %swap3A_478 = vector.shape_cast %swap3A_477 : vector<16xi32> to vector<16xi32>
    %swap3A_479 = vector.shape_cast %add3A_475 : vector<16xi32> to vector<16xi32>
    tpu.vector_store %arg6[%swap3A_476], %swap3A_479 {strides = array<i32>} : memref<1280xi32, #tpu.memory_space<vmem>>, vector<16xi32>,
    %get3A_480 = arith.constant 64 : index
    %get3A_481 = tpu.vector_load %arg5[%get3A_480] {strides = array<i32>} : memref<128xi32, #tpu.memory_space<vmem>>, vector<16xi32>,
    %get3A_482 = vector.shape_cast %get3A_481 : vector<16xi32> to vector<16xi32>
    %add3A_483 = arith.constant 6000 : i32
    %add3A_484 = vector.broadcast %add3A_483 : i32 to vector<16xi32>
    %add3A_485 = arith.addi %get3A_482, %add3A_484 : vector<16xi32>
    %swap3A_486 = arith.constant 832 : index
    %swap3A_487 = tpu.vector_load %arg6[%swap3A_486] {strides = array<i32>} : memref<1280xi32, #tpu.memory_space<vmem>>, vector<16xi32>,
    %swap3A_488 = vector.shape_cast %swap3A_487 : vector<16xi32> to vector<16xi32>
    %swap3A_489 = vector.shape_cast %add3A_485 : vector<16xi32> to vector<16xi32>
    tpu.vector_store %arg6[%swap3A_486], %swap3A_489 {strides = array<i32>} : memref<1280xi32, #tpu.memory_space<vmem>>, vector<16xi32>,
    %get3A_490 = arith.constant 80 : index
    %get3A_491 = tpu.vector_load %arg5[%get3A_490] {strides = array<i32>} : memref<128xi32, #tpu.memory_space<vmem>>, vector<16xi32>,
    %get3A_492 = vector.shape_cast %get3A_491 : vector<16xi32> to vector<16xi32>
    %add3A_493 = arith.constant 6000 : i32
    %add3A_494 = vector.broadcast %add3A_493 : i32 to vector<16xi32>
    %add3A_495 = arith.addi %get3A_492, %add3A_494 : vector<16xi32>
    %swap3A_496 = arith.constant 848 : index
    %swap3A_497 = tpu.vector_load %arg6[%swap3A_496] {strides = array<i32>} : memref<1280xi32, #tpu.memory_space<vmem>>, vector<16xi32>,
    %swap3A_498 = vector.shape_cast %swap3A_497 : vector<16xi32> to vector<16xi32>
    %swap3A_499 = vector.shape_cast %add3A_495 : vector<16xi32> to vector<16xi32>
    tpu.vector_store %arg6[%swap3A_496], %swap3A_499 {strides = array<i32>} : memref<1280xi32, #tpu.memory_space<vmem>>, vector<16xi32>,
    %get3A_500 = arith.constant 96 : index
    %get3A_501 = tpu.vector_load %arg5[%get3A_500] {strides = array<i32>} : memref<128xi32, #tpu.memory_space<vmem>>, vector<16xi32>,
    %get3A_502 = vector.shape_cast %get3A_501 : vector<16xi32> to vector<16xi32>
    %add3A_503 = arith.constant 6000 : i32
    %add3A_504 = vector.broadcast %add3A_503 : i32 to vector<16xi32>
    %add3A_505 = arith.addi %get3A_502, %add3A_504 : vector<16xi32>
    %swap3A_506 = arith.constant 864 : index
    %swap3A_507 = tpu.vector_load %arg6[%swap3A_506] {strides = array<i32>} : memref<1280xi32, #tpu.memory_space<vmem>>, vector<16xi32>,
    %swap3A_508 = vector.shape_cast %swap3A_507 : vector<16xi32> to vector<16xi32>
    %swap3A_509 = vector.shape_cast %add3A_505 : vector<16xi32> to vector<16xi32>
    tpu.vector_store %arg6[%swap3A_506], %swap3A_509 {strides = array<i32>} : memref<1280xi32, #tpu.memory_space<vmem>>, vector<16xi32>,
    %get3A_510 = arith.constant 112 : index
    %get3A_511 = tpu.vector_load %arg5[%get3A_510] {strides = array<i32>} : memref<128xi32, #tpu.memory_space<vmem>>, vector<16xi32>,
    %get3A_512 = vector.shape_cast %get3A_511 : vector<16xi32> to vector<16xi32>
    %add3A_513 = arith.constant 6000 : i32
    %add3A_514 = vector.broadcast %add3A_513 : i32 to vector<16xi32>
    %add3A_515 = arith.addi %get3A_512, %add3A_514 : vector<16xi32>
    %swap3A_516 = arith.constant 880 : index
    %swap3A_517 = tpu.vector_load %arg6[%swap3A_516] {strides = array<i32>} : memref<1280xi32, #tpu.memory_space<vmem>>, vector<16xi32>,
    %swap3A_518 = vector.shape_cast %swap3A_517 : vector<16xi32> to vector<16xi32>
    %swap3A_519 = vector.shape_cast %add3A_515 : vector<16xi32> to vector<16xi32>
    tpu.vector_store %arg6[%swap3A_516], %swap3A_519 {strides = array<i32>} : memref<1280xi32, #tpu.memory_space<vmem>>, vector<16xi32>,
    %get3A_520 = arith.constant 0 : index
    %get3A_521 = tpu.vector_load %arg5[%get3A_520] {strides = array<i32>} : memref<128xi32, #tpu.memory_space<vmem>>, vector<16xi32>,
    %get3A_522 = vector.shape_cast %get3A_521 : vector<16xi32> to vector<16xi32>
    %add3A_523 = arith.constant 7000 : i32
    %add3A_524 = vector.broadcast %add3A_523 : i32 to vector<16xi32>
    %add3A_525 = arith.addi %get3A_522, %add3A_524 : vector<16xi32>
    %swap3A_526 = arith.constant 896 : index
    %swap3A_527 = tpu.vector_load %arg6[%swap3A_526] {strides = array<i32>} : memref<1280xi32, #tpu.memory_space<vmem>>, vector<16xi32>,
    %swap3A_528 = vector.shape_cast %swap3A_527 : vector<16xi32> to vector<16xi32>
    %swap3A_529 = vector.shape_cast %add3A_525 : vector<16xi32> to vector<16xi32>
    tpu.vector_store %arg6[%swap3A_526], %swap3A_529 {strides = array<i32>} : memref<1280xi32, #tpu.memory_space<vmem>>, vector<16xi32>,
    %get3A_530 = arith.constant 16 : index
    %get3A_531 = tpu.vector_load %arg5[%get3A_530] {strides = array<i32>} : memref<128xi32, #tpu.memory_space<vmem>>, vector<16xi32>,
    %get3A_532 = vector.shape_cast %get3A_531 : vector<16xi32> to vector<16xi32>
    %add3A_533 = arith.constant 7000 : i32
    %add3A_534 = vector.broadcast %add3A_533 : i32 to vector<16xi32>
    %add3A_535 = arith.addi %get3A_532, %add3A_534 : vector<16xi32>
    %swap3A_536 = arith.constant 912 : index
    %swap3A_537 = tpu.vector_load %arg6[%swap3A_536] {strides = array<i32>} : memref<1280xi32, #tpu.memory_space<vmem>>, vector<16xi32>,
    %swap3A_538 = vector.shape_cast %swap3A_537 : vector<16xi32> to vector<16xi32>
    %swap3A_539 = vector.shape_cast %add3A_535 : vector<16xi32> to vector<16xi32>
    tpu.vector_store %arg6[%swap3A_536], %swap3A_539 {strides = array<i32>} : memref<1280xi32, #tpu.memory_space<vmem>>, vector<16xi32>,
    %get3A_540 = arith.constant 32 : index
    %get3A_541 = tpu.vector_load %arg5[%get3A_540] {strides = array<i32>} : memref<128xi32, #tpu.memory_space<vmem>>, vector<16xi32>,
    %get3A_542 = vector.shape_cast %get3A_541 : vector<16xi32> to vector<16xi32>
    %add3A_543 = arith.constant 7000 : i32
    %add3A_544 = vector.broadcast %add3A_543 : i32 to vector<16xi32>
    %add3A_545 = arith.addi %get3A_542, %add3A_544 : vector<16xi32>
    %swap3A_546 = arith.constant 928 : index
    %swap3A_547 = tpu.vector_load %arg6[%swap3A_546] {strides = array<i32>} : memref<1280xi32, #tpu.memory_space<vmem>>, vector<16xi32>,
    %swap3A_548 = vector.shape_cast %swap3A_547 : vector<16xi32> to vector<16xi32>
    %swap3A_549 = vector.shape_cast %add3A_545 : vector<16xi32> to vector<16xi32>
    tpu.vector_store %arg6[%swap3A_546], %swap3A_549 {strides = array<i32>} : memref<1280xi32, #tpu.memory_space<vmem>>, vector<16xi32>,
    %get3A_550 = arith.constant 48 : index
    %get3A_551 = tpu.vector_load %arg5[%get3A_550] {strides = array<i32>} : memref<128xi32, #tpu.memory_space<vmem>>, vector<16xi32>,
    %get3A_552 = vector.shape_cast %get3A_551 : vector<16xi32> to vector<16xi32>
    %add3A_553 = arith.constant 7000 : i32
    %add3A_554 = vector.broadcast %add3A_553 : i32 to vector<16xi32>
    %add3A_555 = arith.addi %get3A_552, %add3A_554 : vector<16xi32>
    %swap3A_556 = arith.constant 944 : index
    %swap3A_557 = tpu.vector_load %arg6[%swap3A_556] {strides = array<i32>} : memref<1280xi32, #tpu.memory_space<vmem>>, vector<16xi32>,
    %swap3A_558 = vector.shape_cast %swap3A_557 : vector<16xi32> to vector<16xi32>
    %swap3A_559 = vector.shape_cast %add3A_555 : vector<16xi32> to vector<16xi32>
    tpu.vector_store %arg6[%swap3A_556], %swap3A_559 {strides = array<i32>} : memref<1280xi32, #tpu.memory_space<vmem>>, vector<16xi32>,
    %get3A_560 = arith.constant 64 : index
    %get3A_561 = tpu.vector_load %arg5[%get3A_560] {strides = array<i32>} : memref<128xi32, #tpu.memory_space<vmem>>, vector<16xi32>,
    %get3A_562 = vector.shape_cast %get3A_561 : vector<16xi32> to vector<16xi32>
    %add3A_563 = arith.constant 7000 : i32
    %add3A_564 = vector.broadcast %add3A_563 : i32 to vector<16xi32>
    %add3A_565 = arith.addi %get3A_562, %add3A_564 : vector<16xi32>
    %swap3A_566 = arith.constant 960 : index
    %swap3A_567 = tpu.vector_load %arg6[%swap3A_566] {strides = array<i32>} : memref<1280xi32, #tpu.memory_space<vmem>>, vector<16xi32>,
    %swap3A_568 = vector.shape_cast %swap3A_567 : vector<16xi32> to vector<16xi32>
    %swap3A_569 = vector.shape_cast %add3A_565 : vector<16xi32> to vector<16xi32>
    tpu.vector_store %arg6[%swap3A_566], %swap3A_569 {strides = array<i32>} : memref<1280xi32, #tpu.memory_space<vmem>>, vector<16xi32>,
    %get3A_570 = arith.constant 80 : index
    %get3A_571 = tpu.vector_load %arg5[%get3A_570] {strides = array<i32>} : memref<128xi32, #tpu.memory_space<vmem>>, vector<16xi32>,
    %get3A_572 = vector.shape_cast %get3A_571 : vector<16xi32> to vector<16xi32>
    %add3A_573 = arith.constant 7000 : i32
    %add3A_574 = vector.broadcast %add3A_573 : i32 to vector<16xi32>
    %add3A_575 = arith.addi %get3A_572, %add3A_574 : vector<16xi32>
    %swap3A_576 = arith.constant 976 : index
    %swap3A_577 = tpu.vector_load %arg6[%swap3A_576] {strides = array<i32>} : memref<1280xi32, #tpu.memory_space<vmem>>, vector<16xi32>,
    %swap3A_578 = vector.shape_cast %swap3A_577 : vector<16xi32> to vector<16xi32>
    %swap3A_579 = vector.shape_cast %add3A_575 : vector<16xi32> to vector<16xi32>
    tpu.vector_store %arg6[%swap3A_576], %swap3A_579 {strides = array<i32>} : memref<1280xi32, #tpu.memory_space<vmem>>, vector<16xi32>,
    %get3A_580 = arith.constant 96 : index
    %get3A_581 = tpu.vector_load %arg5[%get3A_580] {strides = array<i32>} : memref<128xi32, #tpu.memory_space<vmem>>, vector<16xi32>,
    %get3A_582 = vector.shape_cast %get3A_581 : vector<16xi32> to vector<16xi32>
    %add3A_583 = arith.constant 7000 : i32
    %add3A_584 = vector.broadcast %add3A_583 : i32 to vector<16xi32>
    %add3A_585 = arith.addi %get3A_582, %add3A_584 : vector<16xi32>
    %swap3A_586 = arith.constant 992 : index
    %swap3A_587 = tpu.vector_load %arg6[%swap3A_586] {strides = array<i32>} : memref<1280xi32, #tpu.memory_space<vmem>>, vector<16xi32>,
    %swap3A_588 = vector.shape_cast %swap3A_587 : vector<16xi32> to vector<16xi32>
    %swap3A_589 = vector.shape_cast %add3A_585 : vector<16xi32> to vector<16xi32>
    tpu.vector_store %arg6[%swap3A_586], %swap3A_589 {strides = array<i32>} : memref<1280xi32, #tpu.memory_space<vmem>>, vector<16xi32>,
    %get3A_590 = arith.constant 112 : index
    %get3A_591 = tpu.vector_load %arg5[%get3A_590] {strides = array<i32>} : memref<128xi32, #tpu.memory_space<vmem>>, vector<16xi32>,
    %get3A_592 = vector.shape_cast %get3A_591 : vector<16xi32> to vector<16xi32>
    %add3A_593 = arith.constant 7000 : i32
    %add3A_594 = vector.broadcast %add3A_593 : i32 to vector<16xi32>
    %add3A_595 = arith.addi %get3A_592, %add3A_594 : vector<16xi32>
    %swap3A_596 = arith.constant 1008 : index
    %swap3A_597 = tpu.vector_load %arg6[%swap3A_596] {strides = array<i32>} : memref<1280xi32, #tpu.memory_space<vmem>>, vector<16xi32>,
    %swap3A_598 = vector.shape_cast %swap3A_597 : vector<16xi32> to vector<16xi32>
    %swap3A_599 = vector.shape_cast %add3A_595 : vector<16xi32> to vector<16xi32>
    tpu.vector_store %arg6[%swap3A_596], %swap3A_599 {strides = array<i32>} : memref<1280xi32, #tpu.memory_space<vmem>>, vector<16xi32>,
    %get3A_600 = arith.constant 0 : index
    %get3A_601 = tpu.vector_load %arg5[%get3A_600] {strides = array<i32>} : memref<128xi32, #tpu.memory_space<vmem>>, vector<16xi32>,
    %get3A_602 = vector.shape_cast %get3A_601 : vector<16xi32> to vector<16xi32>
    %add3A_603 = arith.constant 8000 : i32
    %add3A_604 = vector.broadcast %add3A_603 : i32 to vector<16xi32>
    %add3A_605 = arith.addi %get3A_602, %add3A_604 : vector<16xi32>
    %swap3A_606 = arith.constant 1024 : index
    %swap3A_607 = tpu.vector_load %arg6[%swap3A_606] {strides = array<i32>} : memref<1280xi32, #tpu.memory_space<vmem>>, vector<16xi32>,
    %swap3A_608 = vector.shape_cast %swap3A_607 : vector<16xi32> to vector<16xi32>
    %swap3A_609 = vector.shape_cast %add3A_605 : vector<16xi32> to vector<16xi32>
    tpu.vector_store %arg6[%swap3A_606], %swap3A_609 {strides = array<i32>} : memref<1280xi32, #tpu.memory_space<vmem>>, vector<16xi32>,
    %get3A_610 = arith.constant 16 : index
    %get3A_611 = tpu.vector_load %arg5[%get3A_610] {strides = array<i32>} : memref<128xi32, #tpu.memory_space<vmem>>, vector<16xi32>,
    %get3A_612 = vector.shape_cast %get3A_611 : vector<16xi32> to vector<16xi32>
    %add3A_613 = arith.constant 8000 : i32
    %add3A_614 = vector.broadcast %add3A_613 : i32 to vector<16xi32>
    %add3A_615 = arith.addi %get3A_612, %add3A_614 : vector<16xi32>
    %swap3A_616 = arith.constant 1040 : index
    %swap3A_617 = tpu.vector_load %arg6[%swap3A_616] {strides = array<i32>} : memref<1280xi32, #tpu.memory_space<vmem>>, vector<16xi32>,
    %swap3A_618 = vector.shape_cast %swap3A_617 : vector<16xi32> to vector<16xi32>
    %swap3A_619 = vector.shape_cast %add3A_615 : vector<16xi32> to vector<16xi32>
    tpu.vector_store %arg6[%swap3A_616], %swap3A_619 {strides = array<i32>} : memref<1280xi32, #tpu.memory_space<vmem>>, vector<16xi32>,
    %get3A_620 = arith.constant 32 : index
    %get3A_621 = tpu.vector_load %arg5[%get3A_620] {strides = array<i32>} : memref<128xi32, #tpu.memory_space<vmem>>, vector<16xi32>,
    %get3A_622 = vector.shape_cast %get3A_621 : vector<16xi32> to vector<16xi32>
    %add3A_623 = arith.constant 8000 : i32
    %add3A_624 = vector.broadcast %add3A_623 : i32 to vector<16xi32>
    %add3A_625 = arith.addi %get3A_622, %add3A_624 : vector<16xi32>
    %swap3A_626 = arith.constant 1056 : index
    %swap3A_627 = tpu.vector_load %arg6[%swap3A_626] {strides = array<i32>} : memref<1280xi32, #tpu.memory_space<vmem>>, vector<16xi32>,
    %swap3A_628 = vector.shape_cast %swap3A_627 : vector<16xi32> to vector<16xi32>
    %swap3A_629 = vector.shape_cast %add3A_625 : vector<16xi32> to vector<16xi32>
    tpu.vector_store %arg6[%swap3A_626], %swap3A_629 {strides = array<i32>} : memref<1280xi32, #tpu.memory_space<vmem>>, vector<16xi32>,
    %get3A_630 = arith.constant 48 : index
    %get3A_631 = tpu.vector_load %arg5[%get3A_630] {strides = array<i32>} : memref<128xi32, #tpu.memory_space<vmem>>, vector<16xi32>,
    %get3A_632 = vector.shape_cast %get3A_631 : vector<16xi32> to vector<16xi32>
    %add3A_633 = arith.constant 8000 : i32
    %add3A_634 = vector.broadcast %add3A_633 : i32 to vector<16xi32>
    %add3A_635 = arith.addi %get3A_632, %add3A_634 : vector<16xi32>
    %swap3A_636 = arith.constant 1072 : index
    %swap3A_637 = tpu.vector_load %arg6[%swap3A_636] {strides = array<i32>} : memref<1280xi32, #tpu.memory_space<vmem>>, vector<16xi32>,
    %swap3A_638 = vector.shape_cast %swap3A_637 : vector<16xi32> to vector<16xi32>
    %swap3A_639 = vector.shape_cast %add3A_635 : vector<16xi32> to vector<16xi32>
    tpu.vector_store %arg6[%swap3A_636], %swap3A_639 {strides = array<i32>} : memref<1280xi32, #tpu.memory_space<vmem>>, vector<16xi32>,
    %get3A_640 = arith.constant 64 : index
    %get3A_641 = tpu.vector_load %arg5[%get3A_640] {strides = array<i32>} : memref<128xi32, #tpu.memory_space<vmem>>, vector<16xi32>,
    %get3A_642 = vector.shape_cast %get3A_641 : vector<16xi32> to vector<16xi32>
    %add3A_643 = arith.constant 8000 : i32
    %add3A_644 = vector.broadcast %add3A_643 : i32 to vector<16xi32>
    %add3A_645 = arith.addi %get3A_642, %add3A_644 : vector<16xi32>
    %swap3A_646 = arith.constant 1088 : index
    %swap3A_647 = tpu.vector_load %arg6[%swap3A_646] {strides = array<i32>} : memref<1280xi32, #tpu.memory_space<vmem>>, vector<16xi32>,
    %swap3A_648 = vector.shape_cast %swap3A_647 : vector<16xi32> to vector<16xi32>
    %swap3A_649 = vector.shape_cast %add3A_645 : vector<16xi32> to vector<16xi32>
    tpu.vector_store %arg6[%swap3A_646], %swap3A_649 {strides = array<i32>} : memref<1280xi32, #tpu.memory_space<vmem>>, vector<16xi32>,
    %get3A_650 = arith.constant 80 : index
    %get3A_651 = tpu.vector_load %arg5[%get3A_650] {strides = array<i32>} : memref<128xi32, #tpu.memory_space<vmem>>, vector<16xi32>,
    %get3A_652 = vector.shape_cast %get3A_651 : vector<16xi32> to vector<16xi32>
    %add3A_653 = arith.constant 8000 : i32
    %add3A_654 = vector.broadcast %add3A_653 : i32 to vector<16xi32>
    %add3A_655 = arith.addi %get3A_652, %add3A_654 : vector<16xi32>
    %swap3A_656 = arith.constant 1104 : index
    %swap3A_657 = tpu.vector_load %arg6[%swap3A_656] {strides = array<i32>} : memref<1280xi32, #tpu.memory_space<vmem>>, vector<16xi32>,
    %swap3A_658 = vector.shape_cast %swap3A_657 : vector<16xi32> to vector<16xi32>
    %swap3A_659 = vector.shape_cast %add3A_655 : vector<16xi32> to vector<16xi32>
    tpu.vector_store %arg6[%swap3A_656], %swap3A_659 {strides = array<i32>} : memref<1280xi32, #tpu.memory_space<vmem>>, vector<16xi32>,
    %get3A_660 = arith.constant 96 : index
    %get3A_661 = tpu.vector_load %arg5[%get3A_660] {strides = array<i32>} : memref<128xi32, #tpu.memory_space<vmem>>, vector<16xi32>,
    %get3A_662 = vector.shape_cast %get3A_661 : vector<16xi32> to vector<16xi32>
    %add3A_663 = arith.constant 8000 : i32
    %add3A_664 = vector.broadcast %add3A_663 : i32 to vector<16xi32>
    %add3A_665 = arith.addi %get3A_662, %add3A_664 : vector<16xi32>
    %swap3A_666 = arith.constant 1120 : index
    %swap3A_667 = tpu.vector_load %arg6[%swap3A_666] {strides = array<i32>} : memref<1280xi32, #tpu.memory_space<vmem>>, vector<16xi32>,
    %swap3A_668 = vector.shape_cast %swap3A_667 : vector<16xi32> to vector<16xi32>
    %swap3A_669 = vector.shape_cast %add3A_665 : vector<16xi32> to vector<16xi32>
    tpu.vector_store %arg6[%swap3A_666], %swap3A_669 {strides = array<i32>} : memref<1280xi32, #tpu.memory_space<vmem>>, vector<16xi32>,
    %get3A_670 = arith.constant 112 : index
    %get3A_671 = tpu.vector_load %arg5[%get3A_670] {strides = array<i32>} : memref<128xi32, #tpu.memory_space<vmem>>, vector<16xi32>,
    %get3A_672 = vector.shape_cast %get3A_671 : vector<16xi32> to vector<16xi32>
    %add3A_673 = arith.constant 8000 : i32
    %add3A_674 = vector.broadcast %add3A_673 : i32 to vector<16xi32>
    %add3A_675 = arith.addi %get3A_672, %add3A_674 : vector<16xi32>
    %swap3A_676 = arith.constant 1136 : index
    %swap3A_677 = tpu.vector_load %arg6[%swap3A_676] {strides = array<i32>} : memref<1280xi32, #tpu.memory_space<vmem>>, vector<16xi32>,
    %swap3A_678 = vector.shape_cast %swap3A_677 : vector<16xi32> to vector<16xi32>
    %swap3A_679 = vector.shape_cast %add3A_675 : vector<16xi32> to vector<16xi32>
    tpu.vector_store %arg6[%swap3A_676], %swap3A_679 {strides = array<i32>} : memref<1280xi32, #tpu.memory_space<vmem>>, vector<16xi32>,
    %get3A_680 = arith.constant 0 : index
    %get3A_681 = tpu.vector_load %arg5[%get3A_680] {strides = array<i32>} : memref<128xi32, #tpu.memory_space<vmem>>, vector<16xi32>,
    %get3A_682 = vector.shape_cast %get3A_681 : vector<16xi32> to vector<16xi32>
    %add3A_683 = arith.constant 9000 : i32
    %add3A_684 = vector.broadcast %add3A_683 : i32 to vector<16xi32>
    %add3A_685 = arith.addi %get3A_682, %add3A_684 : vector<16xi32>
    %swap3A_686 = arith.constant 1152 : index
    %swap3A_687 = tpu.vector_load %arg6[%swap3A_686] {strides = array<i32>} : memref<1280xi32, #tpu.memory_space<vmem>>, vector<16xi32>,
    %swap3A_688 = vector.shape_cast %swap3A_687 : vector<16xi32> to vector<16xi32>
    %swap3A_689 = vector.shape_cast %add3A_685 : vector<16xi32> to vector<16xi32>
    tpu.vector_store %arg6[%swap3A_686], %swap3A_689 {strides = array<i32>} : memref<1280xi32, #tpu.memory_space<vmem>>, vector<16xi32>,
    %get3A_690 = arith.constant 16 : index
    %get3A_691 = tpu.vector_load %arg5[%get3A_690] {strides = array<i32>} : memref<128xi32, #tpu.memory_space<vmem>>, vector<16xi32>,
    %get3A_692 = vector.shape_cast %get3A_691 : vector<16xi32> to vector<16xi32>
    %add3A_693 = arith.constant 9000 : i32
    %add3A_694 = vector.broadcast %add3A_693 : i32 to vector<16xi32>
    %add3A_695 = arith.addi %get3A_692, %add3A_694 : vector<16xi32>
    %swap3A_696 = arith.constant 1168 : index
    %swap3A_697 = tpu.vector_load %arg6[%swap3A_696] {strides = array<i32>} : memref<1280xi32, #tpu.memory_space<vmem>>, vector<16xi32>,
    %swap3A_698 = vector.shape_cast %swap3A_697 : vector<16xi32> to vector<16xi32>
    %swap3A_699 = vector.shape_cast %add3A_695 : vector<16xi32> to vector<16xi32>
    tpu.vector_store %arg6[%swap3A_696], %swap3A_699 {strides = array<i32>} : memref<1280xi32, #tpu.memory_space<vmem>>, vector<16xi32>,
    %get3A_700 = arith.constant 32 : index
    %get3A_701 = tpu.vector_load %arg5[%get3A_700] {strides = array<i32>} : memref<128xi32, #tpu.memory_space<vmem>>, vector<16xi32>,
    %get3A_702 = vector.shape_cast %get3A_701 : vector<16xi32> to vector<16xi32>
    %add3A_703 = arith.constant 9000 : i32
    %add3A_704 = vector.broadcast %add3A_703 : i32 to vector<16xi32>
    %add3A_705 = arith.addi %get3A_702, %add3A_704 : vector<16xi32>
    %swap3A_706 = arith.constant 1184 : index
    %swap3A_707 = tpu.vector_load %arg6[%swap3A_706] {strides = array<i32>} : memref<1280xi32, #tpu.memory_space<vmem>>, vector<16xi32>,
    %swap3A_708 = vector.shape_cast %swap3A_707 : vector<16xi32> to vector<16xi32>
    %swap3A_709 = vector.shape_cast %add3A_705 : vector<16xi32> to vector<16xi32>
    tpu.vector_store %arg6[%swap3A_706], %swap3A_709 {strides = array<i32>} : memref<1280xi32, #tpu.memory_space<vmem>>, vector<16xi32>,
    %get3A_710 = arith.constant 48 : index
    %get3A_711 = tpu.vector_load %arg5[%get3A_710] {strides = array<i32>} : memref<128xi32, #tpu.memory_space<vmem>>, vector<16xi32>,
    %get3A_712 = vector.shape_cast %get3A_711 : vector<16xi32> to vector<16xi32>
    %add3A_713 = arith.constant 9000 : i32
    %add3A_714 = vector.broadcast %add3A_713 : i32 to vector<16xi32>
    %add3A_715 = arith.addi %get3A_712, %add3A_714 : vector<16xi32>
    %swap3A_716 = arith.constant 1200 : index
    %swap3A_717 = tpu.vector_load %arg6[%swap3A_716] {strides = array<i32>} : memref<1280xi32, #tpu.memory_space<vmem>>, vector<16xi32>,
    %swap3A_718 = vector.shape_cast %swap3A_717 : vector<16xi32> to vector<16xi32>
    %swap3A_719 = vector.shape_cast %add3A_715 : vector<16xi32> to vector<16xi32>
    tpu.vector_store %arg6[%swap3A_716], %swap3A_719 {strides = array<i32>} : memref<1280xi32, #tpu.memory_space<vmem>>, vector<16xi32>,
    %get3A_720 = arith.constant 64 : index
    %get3A_721 = tpu.vector_load %arg5[%get3A_720] {strides = array<i32>} : memref<128xi32, #tpu.memory_space<vmem>>, vector<16xi32>,
    %get3A_722 = vector.shape_cast %get3A_721 : vector<16xi32> to vector<16xi32>
    %add3A_723 = arith.constant 9000 : i32
    %add3A_724 = vector.broadcast %add3A_723 : i32 to vector<16xi32>
    %add3A_725 = arith.addi %get3A_722, %add3A_724 : vector<16xi32>
    %swap3A_726 = arith.constant 1216 : index
    %swap3A_727 = tpu.vector_load %arg6[%swap3A_726] {strides = array<i32>} : memref<1280xi32, #tpu.memory_space<vmem>>, vector<16xi32>,
    %swap3A_728 = vector.shape_cast %swap3A_727 : vector<16xi32> to vector<16xi32>
    %swap3A_729 = vector.shape_cast %add3A_725 : vector<16xi32> to vector<16xi32>
    tpu.vector_store %arg6[%swap3A_726], %swap3A_729 {strides = array<i32>} : memref<1280xi32, #tpu.memory_space<vmem>>, vector<16xi32>,
    %get3A_730 = arith.constant 80 : index
    %get3A_731 = tpu.vector_load %arg5[%get3A_730] {strides = array<i32>} : memref<128xi32, #tpu.memory_space<vmem>>, vector<16xi32>,
    %get3A_732 = vector.shape_cast %get3A_731 : vector<16xi32> to vector<16xi32>
    %add3A_733 = arith.constant 9000 : i32
    %add3A_734 = vector.broadcast %add3A_733 : i32 to vector<16xi32>
    %add3A_735 = arith.addi %get3A_732, %add3A_734 : vector<16xi32>
    %swap3A_736 = arith.constant 1232 : index
    %swap3A_737 = tpu.vector_load %arg6[%swap3A_736] {strides = array<i32>} : memref<1280xi32, #tpu.memory_space<vmem>>, vector<16xi32>,
    %swap3A_738 = vector.shape_cast %swap3A_737 : vector<16xi32> to vector<16xi32>
    %swap3A_739 = vector.shape_cast %add3A_735 : vector<16xi32> to vector<16xi32>
    tpu.vector_store %arg6[%swap3A_736], %swap3A_739 {strides = array<i32>} : memref<1280xi32, #tpu.memory_space<vmem>>, vector<16xi32>,
    %get3A_740 = arith.constant 96 : index
    %get3A_741 = tpu.vector_load %arg5[%get3A_740] {strides = array<i32>} : memref<128xi32, #tpu.memory_space<vmem>>, vector<16xi32>,
    %get3A_742 = vector.shape_cast %get3A_741 : vector<16xi32> to vector<16xi32>
    %add3A_743 = arith.constant 9000 : i32
    %add3A_744 = vector.broadcast %add3A_743 : i32 to vector<16xi32>
    %add3A_745 = arith.addi %get3A_742, %add3A_744 : vector<16xi32>
    %swap3A_746 = arith.constant 1248 : index
    %swap3A_747 = tpu.vector_load %arg6[%swap3A_746] {strides = array<i32>} : memref<1280xi32, #tpu.memory_space<vmem>>, vector<16xi32>,
    %swap3A_748 = vector.shape_cast %swap3A_747 : vector<16xi32> to vector<16xi32>
    %swap3A_749 = vector.shape_cast %add3A_745 : vector<16xi32> to vector<16xi32>
    tpu.vector_store %arg6[%swap3A_746], %swap3A_749 {strides = array<i32>} : memref<1280xi32, #tpu.memory_space<vmem>>, vector<16xi32>,
    %get3A_750 = arith.constant 112 : index
    %get3A_751 = tpu.vector_load %arg5[%get3A_750] {strides = array<i32>} : memref<128xi32, #tpu.memory_space<vmem>>, vector<16xi32>,
    %get3A_752 = vector.shape_cast %get3A_751 : vector<16xi32> to vector<16xi32>
    %add3A_753 = arith.constant 9000 : i32
    %add3A_754 = vector.broadcast %add3A_753 : i32 to vector<16xi32>
    %add3A_755 = arith.addi %get3A_752, %add3A_754 : vector<16xi32>
    %swap3A_756 = arith.constant 1264 : index
    %swap3A_757 = tpu.vector_load %arg6[%swap3A_756] {strides = array<i32>} : memref<1280xi32, #tpu.memory_space<vmem>>, vector<16xi32>,
    %swap3A_758 = vector.shape_cast %swap3A_757 : vector<16xi32> to vector<16xi32>
    %swap3A_759 = vector.shape_cast %add3A_755 : vector<16xi32> to vector<16xi32>
    tpu.vector_store %arg6[%swap3A_756], %swap3A_759 {strides = array<i32>} : memref<1280xi32, #tpu.memory_space<vmem>>, vector<16xi32>,
    %dma_wait3A = arith.constant 0 : i32
    %dma_wait3A_760 = arith.constant 0 : i32
    %dma_wait3A_761 = arith.constant 0 : i32
    %dma_wait3A_762 = tpu.memref_slice %arg7[%dma_wait3A, %dma_wait3A_760, %dma_wait3A_761] : memref<5x32x768xf32, #tpu.memory_space<vmem>> -> memref<1x32x768xf32, #tpu.memory_space<vmem>>
    %dma_wait3A_763 = tpu.memref_squeeze %dma_wait3A_762 : memref<1x32x768xf32, #tpu.memory_space<vmem>> -> memref<32x768xf32, #tpu.memory_space<vmem>>
    %dma_wait3A_764 = arith.constant 0 : i32
    %dma_wait3A_765 = tpu.memref_slice %arg5[%dma_wait3A_764] : memref<128xi32, #tpu.memory_space<vmem>> -> memref<32xi32, #tpu.memory_space<vmem>>
    %dma_wait3A_766 = arith.constant 0 : i32
    %dma_wait3A_767 = arith.constant 0 : i32
    %dma_wait3A_768 = tpu.memref_slice %arg3[%dma_wait3A_766, %dma_wait3A_767] : memref<10000x768xf32, #tpu.memory_space<hbm>> -> memref<10000x768xf32, #tpu.memory_space<hbm>>
    tpu.wait_indirect_dma semaphore(%arg8 : memref<!tpu.dma_semaphore, #tpu.memory_space<semaphore_mem>>) src(%dma_wait3A_768 : memref<10000x768xf32, #tpu.memory_space<hbm>>) dst(%dma_wait3A_763 : memref<32x768xf32, #tpu.memory_space<vmem>>)
    %add3A_769 = arith.constant 0 : i32
    %add3A_770 = arith.addi %add3A_769, %mul3A_2 : i32
    %add3A_771 = arith.constant 0 : i32
    %add3A_772 = arith.addi %add3A_770, %add3A_771 : i32
    %dma_start3A_773 = arith.constant 0 : i32
    %dma_start3A_774 = arith.constant 0 : i32
    %dma_start3A_775 = arith.constant 0 : i32
    %dma_start3A_776 = tpu.memref_slice %arg7[%dma_start3A_773, %dma_start3A_774, %dma_start3A_775] : memref<5x32x768xf32, #tpu.memory_space<vmem>> -> memref<1x32x768xf32, #tpu.memory_space<vmem>>
    %dma_start3A_777 = tpu.memref_squeeze %dma_start3A_776 : memref<1x32x768xf32, #tpu.memory_space<vmem>> -> memref<32x768xf32, #tpu.memory_space<vmem>>
    %dma_start3A_778 = arith.constant 0 : i32
    %dma_start3A_779 = tpu.memref_slice %arg4[%add3A_772, %dma_start3A_778] : memref<40960x768xf32, #tpu.memory_space<hbm>> -> memref<32x768xf32, #tpu.memory_space<hbm>>
    %dma_start3A_780 = arith.constant 0 : i32
    %dma_start3A_781 = tpu.memref_slice %arg4[%add3A_772, %dma_start3A_780] : memref<40960x768xf32, #tpu.memory_space<hbm>> -> memref<32x768xf32, #tpu.memory_space<hbm>>
    %dma_start3A_782 = arith.constant 0 : i32
    %dma_start3A_783 = arith.constant 0 : i32
    %dma_start3A_784 = tpu.memref_slice %arg7[%dma_start3A_773, %dma_start3A_782, %dma_start3A_783] : memref<5x32x768xf32, #tpu.memory_space<vmem>> -> memref<1x32x768xf32, #tpu.memory_space<vmem>>
    %dma_start3A_785 = tpu.memref_squeeze %dma_start3A_784 : memref<1x32x768xf32, #tpu.memory_space<vmem>> -> memref<32x768xf32, #tpu.memory_space<vmem>>
    tpu.enqueue_dma source(%dma_start3A_785 : memref<32x768xf32, #tpu.memory_space<vmem>>) target(%dma_start3A_781 : memref<32x768xf32, #tpu.memory_space<hbm>>) target_semaphore(%arg9 : memref<!tpu.dma_semaphore, #tpu.memory_space<semaphore_mem>>)
    %dma_start3A_786 = arith.constant 4 : i32
    %dma_start3A_787 = arith.constant 0 : i32
    %dma_start3A_788 = arith.constant 0 : i32
    %dma_start3A_789 = tpu.memref_slice %arg7[%dma_start3A_786, %dma_start3A_787, %dma_start3A_788] : memref<5x32x768xf32, #tpu.memory_space<vmem>> -> memref<1x32x768xf32, #tpu.memory_space<vmem>>
    %dma_start3A_790 = tpu.memref_squeeze %dma_start3A_789 : memref<1x32x768xf32, #tpu.memory_space<vmem>> -> memref<32x768xf32, #tpu.memory_space<vmem>>
    %dma_start3A_791 = arith.constant 128 : i32
    %dma_start3A_792 = tpu.memref_slice %arg6[%dma_start3A_791] : memref<1280xi32, #tpu.memory_space<vmem>> -> memref<32xi32, #tpu.memory_space<vmem>>
    %dma_start3A_793 = arith.constant 0 : i32
    %dma_start3A_794 = arith.constant 0 : i32
    %dma_start3A_795 = tpu.memref_slice %arg3[%dma_start3A_793, %dma_start3A_794] : memref<10000x768xf32, #tpu.memory_space<hbm>> -> memref<10000x768xf32, #tpu.memory_space<hbm>>
    tpu.enqueue_indirect_dma source(%dma_start3A_795 : memref<10000x768xf32, #tpu.memory_space<hbm>>) target(%dma_start3A_790 : memref<32x768xf32, #tpu.memory_space<vmem>>) offsets(%dma_start3A_792 : memref<32xi32, #tpu.memory_space<vmem>>) semaphore(%arg8 : memref<!tpu.dma_semaphore, #tpu.memory_space<semaphore_mem>>)
    %dma_wait3A_796 = arith.constant 1 : i32
    %dma_wait3A_797 = arith.constant 0 : i32
    %dma_wait3A_798 = arith.constant 0 : i32
    %dma_wait3A_799 = tpu.memref_slice %arg7[%dma_wait3A_796, %dma_wait3A_797, %dma_wait3A_798] : memref<5x32x768xf32, #tpu.memory_space<vmem>> -> memref<1x32x768xf32, #tpu.memory_space<vmem>>
    %dma_wait3A_800 = tpu.memref_squeeze %dma_wait3A_799 : memref<1x32x768xf32, #tpu.memory_space<vmem>> -> memref<32x768xf32, #tpu.memory_space<vmem>>
    %dma_wait3A_801 = arith.constant 32 : i32
    %dma_wait3A_802 = tpu.memref_slice %arg5[%dma_wait3A_801] : memref<128xi32, #tpu.memory_space<vmem>> -> memref<32xi32, #tpu.memory_space<vmem>>
    %dma_wait3A_803 = arith.constant 0 : i32
    %dma_wait3A_804 = arith.constant 0 : i32
    %dma_wait3A_805 = tpu.memref_slice %arg3[%dma_wait3A_803, %dma_wait3A_804] : memref<10000x768xf32, #tpu.memory_space<hbm>> -> memref<10000x768xf32, #tpu.memory_space<hbm>>
    tpu.wait_indirect_dma semaphore(%arg8 : memref<!tpu.dma_semaphore, #tpu.memory_space<semaphore_mem>>) src(%dma_wait3A_805 : memref<10000x768xf32, #tpu.memory_space<hbm>>) dst(%dma_wait3A_800 : memref<32x768xf32, #tpu.memory_space<vmem>>)
    %add3A_806 = arith.constant 0 : i32
    %add3A_807 = arith.addi %add3A_806, %mul3A_2 : i32
    %add3A_808 = arith.constant 32 : i32
    %add3A_809 = arith.addi %add3A_807, %add3A_808 : i32
    %dma_start3A_810 = arith.constant 1 : i32
    %dma_start3A_811 = arith.constant 0 : i32
    %dma_start3A_812 = arith.constant 0 : i32
    %dma_start3A_813 = tpu.memref_slice %arg7[%dma_start3A_810, %dma_start3A_811, %dma_start3A_812] : memref<5x32x768xf32, #tpu.memory_space<vmem>> -> memref<1x32x768xf32, #tpu.memory_space<vmem>>
    %dma_start3A_814 = tpu.memref_squeeze %dma_start3A_813 : memref<1x32x768xf32, #tpu.memory_space<vmem>> -> memref<32x768xf32, #tpu.memory_space<vmem>>
    %dma_start3A_815 = arith.constant 0 : i32
    %dma_start3A_816 = tpu.memref_slice %arg4[%add3A_809, %dma_start3A_815] : memref<40960x768xf32, #tpu.memory_space<hbm>> -> memref<32x768xf32, #tpu.memory_space<hbm>>
    %dma_start3A_817 = arith.constant 0 : i32
    %dma_start3A_818 = tpu.memref_slice %arg4[%add3A_809, %dma_start3A_817] : memref<40960x768xf32, #tpu.memory_space<hbm>> -> memref<32x768xf32, #tpu.memory_space<hbm>>
    %dma_start3A_819 = arith.constant 0 : i32
    %dma_start3A_820 = arith.constant 0 : i32
    %dma_start3A_821 = tpu.memref_slice %arg7[%dma_start3A_810, %dma_start3A_819, %dma_start3A_820] : memref<5x32x768xf32, #tpu.memory_space<vmem>> -> memref<1x32x768xf32, #tpu.memory_space<vmem>>
    %dma_start3A_822 = tpu.memref_squeeze %dma_start3A_821 : memref<1x32x768xf32, #tpu.memory_space<vmem>> -> memref<32x768xf32, #tpu.memory_space<vmem>>
    tpu.enqueue_dma source(%dma_start3A_822 : memref<32x768xf32, #tpu.memory_space<vmem>>) target(%dma_start3A_818 : memref<32x768xf32, #tpu.memory_space<hbm>>) target_semaphore(%arg9 : memref<!tpu.dma_semaphore, #tpu.memory_space<semaphore_mem>>)
    %dma_wait3A_823 = arith.constant 0 : i32
    %dma_wait3A_824 = arith.constant 0 : i32
    %dma_wait3A_825 = arith.constant 0 : i32
    %dma_wait3A_826 = tpu.memref_slice %arg7[%dma_wait3A_823, %dma_wait3A_824, %dma_wait3A_825] : memref<5x32x768xf32, #tpu.memory_space<vmem>> -> memref<1x32x768xf32, #tpu.memory_space<vmem>>
    %dma_wait3A_827 = tpu.memref_squeeze %dma_wait3A_826 : memref<1x32x768xf32, #tpu.memory_space<vmem>> -> memref<32x768xf32, #tpu.memory_space<vmem>>
    %dma_wait3A_828 = arith.constant 0 : i32
    %dma_wait3A_829 = tpu.memref_slice %arg4[%add3A_772, %dma_wait3A_828] : memref<40960x768xf32, #tpu.memory_space<hbm>> -> memref<32x768xf32, #tpu.memory_space<hbm>>
    %dma_wait3A_830 = arith.constant 0 : i32
    %dma_wait3A_831 = tpu.memref_slice %arg4[%add3A_772, %dma_wait3A_830] : memref<40960x768xf32, #tpu.memory_space<hbm>> -> memref<32x768xf32, #tpu.memory_space<hbm>>
    %dma_wait3A_832 = arith.constant 0 : i32
    %dma_wait3A_833 = arith.constant 0 : i32
    %dma_wait3A_834 = tpu.memref_slice %arg7[%dma_wait3A_823, %dma_wait3A_832, %dma_wait3A_833] : memref<5x32x768xf32, #tpu.memory_space<vmem>> -> memref<1x32x768xf32, #tpu.memory_space<vmem>>
    %dma_wait3A_835 = tpu.memref_squeeze %dma_wait3A_834 : memref<1x32x768xf32, #tpu.memory_space<vmem>> -> memref<32x768xf32, #tpu.memory_space<vmem>>
    tpu.wait_dma2 semaphore(%arg9 : memref<!tpu.dma_semaphore, #tpu.memory_space<semaphore_mem>>) src(%dma_wait3A_835 : memref<32x768xf32, #tpu.memory_space<vmem>>) dst(%dma_wait3A_831 : memref<32x768xf32, #tpu.memory_space<hbm>>)
    %dma_start3A_836 = arith.constant 0 : i32
    %dma_start3A_837 = arith.constant 0 : i32
    %dma_start3A_838 = arith.constant 0 : i32
    %dma_start3A_839 = tpu.memref_slice %arg7[%dma_start3A_836, %dma_start3A_837, %dma_start3A_838] : memref<5x32x768xf32, #tpu.memory_space<vmem>> -> memref<1x32x768xf32, #tpu.memory_space<vmem>>
    %dma_start3A_840 = tpu.memref_squeeze %dma_start3A_839 : memref<1x32x768xf32, #tpu.memory_space<vmem>> -> memref<32x768xf32, #tpu.memory_space<vmem>>
    %dma_start3A_841 = arith.constant 160 : i32
    %dma_start3A_842 = tpu.memref_slice %arg6[%dma_start3A_841] : memref<1280xi32, #tpu.memory_space<vmem>> -> memref<32xi32, #tpu.memory_space<vmem>>
    %dma_start3A_843 = arith.constant 0 : i32
    %dma_start3A_844 = arith.constant 0 : i32
    %dma_start3A_845 = tpu.memref_slice %arg3[%dma_start3A_843, %dma_start3A_844] : memref<10000x768xf32, #tpu.memory_space<hbm>> -> memref<10000x768xf32, #tpu.memory_space<hbm>>
    tpu.enqueue_indirect_dma source(%dma_start3A_845 : memref<10000x768xf32, #tpu.memory_space<hbm>>) target(%dma_start3A_840 : memref<32x768xf32, #tpu.memory_space<vmem>>) offsets(%dma_start3A_842 : memref<32xi32, #tpu.memory_space<vmem>>) semaphore(%arg8 : memref<!tpu.dma_semaphore, #tpu.memory_space<semaphore_mem>>)
    %dma_wait3A_846 = arith.constant 2 : i32
    %dma_wait3A_847 = arith.constant 0 : i32
    %dma_wait3A_848 = arith.constant 0 : i32
    %dma_wait3A_849 = tpu.memref_slice %arg7[%dma_wait3A_846, %dma_wait3A_847, %dma_wait3A_848] : memref<5x32x768xf32, #tpu.memory_space<vmem>> -> memref<1x32x768xf32, #tpu.memory_space<vmem>>
    %dma_wait3A_850 = tpu.memref_squeeze %dma_wait3A_849 : memref<1x32x768xf32, #tpu.memory_space<vmem>> -> memref<32x768xf32, #tpu.memory_space<vmem>>
    %dma_wait3A_851 = arith.constant 64 : i32
    %dma_wait3A_852 = tpu.memref_slice %arg5[%dma_wait3A_851] : memref<128xi32, #tpu.memory_space<vmem>> -> memref<32xi32, #tpu.memory_space<vmem>>
    %dma_wait3A_853 = arith.constant 0 : i32
    %dma_wait3A_854 = arith.constant 0 : i32
    %dma_wait3A_855 = tpu.memref_slice %arg3[%dma_wait3A_853, %dma_wait3A_854] : memref<10000x768xf32, #tpu.memory_space<hbm>> -> memref<10000x768xf32, #tpu.memory_space<hbm>>
    tpu.wait_indirect_dma semaphore(%arg8 : memref<!tpu.dma_semaphore, #tpu.memory_space<semaphore_mem>>) src(%dma_wait3A_855 : memref<10000x768xf32, #tpu.memory_space<hbm>>) dst(%dma_wait3A_850 : memref<32x768xf32, #tpu.memory_space<vmem>>)
    %add3A_856 = arith.constant 0 : i32
    %add3A_857 = arith.addi %add3A_856, %mul3A_2 : i32
    %add3A_858 = arith.constant 64 : i32
    %add3A_859 = arith.addi %add3A_857, %add3A_858 : i32
    %dma_start3A_860 = arith.constant 2 : i32
    %dma_start3A_861 = arith.constant 0 : i32
    %dma_start3A_862 = arith.constant 0 : i32
    %dma_start3A_863 = tpu.memref_slice %arg7[%dma_start3A_860, %dma_start3A_861, %dma_start3A_862] : memref<5x32x768xf32, #tpu.memory_space<vmem>> -> memref<1x32x768xf32, #tpu.memory_space<vmem>>
    %dma_start3A_864 = tpu.memref_squeeze %dma_start3A_863 : memref<1x32x768xf32, #tpu.memory_space<vmem>> -> memref<32x768xf32, #tpu.memory_space<vmem>>
    %dma_start3A_865 = arith.constant 0 : i32
    %dma_start3A_866 = tpu.memref_slice %arg4[%add3A_859, %dma_start3A_865] : memref<40960x768xf32, #tpu.memory_space<hbm>> -> memref<32x768xf32, #tpu.memory_space<hbm>>
    %dma_start3A_867 = arith.constant 0 : i32
    %dma_start3A_868 = tpu.memref_slice %arg4[%add3A_859, %dma_start3A_867] : memref<40960x768xf32, #tpu.memory_space<hbm>> -> memref<32x768xf32, #tpu.memory_space<hbm>>
    %dma_start3A_869 = arith.constant 0 : i32
    %dma_start3A_870 = arith.constant 0 : i32
    %dma_start3A_871 = tpu.memref_slice %arg7[%dma_start3A_860, %dma_start3A_869, %dma_start3A_870] : memref<5x32x768xf32, #tpu.memory_space<vmem>> -> memref<1x32x768xf32, #tpu.memory_space<vmem>>
    %dma_start3A_872 = tpu.memref_squeeze %dma_start3A_871 : memref<1x32x768xf32, #tpu.memory_space<vmem>> -> memref<32x768xf32, #tpu.memory_space<vmem>>
    tpu.enqueue_dma source(%dma_start3A_872 : memref<32x768xf32, #tpu.memory_space<vmem>>) target(%dma_start3A_868 : memref<32x768xf32, #tpu.memory_space<hbm>>) target_semaphore(%arg9 : memref<!tpu.dma_semaphore, #tpu.memory_space<semaphore_mem>>)
    %dma_wait3A_873 = arith.constant 1 : i32
    %dma_wait3A_874 = arith.constant 0 : i32
    %dma_wait3A_875 = arith.constant 0 : i32
    %dma_wait3A_876 = tpu.memref_slice %arg7[%dma_wait3A_873, %dma_wait3A_874, %dma_wait3A_875] : memref<5x32x768xf32, #tpu.memory_space<vmem>> -> memref<1x32x768xf32, #tpu.memory_space<vmem>>
    %dma_wait3A_877 = tpu.memref_squeeze %dma_wait3A_876 : memref<1x32x768xf32, #tpu.memory_space<vmem>> -> memref<32x768xf32, #tpu.memory_space<vmem>>
    %dma_wait3A_878 = arith.constant 0 : i32
    %dma_wait3A_879 = tpu.memref_slice %arg4[%add3A_809, %dma_wait3A_878] : memref<40960x768xf32, #tpu.memory_space<hbm>> -> memref<32x768xf32, #tpu.memory_space<hbm>>
    %dma_wait3A_880 = arith.constant 0 : i32
    %dma_wait3A_881 = tpu.memref_slice %arg4[%add3A_809, %dma_wait3A_880] : memref<40960x768xf32, #tpu.memory_space<hbm>> -> memref<32x768xf32, #tpu.memory_space<hbm>>
    %dma_wait3A_882 = arith.constant 0 : i32
    %dma_wait3A_883 = arith.constant 0 : i32
    %dma_wait3A_884 = tpu.memref_slice %arg7[%dma_wait3A_873, %dma_wait3A_882, %dma_wait3A_883] : memref<5x32x768xf32, #tpu.memory_space<vmem>> -> memref<1x32x768xf32, #tpu.memory_space<vmem>>
    %dma_wait3A_885 = tpu.memref_squeeze %dma_wait3A_884 : memref<1x32x768xf32, #tpu.memory_space<vmem>> -> memref<32x768xf32, #tpu.memory_space<vmem>>
    tpu.wait_dma2 semaphore(%arg9 : memref<!tpu.dma_semaphore, #tpu.memory_space<semaphore_mem>>) src(%dma_wait3A_885 : memref<32x768xf32, #tpu.memory_space<vmem>>) dst(%dma_wait3A_881 : memref<32x768xf32, #tpu.memory_space<hbm>>)
    %dma_start3A_886 = arith.constant 1 : i32
    %dma_start3A_887 = arith.constant 0 : i32
    %dma_start3A_888 = arith.constant 0 : i32
    %dma_start3A_889 = tpu.memref_slice %arg7[%dma_start3A_886, %dma_start3A_887, %dma_start3A_888] : memref<5x32x768xf32, #tpu.memory_space<vmem>> -> memref<1x32x768xf32, #tpu.memory_space<vmem>>
    %dma_start3A_890 = tpu.memref_squeeze %dma_start3A_889 : memref<1x32x768xf32, #tpu.memory_space<vmem>> -> memref<32x768xf32, #tpu.memory_space<vmem>>
    %dma_start3A_891 = arith.constant 192 : i32
    %dma_start3A_892 = tpu.memref_slice %arg6[%dma_start3A_891] : memref<1280xi32, #tpu.memory_space<vmem>> -> memref<32xi32, #tpu.memory_space<vmem>>
    %dma_start3A_893 = arith.constant 0 : i32
    %dma_start3A_894 = arith.constant 0 : i32
    %dma_start3A_895 = tpu.memref_slice %arg3[%dma_start3A_893, %dma_start3A_894] : memref<10000x768xf32, #tpu.memory_space<hbm>> -> memref<10000x768xf32, #tpu.memory_space<hbm>>
    tpu.enqueue_indirect_dma source(%dma_start3A_895 : memref<10000x768xf32, #tpu.memory_space<hbm>>) target(%dma_start3A_890 : memref<32x768xf32, #tpu.memory_space<vmem>>) offsets(%dma_start3A_892 : memref<32xi32, #tpu.memory_space<vmem>>) semaphore(%arg8 : memref<!tpu.dma_semaphore, #tpu.memory_space<semaphore_mem>>)
    %dma_wait3A_896 = arith.constant 3 : i32
    %dma_wait3A_897 = arith.constant 0 : i32
    %dma_wait3A_898 = arith.constant 0 : i32
    %dma_wait3A_899 = tpu.memref_slice %arg7[%dma_wait3A_896, %dma_wait3A_897, %dma_wait3A_898] : memref<5x32x768xf32, #tpu.memory_space<vmem>> -> memref<1x32x768xf32, #tpu.memory_space<vmem>>
    %dma_wait3A_900 = tpu.memref_squeeze %dma_wait3A_899 : memref<1x32x768xf32, #tpu.memory_space<vmem>> -> memref<32x768xf32, #tpu.memory_space<vmem>>
    %dma_wait3A_901 = arith.constant 96 : i32
    %dma_wait3A_902 = tpu.memref_slice %arg5[%dma_wait3A_901] : memref<128xi32, #tpu.memory_space<vmem>> -> memref<32xi32, #tpu.memory_space<vmem>>
    %dma_wait3A_903 = arith.constant 0 : i32
    %dma_wait3A_904 = arith.constant 0 : i32
    %dma_wait3A_905 = tpu.memref_slice %arg3[%dma_wait3A_903, %dma_wait3A_904] : memref<10000x768xf32, #tpu.memory_space<hbm>> -> memref<10000x768xf32, #tpu.memory_space<hbm>>
    tpu.wait_indirect_dma semaphore(%arg8 : memref<!tpu.dma_semaphore, #tpu.memory_space<semaphore_mem>>) src(%dma_wait3A_905 : memref<10000x768xf32, #tpu.memory_space<hbm>>) dst(%dma_wait3A_900 : memref<32x768xf32, #tpu.memory_space<vmem>>)
    %add3A_906 = arith.constant 0 : i32
    %add3A_907 = arith.addi %add3A_906, %mul3A_2 : i32
    %add3A_908 = arith.constant 96 : i32
    %add3A_909 = arith.addi %add3A_907, %add3A_908 : i32
    %dma_start3A_910 = arith.constant 3 : i32
    %dma_start3A_911 = arith.constant 0 : i32
    %dma_start3A_912 = arith.constant 0 : i32
    %dma_start3A_913 = tpu.memref_slice %arg7[%dma_start3A_910, %dma_start3A_911, %dma_start3A_912] : memref<5x32x768xf32, #tpu.memory_space<vmem>> -> memref<1x32x768xf32, #tpu.memory_space<vmem>>
    %dma_start3A_914 = tpu.memref_squeeze %dma_start3A_913 : memref<1x32x768xf32, #tpu.memory_space<vmem>> -> memref<32x768xf32, #tpu.memory_space<vmem>>
    %dma_start3A_915 = arith.constant 0 : i32
    %dma_start3A_916 = tpu.memref_slice %arg4[%add3A_909, %dma_start3A_915] : memref<40960x768xf32, #tpu.memory_space<hbm>> -> memref<32x768xf32, #tpu.memory_space<hbm>>
    %dma_start3A_917 = arith.constant 0 : i32
    %dma_start3A_918 = tpu.memref_slice %arg4[%add3A_909, %dma_start3A_917] : memref<40960x768xf32, #tpu.memory_space<hbm>> -> memref<32x768xf32, #tpu.memory_space<hbm>>
    %dma_start3A_919 = arith.constant 0 : i32
    %dma_start3A_920 = arith.constant 0 : i32
    %dma_start3A_921 = tpu.memref_slice %arg7[%dma_start3A_910, %dma_start3A_919, %dma_start3A_920] : memref<5x32x768xf32, #tpu.memory_space<vmem>> -> memref<1x32x768xf32, #tpu.memory_space<vmem>>
    %dma_start3A_922 = tpu.memref_squeeze %dma_start3A_921 : memref<1x32x768xf32, #tpu.memory_space<vmem>> -> memref<32x768xf32, #tpu.memory_space<vmem>>
    tpu.enqueue_dma source(%dma_start3A_922 : memref<32x768xf32, #tpu.memory_space<vmem>>) target(%dma_start3A_918 : memref<32x768xf32, #tpu.memory_space<hbm>>) target_semaphore(%arg9 : memref<!tpu.dma_semaphore, #tpu.memory_space<semaphore_mem>>)
    %dma_wait3A_923 = arith.constant 2 : i32
    %dma_wait3A_924 = arith.constant 0 : i32
    %dma_wait3A_925 = arith.constant 0 : i32
    %dma_wait3A_926 = tpu.memref_slice %arg7[%dma_wait3A_923, %dma_wait3A_924, %dma_wait3A_925] : memref<5x32x768xf32, #tpu.memory_space<vmem>> -> memref<1x32x768xf32, #tpu.memory_space<vmem>>
    %dma_wait3A_927 = tpu.memref_squeeze %dma_wait3A_926 : memref<1x32x768xf32, #tpu.memory_space<vmem>> -> memref<32x768xf32, #tpu.memory_space<vmem>>
    %dma_wait3A_928 = arith.constant 0 : i32
    %dma_wait3A_929 = tpu.memref_slice %arg4[%add3A_859, %dma_wait3A_928] : memref<40960x768xf32, #tpu.memory_space<hbm>> -> memref<32x768xf32, #tpu.memory_space<hbm>>
    %dma_wait3A_930 = arith.constant 0 : i32
    %dma_wait3A_931 = tpu.memref_slice %arg4[%add3A_859, %dma_wait3A_930] : memref<40960x768xf32, #tpu.memory_space<hbm>> -> memref<32x768xf32, #tpu.memory_space<hbm>>
    %dma_wait3A_932 = arith.constant 0 : i32
    %dma_wait3A_933 = arith.constant 0 : i32
    %dma_wait3A_934 = tpu.memref_slice %arg7[%dma_wait3A_923, %dma_wait3A_932, %dma_wait3A_933] : memref<5x32x768xf32, #tpu.memory_space<vmem>> -> memref<1x32x768xf32, #tpu.memory_space<vmem>>
    %dma_wait3A_935 = tpu.memref_squeeze %dma_wait3A_934 : memref<1x32x768xf32, #tpu.memory_space<vmem>> -> memref<32x768xf32, #tpu.memory_space<vmem>>
    tpu.wait_dma2 semaphore(%arg9 : memref<!tpu.dma_semaphore, #tpu.memory_space<semaphore_mem>>) src(%dma_wait3A_935 : memref<32x768xf32, #tpu.memory_space<vmem>>) dst(%dma_wait3A_931 : memref<32x768xf32, #tpu.memory_space<hbm>>)
    %dma_start3A_936 = arith.constant 2 : i32
    %dma_start3A_937 = arith.constant 0 : i32
    %dma_start3A_938 = arith.constant 0 : i32
    %dma_start3A_939 = tpu.memref_slice %arg7[%dma_start3A_936, %dma_start3A_937, %dma_start3A_938] : memref<5x32x768xf32, #tpu.memory_space<vmem>> -> memref<1x32x768xf32, #tpu.memory_space<vmem>>
    %dma_start3A_940 = tpu.memref_squeeze %dma_start3A_939 : memref<1x32x768xf32, #tpu.memory_space<vmem>> -> memref<32x768xf32, #tpu.memory_space<vmem>>
    %dma_start3A_941 = arith.constant 224 : i32
    %dma_start3A_942 = tpu.memref_slice %arg6[%dma_start3A_941] : memref<1280xi32, #tpu.memory_space<vmem>> -> memref<32xi32, #tpu.memory_space<vmem>>
    %dma_start3A_943 = arith.constant 0 : i32
    %dma_start3A_944 = arith.constant 0 : i32
    %dma_start3A_945 = tpu.memref_slice %arg3[%dma_start3A_943, %dma_start3A_944] : memref<10000x768xf32, #tpu.memory_space<hbm>> -> memref<10000x768xf32, #tpu.memory_space<hbm>>
    tpu.enqueue_indirect_dma source(%dma_start3A_945 : memref<10000x768xf32, #tpu.memory_space<hbm>>) target(%dma_start3A_940 : memref<32x768xf32, #tpu.memory_space<vmem>>) offsets(%dma_start3A_942 : memref<32xi32, #tpu.memory_space<vmem>>) semaphore(%arg8 : memref<!tpu.dma_semaphore, #tpu.memory_space<semaphore_mem>>)
    %dma_wait3A_946 = arith.constant 4 : i32
    %dma_wait3A_947 = arith.constant 0 : i32
    %dma_wait3A_948 = arith.constant 0 : i32
    %dma_wait3A_949 = tpu.memref_slice %arg7[%dma_wait3A_946, %dma_wait3A_947, %dma_wait3A_948] : memref<5x32x768xf32, #tpu.memory_space<vmem>> -> memref<1x32x768xf32, #tpu.memory_space<vmem>>
    %dma_wait3A_950 = tpu.memref_squeeze %dma_wait3A_949 : memref<1x32x768xf32, #tpu.memory_space<vmem>> -> memref<32x768xf32, #tpu.memory_space<vmem>>
    %dma_wait3A_951 = arith.constant 128 : i32
    %dma_wait3A_952 = tpu.memref_slice %arg6[%dma_wait3A_951] : memref<1280xi32, #tpu.memory_space<vmem>> -> memref<32xi32, #tpu.memory_space<vmem>>
    %dma_wait3A_953 = arith.constant 0 : i32
    %dma_wait3A_954 = arith.constant 0 : i32
    %dma_wait3A_955 = tpu.memref_slice %arg3[%dma_wait3A_953, %dma_wait3A_954] : memref<10000x768xf32, #tpu.memory_space<hbm>> -> memref<10000x768xf32, #tpu.memory_space<hbm>>
    tpu.wait_indirect_dma semaphore(%arg8 : memref<!tpu.dma_semaphore, #tpu.memory_space<semaphore_mem>>) src(%dma_wait3A_955 : memref<10000x768xf32, #tpu.memory_space<hbm>>) dst(%dma_wait3A_950 : memref<32x768xf32, #tpu.memory_space<vmem>>)
    %add3A_956 = arith.constant 4096 : i32
    %add3A_957 = arith.addi %add3A_956, %mul3A_2 : i32
    %add3A_958 = arith.constant 0 : i32
    %add3A_959 = arith.addi %add3A_957, %add3A_958 : i32
    %dma_start3A_960 = arith.constant 4 : i32
    %dma_start3A_961 = arith.constant 0 : i32
    %dma_start3A_962 = arith.constant 0 : i32
    %dma_start3A_963 = tpu.memref_slice %arg7[%dma_start3A_960, %dma_start3A_961, %dma_start3A_962] : memref<5x32x768xf32, #tpu.memory_space<vmem>> -> memref<1x32x768xf32, #tpu.memory_space<vmem>>
    %dma_start3A_964 = tpu.memref_squeeze %dma_start3A_963 : memref<1x32x768xf32, #tpu.memory_space<vmem>> -> memref<32x768xf32, #tpu.memory_space<vmem>>
    %dma_start3A_965 = arith.constant 0 : i32
    %dma_start3A_966 = tpu.memref_slice %arg4[%add3A_959, %dma_start3A_965] : memref<40960x768xf32, #tpu.memory_space<hbm>> -> memref<32x768xf32, #tpu.memory_space<hbm>>
    %dma_start3A_967 = arith.constant 0 : i32
    %dma_start3A_968 = tpu.memref_slice %arg4[%add3A_959, %dma_start3A_967] : memref<40960x768xf32, #tpu.memory_space<hbm>> -> memref<32x768xf32, #tpu.memory_space<hbm>>
    %dma_start3A_969 = arith.constant 0 : i32
    %dma_start3A_970 = arith.constant 0 : i32
    %dma_start3A_971 = tpu.memref_slice %arg7[%dma_start3A_960, %dma_start3A_969, %dma_start3A_970] : memref<5x32x768xf32, #tpu.memory_space<vmem>> -> memref<1x32x768xf32, #tpu.memory_space<vmem>>
    %dma_start3A_972 = tpu.memref_squeeze %dma_start3A_971 : memref<1x32x768xf32, #tpu.memory_space<vmem>> -> memref<32x768xf32, #tpu.memory_space<vmem>>
    tpu.enqueue_dma source(%dma_start3A_972 : memref<32x768xf32, #tpu.memory_space<vmem>>) target(%dma_start3A_968 : memref<32x768xf32, #tpu.memory_space<hbm>>) target_semaphore(%arg9 : memref<!tpu.dma_semaphore, #tpu.memory_space<semaphore_mem>>)
    %dma_wait3A_973 = arith.constant 3 : i32
    %dma_wait3A_974 = arith.constant 0 : i32
    %dma_wait3A_975 = arith.constant 0 : i32
    %dma_wait3A_976 = tpu.memref_slice %arg7[%dma_wait3A_973, %dma_wait3A_974, %dma_wait3A_975] : memref<5x32x768xf32, #tpu.memory_space<vmem>> -> memref<1x32x768xf32, #tpu.memory_space<vmem>>
    %dma_wait3A_977 = tpu.memref_squeeze %dma_wait3A_976 : memref<1x32x768xf32, #tpu.memory_space<vmem>> -> memref<32x768xf32, #tpu.memory_space<vmem>>
    %dma_wait3A_978 = arith.constant 0 : i32
    %dma_wait3A_979 = tpu.memref_slice %arg4[%add3A_909, %dma_wait3A_978] : memref<40960x768xf32, #tpu.memory_space<hbm>> -> memref<32x768xf32, #tpu.memory_space<hbm>>
    %dma_wait3A_980 = arith.constant 0 : i32
    %dma_wait3A_981 = tpu.memref_slice %arg4[%add3A_909, %dma_wait3A_980] : memref<40960x768xf32, #tpu.memory_space<hbm>> -> memref<32x768xf32, #tpu.memory_space<hbm>>
    %dma_wait3A_982 = arith.constant 0 : i32
    %dma_wait3A_983 = arith.constant 0 : i32
    %dma_wait3A_984 = tpu.memref_slice %arg7[%dma_wait3A_973, %dma_wait3A_982, %dma_wait3A_983] : memref<5x32x768xf32, #tpu.memory_space<vmem>> -> memref<1x32x768xf32, #tpu.memory_space<vmem>>
    %dma_wait3A_985 = tpu.memref_squeeze %dma_wait3A_984 : memref<1x32x768xf32, #tpu.memory_space<vmem>> -> memref<32x768xf32, #tpu.memory_space<vmem>>
    tpu.wait_dma2 semaphore(%arg9 : memref<!tpu.dma_semaphore, #tpu.memory_space<semaphore_mem>>) src(%dma_wait3A_985 : memref<32x768xf32, #tpu.memory_space<vmem>>) dst(%dma_wait3A_981 : memref<32x768xf32, #tpu.memory_space<hbm>>)
    %dma_start3A_986 = arith.constant 3 : i32
    %dma_start3A_987 = arith.constant 0 : i32
    %dma_start3A_988 = arith.constant 0 : i32
    %dma_start3A_989 = tpu.memref_slice %arg7[%dma_start3A_986, %dma_start3A_987, %dma_start3A_988] : memref<5x32x768xf32, #tpu.memory_space<vmem>> -> memref<1x32x768xf32, #tpu.memory_space<vmem>>
    %dma_start3A_990 = tpu.memref_squeeze %dma_start3A_989 : memref<1x32x768xf32, #tpu.memory_space<vmem>> -> memref<32x768xf32, #tpu.memory_space<vmem>>
    %dma_start3A_991 = arith.constant 256 : i32
    %dma_start3A_992 = tpu.memref_slice %arg6[%dma_start3A_991] : memref<1280xi32, #tpu.memory_space<vmem>> -> memref<32xi32, #tpu.memory_space<vmem>>
    %dma_start3A_993 = arith.constant 0 : i32
    %dma_start3A_994 = arith.constant 0 : i32
    %dma_start3A_995 = tpu.memref_slice %arg3[%dma_start3A_993, %dma_start3A_994] : memref<10000x768xf32, #tpu.memory_space<hbm>> -> memref<10000x768xf32, #tpu.memory_space<hbm>>
    tpu.enqueue_indirect_dma source(%dma_start3A_995 : memref<10000x768xf32, #tpu.memory_space<hbm>>) target(%dma_start3A_990 : memref<32x768xf32, #tpu.memory_space<vmem>>) offsets(%dma_start3A_992 : memref<32xi32, #tpu.memory_space<vmem>>) semaphore(%arg8 : memref<!tpu.dma_semaphore, #tpu.memory_space<semaphore_mem>>)
    %dma_wait3A_996 = arith.constant 0 : i32
    %dma_wait3A_997 = arith.constant 0 : i32
    %dma_wait3A_998 = arith.constant 0 : i32
    %dma_wait3A_999 = tpu.memref_slice %arg7[%dma_wait3A_996, %dma_wait3A_997, %dma_wait3A_998] : memref<5x32x768xf32, #tpu.memory_space<vmem>> -> memref<1x32x768xf32, #tpu.memory_space<vmem>>
    %dma_wait3A_1000 = tpu.memref_squeeze %dma_wait3A_999 : memref<1x32x768xf32, #tpu.memory_space<vmem>> -> memref<32x768xf32, #tpu.memory_space<vmem>>
    %dma_wait3A_1001 = arith.constant 160 : i32
    %dma_wait3A_1002 = tpu.memref_slice %arg6[%dma_wait3A_1001] : memref<1280xi32, #tpu.memory_space<vmem>> -> memref<32xi32, #tpu.memory_space<vmem>>
    %dma_wait3A_1003 = arith.constant 0 : i32
    %dma_wait3A_1004 = arith.constant 0 : i32
    %dma_wait3A_1005 = tpu.memref_slice %arg3[%dma_wait3A_1003, %dma_wait3A_1004] : memref<10000x768xf32, #tpu.memory_space<hbm>> -> memref<10000x768xf32, #tpu.memory_space<hbm>>
    tpu.wait_indirect_dma semaphore(%arg8 : memref<!tpu.dma_semaphore, #tpu.memory_space<semaphore_mem>>) src(%dma_wait3A_1005 : memref<10000x768xf32, #tpu.memory_space<hbm>>) dst(%dma_wait3A_1000 : memref<32x768xf32, #tpu.memory_space<vmem>>)
    %add3A_1006 = arith.constant 4096 : i32
    %add3A_1007 = arith.addi %add3A_1006, %mul3A_2 : i32
    %add3A_1008 = arith.constant 32 : i32
    %add3A_1009 = arith.addi %add3A_1007, %add3A_1008 : i32
    %dma_start3A_1010 = arith.constant 0 : i32
    %dma_start3A_1011 = arith.constant 0 : i32
    %dma_start3A_1012 = arith.constant 0 : i32
    %dma_start3A_1013 = tpu.memref_slice %arg7[%dma_start3A_1010, %dma_start3A_1011, %dma_start3A_1012] : memref<5x32x768xf32, #tpu.memory_space<vmem>> -> memref<1x32x768xf32, #tpu.memory_space<vmem>>
    %dma_start3A_1014 = tpu.memref_squeeze %dma_start3A_1013 : memref<1x32x768xf32, #tpu.memory_space<vmem>> -> memref<32x768xf32, #tpu.memory_space<vmem>>
    %dma_start3A_1015 = arith.constant 0 : i32
    %dma_start3A_1016 = tpu.memref_slice %arg4[%add3A_1009, %dma_start3A_1015] : memref<40960x768xf32, #tpu.memory_space<hbm>> -> memref<32x768xf32, #tpu.memory_space<hbm>>
    %dma_start3A_1017 = arith.constant 0 : i32
    %dma_start3A_1018 = tpu.memref_slice %arg4[%add3A_1009, %dma_start3A_1017] : memref<40960x768xf32, #tpu.memory_space<hbm>> -> memref<32x768xf32, #tpu.memory_space<hbm>>
    %dma_start3A_1019 = arith.constant 0 : i32
    %dma_start3A_1020 = arith.constant 0 : i32
    %dma_start3A_1021 = tpu.memref_slice %arg7[%dma_start3A_1010, %dma_start3A_1019, %dma_start3A_1020] : memref<5x32x768xf32, #tpu.memory_space<vmem>> -> memref<1x32x768xf32, #tpu.memory_space<vmem>>
    %dma_start3A_1022 = tpu.memref_squeeze %dma_start3A_1021 : memref<1x32x768xf32, #tpu.memory_space<vmem>> -> memref<32x768xf32, #tpu.memory_space<vmem>>
    tpu.enqueue_dma source(%dma_start3A_1022 : memref<32x768xf32, #tpu.memory_space<vmem>>) target(%dma_start3A_1018 : memref<32x768xf32, #tpu.memory_space<hbm>>) target_semaphore(%arg9 : memref<!tpu.dma_semaphore, #tpu.memory_space<semaphore_mem>>)
    %dma_wait3A_1023 = arith.constant 4 : i32
    %dma_wait3A_1024 = arith.constant 0 : i32
    %dma_wait3A_1025 = arith.constant 0 : i32
    %dma_wait3A_1026 = tpu.memref_slice %arg7[%dma_wait3A_1023, %dma_wait3A_1024, %dma_wait3A_1025] : memref<5x32x768xf32, #tpu.memory_space<vmem>> -> memref<1x32x768xf32, #tpu.memory_space<vmem>>
    %dma_wait3A_1027 = tpu.memref_squeeze %dma_wait3A_1026 : memref<1x32x768xf32, #tpu.memory_space<vmem>> -> memref<32x768xf32, #tpu.memory_space<vmem>>
    %dma_wait3A_1028 = arith.constant 0 : i32
    %dma_wait3A_1029 = tpu.memref_slice %arg4[%add3A_959, %dma_wait3A_1028] : memref<40960x768xf32, #tpu.memory_space<hbm>> -> memref<32x768xf32, #tpu.memory_space<hbm>>
    %dma_wait3A_1030 = arith.constant 0 : i32
    %dma_wait3A_1031 = tpu.memref_slice %arg4[%add3A_959, %dma_wait3A_1030] : memref<40960x768xf32, #tpu.memory_space<hbm>> -> memref<32x768xf32, #tpu.memory_space<hbm>>
    %dma_wait3A_1032 = arith.constant 0 : i32
    %dma_wait3A_1033 = arith.constant 0 : i32
    %dma_wait3A_1034 = tpu.memref_slice %arg7[%dma_wait3A_1023, %dma_wait3A_1032, %dma_wait3A_1033] : memref<5x32x768xf32, #tpu.memory_space<vmem>> -> memref<1x32x768xf32, #tpu.memory_space<vmem>>
    %dma_wait3A_1035 = tpu.memref_squeeze %dma_wait3A_1034 : memref<1x32x768xf32, #tpu.memory_space<vmem>> -> memref<32x768xf32, #tpu.memory_space<vmem>>
    tpu.wait_dma2 semaphore(%arg9 : memref<!tpu.dma_semaphore, #tpu.memory_space<semaphore_mem>>) src(%dma_wait3A_1035 : memref<32x768xf32, #tpu.memory_space<vmem>>) dst(%dma_wait3A_1031 : memref<32x768xf32, #tpu.memory_space<hbm>>)
    %dma_start3A_1036 = arith.constant 4 : i32
    %dma_start3A_1037 = arith.constant 0 : i32
    %dma_start3A_1038 = arith.constant 0 : i32
    %dma_start3A_1039 = tpu.memref_slice %arg7[%dma_start3A_1036, %dma_start3A_1037, %dma_start3A_1038] : memref<5x32x768xf32, #tpu.memory_space<vmem>> -> memref<1x32x768xf32, #tpu.memory_space<vmem>>
    %dma_start3A_1040 = tpu.memref_squeeze %dma_start3A_1039 : memref<1x32x768xf32, #tpu.memory_space<vmem>> -> memref<32x768xf32, #tpu.memory_space<vmem>>
    %dma_start3A_1041 = arith.constant 288 : i32
    %dma_start3A_1042 = tpu.memref_slice %arg6[%dma_start3A_1041] : memref<1280xi32, #tpu.memory_space<vmem>> -> memref<32xi32, #tpu.memory_space<vmem>>
    %dma_start3A_1043 = arith.constant 0 : i32
    %dma_start3A_1044 = arith.constant 0 : i32
    %dma_start3A_1045 = tpu.memref_slice %arg3[%dma_start3A_1043, %dma_start3A_1044] : memref<10000x768xf32, #tpu.memory_space<hbm>> -> memref<10000x768xf32, #tpu.memory_space<hbm>>
    tpu.enqueue_indirect_dma source(%dma_start3A_1045 : memref<10000x768xf32, #tpu.memory_space<hbm>>) target(%dma_start3A_1040 : memref<32x768xf32, #tpu.memory_space<vmem>>) offsets(%dma_start3A_1042 : memref<32xi32, #tpu.memory_space<vmem>>) semaphore(%arg8 : memref<!tpu.dma_semaphore, #tpu.memory_space<semaphore_mem>>)
    %dma_wait3A_1046 = arith.constant 1 : i32
    %dma_wait3A_1047 = arith.constant 0 : i32
    %dma_wait3A_1048 = arith.constant 0 : i32
    %dma_wait3A_1049 = tpu.memref_slice %arg7[%dma_wait3A_1046, %dma_wait3A_1047, %dma_wait3A_1048] : memref<5x32x768xf32, #tpu.memory_space<vmem>> -> memref<1x32x768xf32, #tpu.memory_space<vmem>>
    %dma_wait3A_1050 = tpu.memref_squeeze %dma_wait3A_1049 : memref<1x32x768xf32, #tpu.memory_space<vmem>> -> memref<32x768xf32, #tpu.memory_space<vmem>>
    %dma_wait3A_1051 = arith.constant 192 : i32
    %dma_wait3A_1052 = tpu.memref_slice %arg6[%dma_wait3A_1051] : memref<1280xi32, #tpu.memory_space<vmem>> -> memref<32xi32, #tpu.memory_space<vmem>>
    %dma_wait3A_1053 = arith.constant 0 : i32
    %dma_wait3A_1054 = arith.constant 0 : i32
    %dma_wait3A_1055 = tpu.memref_slice %arg3[%dma_wait3A_1053, %dma_wait3A_1054] : memref<10000x768xf32, #tpu.memory_space<hbm>> -> memref<10000x768xf32, #tpu.memory_space<hbm>>
    tpu.wait_indirect_dma semaphore(%arg8 : memref<!tpu.dma_semaphore, #tpu.memory_space<semaphore_mem>>) src(%dma_wait3A_1055 : memref<10000x768xf32, #tpu.memory_space<hbm>>) dst(%dma_wait3A_1050 : memref<32x768xf32, #tpu.memory_space<vmem>>)
    %add3A_1056 = arith.constant 4096 : i32
    %add3A_1057 = arith.addi %add3A_1056, %mul3A_2 : i32
    %add3A_1058 = arith.constant 64 : i32
    %add3A_1059 = arith.addi %add3A_1057, %add3A_1058 : i32
    %dma_start3A_1060 = arith.constant 1 : i32
    %dma_start3A_1061 = arith.constant 0 : i32
    %dma_start3A_1062 = arith.constant 0 : i32
    %dma_start3A_1063 = tpu.memref_slice %arg7[%dma_start3A_1060, %dma_start3A_1061, %dma_start3A_1062] : memref<5x32x768xf32, #tpu.memory_space<vmem>> -> memref<1x32x768xf32, #tpu.memory_space<vmem>>
    %dma_start3A_1064 = tpu.memref_squeeze %dma_start3A_1063 : memref<1x32x768xf32, #tpu.memory_space<vmem>> -> memref<32x768xf32, #tpu.memory_space<vmem>>
    %dma_start3A_1065 = arith.constant 0 : i32
    %dma_start3A_1066 = tpu.memref_slice %arg4[%add3A_1059, %dma_start3A_1065] : memref<40960x768xf32, #tpu.memory_space<hbm>> -> memref<32x768xf32, #tpu.memory_space<hbm>>
    %dma_start3A_1067 = arith.constant 0 : i32
    %dma_start3A_1068 = tpu.memref_slice %arg4[%add3A_1059, %dma_start3A_1067] : memref<40960x768xf32, #tpu.memory_space<hbm>> -> memref<32x768xf32, #tpu.memory_space<hbm>>
    %dma_start3A_1069 = arith.constant 0 : i32
    %dma_start3A_1070 = arith.constant 0 : i32
    %dma_start3A_1071 = tpu.memref_slice %arg7[%dma_start3A_1060, %dma_start3A_1069, %dma_start3A_1070] : memref<5x32x768xf32, #tpu.memory_space<vmem>> -> memref<1x32x768xf32, #tpu.memory_space<vmem>>
    %dma_start3A_1072 = tpu.memref_squeeze %dma_start3A_1071 : memref<1x32x768xf32, #tpu.memory_space<vmem>> -> memref<32x768xf32, #tpu.memory_space<vmem>>
    tpu.enqueue_dma source(%dma_start3A_1072 : memref<32x768xf32, #tpu.memory_space<vmem>>) target(%dma_start3A_1068 : memref<32x768xf32, #tpu.memory_space<hbm>>) target_semaphore(%arg9 : memref<!tpu.dma_semaphore, #tpu.memory_space<semaphore_mem>>)
    %dma_wait3A_1073 = arith.constant 0 : i32
    %dma_wait3A_1074 = arith.constant 0 : i32
    %dma_wait3A_1075 = arith.constant 0 : i32
    %dma_wait3A_1076 = tpu.memref_slice %arg7[%dma_wait3A_1073, %dma_wait3A_1074, %dma_wait3A_1075] : memref<5x32x768xf32, #tpu.memory_space<vmem>> -> memref<1x32x768xf32, #tpu.memory_space<vmem>>
    %dma_wait3A_1077 = tpu.memref_squeeze %dma_wait3A_1076 : memref<1x32x768xf32, #tpu.memory_space<vmem>> -> memref<32x768xf32, #tpu.memory_space<vmem>>
    %dma_wait3A_1078 = arith.constant 0 : i32
    %dma_wait3A_1079 = tpu.memref_slice %arg4[%add3A_1009, %dma_wait3A_1078] : memref<40960x768xf32, #tpu.memory_space<hbm>> -> memref<32x768xf32, #tpu.memory_space<hbm>>
    %dma_wait3A_1080 = arith.constant 0 : i32
    %dma_wait3A_1081 = tpu.memref_slice %arg4[%add3A_1009, %dma_wait3A_1080] : memref<40960x768xf32, #tpu.memory_space<hbm>> -> memref<32x768xf32, #tpu.memory_space<hbm>>
    %dma_wait3A_1082 = arith.constant 0 : i32
    %dma_wait3A_1083 = arith.constant 0 : i32
    %dma_wait3A_1084 = tpu.memref_slice %arg7[%dma_wait3A_1073, %dma_wait3A_1082, %dma_wait3A_1083] : memref<5x32x768xf32, #tpu.memory_space<vmem>> -> memref<1x32x768xf32, #tpu.memory_space<vmem>>
    %dma_wait3A_1085 = tpu.memref_squeeze %dma_wait3A_1084 : memref<1x32x768xf32, #tpu.memory_space<vmem>> -> memref<32x768xf32, #tpu.memory_space<vmem>>
    tpu.wait_dma2 semaphore(%arg9 : memref<!tpu.dma_semaphore, #tpu.memory_space<semaphore_mem>>) src(%dma_wait3A_1085 : memref<32x768xf32, #tpu.memory_space<vmem>>) dst(%dma_wait3A_1081 : memref<32x768xf32, #tpu.memory_space<hbm>>)
    %dma_start3A_1086 = arith.constant 0 : i32
    %dma_start3A_1087 = arith.constant 0 : i32
    %dma_start3A_1088 = arith.constant 0 : i32
    %dma_start3A_1089 = tpu.memref_slice %arg7[%dma_start3A_1086, %dma_start3A_1087, %dma_start3A_1088] : memref<5x32x768xf32, #tpu.memory_space<vmem>> -> memref<1x32x768xf32, #tpu.memory_space<vmem>>
    %dma_start3A_1090 = tpu.memref_squeeze %dma_start3A_1089 : memref<1x32x768xf32, #tpu.memory_space<vmem>> -> memref<32x768xf32, #tpu.memory_space<vmem>>
    %dma_start3A_1091 = arith.constant 320 : i32
    %dma_start3A_1092 = tpu.memref_slice %arg6[%dma_start3A_1091] : memref<1280xi32, #tpu.memory_space<vmem>> -> memref<32xi32, #tpu.memory_space<vmem>>
    %dma_start3A_1093 = arith.constant 0 : i32
    %dma_start3A_1094 = arith.constant 0 : i32
    %dma_start3A_1095 = tpu.memref_slice %arg3[%dma_start3A_1093, %dma_start3A_1094] : memref<10000x768xf32, #tpu.memory_space<hbm>> -> memref<10000x768xf32, #tpu.memory_space<hbm>>
    tpu.enqueue_indirect_dma source(%dma_start3A_1095 : memref<10000x768xf32, #tpu.memory_space<hbm>>) target(%dma_start3A_1090 : memref<32x768xf32, #tpu.memory_space<vmem>>) offsets(%dma_start3A_1092 : memref<32xi32, #tpu.memory_space<vmem>>) semaphore(%arg8 : memref<!tpu.dma_semaphore, #tpu.memory_space<semaphore_mem>>)
    %dma_wait3A_1096 = arith.constant 2 : i32
    %dma_wait3A_1097 = arith.constant 0 : i32
    %dma_wait3A_1098 = arith.constant 0 : i32
    %dma_wait3A_1099 = tpu.memref_slice %arg7[%dma_wait3A_1096, %dma_wait3A_1097, %dma_wait3A_1098] : memref<5x32x768xf32, #tpu.memory_space<vmem>> -> memref<1x32x768xf32, #tpu.memory_space<vmem>>
    %dma_wait3A_1100 = tpu.memref_squeeze %dma_wait3A_1099 : memref<1x32x768xf32, #tpu.memory_space<vmem>> -> memref<32x768xf32, #tpu.memory_space<vmem>>
    %dma_wait3A_1101 = arith.constant 224 : i32
    %dma_wait3A_1102 = tpu.memref_slice %arg6[%dma_wait3A_1101] : memref<1280xi32, #tpu.memory_space<vmem>> -> memref<32xi32, #tpu.memory_space<vmem>>
    %dma_wait3A_1103 = arith.constant 0 : i32
    %dma_wait3A_1104 = arith.constant 0 : i32
    %dma_wait3A_1105 = tpu.memref_slice %arg3[%dma_wait3A_1103, %dma_wait3A_1104] : memref<10000x768xf32, #tpu.memory_space<hbm>> -> memref<10000x768xf32, #tpu.memory_space<hbm>>
    tpu.wait_indirect_dma semaphore(%arg8 : memref<!tpu.dma_semaphore, #tpu.memory_space<semaphore_mem>>) src(%dma_wait3A_1105 : memref<10000x768xf32, #tpu.memory_space<hbm>>) dst(%dma_wait3A_1100 : memref<32x768xf32, #tpu.memory_space<vmem>>)
    %add3A_1106 = arith.constant 4096 : i32
    %add3A_1107 = arith.addi %add3A_1106, %mul3A_2 : i32
    %add3A_1108 = arith.constant 96 : i32
    %add3A_1109 = arith.addi %add3A_1107, %add3A_1108 : i32
    %dma_start3A_1110 = arith.constant 2 : i32
    %dma_start3A_1111 = arith.constant 0 : i32
    %dma_start3A_1112 = arith.constant 0 : i32
    %dma_start3A_1113 = tpu.memref_slice %arg7[%dma_start3A_1110, %dma_start3A_1111, %dma_start3A_1112] : memref<5x32x768xf32, #tpu.memory_space<vmem>> -> memref<1x32x768xf32, #tpu.memory_space<vmem>>
    %dma_start3A_1114 = tpu.memref_squeeze %dma_start3A_1113 : memref<1x32x768xf32, #tpu.memory_space<vmem>> -> memref<32x768xf32, #tpu.memory_space<vmem>>
    %dma_start3A_1115 = arith.constant 0 : i32
    %dma_start3A_1116 = tpu.memref_slice %arg4[%add3A_1109, %dma_start3A_1115] : memref<40960x768xf32, #tpu.memory_space<hbm>> -> memref<32x768xf32, #tpu.memory_space<hbm>>
    %dma_start3A_1117 = arith.constant 0 : i32
    %dma_start3A_1118 = tpu.memref_slice %arg4[%add3A_1109, %dma_start3A_1117] : memref<40960x768xf32, #tpu.memory_space<hbm>> -> memref<32x768xf32, #tpu.memory_space<hbm>>
    %dma_start3A_1119 = arith.constant 0 : i32
    %dma_start3A_1120 = arith.constant 0 : i32
    %dma_start3A_1121 = tpu.memref_slice %arg7[%dma_start3A_1110, %dma_start3A_1119, %dma_start3A_1120] : memref<5x32x768xf32, #tpu.memory_space<vmem>> -> memref<1x32x768xf32, #tpu.memory_space<vmem>>
    %dma_start3A_1122 = tpu.memref_squeeze %dma_start3A_1121 : memref<1x32x768xf32, #tpu.memory_space<vmem>> -> memref<32x768xf32, #tpu.memory_space<vmem>>
    tpu.enqueue_dma source(%dma_start3A_1122 : memref<32x768xf32, #tpu.memory_space<vmem>>) target(%dma_start3A_1118 : memref<32x768xf32, #tpu.memory_space<hbm>>) target_semaphore(%arg9 : memref<!tpu.dma_semaphore, #tpu.memory_space<semaphore_mem>>)
    %dma_wait3A_1123 = arith.constant 1 : i32
    %dma_wait3A_1124 = arith.constant 0 : i32
    %dma_wait3A_1125 = arith.constant 0 : i32
    %dma_wait3A_1126 = tpu.memref_slice %arg7[%dma_wait3A_1123, %dma_wait3A_1124, %dma_wait3A_1125] : memref<5x32x768xf32, #tpu.memory_space<vmem>> -> memref<1x32x768xf32, #tpu.memory_space<vmem>>
    %dma_wait3A_1127 = tpu.memref_squeeze %dma_wait3A_1126 : memref<1x32x768xf32, #tpu.memory_space<vmem>> -> memref<32x768xf32, #tpu.memory_space<vmem>>
    %dma_wait3A_1128 = arith.constant 0 : i32
    %dma_wait3A_1129 = tpu.memref_slice %arg4[%add3A_1059, %dma_wait3A_1128] : memref<40960x768xf32, #tpu.memory_space<hbm>> -> memref<32x768xf32, #tpu.memory_space<hbm>>
    %dma_wait3A_1130 = arith.constant 0 : i32
    %dma_wait3A_1131 = tpu.memref_slice %arg4[%add3A_1059, %dma_wait3A_1130] : memref<40960x768xf32, #tpu.memory_space<hbm>> -> memref<32x768xf32, #tpu.memory_space<hbm>>
    %dma_wait3A_1132 = arith.constant 0 : i32
    %dma_wait3A_1133 = arith.constant 0 : i32
    %dma_wait3A_1134 = tpu.memref_slice %arg7[%dma_wait3A_1123, %dma_wait3A_1132, %dma_wait3A_1133] : memref<5x32x768xf32, #tpu.memory_space<vmem>> -> memref<1x32x768xf32, #tpu.memory_space<vmem>>
    %dma_wait3A_1135 = tpu.memref_squeeze %dma_wait3A_1134 : memref<1x32x768xf32, #tpu.memory_space<vmem>> -> memref<32x768xf32, #tpu.memory_space<vmem>>
    tpu.wait_dma2 semaphore(%arg9 : memref<!tpu.dma_semaphore, #tpu.memory_space<semaphore_mem>>) src(%dma_wait3A_1135 : memref<32x768xf32, #tpu.memory_space<vmem>>) dst(%dma_wait3A_1131 : memref<32x768xf32, #tpu.memory_space<hbm>>)
    %dma_start3A_1136 = arith.constant 1 : i32
    %dma_start3A_1137 = arith.constant 0 : i32
    %dma_start3A_1138 = arith.constant 0 : i32
    %dma_start3A_1139 = tpu.memref_slice %arg7[%dma_start3A_1136, %dma_start3A_1137, %dma_start3A_1138] : memref<5x32x768xf32, #tpu.memory_space<vmem>> -> memref<1x32x768xf32, #tpu.memory_space<vmem>>
    %dma_start3A_1140 = tpu.memref_squeeze %dma_start3A_1139 : memref<1x32x768xf32, #tpu.memory_space<vmem>> -> memref<32x768xf32, #tpu.memory_space<vmem>>
    %dma_start3A_1141 = arith.constant 352 : i32
    %dma_start3A_1142 = tpu.memref_slice %arg6[%dma_start3A_1141] : memref<1280xi32, #tpu.memory_space<vmem>> -> memref<32xi32, #tpu.memory_space<vmem>>
    %dma_start3A_1143 = arith.constant 0 : i32
    %dma_start3A_1144 = arith.constant 0 : i32
    %dma_start3A_1145 = tpu.memref_slice %arg3[%dma_start3A_1143, %dma_start3A_1144] : memref<10000x768xf32, #tpu.memory_space<hbm>> -> memref<10000x768xf32, #tpu.memory_space<hbm>>
    tpu.enqueue_indirect_dma source(%dma_start3A_1145 : memref<10000x768xf32, #tpu.memory_space<hbm>>) target(%dma_start3A_1140 : memref<32x768xf32, #tpu.memory_space<vmem>>) offsets(%dma_start3A_1142 : memref<32xi32, #tpu.memory_space<vmem>>) semaphore(%arg8 : memref<!tpu.dma_semaphore, #tpu.memory_space<semaphore_mem>>)
    %dma_wait3A_1146 = arith.constant 3 : i32
    %dma_wait3A_1147 = arith.constant 0 : i32
    %dma_wait3A_1148 = arith.constant 0 : i32
    %dma_wait3A_1149 = tpu.memref_slice %arg7[%dma_wait3A_1146, %dma_wait3A_1147, %dma_wait3A_1148] : memref<5x32x768xf32, #tpu.memory_space<vmem>> -> memref<1x32x768xf32, #tpu.memory_space<vmem>>
    %dma_wait3A_1150 = tpu.memref_squeeze %dma_wait3A_1149 : memref<1x32x768xf32, #tpu.memory_space<vmem>> -> memref<32x768xf32, #tpu.memory_space<vmem>>
    %dma_wait3A_1151 = arith.constant 256 : i32
    %dma_wait3A_1152 = tpu.memref_slice %arg6[%dma_wait3A_1151] : memref<1280xi32, #tpu.memory_space<vmem>> -> memref<32xi32, #tpu.memory_space<vmem>>
    %dma_wait3A_1153 = arith.constant 0 : i32
    %dma_wait3A_1154 = arith.constant 0 : i32
    %dma_wait3A_1155 = tpu.memref_slice %arg3[%dma_wait3A_1153, %dma_wait3A_1154] : memref<10000x768xf32, #tpu.memory_space<hbm>> -> memref<10000x768xf32, #tpu.memory_space<hbm>>
    tpu.wait_indirect_dma semaphore(%arg8 : memref<!tpu.dma_semaphore, #tpu.memory_space<semaphore_mem>>) src(%dma_wait3A_1155 : memref<10000x768xf32, #tpu.memory_space<hbm>>) dst(%dma_wait3A_1150 : memref<32x768xf32, #tpu.memory_space<vmem>>)
    %add3A_1156 = arith.constant 8192 : i32
    %add3A_1157 = arith.addi %add3A_1156, %mul3A_2 : i32
    %add3A_1158 = arith.constant 0 : i32
    %add3A_1159 = arith.addi %add3A_1157, %add3A_1158 : i32
    %dma_start3A_1160 = arith.constant 3 : i32
    %dma_start3A_1161 = arith.constant 0 : i32
    %dma_start3A_1162 = arith.constant 0 : i32
    %dma_start3A_1163 = tpu.memref_slice %arg7[%dma_start3A_1160, %dma_start3A_1161, %dma_start3A_1162] : memref<5x32x768xf32, #tpu.memory_space<vmem>> -> memref<1x32x768xf32, #tpu.memory_space<vmem>>
    %dma_start3A_1164 = tpu.memref_squeeze %dma_start3A_1163 : memref<1x32x768xf32, #tpu.memory_space<vmem>> -> memref<32x768xf32, #tpu.memory_space<vmem>>
    %dma_start3A_1165 = arith.constant 0 : i32
    %dma_start3A_1166 = tpu.memref_slice %arg4[%add3A_1159, %dma_start3A_1165] : memref<40960x768xf32, #tpu.memory_space<hbm>> -> memref<32x768xf32, #tpu.memory_space<hbm>>
    %dma_start3A_1167 = arith.constant 0 : i32
    %dma_start3A_1168 = tpu.memref_slice %arg4[%add3A_1159, %dma_start3A_1167] : memref<40960x768xf32, #tpu.memory_space<hbm>> -> memref<32x768xf32, #tpu.memory_space<hbm>>
    %dma_start3A_1169 = arith.constant 0 : i32
    %dma_start3A_1170 = arith.constant 0 : i32
    %dma_start3A_1171 = tpu.memref_slice %arg7[%dma_start3A_1160, %dma_start3A_1169, %dma_start3A_1170] : memref<5x32x768xf32, #tpu.memory_space<vmem>> -> memref<1x32x768xf32, #tpu.memory_space<vmem>>
    %dma_start3A_1172 = tpu.memref_squeeze %dma_start3A_1171 : memref<1x32x768xf32, #tpu.memory_space<vmem>> -> memref<32x768xf32, #tpu.memory_space<vmem>>
    tpu.enqueue_dma source(%dma_start3A_1172 : memref<32x768xf32, #tpu.memory_space<vmem>>) target(%dma_start3A_1168 : memref<32x768xf32, #tpu.memory_space<hbm>>) target_semaphore(%arg9 : memref<!tpu.dma_semaphore, #tpu.memory_space<semaphore_mem>>)
    %dma_wait3A_1173 = arith.constant 2 : i32
    %dma_wait3A_1174 = arith.constant 0 : i32
    %dma_wait3A_1175 = arith.constant 0 : i32
    %dma_wait3A_1176 = tpu.memref_slice %arg7[%dma_wait3A_1173, %dma_wait3A_1174, %dma_wait3A_1175] : memref<5x32x768xf32, #tpu.memory_space<vmem>> -> memref<1x32x768xf32, #tpu.memory_space<vmem>>
    %dma_wait3A_1177 = tpu.memref_squeeze %dma_wait3A_1176 : memref<1x32x768xf32, #tpu.memory_space<vmem>> -> memref<32x768xf32, #tpu.memory_space<vmem>>
    %dma_wait3A_1178 = arith.constant 0 : i32
    %dma_wait3A_1179 = tpu.memref_slice %arg4[%add3A_1109, %dma_wait3A_1178] : memref<40960x768xf32, #tpu.memory_space<hbm>> -> memref<32x768xf32, #tpu.memory_space<hbm>>
    %dma_wait3A_1180 = arith.constant 0 : i32
    %dma_wait3A_1181 = tpu.memref_slice %arg4[%add3A_1109, %dma_wait3A_1180] : memref<40960x768xf32, #tpu.memory_space<hbm>> -> memref<32x768xf32, #tpu.memory_space<hbm>>
    %dma_wait3A_1182 = arith.constant 0 : i32
    %dma_wait3A_1183 = arith.constant 0 : i32
    %dma_wait3A_1184 = tpu.memref_slice %arg7[%dma_wait3A_1173, %dma_wait3A_1182, %dma_wait3A_1183] : memref<5x32x768xf32, #tpu.memory_space<vmem>> -> memref<1x32x768xf32, #tpu.memory_space<vmem>>
    %dma_wait3A_1185 = tpu.memref_squeeze %dma_wait3A_1184 : memref<1x32x768xf32, #tpu.memory_space<vmem>> -> memref<32x768xf32, #tpu.memory_space<vmem>>
    tpu.wait_dma2 semaphore(%arg9 : memref<!tpu.dma_semaphore, #tpu.memory_space<semaphore_mem>>) src(%dma_wait3A_1185 : memref<32x768xf32, #tpu.memory_space<vmem>>) dst(%dma_wait3A_1181 : memref<32x768xf32, #tpu.memory_space<hbm>>)
    %dma_start3A_1186 = arith.constant 2 : i32
    %dma_start3A_1187 = arith.constant 0 : i32
    %dma_start3A_1188 = arith.constant 0 : i32
    %dma_start3A_1189 = tpu.memref_slice %arg7[%dma_start3A_1186, %dma_start3A_1187, %dma_start3A_1188] : memref<5x32x768xf32, #tpu.memory_space<vmem>> -> memref<1x32x768xf32, #tpu.memory_space<vmem>>
    %dma_start3A_1190 = tpu.memref_squeeze %dma_start3A_1189 : memref<1x32x768xf32, #tpu.memory_space<vmem>> -> memref<32x768xf32, #tpu.memory_space<vmem>>
    %dma_start3A_1191 = arith.constant 384 : i32
    %dma_start3A_1192 = tpu.memref_slice %arg6[%dma_start3A_1191] : memref<1280xi32, #tpu.memory_space<vmem>> -> memref<32xi32, #tpu.memory_space<vmem>>
    %dma_start3A_1193 = arith.constant 0 : i32
    %dma_start3A_1194 = arith.constant 0 : i32
    %dma_start3A_1195 = tpu.memref_slice %arg3[%dma_start3A_1193, %dma_start3A_1194] : memref<10000x768xf32, #tpu.memory_space<hbm>> -> memref<10000x768xf32, #tpu.memory_space<hbm>>
    tpu.enqueue_indirect_dma source(%dma_start3A_1195 : memref<10000x768xf32, #tpu.memory_space<hbm>>) target(%dma_start3A_1190 : memref<32x768xf32, #tpu.memory_space<vmem>>) offsets(%dma_start3A_1192 : memref<32xi32, #tpu.memory_space<vmem>>) semaphore(%arg8 : memref<!tpu.dma_semaphore, #tpu.memory_space<semaphore_mem>>)
    %dma_wait3A_1196 = arith.constant 4 : i32
    %dma_wait3A_1197 = arith.constant 0 : i32
    %dma_wait3A_1198 = arith.constant 0 : i32
    %dma_wait3A_1199 = tpu.memref_slice %arg7[%dma_wait3A_1196, %dma_wait3A_1197, %dma_wait3A_1198] : memref<5x32x768xf32, #tpu.memory_space<vmem>> -> memref<1x32x768xf32, #tpu.memory_space<vmem>>
    %dma_wait3A_1200 = tpu.memref_squeeze %dma_wait3A_1199 : memref<1x32x768xf32, #tpu.memory_space<vmem>> -> memref<32x768xf32, #tpu.memory_space<vmem>>
    %dma_wait3A_1201 = arith.constant 288 : i32
    %dma_wait3A_1202 = tpu.memref_slice %arg6[%dma_wait3A_1201] : memref<1280xi32, #tpu.memory_space<vmem>> -> memref<32xi32, #tpu.memory_space<vmem>>
    %dma_wait3A_1203 = arith.constant 0 : i32
    %dma_wait3A_1204 = arith.constant 0 : i32
    %dma_wait3A_1205 = tpu.memref_slice %arg3[%dma_wait3A_1203, %dma_wait3A_1204] : memref<10000x768xf32, #tpu.memory_space<hbm>> -> memref<10000x768xf32, #tpu.memory_space<hbm>>
    tpu.wait_indirect_dma semaphore(%arg8 : memref<!tpu.dma_semaphore, #tpu.memory_space<semaphore_mem>>) src(%dma_wait3A_1205 : memref<10000x768xf32, #tpu.memory_space<hbm>>) dst(%dma_wait3A_1200 : memref<32x768xf32, #tpu.memory_space<vmem>>)
    %add3A_1206 = arith.constant 8192 : i32
    %add3A_1207 = arith.addi %add3A_1206, %mul3A_2 : i32
    %add3A_1208 = arith.constant 32 : i32
    %add3A_1209 = arith.addi %add3A_1207, %add3A_1208 : i32
    %dma_start3A_1210 = arith.constant 4 : i32
    %dma_start3A_1211 = arith.constant 0 : i32
    %dma_start3A_1212 = arith.constant 0 : i32
    %dma_start3A_1213 = tpu.memref_slice %arg7[%dma_start3A_1210, %dma_start3A_1211, %dma_start3A_1212] : memref<5x32x768xf32, #tpu.memory_space<vmem>> -> memref<1x32x768xf32, #tpu.memory_space<vmem>>
    %dma_start3A_1214 = tpu.memref_squeeze %dma_start3A_1213 : memref<1x32x768xf32, #tpu.memory_space<vmem>> -> memref<32x768xf32, #tpu.memory_space<vmem>>
    %dma_start3A_1215 = arith.constant 0 : i32
    %dma_start3A_1216 = tpu.memref_slice %arg4[%add3A_1209, %dma_start3A_1215] : memref<40960x768xf32, #tpu.memory_space<hbm>> -> memref<32x768xf32, #tpu.memory_space<hbm>>
    %dma_start3A_1217 = arith.constant 0 : i32
    %dma_start3A_1218 = tpu.memref_slice %arg4[%add3A_1209, %dma_start3A_1217] : memref<40960x768xf32, #tpu.memory_space<hbm>> -> memref<32x768xf32, #tpu.memory_space<hbm>>
    %dma_start3A_1219 = arith.constant 0 : i32
    %dma_start3A_1220 = arith.constant 0 : i32
    %dma_start3A_1221 = tpu.memref_slice %arg7[%dma_start3A_1210, %dma_start3A_1219, %dma_start3A_1220] : memref<5x32x768xf32, #tpu.memory_space<vmem>> -> memref<1x32x768xf32, #tpu.memory_space<vmem>>
    %dma_start3A_1222 = tpu.memref_squeeze %dma_start3A_1221 : memref<1x32x768xf32, #tpu.memory_space<vmem>> -> memref<32x768xf32, #tpu.memory_space<vmem>>
    tpu.enqueue_dma source(%dma_start3A_1222 : memref<32x768xf32, #tpu.memory_space<vmem>>) target(%dma_start3A_1218 : memref<32x768xf32, #tpu.memory_space<hbm>>) target_semaphore(%arg9 : memref<!tpu.dma_semaphore, #tpu.memory_space<semaphore_mem>>)
    %dma_wait3A_1223 = arith.constant 3 : i32
    %dma_wait3A_1224 = arith.constant 0 : i32
    %dma_wait3A_1225 = arith.constant 0 : i32
    %dma_wait3A_1226 = tpu.memref_slice %arg7[%dma_wait3A_1223, %dma_wait3A_1224, %dma_wait3A_1225] : memref<5x32x768xf32, #tpu.memory_space<vmem>> -> memref<1x32x768xf32, #tpu.memory_space<vmem>>
    %dma_wait3A_1227 = tpu.memref_squeeze %dma_wait3A_1226 : memref<1x32x768xf32, #tpu.memory_space<vmem>> -> memref<32x768xf32, #tpu.memory_space<vmem>>
    %dma_wait3A_1228 = arith.constant 0 : i32
    %dma_wait3A_1229 = tpu.memref_slice %arg4[%add3A_1159, %dma_wait3A_1228] : memref<40960x768xf32, #tpu.memory_space<hbm>> -> memref<32x768xf32, #tpu.memory_space<hbm>>
    %dma_wait3A_1230 = arith.constant 0 : i32
    %dma_wait3A_1231 = tpu.memref_slice %arg4[%add3A_1159, %dma_wait3A_1230] : memref<40960x768xf32, #tpu.memory_space<hbm>> -> memref<32x768xf32, #tpu.memory_space<hbm>>
    %dma_wait3A_1232 = arith.constant 0 : i32
    %dma_wait3A_1233 = arith.constant 0 : i32
    %dma_wait3A_1234 = tpu.memref_slice %arg7[%dma_wait3A_1223, %dma_wait3A_1232, %dma_wait3A_1233] : memref<5x32x768xf32, #tpu.memory_space<vmem>> -> memref<1x32x768xf32, #tpu.memory_space<vmem>>
    %dma_wait3A_1235 = tpu.memref_squeeze %dma_wait3A_1234 : memref<1x32x768xf32, #tpu.memory_space<vmem>> -> memref<32x768xf32, #tpu.memory_space<vmem>>
    tpu.wait_dma2 semaphore(%arg9 : memref<!tpu.dma_semaphore, #tpu.memory_space<semaphore_mem>>) src(%dma_wait3A_1235 : memref<32x768xf32, #tpu.memory_space<vmem>>) dst(%dma_wait3A_1231 : memref<32x768xf32, #tpu.memory_space<hbm>>)
    %dma_start3A_1236 = arith.constant 3 : i32
    %dma_start3A_1237 = arith.constant 0 : i32
    %dma_start3A_1238 = arith.constant 0 : i32
    %dma_start3A_1239 = tpu.memref_slice %arg7[%dma_start3A_1236, %dma_start3A_1237, %dma_start3A_1238] : memref<5x32x768xf32, #tpu.memory_space<vmem>> -> memref<1x32x768xf32, #tpu.memory_space<vmem>>
    %dma_start3A_1240 = tpu.memref_squeeze %dma_start3A_1239 : memref<1x32x768xf32, #tpu.memory_space<vmem>> -> memref<32x768xf32, #tpu.memory_space<vmem>>
    %dma_start3A_1241 = arith.constant 416 : i32
    %dma_start3A_1242 = tpu.memref_slice %arg6[%dma_start3A_1241] : memref<1280xi32, #tpu.memory_space<vmem>> -> memref<32xi32, #tpu.memory_space<vmem>>
    %dma_start3A_1243 = arith.constant 0 : i32
    %dma_start3A_1244 = arith.constant 0 : i32
    %dma_start3A_1245 = tpu.memref_slice %arg3[%dma_start3A_1243, %dma_start3A_1244] : memref<10000x768xf32, #tpu.memory_space<hbm>> -> memref<10000x768xf32, #tpu.memory_space<hbm>>
    tpu.enqueue_indirect_dma source(%dma_start3A_1245 : memref<10000x768xf32, #tpu.memory_space<hbm>>) target(%dma_start3A_1240 : memref<32x768xf32, #tpu.memory_space<vmem>>) offsets(%dma_start3A_1242 : memref<32xi32, #tpu.memory_space<vmem>>) semaphore(%arg8 : memref<!tpu.dma_semaphore, #tpu.memory_space<semaphore_mem>>)
    %dma_wait3A_1246 = arith.constant 0 : i32
    %dma_wait3A_1247 = arith.constant 0 : i32
    %dma_wait3A_1248 = arith.constant 0 : i32
    %dma_wait3A_1249 = tpu.memref_slice %arg7[%dma_wait3A_1246, %dma_wait3A_1247, %dma_wait3A_1248] : memref<5x32x768xf32, #tpu.memory_space<vmem>> -> memref<1x32x768xf32, #tpu.memory_space<vmem>>
    %dma_wait3A_1250 = tpu.memref_squeeze %dma_wait3A_1249 : memref<1x32x768xf32, #tpu.memory_space<vmem>> -> memref<32x768xf32, #tpu.memory_space<vmem>>
    %dma_wait3A_1251 = arith.constant 320 : i32
    %dma_wait3A_1252 = tpu.memref_slice %arg6[%dma_wait3A_1251] : memref<1280xi32, #tpu.memory_space<vmem>> -> memref<32xi32, #tpu.memory_space<vmem>>
    %dma_wait3A_1253 = arith.constant 0 : i32
    %dma_wait3A_1254 = arith.constant 0 : i32
    %dma_wait3A_1255 = tpu.memref_slice %arg3[%dma_wait3A_1253, %dma_wait3A_1254] : memref<10000x768xf32, #tpu.memory_space<hbm>> -> memref<10000x768xf32, #tpu.memory_space<hbm>>
    tpu.wait_indirect_dma semaphore(%arg8 : memref<!tpu.dma_semaphore, #tpu.memory_space<semaphore_mem>>) src(%dma_wait3A_1255 : memref<10000x768xf32, #tpu.memory_space<hbm>>) dst(%dma_wait3A_1250 : memref<32x768xf32, #tpu.memory_space<vmem>>)
    %add3A_1256 = arith.constant 8192 : i32
    %add3A_1257 = arith.addi %add3A_1256, %mul3A_2 : i32
    %add3A_1258 = arith.constant 64 : i32
    %add3A_1259 = arith.addi %add3A_1257, %add3A_1258 : i32
    %dma_start3A_1260 = arith.constant 0 : i32
    %dma_start3A_1261 = arith.constant 0 : i32
    %dma_start3A_1262 = arith.constant 0 : i32
    %dma_start3A_1263 = tpu.memref_slice %arg7[%dma_start3A_1260, %dma_start3A_1261, %dma_start3A_1262] : memref<5x32x768xf32, #tpu.memory_space<vmem>> -> memref<1x32x768xf32, #tpu.memory_space<vmem>>
    %dma_start3A_1264 = tpu.memref_squeeze %dma_start3A_1263 : memref<1x32x768xf32, #tpu.memory_space<vmem>> -> memref<32x768xf32, #tpu.memory_space<vmem>>
    %dma_start3A_1265 = arith.constant 0 : i32
    %dma_start3A_1266 = tpu.memref_slice %arg4[%add3A_1259, %dma_start3A_1265] : memref<40960x768xf32, #tpu.memory_space<hbm>> -> memref<32x768xf32, #tpu.memory_space<hbm>>
    %dma_start3A_1267 = arith.constant 0 : i32
    %dma_start3A_1268 = tpu.memref_slice %arg4[%add3A_1259, %dma_start3A_1267] : memref<40960x768xf32, #tpu.memory_space<hbm>> -> memref<32x768xf32, #tpu.memory_space<hbm>>
    %dma_start3A_1269 = arith.constant 0 : i32
    %dma_start3A_1270 = arith.constant 0 : i32
    %dma_start3A_1271 = tpu.memref_slice %arg7[%dma_start3A_1260, %dma_start3A_1269, %dma_start3A_1270] : memref<5x32x768xf32, #tpu.memory_space<vmem>> -> memref<1x32x768xf32, #tpu.memory_space<vmem>>
    %dma_start3A_1272 = tpu.memref_squeeze %dma_start3A_1271 : memref<1x32x768xf32, #tpu.memory_space<vmem>> -> memref<32x768xf32, #tpu.memory_space<vmem>>
    tpu.enqueue_dma source(%dma_start3A_1272 : memref<32x768xf32, #tpu.memory_space<vmem>>) target(%dma_start3A_1268 : memref<32x768xf32, #tpu.memory_space<hbm>>) target_semaphore(%arg9 : memref<!tpu.dma_semaphore, #tpu.memory_space<semaphore_mem>>)
    %dma_wait3A_1273 = arith.constant 4 : i32
    %dma_wait3A_1274 = arith.constant 0 : i32
    %dma_wait3A_1275 = arith.constant 0 : i32
    %dma_wait3A_1276 = tpu.memref_slice %arg7[%dma_wait3A_1273, %dma_wait3A_1274, %dma_wait3A_1275] : memref<5x32x768xf32, #tpu.memory_space<vmem>> -> memref<1x32x768xf32, #tpu.memory_space<vmem>>
    %dma_wait3A_1277 = tpu.memref_squeeze %dma_wait3A_1276 : memref<1x32x768xf32, #tpu.memory_space<vmem>> -> memref<32x768xf32, #tpu.memory_space<vmem>>
    %dma_wait3A_1278 = arith.constant 0 : i32
    %dma_wait3A_1279 = tpu.memref_slice %arg4[%add3A_1209, %dma_wait3A_1278] : memref<40960x768xf32, #tpu.memory_space<hbm>> -> memref<32x768xf32, #tpu.memory_space<hbm>>
    %dma_wait3A_1280 = arith.constant 0 : i32
    %dma_wait3A_1281 = tpu.memref_slice %arg4[%add3A_1209, %dma_wait3A_1280] : memref<40960x768xf32, #tpu.memory_space<hbm>> -> memref<32x768xf32, #tpu.memory_space<hbm>>
    %dma_wait3A_1282 = arith.constant 0 : i32
    %dma_wait3A_1283 = arith.constant 0 : i32
    %dma_wait3A_1284 = tpu.memref_slice %arg7[%dma_wait3A_1273, %dma_wait3A_1282, %dma_wait3A_1283] : memref<5x32x768xf32, #tpu.memory_space<vmem>> -> memref<1x32x768xf32, #tpu.memory_space<vmem>>
    %dma_wait3A_1285 = tpu.memref_squeeze %dma_wait3A_1284 : memref<1x32x768xf32, #tpu.memory_space<vmem>> -> memref<32x768xf32, #tpu.memory_space<vmem>>
    tpu.wait_dma2 semaphore(%arg9 : memref<!tpu.dma_semaphore, #tpu.memory_space<semaphore_mem>>) src(%dma_wait3A_1285 : memref<32x768xf32, #tpu.memory_space<vmem>>) dst(%dma_wait3A_1281 : memref<32x768xf32, #tpu.memory_space<hbm>>)
    %dma_start3A_1286 = arith.constant 4 : i32
    %dma_start3A_1287 = arith.constant 0 : i32
    %dma_start3A_1288 = arith.constant 0 : i32
    %dma_start3A_1289 = tpu.memref_slice %arg7[%dma_start3A_1286, %dma_start3A_1287, %dma_start3A_1288] : memref<5x32x768xf32, #tpu.memory_space<vmem>> -> memref<1x32x768xf32, #tpu.memory_space<vmem>>
    %dma_start3A_1290 = tpu.memref_squeeze %dma_start3A_1289 : memref<1x32x768xf32, #tpu.memory_space<vmem>> -> memref<32x768xf32, #tpu.memory_space<vmem>>
    %dma_start3A_1291 = arith.constant 448 : i32
    %dma_start3A_1292 = tpu.memref_slice %arg6[%dma_start3A_1291] : memref<1280xi32, #tpu.memory_space<vmem>> -> memref<32xi32, #tpu.memory_space<vmem>>
    %dma_start3A_1293 = arith.constant 0 : i32
    %dma_start3A_1294 = arith.constant 0 : i32
    %dma_start3A_1295 = tpu.memref_slice %arg3[%dma_start3A_1293, %dma_start3A_1294] : memref<10000x768xf32, #tpu.memory_space<hbm>> -> memref<10000x768xf32, #tpu.memory_space<hbm>>
    tpu.enqueue_indirect_dma source(%dma_start3A_1295 : memref<10000x768xf32, #tpu.memory_space<hbm>>) target(%dma_start3A_1290 : memref<32x768xf32, #tpu.memory_space<vmem>>) offsets(%dma_start3A_1292 : memref<32xi32, #tpu.memory_space<vmem>>) semaphore(%arg8 : memref<!tpu.dma_semaphore, #tpu.memory_space<semaphore_mem>>)
    %dma_wait3A_1296 = arith.constant 1 : i32
    %dma_wait3A_1297 = arith.constant 0 : i32
    %dma_wait3A_1298 = arith.constant 0 : i32
    %dma_wait3A_1299 = tpu.memref_slice %arg7[%dma_wait3A_1296, %dma_wait3A_1297, %dma_wait3A_1298] : memref<5x32x768xf32, #tpu.memory_space<vmem>> -> memref<1x32x768xf32, #tpu.memory_space<vmem>>
    %dma_wait3A_1300 = tpu.memref_squeeze %dma_wait3A_1299 : memref<1x32x768xf32, #tpu.memory_space<vmem>> -> memref<32x768xf32, #tpu.memory_space<vmem>>
    %dma_wait3A_1301 = arith.constant 352 : i32
    %dma_wait3A_1302 = tpu.memref_slice %arg6[%dma_wait3A_1301] : memref<1280xi32, #tpu.memory_space<vmem>> -> memref<32xi32, #tpu.memory_space<vmem>>
    %dma_wait3A_1303 = arith.constant 0 : i32
    %dma_wait3A_1304 = arith.constant 0 : i32
    %dma_wait3A_1305 = tpu.memref_slice %arg3[%dma_wait3A_1303, %dma_wait3A_1304] : memref<10000x768xf32, #tpu.memory_space<hbm>> -> memref<10000x768xf32, #tpu.memory_space<hbm>>
    tpu.wait_indirect_dma semaphore(%arg8 : memref<!tpu.dma_semaphore, #tpu.memory_space<semaphore_mem>>) src(%dma_wait3A_1305 : memref<10000x768xf32, #tpu.memory_space<hbm>>) dst(%dma_wait3A_1300 : memref<32x768xf32, #tpu.memory_space<vmem>>)
    %add3A_1306 = arith.constant 8192 : i32
    %add3A_1307 = arith.addi %add3A_1306, %mul3A_2 : i32
    %add3A_1308 = arith.constant 96 : i32
    %add3A_1309 = arith.addi %add3A_1307, %add3A_1308 : i32
    %dma_start3A_1310 = arith.constant 1 : i32
    %dma_start3A_1311 = arith.constant 0 : i32
    %dma_start3A_1312 = arith.constant 0 : i32
    %dma_start3A_1313 = tpu.memref_slice %arg7[%dma_start3A_1310, %dma_start3A_1311, %dma_start3A_1312] : memref<5x32x768xf32, #tpu.memory_space<vmem>> -> memref<1x32x768xf32, #tpu.memory_space<vmem>>
    %dma_start3A_1314 = tpu.memref_squeeze %dma_start3A_1313 : memref<1x32x768xf32, #tpu.memory_space<vmem>> -> memref<32x768xf32, #tpu.memory_space<vmem>>
    %dma_start3A_1315 = arith.constant 0 : i32
    %dma_start3A_1316 = tpu.memref_slice %arg4[%add3A_1309, %dma_start3A_1315] : memref<40960x768xf32, #tpu.memory_space<hbm>> -> memref<32x768xf32, #tpu.memory_space<hbm>>
    %dma_start3A_1317 = arith.constant 0 : i32
    %dma_start3A_1318 = tpu.memref_slice %arg4[%add3A_1309, %dma_start3A_1317] : memref<40960x768xf32, #tpu.memory_space<hbm>> -> memref<32x768xf32, #tpu.memory_space<hbm>>
    %dma_start3A_1319 = arith.constant 0 : i32
    %dma_start3A_1320 = arith.constant 0 : i32
    %dma_start3A_1321 = tpu.memref_slice %arg7[%dma_start3A_1310, %dma_start3A_1319, %dma_start3A_1320] : memref<5x32x768xf32, #tpu.memory_space<vmem>> -> memref<1x32x768xf32, #tpu.memory_space<vmem>>
    %dma_start3A_1322 = tpu.memref_squeeze %dma_start3A_1321 : memref<1x32x768xf32, #tpu.memory_space<vmem>> -> memref<32x768xf32, #tpu.memory_space<vmem>>
    tpu.enqueue_dma source(%dma_start3A_1322 : memref<32x768xf32, #tpu.memory_space<vmem>>) target(%dma_start3A_1318 : memref<32x768xf32, #tpu.memory_space<hbm>>) target_semaphore(%arg9 : memref<!tpu.dma_semaphore, #tpu.memory_space<semaphore_mem>>)
    %dma_wait3A_1323 = arith.constant 0 : i32
    %dma_wait3A_1324 = arith.constant 0 : i32
    %dma_wait3A_1325 = arith.constant 0 : i32
    %dma_wait3A_1326 = tpu.memref_slice %arg7[%dma_wait3A_1323, %dma_wait3A_1324, %dma_wait3A_1325] : memref<5x32x768xf32, #tpu.memory_space<vmem>> -> memref<1x32x768xf32, #tpu.memory_space<vmem>>
    %dma_wait3A_1327 = tpu.memref_squeeze %dma_wait3A_1326 : memref<1x32x768xf32, #tpu.memory_space<vmem>> -> memref<32x768xf32, #tpu.memory_space<vmem>>
    %dma_wait3A_1328 = arith.constant 0 : i32
    %dma_wait3A_1329 = tpu.memref_slice %arg4[%add3A_1259, %dma_wait3A_1328] : memref<40960x768xf32, #tpu.memory_space<hbm>> -> memref<32x768xf32, #tpu.memory_space<hbm>>
    %dma_wait3A_1330 = arith.constant 0 : i32
    %dma_wait3A_1331 = tpu.memref_slice %arg4[%add3A_1259, %dma_wait3A_1330] : memref<40960x768xf32, #tpu.memory_space<hbm>> -> memref<32x768xf32, #tpu.memory_space<hbm>>
    %dma_wait3A_1332 = arith.constant 0 : i32
    %dma_wait3A_1333 = arith.constant 0 : i32
    %dma_wait3A_1334 = tpu.memref_slice %arg7[%dma_wait3A_1323, %dma_wait3A_1332, %dma_wait3A_1333] : memref<5x32x768xf32, #tpu.memory_space<vmem>> -> memref<1x32x768xf32, #tpu.memory_space<vmem>>
    %dma_wait3A_1335 = tpu.memref_squeeze %dma_wait3A_1334 : memref<1x32x768xf32, #tpu.memory_space<vmem>> -> memref<32x768xf32, #tpu.memory_space<vmem>>
    tpu.wait_dma2 semaphore(%arg9 : memref<!tpu.dma_semaphore, #tpu.memory_space<semaphore_mem>>) src(%dma_wait3A_1335 : memref<32x768xf32, #tpu.memory_space<vmem>>) dst(%dma_wait3A_1331 : memref<32x768xf32, #tpu.memory_space<hbm>>)
    %dma_start3A_1336 = arith.constant 0 : i32
    %dma_start3A_1337 = arith.constant 0 : i32
    %dma_start3A_1338 = arith.constant 0 : i32
    %dma_start3A_1339 = tpu.memref_slice %arg7[%dma_start3A_1336, %dma_start3A_1337, %dma_start3A_1338] : memref<5x32x768xf32, #tpu.memory_space<vmem>> -> memref<1x32x768xf32, #tpu.memory_space<vmem>>
    %dma_start3A_1340 = tpu.memref_squeeze %dma_start3A_1339 : memref<1x32x768xf32, #tpu.memory_space<vmem>> -> memref<32x768xf32, #tpu.memory_space<vmem>>
    %dma_start3A_1341 = arith.constant 480 : i32
    %dma_start3A_1342 = tpu.memref_slice %arg6[%dma_start3A_1341] : memref<1280xi32, #tpu.memory_space<vmem>> -> memref<32xi32, #tpu.memory_space<vmem>>
    %dma_start3A_1343 = arith.constant 0 : i32
    %dma_start3A_1344 = arith.constant 0 : i32
    %dma_start3A_1345 = tpu.memref_slice %arg3[%dma_start3A_1343, %dma_start3A_1344] : memref<10000x768xf32, #tpu.memory_space<hbm>> -> memref<10000x768xf32, #tpu.memory_space<hbm>>
    tpu.enqueue_indirect_dma source(%dma_start3A_1345 : memref<10000x768xf32, #tpu.memory_space<hbm>>) target(%dma_start3A_1340 : memref<32x768xf32, #tpu.memory_space<vmem>>) offsets(%dma_start3A_1342 : memref<32xi32, #tpu.memory_space<vmem>>) semaphore(%arg8 : memref<!tpu.dma_semaphore, #tpu.memory_space<semaphore_mem>>)
    %dma_wait3A_1346 = arith.constant 2 : i32
    %dma_wait3A_1347 = arith.constant 0 : i32
    %dma_wait3A_1348 = arith.constant 0 : i32
    %dma_wait3A_1349 = tpu.memref_slice %arg7[%dma_wait3A_1346, %dma_wait3A_1347, %dma_wait3A_1348] : memref<5x32x768xf32, #tpu.memory_space<vmem>> -> memref<1x32x768xf32, #tpu.memory_space<vmem>>
    %dma_wait3A_1350 = tpu.memref_squeeze %dma_wait3A_1349 : memref<1x32x768xf32, #tpu.memory_space<vmem>> -> memref<32x768xf32, #tpu.memory_space<vmem>>
    %dma_wait3A_1351 = arith.constant 384 : i32
    %dma_wait3A_1352 = tpu.memref_slice %arg6[%dma_wait3A_1351] : memref<1280xi32, #tpu.memory_space<vmem>> -> memref<32xi32, #tpu.memory_space<vmem>>
    %dma_wait3A_1353 = arith.constant 0 : i32
    %dma_wait3A_1354 = arith.constant 0 : i32
    %dma_wait3A_1355 = tpu.memref_slice %arg3[%dma_wait3A_1353, %dma_wait3A_1354] : memref<10000x768xf32, #tpu.memory_space<hbm>> -> memref<10000x768xf32, #tpu.memory_space<hbm>>
    tpu.wait_indirect_dma semaphore(%arg8 : memref<!tpu.dma_semaphore, #tpu.memory_space<semaphore_mem>>) src(%dma_wait3A_1355 : memref<10000x768xf32, #tpu.memory_space<hbm>>) dst(%dma_wait3A_1350 : memref<32x768xf32, #tpu.memory_space<vmem>>)
    %add3A_1356 = arith.constant 12288 : i32
    %add3A_1357 = arith.addi %add3A_1356, %mul3A_2 : i32
    %add3A_1358 = arith.constant 0 : i32
    %add3A_1359 = arith.addi %add3A_1357, %add3A_1358 : i32
    %dma_start3A_1360 = arith.constant 2 : i32
    %dma_start3A_1361 = arith.constant 0 : i32
    %dma_start3A_1362 = arith.constant 0 : i32
    %dma_start3A_1363 = tpu.memref_slice %arg7[%dma_start3A_1360, %dma_start3A_1361, %dma_start3A_1362] : memref<5x32x768xf32, #tpu.memory_space<vmem>> -> memref<1x32x768xf32, #tpu.memory_space<vmem>>
    %dma_start3A_1364 = tpu.memref_squeeze %dma_start3A_1363 : memref<1x32x768xf32, #tpu.memory_space<vmem>> -> memref<32x768xf32, #tpu.memory_space<vmem>>
    %dma_start3A_1365 = arith.constant 0 : i32
    %dma_start3A_1366 = tpu.memref_slice %arg4[%add3A_1359, %dma_start3A_1365] : memref<40960x768xf32, #tpu.memory_space<hbm>> -> memref<32x768xf32, #tpu.memory_space<hbm>>
    %dma_start3A_1367 = arith.constant 0 : i32
    %dma_start3A_1368 = tpu.memref_slice %arg4[%add3A_1359, %dma_start3A_1367] : memref<40960x768xf32, #tpu.memory_space<hbm>> -> memref<32x768xf32, #tpu.memory_space<hbm>>
    %dma_start3A_1369 = arith.constant 0 : i32
    %dma_start3A_1370 = arith.constant 0 : i32
    %dma_start3A_1371 = tpu.memref_slice %arg7[%dma_start3A_1360, %dma_start3A_1369, %dma_start3A_1370] : memref<5x32x768xf32, #tpu.memory_space<vmem>> -> memref<1x32x768xf32, #tpu.memory_space<vmem>>
    %dma_start3A_1372 = tpu.memref_squeeze %dma_start3A_1371 : memref<1x32x768xf32, #tpu.memory_space<vmem>> -> memref<32x768xf32, #tpu.memory_space<vmem>>
    tpu.enqueue_dma source(%dma_start3A_1372 : memref<32x768xf32, #tpu.memory_space<vmem>>) target(%dma_start3A_1368 : memref<32x768xf32, #tpu.memory_space<hbm>>) target_semaphore(%arg9 : memref<!tpu.dma_semaphore, #tpu.memory_space<semaphore_mem>>)
    %dma_wait3A_1373 = arith.constant 1 : i32
    %dma_wait3A_1374 = arith.constant 0 : i32
    %dma_wait3A_1375 = arith.constant 0 : i32
    %dma_wait3A_1376 = tpu.memref_slice %arg7[%dma_wait3A_1373, %dma_wait3A_1374, %dma_wait3A_1375] : memref<5x32x768xf32, #tpu.memory_space<vmem>> -> memref<1x32x768xf32, #tpu.memory_space<vmem>>
    %dma_wait3A_1377 = tpu.memref_squeeze %dma_wait3A_1376 : memref<1x32x768xf32, #tpu.memory_space<vmem>> -> memref<32x768xf32, #tpu.memory_space<vmem>>
    %dma_wait3A_1378 = arith.constant 0 : i32
    %dma_wait3A_1379 = tpu.memref_slice %arg4[%add3A_1309, %dma_wait3A_1378] : memref<40960x768xf32, #tpu.memory_space<hbm>> -> memref<32x768xf32, #tpu.memory_space<hbm>>
    %dma_wait3A_1380 = arith.constant 0 : i32
    %dma_wait3A_1381 = tpu.memref_slice %arg4[%add3A_1309, %dma_wait3A_1380] : memref<40960x768xf32, #tpu.memory_space<hbm>> -> memref<32x768xf32, #tpu.memory_space<hbm>>
    %dma_wait3A_1382 = arith.constant 0 : i32
    %dma_wait3A_1383 = arith.constant 0 : i32
    %dma_wait3A_1384 = tpu.memref_slice %arg7[%dma_wait3A_1373, %dma_wait3A_1382, %dma_wait3A_1383] : memref<5x32x768xf32, #tpu.memory_space<vmem>> -> memref<1x32x768xf32, #tpu.memory_space<vmem>>
    %dma_wait3A_1385 = tpu.memref_squeeze %dma_wait3A_1384 : memref<1x32x768xf32, #tpu.memory_space<vmem>> -> memref<32x768xf32, #tpu.memory_space<vmem>>
    tpu.wait_dma2 semaphore(%arg9 : memref<!tpu.dma_semaphore, #tpu.memory_space<semaphore_mem>>) src(%dma_wait3A_1385 : memref<32x768xf32, #tpu.memory_space<vmem>>) dst(%dma_wait3A_1381 : memref<32x768xf32, #tpu.memory_space<hbm>>)
    %dma_start3A_1386 = arith.constant 1 : i32
    %dma_start3A_1387 = arith.constant 0 : i32
    %dma_start3A_1388 = arith.constant 0 : i32
    %dma_start3A_1389 = tpu.memref_slice %arg7[%dma_start3A_1386, %dma_start3A_1387, %dma_start3A_1388] : memref<5x32x768xf32, #tpu.memory_space<vmem>> -> memref<1x32x768xf32, #tpu.memory_space<vmem>>
    %dma_start3A_1390 = tpu.memref_squeeze %dma_start3A_1389 : memref<1x32x768xf32, #tpu.memory_space<vmem>> -> memref<32x768xf32, #tpu.memory_space<vmem>>
    %dma_start3A_1391 = arith.constant 512 : i32
    %dma_start3A_1392 = tpu.memref_slice %arg6[%dma_start3A_1391] : memref<1280xi32, #tpu.memory_space<vmem>> -> memref<32xi32, #tpu.memory_space<vmem>>
    %dma_start3A_1393 = arith.constant 0 : i32
    %dma_start3A_1394 = arith.constant 0 : i32
    %dma_start3A_1395 = tpu.memref_slice %arg3[%dma_start3A_1393, %dma_start3A_1394] : memref<10000x768xf32, #tpu.memory_space<hbm>> -> memref<10000x768xf32, #tpu.memory_space<hbm>>
    tpu.enqueue_indirect_dma source(%dma_start3A_1395 : memref<10000x768xf32, #tpu.memory_space<hbm>>) target(%dma_start3A_1390 : memref<32x768xf32, #tpu.memory_space<vmem>>) offsets(%dma_start3A_1392 : memref<32xi32, #tpu.memory_space<vmem>>) semaphore(%arg8 : memref<!tpu.dma_semaphore, #tpu.memory_space<semaphore_mem>>)
    %dma_wait3A_1396 = arith.constant 3 : i32
    %dma_wait3A_1397 = arith.constant 0 : i32
    %dma_wait3A_1398 = arith.constant 0 : i32
    %dma_wait3A_1399 = tpu.memref_slice %arg7[%dma_wait3A_1396, %dma_wait3A_1397, %dma_wait3A_1398] : memref<5x32x768xf32, #tpu.memory_space<vmem>> -> memref<1x32x768xf32, #tpu.memory_space<vmem>>
    %dma_wait3A_1400 = tpu.memref_squeeze %dma_wait3A_1399 : memref<1x32x768xf32, #tpu.memory_space<vmem>> -> memref<32x768xf32, #tpu.memory_space<vmem>>
    %dma_wait3A_1401 = arith.constant 416 : i32
    %dma_wait3A_1402 = tpu.memref_slice %arg6[%dma_wait3A_1401] : memref<1280xi32, #tpu.memory_space<vmem>> -> memref<32xi32, #tpu.memory_space<vmem>>
    %dma_wait3A_1403 = arith.constant 0 : i32
    %dma_wait3A_1404 = arith.constant 0 : i32
    %dma_wait3A_1405 = tpu.memref_slice %arg3[%dma_wait3A_1403, %dma_wait3A_1404] : memref<10000x768xf32, #tpu.memory_space<hbm>> -> memref<10000x768xf32, #tpu.memory_space<hbm>>
    tpu.wait_indirect_dma semaphore(%arg8 : memref<!tpu.dma_semaphore, #tpu.memory_space<semaphore_mem>>) src(%dma_wait3A_1405 : memref<10000x768xf32, #tpu.memory_space<hbm>>) dst(%dma_wait3A_1400 : memref<32x768xf32, #tpu.memory_space<vmem>>)
    %add3A_1406 = arith.constant 12288 : i32
    %add3A_1407 = arith.addi %add3A_1406, %mul3A_2 : i32
    %add3A_1408 = arith.constant 32 : i32
    %add3A_1409 = arith.addi %add3A_1407, %add3A_1408 : i32
    %dma_start3A_1410 = arith.constant 3 : i32
    %dma_start3A_1411 = arith.constant 0 : i32
    %dma_start3A_1412 = arith.constant 0 : i32
    %dma_start3A_1413 = tpu.memref_slice %arg7[%dma_start3A_1410, %dma_start3A_1411, %dma_start3A_1412] : memref<5x32x768xf32, #tpu.memory_space<vmem>> -> memref<1x32x768xf32, #tpu.memory_space<vmem>>
    %dma_start3A_1414 = tpu.memref_squeeze %dma_start3A_1413 : memref<1x32x768xf32, #tpu.memory_space<vmem>> -> memref<32x768xf32, #tpu.memory_space<vmem>>
    %dma_start3A_1415 = arith.constant 0 : i32
    %dma_start3A_1416 = tpu.memref_slice %arg4[%add3A_1409, %dma_start3A_1415] : memref<40960x768xf32, #tpu.memory_space<hbm>> -> memref<32x768xf32, #tpu.memory_space<hbm>>
    %dma_start3A_1417 = arith.constant 0 : i32
    %dma_start3A_1418 = tpu.memref_slice %arg4[%add3A_1409, %dma_start3A_1417] : memref<40960x768xf32, #tpu.memory_space<hbm>> -> memref<32x768xf32, #tpu.memory_space<hbm>>
    %dma_start3A_1419 = arith.constant 0 : i32
    %dma_start3A_1420 = arith.constant 0 : i32
    %dma_start3A_1421 = tpu.memref_slice %arg7[%dma_start3A_1410, %dma_start3A_1419, %dma_start3A_1420] : memref<5x32x768xf32, #tpu.memory_space<vmem>> -> memref<1x32x768xf32, #tpu.memory_space<vmem>>
    %dma_start3A_1422 = tpu.memref_squeeze %dma_start3A_1421 : memref<1x32x768xf32, #tpu.memory_space<vmem>> -> memref<32x768xf32, #tpu.memory_space<vmem>>
    tpu.enqueue_dma source(%dma_start3A_1422 : memref<32x768xf32, #tpu.memory_space<vmem>>) target(%dma_start3A_1418 : memref<32x768xf32, #tpu.memory_space<hbm>>) target_semaphore(%arg9 : memref<!tpu.dma_semaphore, #tpu.memory_space<semaphore_mem>>)
    %dma_wait3A_1423 = arith.constant 2 : i32
    %dma_wait3A_1424 = arith.constant 0 : i32
    %dma_wait3A_1425 = arith.constant 0 : i32
    %dma_wait3A_1426 = tpu.memref_slice %arg7[%dma_wait3A_1423, %dma_wait3A_1424, %dma_wait3A_1425] : memref<5x32x768xf32, #tpu.memory_space<vmem>> -> memref<1x32x768xf32, #tpu.memory_space<vmem>>
    %dma_wait3A_1427 = tpu.memref_squeeze %dma_wait3A_1426 : memref<1x32x768xf32, #tpu.memory_space<vmem>> -> memref<32x768xf32, #tpu.memory_space<vmem>>
    %dma_wait3A_1428 = arith.constant 0 : i32
    %dma_wait3A_1429 = tpu.memref_slice %arg4[%add3A_1359, %dma_wait3A_1428] : memref<40960x768xf32, #tpu.memory_space<hbm>> -> memref<32x768xf32, #tpu.memory_space<hbm>>
    %dma_wait3A_1430 = arith.constant 0 : i32
    %dma_wait3A_1431 = tpu.memref_slice %arg4[%add3A_1359, %dma_wait3A_1430] : memref<40960x768xf32, #tpu.memory_space<hbm>> -> memref<32x768xf32, #tpu.memory_space<hbm>>
    %dma_wait3A_1432 = arith.constant 0 : i32
    %dma_wait3A_1433 = arith.constant 0 : i32
    %dma_wait3A_1434 = tpu.memref_slice %arg7[%dma_wait3A_1423, %dma_wait3A_1432, %dma_wait3A_1433] : memref<5x32x768xf32, #tpu.memory_space<vmem>> -> memref<1x32x768xf32, #tpu.memory_space<vmem>>
    %dma_wait3A_1435 = tpu.memref_squeeze %dma_wait3A_1434 : memref<1x32x768xf32, #tpu.memory_space<vmem>> -> memref<32x768xf32, #tpu.memory_space<vmem>>
    tpu.wait_dma2 semaphore(%arg9 : memref<!tpu.dma_semaphore, #tpu.memory_space<semaphore_mem>>) src(%dma_wait3A_1435 : memref<32x768xf32, #tpu.memory_space<vmem>>) dst(%dma_wait3A_1431 : memref<32x768xf32, #tpu.memory_space<hbm>>)
    %dma_start3A_1436 = arith.constant 2 : i32
    %dma_start3A_1437 = arith.constant 0 : i32
    %dma_start3A_1438 = arith.constant 0 : i32
    %dma_start3A_1439 = tpu.memref_slice %arg7[%dma_start3A_1436, %dma_start3A_1437, %dma_start3A_1438] : memref<5x32x768xf32, #tpu.memory_space<vmem>> -> memref<1x32x768xf32, #tpu.memory_space<vmem>>
    %dma_start3A_1440 = tpu.memref_squeeze %dma_start3A_1439 : memref<1x32x768xf32, #tpu.memory_space<vmem>> -> memref<32x768xf32, #tpu.memory_space<vmem>>
    %dma_start3A_1441 = arith.constant 544 : i32
    %dma_start3A_1442 = tpu.memref_slice %arg6[%dma_start3A_1441] : memref<1280xi32, #tpu.memory_space<vmem>> -> memref<32xi32, #tpu.memory_space<vmem>>
    %dma_start3A_1443 = arith.constant 0 : i32
    %dma_start3A_1444 = arith.constant 0 : i32
    %dma_start3A_1445 = tpu.memref_slice %arg3[%dma_start3A_1443, %dma_start3A_1444] : memref<10000x768xf32, #tpu.memory_space<hbm>> -> memref<10000x768xf32, #tpu.memory_space<hbm>>
    tpu.enqueue_indirect_dma source(%dma_start3A_1445 : memref<10000x768xf32, #tpu.memory_space<hbm>>) target(%dma_start3A_1440 : memref<32x768xf32, #tpu.memory_space<vmem>>) offsets(%dma_start3A_1442 : memref<32xi32, #tpu.memory_space<vmem>>) semaphore(%arg8 : memref<!tpu.dma_semaphore, #tpu.memory_space<semaphore_mem>>)
    %dma_wait3A_1446 = arith.constant 4 : i32
    %dma_wait3A_1447 = arith.constant 0 : i32
    %dma_wait3A_1448 = arith.constant 0 : i32
    %dma_wait3A_1449 = tpu.memref_slice %arg7[%dma_wait3A_1446, %dma_wait3A_1447, %dma_wait3A_1448] : memref<5x32x768xf32, #tpu.memory_space<vmem>> -> memref<1x32x768xf32, #tpu.memory_space<vmem>>
    %dma_wait3A_1450 = tpu.memref_squeeze %dma_wait3A_1449 : memref<1x32x768xf32, #tpu.memory_space<vmem>> -> memref<32x768xf32, #tpu.memory_space<vmem>>
    %dma_wait3A_1451 = arith.constant 448 : i32
    %dma_wait3A_1452 = tpu.memref_slice %arg6[%dma_wait3A_1451] : memref<1280xi32, #tpu.memory_space<vmem>> -> memref<32xi32, #tpu.memory_space<vmem>>
    %dma_wait3A_1453 = arith.constant 0 : i32
    %dma_wait3A_1454 = arith.constant 0 : i32
    %dma_wait3A_1455 = tpu.memref_slice %arg3[%dma_wait3A_1453, %dma_wait3A_1454] : memref<10000x768xf32, #tpu.memory_space<hbm>> -> memref<10000x768xf32, #tpu.memory_space<hbm>>
    tpu.wait_indirect_dma semaphore(%arg8 : memref<!tpu.dma_semaphore, #tpu.memory_space<semaphore_mem>>) src(%dma_wait3A_1455 : memref<10000x768xf32, #tpu.memory_space<hbm>>) dst(%dma_wait3A_1450 : memref<32x768xf32, #tpu.memory_space<vmem>>)
    %add3A_1456 = arith.constant 12288 : i32
    %add3A_1457 = arith.addi %add3A_1456, %mul3A_2 : i32
    %add3A_1458 = arith.constant 64 : i32
    %add3A_1459 = arith.addi %add3A_1457, %add3A_1458 : i32
    %dma_start3A_1460 = arith.constant 4 : i32
    %dma_start3A_1461 = arith.constant 0 : i32
    %dma_start3A_1462 = arith.constant 0 : i32
    %dma_start3A_1463 = tpu.memref_slice %arg7[%dma_start3A_1460, %dma_start3A_1461, %dma_start3A_1462] : memref<5x32x768xf32, #tpu.memory_space<vmem>> -> memref<1x32x768xf32, #tpu.memory_space<vmem>>
    %dma_start3A_1464 = tpu.memref_squeeze %dma_start3A_1463 : memref<1x32x768xf32, #tpu.memory_space<vmem>> -> memref<32x768xf32, #tpu.memory_space<vmem>>
    %dma_start3A_1465 = arith.constant 0 : i32
    %dma_start3A_1466 = tpu.memref_slice %arg4[%add3A_1459, %dma_start3A_1465] : memref<40960x768xf32, #tpu.memory_space<hbm>> -> memref<32x768xf32, #tpu.memory_space<hbm>>
    %dma_start3A_1467 = arith.constant 0 : i32
    %dma_start3A_1468 = tpu.memref_slice %arg4[%add3A_1459, %dma_start3A_1467] : memref<40960x768xf32, #tpu.memory_space<hbm>> -> memref<32x768xf32, #tpu.memory_space<hbm>>
    %dma_start3A_1469 = arith.constant 0 : i32
    %dma_start3A_1470 = arith.constant 0 : i32
    %dma_start3A_1471 = tpu.memref_slice %arg7[%dma_start3A_1460, %dma_start3A_1469, %dma_start3A_1470] : memref<5x32x768xf32, #tpu.memory_space<vmem>> -> memref<1x32x768xf32, #tpu.memory_space<vmem>>
    %dma_start3A_1472 = tpu.memref_squeeze %dma_start3A_1471 : memref<1x32x768xf32, #tpu.memory_space<vmem>> -> memref<32x768xf32, #tpu.memory_space<vmem>>
    tpu.enqueue_dma source(%dma_start3A_1472 : memref<32x768xf32, #tpu.memory_space<vmem>>) target(%dma_start3A_1468 : memref<32x768xf32, #tpu.memory_space<hbm>>) target_semaphore(%arg9 : memref<!tpu.dma_semaphore, #tpu.memory_space<semaphore_mem>>)
    %dma_wait3A_1473 = arith.constant 3 : i32
    %dma_wait3A_1474 = arith.constant 0 : i32
    %dma_wait3A_1475 = arith.constant 0 : i32
    %dma_wait3A_1476 = tpu.memref_slice %arg7[%dma_wait3A_1473, %dma_wait3A_1474, %dma_wait3A_1475] : memref<5x32x768xf32, #tpu.memory_space<vmem>> -> memref<1x32x768xf32, #tpu.memory_space<vmem>>
    %dma_wait3A_1477 = tpu.memref_squeeze %dma_wait3A_1476 : memref<1x32x768xf32, #tpu.memory_space<vmem>> -> memref<32x768xf32, #tpu.memory_space<vmem>>
    %dma_wait3A_1478 = arith.constant 0 : i32
    %dma_wait3A_1479 = tpu.memref_slice %arg4[%add3A_1409, %dma_wait3A_1478] : memref<40960x768xf32, #tpu.memory_space<hbm>> -> memref<32x768xf32, #tpu.memory_space<hbm>>
    %dma_wait3A_1480 = arith.constant 0 : i32
    %dma_wait3A_1481 = tpu.memref_slice %arg4[%add3A_1409, %dma_wait3A_1480] : memref<40960x768xf32, #tpu.memory_space<hbm>> -> memref<32x768xf32, #tpu.memory_space<hbm>>
    %dma_wait3A_1482 = arith.constant 0 : i32
    %dma_wait3A_1483 = arith.constant 0 : i32
    %dma_wait3A_1484 = tpu.memref_slice %arg7[%dma_wait3A_1473, %dma_wait3A_1482, %dma_wait3A_1483] : memref<5x32x768xf32, #tpu.memory_space<vmem>> -> memref<1x32x768xf32, #tpu.memory_space<vmem>>
    %dma_wait3A_1485 = tpu.memref_squeeze %dma_wait3A_1484 : memref<1x32x768xf32, #tpu.memory_space<vmem>> -> memref<32x768xf32, #tpu.memory_space<vmem>>
    tpu.wait_dma2 semaphore(%arg9 : memref<!tpu.dma_semaphore, #tpu.memory_space<semaphore_mem>>) src(%dma_wait3A_1485 : memref<32x768xf32, #tpu.memory_space<vmem>>) dst(%dma_wait3A_1481 : memref<32x768xf32, #tpu.memory_space<hbm>>)
    %dma_start3A_1486 = arith.constant 3 : i32
    %dma_start3A_1487 = arith.constant 0 : i32
    %dma_start3A_1488 = arith.constant 0 : i32
    %dma_start3A_1489 = tpu.memref_slice %arg7[%dma_start3A_1486, %dma_start3A_1487, %dma_start3A_1488] : memref<5x32x768xf32, #tpu.memory_space<vmem>> -> memref<1x32x768xf32, #tpu.memory_space<vmem>>
    %dma_start3A_1490 = tpu.memref_squeeze %dma_start3A_1489 : memref<1x32x768xf32, #tpu.memory_space<vmem>> -> memref<32x768xf32, #tpu.memory_space<vmem>>
    %dma_start3A_1491 = arith.constant 576 : i32
    %dma_start3A_1492 = tpu.memref_slice %arg6[%dma_start3A_1491] : memref<1280xi32, #tpu.memory_space<vmem>> -> memref<32xi32, #tpu.memory_space<vmem>>
    %dma_start3A_1493 = arith.constant 0 : i32
    %dma_start3A_1494 = arith.constant 0 : i32
    %dma_start3A_1495 = tpu.memref_slice %arg3[%dma_start3A_1493, %dma_start3A_1494] : memref<10000x768xf32, #tpu.memory_space<hbm>> -> memref<10000x768xf32, #tpu.memory_space<hbm>>
    tpu.enqueue_indirect_dma source(%dma_start3A_1495 : memref<10000x768xf32, #tpu.memory_space<hbm>>) target(%dma_start3A_1490 : memref<32x768xf32, #tpu.memory_space<vmem>>) offsets(%dma_start3A_1492 : memref<32xi32, #tpu.memory_space<vmem>>) semaphore(%arg8 : memref<!tpu.dma_semaphore, #tpu.memory_space<semaphore_mem>>)
    %dma_wait3A_1496 = arith.constant 0 : i32
    %dma_wait3A_1497 = arith.constant 0 : i32
    %dma_wait3A_1498 = arith.constant 0 : i32
    %dma_wait3A_1499 = tpu.memref_slice %arg7[%dma_wait3A_1496, %dma_wait3A_1497, %dma_wait3A_1498] : memref<5x32x768xf32, #tpu.memory_space<vmem>> -> memref<1x32x768xf32, #tpu.memory_space<vmem>>
    %dma_wait3A_1500 = tpu.memref_squeeze %dma_wait3A_1499 : memref<1x32x768xf32, #tpu.memory_space<vmem>> -> memref<32x768xf32, #tpu.memory_space<vmem>>
    %dma_wait3A_1501 = arith.constant 480 : i32
    %dma_wait3A_1502 = tpu.memref_slice %arg6[%dma_wait3A_1501] : memref<1280xi32, #tpu.memory_space<vmem>> -> memref<32xi32, #tpu.memory_space<vmem>>
    %dma_wait3A_1503 = arith.constant 0 : i32
    %dma_wait3A_1504 = arith.constant 0 : i32
    %dma_wait3A_1505 = tpu.memref_slice %arg3[%dma_wait3A_1503, %dma_wait3A_1504] : memref<10000x768xf32, #tpu.memory_space<hbm>> -> memref<10000x768xf32, #tpu.memory_space<hbm>>
    tpu.wait_indirect_dma semaphore(%arg8 : memref<!tpu.dma_semaphore, #tpu.memory_space<semaphore_mem>>) src(%dma_wait3A_1505 : memref<10000x768xf32, #tpu.memory_space<hbm>>) dst(%dma_wait3A_1500 : memref<32x768xf32, #tpu.memory_space<vmem>>)
    %add3A_1506 = arith.constant 12288 : i32
    %add3A_1507 = arith.addi %add3A_1506, %mul3A_2 : i32
    %add3A_1508 = arith.constant 96 : i32
    %add3A_1509 = arith.addi %add3A_1507, %add3A_1508 : i32
    %dma_start3A_1510 = arith.constant 0 : i32
    %dma_start3A_1511 = arith.constant 0 : i32
    %dma_start3A_1512 = arith.constant 0 : i32
    %dma_start3A_1513 = tpu.memref_slice %arg7[%dma_start3A_1510, %dma_start3A_1511, %dma_start3A_1512] : memref<5x32x768xf32, #tpu.memory_space<vmem>> -> memref<1x32x768xf32, #tpu.memory_space<vmem>>
    %dma_start3A_1514 = tpu.memref_squeeze %dma_start3A_1513 : memref<1x32x768xf32, #tpu.memory_space<vmem>> -> memref<32x768xf32, #tpu.memory_space<vmem>>
    %dma_start3A_1515 = arith.constant 0 : i32
    %dma_start3A_1516 = tpu.memref_slice %arg4[%add3A_1509, %dma_start3A_1515] : memref<40960x768xf32, #tpu.memory_space<hbm>> -> memref<32x768xf32, #tpu.memory_space<hbm>>
    %dma_start3A_1517 = arith.constant 0 : i32
    %dma_start3A_1518 = tpu.memref_slice %arg4[%add3A_1509, %dma_start3A_1517] : memref<40960x768xf32, #tpu.memory_space<hbm>> -> memref<32x768xf32, #tpu.memory_space<hbm>>
    %dma_start3A_1519 = arith.constant 0 : i32
    %dma_start3A_1520 = arith.constant 0 : i32
    %dma_start3A_1521 = tpu.memref_slice %arg7[%dma_start3A_1510, %dma_start3A_1519, %dma_start3A_1520] : memref<5x32x768xf32, #tpu.memory_space<vmem>> -> memref<1x32x768xf32, #tpu.memory_space<vmem>>
    %dma_start3A_1522 = tpu.memref_squeeze %dma_start3A_1521 : memref<1x32x768xf32, #tpu.memory_space<vmem>> -> memref<32x768xf32, #tpu.memory_space<vmem>>
    tpu.enqueue_dma source(%dma_start3A_1522 : memref<32x768xf32, #tpu.memory_space<vmem>>) target(%dma_start3A_1518 : memref<32x768xf32, #tpu.memory_space<hbm>>) target_semaphore(%arg9 : memref<!tpu.dma_semaphore, #tpu.memory_space<semaphore_mem>>)
    %dma_wait3A_1523 = arith.constant 4 : i32
    %dma_wait3A_1524 = arith.constant 0 : i32
    %dma_wait3A_1525 = arith.constant 0 : i32
    %dma_wait3A_1526 = tpu.memref_slice %arg7[%dma_wait3A_1523, %dma_wait3A_1524, %dma_wait3A_1525] : memref<5x32x768xf32, #tpu.memory_space<vmem>> -> memref<1x32x768xf32, #tpu.memory_space<vmem>>
    %dma_wait3A_1527 = tpu.memref_squeeze %dma_wait3A_1526 : memref<1x32x768xf32, #tpu.memory_space<vmem>> -> memref<32x768xf32, #tpu.memory_space<vmem>>
    %dma_wait3A_1528 = arith.constant 0 : i32
    %dma_wait3A_1529 = tpu.memref_slice %arg4[%add3A_1459, %dma_wait3A_1528] : memref<40960x768xf32, #tpu.memory_space<hbm>> -> memref<32x768xf32, #tpu.memory_space<hbm>>
    %dma_wait3A_1530 = arith.constant 0 : i32
    %dma_wait3A_1531 = tpu.memref_slice %arg4[%add3A_1459, %dma_wait3A_1530] : memref<40960x768xf32, #tpu.memory_space<hbm>> -> memref<32x768xf32, #tpu.memory_space<hbm>>
    %dma_wait3A_1532 = arith.constant 0 : i32
    %dma_wait3A_1533 = arith.constant 0 : i32
    %dma_wait3A_1534 = tpu.memref_slice %arg7[%dma_wait3A_1523, %dma_wait3A_1532, %dma_wait3A_1533] : memref<5x32x768xf32, #tpu.memory_space<vmem>> -> memref<1x32x768xf32, #tpu.memory_space<vmem>>
    %dma_wait3A_1535 = tpu.memref_squeeze %dma_wait3A_1534 : memref<1x32x768xf32, #tpu.memory_space<vmem>> -> memref<32x768xf32, #tpu.memory_space<vmem>>
    tpu.wait_dma2 semaphore(%arg9 : memref<!tpu.dma_semaphore, #tpu.memory_space<semaphore_mem>>) src(%dma_wait3A_1535 : memref<32x768xf32, #tpu.memory_space<vmem>>) dst(%dma_wait3A_1531 : memref<32x768xf32, #tpu.memory_space<hbm>>)
    %dma_start3A_1536 = arith.constant 4 : i32
    %dma_start3A_1537 = arith.constant 0 : i32
    %dma_start3A_1538 = arith.constant 0 : i32
    %dma_start3A_1539 = tpu.memref_slice %arg7[%dma_start3A_1536, %dma_start3A_1537, %dma_start3A_1538] : memref<5x32x768xf32, #tpu.memory_space<vmem>> -> memref<1x32x768xf32, #tpu.memory_space<vmem>>
    %dma_start3A_1540 = tpu.memref_squeeze %dma_start3A_1539 : memref<1x32x768xf32, #tpu.memory_space<vmem>> -> memref<32x768xf32, #tpu.memory_space<vmem>>
    %dma_start3A_1541 = arith.constant 608 : i32
    %dma_start3A_1542 = tpu.memref_slice %arg6[%dma_start3A_1541] : memref<1280xi32, #tpu.memory_space<vmem>> -> memref<32xi32, #tpu.memory_space<vmem>>
    %dma_start3A_1543 = arith.constant 0 : i32
    %dma_start3A_1544 = arith.constant 0 : i32
    %dma_start3A_1545 = tpu.memref_slice %arg3[%dma_start3A_1543, %dma_start3A_1544] : memref<10000x768xf32, #tpu.memory_space<hbm>> -> memref<10000x768xf32, #tpu.memory_space<hbm>>
    tpu.enqueue_indirect_dma source(%dma_start3A_1545 : memref<10000x768xf32, #tpu.memory_space<hbm>>) target(%dma_start3A_1540 : memref<32x768xf32, #tpu.memory_space<vmem>>) offsets(%dma_start3A_1542 : memref<32xi32, #tpu.memory_space<vmem>>) semaphore(%arg8 : memref<!tpu.dma_semaphore, #tpu.memory_space<semaphore_mem>>)
    %dma_wait3A_1546 = arith.constant 1 : i32
    %dma_wait3A_1547 = arith.constant 0 : i32
    %dma_wait3A_1548 = arith.constant 0 : i32
    %dma_wait3A_1549 = tpu.memref_slice %arg7[%dma_wait3A_1546, %dma_wait3A_1547, %dma_wait3A_1548] : memref<5x32x768xf32, #tpu.memory_space<vmem>> -> memref<1x32x768xf32, #tpu.memory_space<vmem>>
    %dma_wait3A_1550 = tpu.memref_squeeze %dma_wait3A_1549 : memref<1x32x768xf32, #tpu.memory_space<vmem>> -> memref<32x768xf32, #tpu.memory_space<vmem>>
    %dma_wait3A_1551 = arith.constant 512 : i32
    %dma_wait3A_1552 = tpu.memref_slice %arg6[%dma_wait3A_1551] : memref<1280xi32, #tpu.memory_space<vmem>> -> memref<32xi32, #tpu.memory_space<vmem>>
    %dma_wait3A_1553 = arith.constant 0 : i32
    %dma_wait3A_1554 = arith.constant 0 : i32
    %dma_wait3A_1555 = tpu.memref_slice %arg3[%dma_wait3A_1553, %dma_wait3A_1554] : memref<10000x768xf32, #tpu.memory_space<hbm>> -> memref<10000x768xf32, #tpu.memory_space<hbm>>
    tpu.wait_indirect_dma semaphore(%arg8 : memref<!tpu.dma_semaphore, #tpu.memory_space<semaphore_mem>>) src(%dma_wait3A_1555 : memref<10000x768xf32, #tpu.memory_space<hbm>>) dst(%dma_wait3A_1550 : memref<32x768xf32, #tpu.memory_space<vmem>>)
    %add3A_1556 = arith.constant 16384 : i32
    %add3A_1557 = arith.addi %add3A_1556, %mul3A_2 : i32
    %add3A_1558 = arith.constant 0 : i32
    %add3A_1559 = arith.addi %add3A_1557, %add3A_1558 : i32
    %dma_start3A_1560 = arith.constant 1 : i32
    %dma_start3A_1561 = arith.constant 0 : i32
    %dma_start3A_1562 = arith.constant 0 : i32
    %dma_start3A_1563 = tpu.memref_slice %arg7[%dma_start3A_1560, %dma_start3A_1561, %dma_start3A_1562] : memref<5x32x768xf32, #tpu.memory_space<vmem>> -> memref<1x32x768xf32, #tpu.memory_space<vmem>>
    %dma_start3A_1564 = tpu.memref_squeeze %dma_start3A_1563 : memref<1x32x768xf32, #tpu.memory_space<vmem>> -> memref<32x768xf32, #tpu.memory_space<vmem>>
    %dma_start3A_1565 = arith.constant 0 : i32
    %dma_start3A_1566 = tpu.memref_slice %arg4[%add3A_1559, %dma_start3A_1565] : memref<40960x768xf32, #tpu.memory_space<hbm>> -> memref<32x768xf32, #tpu.memory_space<hbm>>
    %dma_start3A_1567 = arith.constant 0 : i32
    %dma_start3A_1568 = tpu.memref_slice %arg4[%add3A_1559, %dma_start3A_1567] : memref<40960x768xf32, #tpu.memory_space<hbm>> -> memref<32x768xf32, #tpu.memory_space<hbm>>
    %dma_start3A_1569 = arith.constant 0 : i32
    %dma_start3A_1570 = arith.constant 0 : i32
    %dma_start3A_1571 = tpu.memref_slice %arg7[%dma_start3A_1560, %dma_start3A_1569, %dma_start3A_1570] : memref<5x32x768xf32, #tpu.memory_space<vmem>> -> memref<1x32x768xf32, #tpu.memory_space<vmem>>
    %dma_start3A_1572 = tpu.memref_squeeze %dma_start3A_1571 : memref<1x32x768xf32, #tpu.memory_space<vmem>> -> memref<32x768xf32, #tpu.memory_space<vmem>>
    tpu.enqueue_dma source(%dma_start3A_1572 : memref<32x768xf32, #tpu.memory_space<vmem>>) target(%dma_start3A_1568 : memref<32x768xf32, #tpu.memory_space<hbm>>) target_semaphore(%arg9 : memref<!tpu.dma_semaphore, #tpu.memory_space<semaphore_mem>>)
    %dma_wait3A_1573 = arith.constant 0 : i32
    %dma_wait3A_1574 = arith.constant 0 : i32
    %dma_wait3A_1575 = arith.constant 0 : i32
    %dma_wait3A_1576 = tpu.memref_slice %arg7[%dma_wait3A_1573, %dma_wait3A_1574, %dma_wait3A_1575] : memref<5x32x768xf32, #tpu.memory_space<vmem>> -> memref<1x32x768xf32, #tpu.memory_space<vmem>>
    %dma_wait3A_1577 = tpu.memref_squeeze %dma_wait3A_1576 : memref<1x32x768xf32, #tpu.memory_space<vmem>> -> memref<32x768xf32, #tpu.memory_space<vmem>>
    %dma_wait3A_1578 = arith.constant 0 : i32
    %dma_wait3A_1579 = tpu.memref_slice %arg4[%add3A_1509, %dma_wait3A_1578] : memref<40960x768xf32, #tpu.memory_space<hbm>> -> memref<32x768xf32, #tpu.memory_space<hbm>>
    %dma_wait3A_1580 = arith.constant 0 : i32
    %dma_wait3A_1581 = tpu.memref_slice %arg4[%add3A_1509, %dma_wait3A_1580] : memref<40960x768xf32, #tpu.memory_space<hbm>> -> memref<32x768xf32, #tpu.memory_space<hbm>>
    %dma_wait3A_1582 = arith.constant 0 : i32
    %dma_wait3A_1583 = arith.constant 0 : i32
    %dma_wait3A_1584 = tpu.memref_slice %arg7[%dma_wait3A_1573, %dma_wait3A_1582, %dma_wait3A_1583] : memref<5x32x768xf32, #tpu.memory_space<vmem>> -> memref<1x32x768xf32, #tpu.memory_space<vmem>>
    %dma_wait3A_1585 = tpu.memref_squeeze %dma_wait3A_1584 : memref<1x32x768xf32, #tpu.memory_space<vmem>> -> memref<32x768xf32, #tpu.memory_space<vmem>>
    tpu.wait_dma2 semaphore(%arg9 : memref<!tpu.dma_semaphore, #tpu.memory_space<semaphore_mem>>) src(%dma_wait3A_1585 : memref<32x768xf32, #tpu.memory_space<vmem>>) dst(%dma_wait3A_1581 : memref<32x768xf32, #tpu.memory_space<hbm>>)
    %dma_start3A_1586 = arith.constant 0 : i32
    %dma_start3A_1587 = arith.constant 0 : i32
    %dma_start3A_1588 = arith.constant 0 : i32
    %dma_start3A_1589 = tpu.memref_slice %arg7[%dma_start3A_1586, %dma_start3A_1587, %dma_start3A_1588] : memref<5x32x768xf32, #tpu.memory_space<vmem>> -> memref<1x32x768xf32, #tpu.memory_space<vmem>>
    %dma_start3A_1590 = tpu.memref_squeeze %dma_start3A_1589 : memref<1x32x768xf32, #tpu.memory_space<vmem>> -> memref<32x768xf32, #tpu.memory_space<vmem>>
    %dma_start3A_1591 = arith.constant 640 : i32
    %dma_start3A_1592 = tpu.memref_slice %arg6[%dma_start3A_1591] : memref<1280xi32, #tpu.memory_space<vmem>> -> memref<32xi32, #tpu.memory_space<vmem>>
    %dma_start3A_1593 = arith.constant 0 : i32
    %dma_start3A_1594 = arith.constant 0 : i32
    %dma_start3A_1595 = tpu.memref_slice %arg3[%dma_start3A_1593, %dma_start3A_1594] : memref<10000x768xf32, #tpu.memory_space<hbm>> -> memref<10000x768xf32, #tpu.memory_space<hbm>>
    tpu.enqueue_indirect_dma source(%dma_start3A_1595 : memref<10000x768xf32, #tpu.memory_space<hbm>>) target(%dma_start3A_1590 : memref<32x768xf32, #tpu.memory_space<vmem>>) offsets(%dma_start3A_1592 : memref<32xi32, #tpu.memory_space<vmem>>) semaphore(%arg8 : memref<!tpu.dma_semaphore, #tpu.memory_space<semaphore_mem>>)
    %dma_wait3A_1596 = arith.constant 2 : i32
    %dma_wait3A_1597 = arith.constant 0 : i32
    %dma_wait3A_1598 = arith.constant 0 : i32
    %dma_wait3A_1599 = tpu.memref_slice %arg7[%dma_wait3A_1596, %dma_wait3A_1597, %dma_wait3A_1598] : memref<5x32x768xf32, #tpu.memory_space<vmem>> -> memref<1x32x768xf32, #tpu.memory_space<vmem>>
    %dma_wait3A_1600 = tpu.memref_squeeze %dma_wait3A_1599 : memref<1x32x768xf32, #tpu.memory_space<vmem>> -> memref<32x768xf32, #tpu.memory_space<vmem>>
    %dma_wait3A_1601 = arith.constant 544 : i32
    %dma_wait3A_1602 = tpu.memref_slice %arg6[%dma_wait3A_1601] : memref<1280xi32, #tpu.memory_space<vmem>> -> memref<32xi32, #tpu.memory_space<vmem>>
    %dma_wait3A_1603 = arith.constant 0 : i32
    %dma_wait3A_1604 = arith.constant 0 : i32
    %dma_wait3A_1605 = tpu.memref_slice %arg3[%dma_wait3A_1603, %dma_wait3A_1604] : memref<10000x768xf32, #tpu.memory_space<hbm>> -> memref<10000x768xf32, #tpu.memory_space<hbm>>
    tpu.wait_indirect_dma semaphore(%arg8 : memref<!tpu.dma_semaphore, #tpu.memory_space<semaphore_mem>>) src(%dma_wait3A_1605 : memref<10000x768xf32, #tpu.memory_space<hbm>>) dst(%dma_wait3A_1600 : memref<32x768xf32, #tpu.memory_space<vmem>>)
    %add3A_1606 = arith.constant 16384 : i32
    %add3A_1607 = arith.addi %add3A_1606, %mul3A_2 : i32
    %add3A_1608 = arith.constant 32 : i32
    %add3A_1609 = arith.addi %add3A_1607, %add3A_1608 : i32
    %dma_start3A_1610 = arith.constant 2 : i32
    %dma_start3A_1611 = arith.constant 0 : i32
    %dma_start3A_1612 = arith.constant 0 : i32
    %dma_start3A_1613 = tpu.memref_slice %arg7[%dma_start3A_1610, %dma_start3A_1611, %dma_start3A_1612] : memref<5x32x768xf32, #tpu.memory_space<vmem>> -> memref<1x32x768xf32, #tpu.memory_space<vmem>>
    %dma_start3A_1614 = tpu.memref_squeeze %dma_start3A_1613 : memref<1x32x768xf32, #tpu.memory_space<vmem>> -> memref<32x768xf32, #tpu.memory_space<vmem>>
    %dma_start3A_1615 = arith.constant 0 : i32
    %dma_start3A_1616 = tpu.memref_slice %arg4[%add3A_1609, %dma_start3A_1615] : memref<40960x768xf32, #tpu.memory_space<hbm>> -> memref<32x768xf32, #tpu.memory_space<hbm>>
    %dma_start3A_1617 = arith.constant 0 : i32
    %dma_start3A_1618 = tpu.memref_slice %arg4[%add3A_1609, %dma_start3A_1617] : memref<40960x768xf32, #tpu.memory_space<hbm>> -> memref<32x768xf32, #tpu.memory_space<hbm>>
    %dma_start3A_1619 = arith.constant 0 : i32
    %dma_start3A_1620 = arith.constant 0 : i32
    %dma_start3A_1621 = tpu.memref_slice %arg7[%dma_start3A_1610, %dma_start3A_1619, %dma_start3A_1620] : memref<5x32x768xf32, #tpu.memory_space<vmem>> -> memref<1x32x768xf32, #tpu.memory_space<vmem>>
    %dma_start3A_1622 = tpu.memref_squeeze %dma_start3A_1621 : memref<1x32x768xf32, #tpu.memory_space<vmem>> -> memref<32x768xf32, #tpu.memory_space<vmem>>
    tpu.enqueue_dma source(%dma_start3A_1622 : memref<32x768xf32, #tpu.memory_space<vmem>>) target(%dma_start3A_1618 : memref<32x768xf32, #tpu.memory_space<hbm>>) target_semaphore(%arg9 : memref<!tpu.dma_semaphore, #tpu.memory_space<semaphore_mem>>)
    %dma_wait3A_1623 = arith.constant 1 : i32
    %dma_wait3A_1624 = arith.constant 0 : i32
    %dma_wait3A_1625 = arith.constant 0 : i32
    %dma_wait3A_1626 = tpu.memref_slice %arg7[%dma_wait3A_1623, %dma_wait3A_1624, %dma_wait3A_1625] : memref<5x32x768xf32, #tpu.memory_space<vmem>> -> memref<1x32x768xf32, #tpu.memory_space<vmem>>
    %dma_wait3A_1627 = tpu.memref_squeeze %dma_wait3A_1626 : memref<1x32x768xf32, #tpu.memory_space<vmem>> -> memref<32x768xf32, #tpu.memory_space<vmem>>
    %dma_wait3A_1628 = arith.constant 0 : i32
    %dma_wait3A_1629 = tpu.memref_slice %arg4[%add3A_1559, %dma_wait3A_1628] : memref<40960x768xf32, #tpu.memory_space<hbm>> -> memref<32x768xf32, #tpu.memory_space<hbm>>
    %dma_wait3A_1630 = arith.constant 0 : i32
    %dma_wait3A_1631 = tpu.memref_slice %arg4[%add3A_1559, %dma_wait3A_1630] : memref<40960x768xf32, #tpu.memory_space<hbm>> -> memref<32x768xf32, #tpu.memory_space<hbm>>
    %dma_wait3A_1632 = arith.constant 0 : i32
    %dma_wait3A_1633 = arith.constant 0 : i32
    %dma_wait3A_1634 = tpu.memref_slice %arg7[%dma_wait3A_1623, %dma_wait3A_1632, %dma_wait3A_1633] : memref<5x32x768xf32, #tpu.memory_space<vmem>> -> memref<1x32x768xf32, #tpu.memory_space<vmem>>
    %dma_wait3A_1635 = tpu.memref_squeeze %dma_wait3A_1634 : memref<1x32x768xf32, #tpu.memory_space<vmem>> -> memref<32x768xf32, #tpu.memory_space<vmem>>
    tpu.wait_dma2 semaphore(%arg9 : memref<!tpu.dma_semaphore, #tpu.memory_space<semaphore_mem>>) src(%dma_wait3A_1635 : memref<32x768xf32, #tpu.memory_space<vmem>>) dst(%dma_wait3A_1631 : memref<32x768xf32, #tpu.memory_space<hbm>>)
    %dma_start3A_1636 = arith.constant 1 : i32
    %dma_start3A_1637 = arith.constant 0 : i32
    %dma_start3A_1638 = arith.constant 0 : i32
    %dma_start3A_1639 = tpu.memref_slice %arg7[%dma_start3A_1636, %dma_start3A_1637, %dma_start3A_1638] : memref<5x32x768xf32, #tpu.memory_space<vmem>> -> memref<1x32x768xf32, #tpu.memory_space<vmem>>
    %dma_start3A_1640 = tpu.memref_squeeze %dma_start3A_1639 : memref<1x32x768xf32, #tpu.memory_space<vmem>> -> memref<32x768xf32, #tpu.memory_space<vmem>>
    %dma_start3A_1641 = arith.constant 672 : i32
    %dma_start3A_1642 = tpu.memref_slice %arg6[%dma_start3A_1641] : memref<1280xi32, #tpu.memory_space<vmem>> -> memref<32xi32, #tpu.memory_space<vmem>>
    %dma_start3A_1643 = arith.constant 0 : i32
    %dma_start3A_1644 = arith.constant 0 : i32
    %dma_start3A_1645 = tpu.memref_slice %arg3[%dma_start3A_1643, %dma_start3A_1644] : memref<10000x768xf32, #tpu.memory_space<hbm>> -> memref<10000x768xf32, #tpu.memory_space<hbm>>
    tpu.enqueue_indirect_dma source(%dma_start3A_1645 : memref<10000x768xf32, #tpu.memory_space<hbm>>) target(%dma_start3A_1640 : memref<32x768xf32, #tpu.memory_space<vmem>>) offsets(%dma_start3A_1642 : memref<32xi32, #tpu.memory_space<vmem>>) semaphore(%arg8 : memref<!tpu.dma_semaphore, #tpu.memory_space<semaphore_mem>>)
    %dma_wait3A_1646 = arith.constant 3 : i32
    %dma_wait3A_1647 = arith.constant 0 : i32
    %dma_wait3A_1648 = arith.constant 0 : i32
    %dma_wait3A_1649 = tpu.memref_slice %arg7[%dma_wait3A_1646, %dma_wait3A_1647, %dma_wait3A_1648] : memref<5x32x768xf32, #tpu.memory_space<vmem>> -> memref<1x32x768xf32, #tpu.memory_space<vmem>>
    %dma_wait3A_1650 = tpu.memref_squeeze %dma_wait3A_1649 : memref<1x32x768xf32, #tpu.memory_space<vmem>> -> memref<32x768xf32, #tpu.memory_space<vmem>>
    %dma_wait3A_1651 = arith.constant 576 : i32
    %dma_wait3A_1652 = tpu.memref_slice %arg6[%dma_wait3A_1651] : memref<1280xi32, #tpu.memory_space<vmem>> -> memref<32xi32, #tpu.memory_space<vmem>>
    %dma_wait3A_1653 = arith.constant 0 : i32
    %dma_wait3A_1654 = arith.constant 0 : i32
    %dma_wait3A_1655 = tpu.memref_slice %arg3[%dma_wait3A_1653, %dma_wait3A_1654] : memref<10000x768xf32, #tpu.memory_space<hbm>> -> memref<10000x768xf32, #tpu.memory_space<hbm>>
    tpu.wait_indirect_dma semaphore(%arg8 : memref<!tpu.dma_semaphore, #tpu.memory_space<semaphore_mem>>) src(%dma_wait3A_1655 : memref<10000x768xf32, #tpu.memory_space<hbm>>) dst(%dma_wait3A_1650 : memref<32x768xf32, #tpu.memory_space<vmem>>)
    %add3A_1656 = arith.constant 16384 : i32
    %add3A_1657 = arith.addi %add3A_1656, %mul3A_2 : i32
    %add3A_1658 = arith.constant 64 : i32
    %add3A_1659 = arith.addi %add3A_1657, %add3A_1658 : i32
    %dma_start3A_1660 = arith.constant 3 : i32
    %dma_start3A_1661 = arith.constant 0 : i32
    %dma_start3A_1662 = arith.constant 0 : i32
    %dma_start3A_1663 = tpu.memref_slice %arg7[%dma_start3A_1660, %dma_start3A_1661, %dma_start3A_1662] : memref<5x32x768xf32, #tpu.memory_space<vmem>> -> memref<1x32x768xf32, #tpu.memory_space<vmem>>
    %dma_start3A_1664 = tpu.memref_squeeze %dma_start3A_1663 : memref<1x32x768xf32, #tpu.memory_space<vmem>> -> memref<32x768xf32, #tpu.memory_space<vmem>>
    %dma_start3A_1665 = arith.constant 0 : i32
    %dma_start3A_1666 = tpu.memref_slice %arg4[%add3A_1659, %dma_start3A_1665] : memref<40960x768xf32, #tpu.memory_space<hbm>> -> memref<32x768xf32, #tpu.memory_space<hbm>>
    %dma_start3A_1667 = arith.constant 0 : i32
    %dma_start3A_1668 = tpu.memref_slice %arg4[%add3A_1659, %dma_start3A_1667] : memref<40960x768xf32, #tpu.memory_space<hbm>> -> memref<32x768xf32, #tpu.memory_space<hbm>>
    %dma_start3A_1669 = arith.constant 0 : i32
    %dma_start3A_1670 = arith.constant 0 : i32
    %dma_start3A_1671 = tpu.memref_slice %arg7[%dma_start3A_1660, %dma_start3A_1669, %dma_start3A_1670] : memref<5x32x768xf32, #tpu.memory_space<vmem>> -> memref<1x32x768xf32, #tpu.memory_space<vmem>>
    %dma_start3A_1672 = tpu.memref_squeeze %dma_start3A_1671 : memref<1x32x768xf32, #tpu.memory_space<vmem>> -> memref<32x768xf32, #tpu.memory_space<vmem>>
    tpu.enqueue_dma source(%dma_start3A_1672 : memref<32x768xf32, #tpu.memory_space<vmem>>) target(%dma_start3A_1668 : memref<32x768xf32, #tpu.memory_space<hbm>>) target_semaphore(%arg9 : memref<!tpu.dma_semaphore, #tpu.memory_space<semaphore_mem>>)
    %dma_wait3A_1673 = arith.constant 2 : i32
    %dma_wait3A_1674 = arith.constant 0 : i32
    %dma_wait3A_1675 = arith.constant 0 : i32
    %dma_wait3A_1676 = tpu.memref_slice %arg7[%dma_wait3A_1673, %dma_wait3A_1674, %dma_wait3A_1675] : memref<5x32x768xf32, #tpu.memory_space<vmem>> -> memref<1x32x768xf32, #tpu.memory_space<vmem>>
    %dma_wait3A_1677 = tpu.memref_squeeze %dma_wait3A_1676 : memref<1x32x768xf32, #tpu.memory_space<vmem>> -> memref<32x768xf32, #tpu.memory_space<vmem>>
    %dma_wait3A_1678 = arith.constant 0 : i32
    %dma_wait3A_1679 = tpu.memref_slice %arg4[%add3A_1609, %dma_wait3A_1678] : memref<40960x768xf32, #tpu.memory_space<hbm>> -> memref<32x768xf32, #tpu.memory_space<hbm>>
    %dma_wait3A_1680 = arith.constant 0 : i32
    %dma_wait3A_1681 = tpu.memref_slice %arg4[%add3A_1609, %dma_wait3A_1680] : memref<40960x768xf32, #tpu.memory_space<hbm>> -> memref<32x768xf32, #tpu.memory_space<hbm>>
    %dma_wait3A_1682 = arith.constant 0 : i32
    %dma_wait3A_1683 = arith.constant 0 : i32
    %dma_wait3A_1684 = tpu.memref_slice %arg7[%dma_wait3A_1673, %dma_wait3A_1682, %dma_wait3A_1683] : memref<5x32x768xf32, #tpu.memory_space<vmem>> -> memref<1x32x768xf32, #tpu.memory_space<vmem>>
    %dma_wait3A_1685 = tpu.memref_squeeze %dma_wait3A_1684 : memref<1x32x768xf32, #tpu.memory_space<vmem>> -> memref<32x768xf32, #tpu.memory_space<vmem>>
    tpu.wait_dma2 semaphore(%arg9 : memref<!tpu.dma_semaphore, #tpu.memory_space<semaphore_mem>>) src(%dma_wait3A_1685 : memref<32x768xf32, #tpu.memory_space<vmem>>) dst(%dma_wait3A_1681 : memref<32x768xf32, #tpu.memory_space<hbm>>)
    %dma_start3A_1686 = arith.constant 2 : i32
    %dma_start3A_1687 = arith.constant 0 : i32
    %dma_start3A_1688 = arith.constant 0 : i32
    %dma_start3A_1689 = tpu.memref_slice %arg7[%dma_start3A_1686, %dma_start3A_1687, %dma_start3A_1688] : memref<5x32x768xf32, #tpu.memory_space<vmem>> -> memref<1x32x768xf32, #tpu.memory_space<vmem>>
    %dma_start3A_1690 = tpu.memref_squeeze %dma_start3A_1689 : memref<1x32x768xf32, #tpu.memory_space<vmem>> -> memref<32x768xf32, #tpu.memory_space<vmem>>
    %dma_start3A_1691 = arith.constant 704 : i32
    %dma_start3A_1692 = tpu.memref_slice %arg6[%dma_start3A_1691] : memref<1280xi32, #tpu.memory_space<vmem>> -> memref<32xi32, #tpu.memory_space<vmem>>
    %dma_start3A_1693 = arith.constant 0 : i32
    %dma_start3A_1694 = arith.constant 0 : i32
    %dma_start3A_1695 = tpu.memref_slice %arg3[%dma_start3A_1693, %dma_start3A_1694] : memref<10000x768xf32, #tpu.memory_space<hbm>> -> memref<10000x768xf32, #tpu.memory_space<hbm>>
    tpu.enqueue_indirect_dma source(%dma_start3A_1695 : memref<10000x768xf32, #tpu.memory_space<hbm>>) target(%dma_start3A_1690 : memref<32x768xf32, #tpu.memory_space<vmem>>) offsets(%dma_start3A_1692 : memref<32xi32, #tpu.memory_space<vmem>>) semaphore(%arg8 : memref<!tpu.dma_semaphore, #tpu.memory_space<semaphore_mem>>)
    %dma_wait3A_1696 = arith.constant 4 : i32
    %dma_wait3A_1697 = arith.constant 0 : i32
    %dma_wait3A_1698 = arith.constant 0 : i32
    %dma_wait3A_1699 = tpu.memref_slice %arg7[%dma_wait3A_1696, %dma_wait3A_1697, %dma_wait3A_1698] : memref<5x32x768xf32, #tpu.memory_space<vmem>> -> memref<1x32x768xf32, #tpu.memory_space<vmem>>
    %dma_wait3A_1700 = tpu.memref_squeeze %dma_wait3A_1699 : memref<1x32x768xf32, #tpu.memory_space<vmem>> -> memref<32x768xf32, #tpu.memory_space<vmem>>
    %dma_wait3A_1701 = arith.constant 608 : i32
    %dma_wait3A_1702 = tpu.memref_slice %arg6[%dma_wait3A_1701] : memref<1280xi32, #tpu.memory_space<vmem>> -> memref<32xi32, #tpu.memory_space<vmem>>
    %dma_wait3A_1703 = arith.constant 0 : i32
    %dma_wait3A_1704 = arith.constant 0 : i32
    %dma_wait3A_1705 = tpu.memref_slice %arg3[%dma_wait3A_1703, %dma_wait3A_1704] : memref<10000x768xf32, #tpu.memory_space<hbm>> -> memref<10000x768xf32, #tpu.memory_space<hbm>>
    tpu.wait_indirect_dma semaphore(%arg8 : memref<!tpu.dma_semaphore, #tpu.memory_space<semaphore_mem>>) src(%dma_wait3A_1705 : memref<10000x768xf32, #tpu.memory_space<hbm>>) dst(%dma_wait3A_1700 : memref<32x768xf32, #tpu.memory_space<vmem>>)
    %add3A_1706 = arith.constant 16384 : i32
    %add3A_1707 = arith.addi %add3A_1706, %mul3A_2 : i32
    %add3A_1708 = arith.constant 96 : i32
    %add3A_1709 = arith.addi %add3A_1707, %add3A_1708 : i32
    %dma_start3A_1710 = arith.constant 4 : i32
    %dma_start3A_1711 = arith.constant 0 : i32
    %dma_start3A_1712 = arith.constant 0 : i32
    %dma_start3A_1713 = tpu.memref_slice %arg7[%dma_start3A_1710, %dma_start3A_1711, %dma_start3A_1712] : memref<5x32x768xf32, #tpu.memory_space<vmem>> -> memref<1x32x768xf32, #tpu.memory_space<vmem>>
    %dma_start3A_1714 = tpu.memref_squeeze %dma_start3A_1713 : memref<1x32x768xf32, #tpu.memory_space<vmem>> -> memref<32x768xf32, #tpu.memory_space<vmem>>
    %dma_start3A_1715 = arith.constant 0 : i32
    %dma_start3A_1716 = tpu.memref_slice %arg4[%add3A_1709, %dma_start3A_1715] : memref<40960x768xf32, #tpu.memory_space<hbm>> -> memref<32x768xf32, #tpu.memory_space<hbm>>
    %dma_start3A_1717 = arith.constant 0 : i32
    %dma_start3A_1718 = tpu.memref_slice %arg4[%add3A_1709, %dma_start3A_1717] : memref<40960x768xf32, #tpu.memory_space<hbm>> -> memref<32x768xf32, #tpu.memory_space<hbm>>
    %dma_start3A_1719 = arith.constant 0 : i32
    %dma_start3A_1720 = arith.constant 0 : i32
    %dma_start3A_1721 = tpu.memref_slice %arg7[%dma_start3A_1710, %dma_start3A_1719, %dma_start3A_1720] : memref<5x32x768xf32, #tpu.memory_space<vmem>> -> memref<1x32x768xf32, #tpu.memory_space<vmem>>
    %dma_start3A_1722 = tpu.memref_squeeze %dma_start3A_1721 : memref<1x32x768xf32, #tpu.memory_space<vmem>> -> memref<32x768xf32, #tpu.memory_space<vmem>>
    tpu.enqueue_dma source(%dma_start3A_1722 : memref<32x768xf32, #tpu.memory_space<vmem>>) target(%dma_start3A_1718 : memref<32x768xf32, #tpu.memory_space<hbm>>) target_semaphore(%arg9 : memref<!tpu.dma_semaphore, #tpu.memory_space<semaphore_mem>>)
    %dma_wait3A_1723 = arith.constant 3 : i32
    %dma_wait3A_1724 = arith.constant 0 : i32
    %dma_wait3A_1725 = arith.constant 0 : i32
    %dma_wait3A_1726 = tpu.memref_slice %arg7[%dma_wait3A_1723, %dma_wait3A_1724, %dma_wait3A_1725] : memref<5x32x768xf32, #tpu.memory_space<vmem>> -> memref<1x32x768xf32, #tpu.memory_space<vmem>>
    %dma_wait3A_1727 = tpu.memref_squeeze %dma_wait3A_1726 : memref<1x32x768xf32, #tpu.memory_space<vmem>> -> memref<32x768xf32, #tpu.memory_space<vmem>>
    %dma_wait3A_1728 = arith.constant 0 : i32
    %dma_wait3A_1729 = tpu.memref_slice %arg4[%add3A_1659, %dma_wait3A_1728] : memref<40960x768xf32, #tpu.memory_space<hbm>> -> memref<32x768xf32, #tpu.memory_space<hbm>>
    %dma_wait3A_1730 = arith.constant 0 : i32
    %dma_wait3A_1731 = tpu.memref_slice %arg4[%add3A_1659, %dma_wait3A_1730] : memref<40960x768xf32, #tpu.memory_space<hbm>> -> memref<32x768xf32, #tpu.memory_space<hbm>>
    %dma_wait3A_1732 = arith.constant 0 : i32
    %dma_wait3A_1733 = arith.constant 0 : i32
    %dma_wait3A_1734 = tpu.memref_slice %arg7[%dma_wait3A_1723, %dma_wait3A_1732, %dma_wait3A_1733] : memref<5x32x768xf32, #tpu.memory_space<vmem>> -> memref<1x32x768xf32, #tpu.memory_space<vmem>>
    %dma_wait3A_1735 = tpu.memref_squeeze %dma_wait3A_1734 : memref<1x32x768xf32, #tpu.memory_space<vmem>> -> memref<32x768xf32, #tpu.memory_space<vmem>>
    tpu.wait_dma2 semaphore(%arg9 : memref<!tpu.dma_semaphore, #tpu.memory_space<semaphore_mem>>) src(%dma_wait3A_1735 : memref<32x768xf32, #tpu.memory_space<vmem>>) dst(%dma_wait3A_1731 : memref<32x768xf32, #tpu.memory_space<hbm>>)
    %dma_start3A_1736 = arith.constant 3 : i32
    %dma_start3A_1737 = arith.constant 0 : i32
    %dma_start3A_1738 = arith.constant 0 : i32
    %dma_start3A_1739 = tpu.memref_slice %arg7[%dma_start3A_1736, %dma_start3A_1737, %dma_start3A_1738] : memref<5x32x768xf32, #tpu.memory_space<vmem>> -> memref<1x32x768xf32, #tpu.memory_space<vmem>>
    %dma_start3A_1740 = tpu.memref_squeeze %dma_start3A_1739 : memref<1x32x768xf32, #tpu.memory_space<vmem>> -> memref<32x768xf32, #tpu.memory_space<vmem>>
    %dma_start3A_1741 = arith.constant 736 : i32
    %dma_start3A_1742 = tpu.memref_slice %arg6[%dma_start3A_1741] : memref<1280xi32, #tpu.memory_space<vmem>> -> memref<32xi32, #tpu.memory_space<vmem>>
    %dma_start3A_1743 = arith.constant 0 : i32
    %dma_start3A_1744 = arith.constant 0 : i32
    %dma_start3A_1745 = tpu.memref_slice %arg3[%dma_start3A_1743, %dma_start3A_1744] : memref<10000x768xf32, #tpu.memory_space<hbm>> -> memref<10000x768xf32, #tpu.memory_space<hbm>>
    tpu.enqueue_indirect_dma source(%dma_start3A_1745 : memref<10000x768xf32, #tpu.memory_space<hbm>>) target(%dma_start3A_1740 : memref<32x768xf32, #tpu.memory_space<vmem>>) offsets(%dma_start3A_1742 : memref<32xi32, #tpu.memory_space<vmem>>) semaphore(%arg8 : memref<!tpu.dma_semaphore, #tpu.memory_space<semaphore_mem>>)
    %dma_wait3A_1746 = arith.constant 0 : i32
    %dma_wait3A_1747 = arith.constant 0 : i32
    %dma_wait3A_1748 = arith.constant 0 : i32
    %dma_wait3A_1749 = tpu.memref_slice %arg7[%dma_wait3A_1746, %dma_wait3A_1747, %dma_wait3A_1748] : memref<5x32x768xf32, #tpu.memory_space<vmem>> -> memref<1x32x768xf32, #tpu.memory_space<vmem>>
    %dma_wait3A_1750 = tpu.memref_squeeze %dma_wait3A_1749 : memref<1x32x768xf32, #tpu.memory_space<vmem>> -> memref<32x768xf32, #tpu.memory_space<vmem>>
    %dma_wait3A_1751 = arith.constant 640 : i32
    %dma_wait3A_1752 = tpu.memref_slice %arg6[%dma_wait3A_1751] : memref<1280xi32, #tpu.memory_space<vmem>> -> memref<32xi32, #tpu.memory_space<vmem>>
    %dma_wait3A_1753 = arith.constant 0 : i32
    %dma_wait3A_1754 = arith.constant 0 : i32
    %dma_wait3A_1755 = tpu.memref_slice %arg3[%dma_wait3A_1753, %dma_wait3A_1754] : memref<10000x768xf32, #tpu.memory_space<hbm>> -> memref<10000x768xf32, #tpu.memory_space<hbm>>
    tpu.wait_indirect_dma semaphore(%arg8 : memref<!tpu.dma_semaphore, #tpu.memory_space<semaphore_mem>>) src(%dma_wait3A_1755 : memref<10000x768xf32, #tpu.memory_space<hbm>>) dst(%dma_wait3A_1750 : memref<32x768xf32, #tpu.memory_space<vmem>>)
    %add3A_1756 = arith.constant 20480 : i32
    %add3A_1757 = arith.addi %add3A_1756, %mul3A_2 : i32
    %add3A_1758 = arith.constant 0 : i32
    %add3A_1759 = arith.addi %add3A_1757, %add3A_1758 : i32
    %dma_start3A_1760 = arith.constant 0 : i32
    %dma_start3A_1761 = arith.constant 0 : i32
    %dma_start3A_1762 = arith.constant 0 : i32
    %dma_start3A_1763 = tpu.memref_slice %arg7[%dma_start3A_1760, %dma_start3A_1761, %dma_start3A_1762] : memref<5x32x768xf32, #tpu.memory_space<vmem>> -> memref<1x32x768xf32, #tpu.memory_space<vmem>>
    %dma_start3A_1764 = tpu.memref_squeeze %dma_start3A_1763 : memref<1x32x768xf32, #tpu.memory_space<vmem>> -> memref<32x768xf32, #tpu.memory_space<vmem>>
    %dma_start3A_1765 = arith.constant 0 : i32
    %dma_start3A_1766 = tpu.memref_slice %arg4[%add3A_1759, %dma_start3A_1765] : memref<40960x768xf32, #tpu.memory_space<hbm>> -> memref<32x768xf32, #tpu.memory_space<hbm>>
    %dma_start3A_1767 = arith.constant 0 : i32
    %dma_start3A_1768 = tpu.memref_slice %arg4[%add3A_1759, %dma_start3A_1767] : memref<40960x768xf32, #tpu.memory_space<hbm>> -> memref<32x768xf32, #tpu.memory_space<hbm>>
    %dma_start3A_1769 = arith.constant 0 : i32
    %dma_start3A_1770 = arith.constant 0 : i32
    %dma_start3A_1771 = tpu.memref_slice %arg7[%dma_start3A_1760, %dma_start3A_1769, %dma_start3A_1770] : memref<5x32x768xf32, #tpu.memory_space<vmem>> -> memref<1x32x768xf32, #tpu.memory_space<vmem>>
    %dma_start3A_1772 = tpu.memref_squeeze %dma_start3A_1771 : memref<1x32x768xf32, #tpu.memory_space<vmem>> -> memref<32x768xf32, #tpu.memory_space<vmem>>
    tpu.enqueue_dma source(%dma_start3A_1772 : memref<32x768xf32, #tpu.memory_space<vmem>>) target(%dma_start3A_1768 : memref<32x768xf32, #tpu.memory_space<hbm>>) target_semaphore(%arg9 : memref<!tpu.dma_semaphore, #tpu.memory_space<semaphore_mem>>)
    %dma_wait3A_1773 = arith.constant 4 : i32
    %dma_wait3A_1774 = arith.constant 0 : i32
    %dma_wait3A_1775 = arith.constant 0 : i32
    %dma_wait3A_1776 = tpu.memref_slice %arg7[%dma_wait3A_1773, %dma_wait3A_1774, %dma_wait3A_1775] : memref<5x32x768xf32, #tpu.memory_space<vmem>> -> memref<1x32x768xf32, #tpu.memory_space<vmem>>
    %dma_wait3A_1777 = tpu.memref_squeeze %dma_wait3A_1776 : memref<1x32x768xf32, #tpu.memory_space<vmem>> -> memref<32x768xf32, #tpu.memory_space<vmem>>
    %dma_wait3A_1778 = arith.constant 0 : i32
    %dma_wait3A_1779 = tpu.memref_slice %arg4[%add3A_1709, %dma_wait3A_1778] : memref<40960x768xf32, #tpu.memory_space<hbm>> -> memref<32x768xf32, #tpu.memory_space<hbm>>
    %dma_wait3A_1780 = arith.constant 0 : i32
    %dma_wait3A_1781 = tpu.memref_slice %arg4[%add3A_1709, %dma_wait3A_1780] : memref<40960x768xf32, #tpu.memory_space<hbm>> -> memref<32x768xf32, #tpu.memory_space<hbm>>
    %dma_wait3A_1782 = arith.constant 0 : i32
    %dma_wait3A_1783 = arith.constant 0 : i32
    %dma_wait3A_1784 = tpu.memref_slice %arg7[%dma_wait3A_1773, %dma_wait3A_1782, %dma_wait3A_1783] : memref<5x32x768xf32, #tpu.memory_space<vmem>> -> memref<1x32x768xf32, #tpu.memory_space<vmem>>
    %dma_wait3A_1785 = tpu.memref_squeeze %dma_wait3A_1784 : memref<1x32x768xf32, #tpu.memory_space<vmem>> -> memref<32x768xf32, #tpu.memory_space<vmem>>
    tpu.wait_dma2 semaphore(%arg9 : memref<!tpu.dma_semaphore, #tpu.memory_space<semaphore_mem>>) src(%dma_wait3A_1785 : memref<32x768xf32, #tpu.memory_space<vmem>>) dst(%dma_wait3A_1781 : memref<32x768xf32, #tpu.memory_space<hbm>>)
    %dma_start3A_1786 = arith.constant 4 : i32
    %dma_start3A_1787 = arith.constant 0 : i32
    %dma_start3A_1788 = arith.constant 0 : i32
    %dma_start3A_1789 = tpu.memref_slice %arg7[%dma_start3A_1786, %dma_start3A_1787, %dma_start3A_1788] : memref<5x32x768xf32, #tpu.memory_space<vmem>> -> memref<1x32x768xf32, #tpu.memory_space<vmem>>
    %dma_start3A_1790 = tpu.memref_squeeze %dma_start3A_1789 : memref<1x32x768xf32, #tpu.memory_space<vmem>> -> memref<32x768xf32, #tpu.memory_space<vmem>>
    %dma_start3A_1791 = arith.constant 768 : i32
    %dma_start3A_1792 = tpu.memref_slice %arg6[%dma_start3A_1791] : memref<1280xi32, #tpu.memory_space<vmem>> -> memref<32xi32, #tpu.memory_space<vmem>>
    %dma_start3A_1793 = arith.constant 0 : i32
    %dma_start3A_1794 = arith.constant 0 : i32
    %dma_start3A_1795 = tpu.memref_slice %arg3[%dma_start3A_1793, %dma_start3A_1794] : memref<10000x768xf32, #tpu.memory_space<hbm>> -> memref<10000x768xf32, #tpu.memory_space<hbm>>
    tpu.enqueue_indirect_dma source(%dma_start3A_1795 : memref<10000x768xf32, #tpu.memory_space<hbm>>) target(%dma_start3A_1790 : memref<32x768xf32, #tpu.memory_space<vmem>>) offsets(%dma_start3A_1792 : memref<32xi32, #tpu.memory_space<vmem>>) semaphore(%arg8 : memref<!tpu.dma_semaphore, #tpu.memory_space<semaphore_mem>>)
    %dma_wait3A_1796 = arith.constant 1 : i32
    %dma_wait3A_1797 = arith.constant 0 : i32
    %dma_wait3A_1798 = arith.constant 0 : i32
    %dma_wait3A_1799 = tpu.memref_slice %arg7[%dma_wait3A_1796, %dma_wait3A_1797, %dma_wait3A_1798] : memref<5x32x768xf32, #tpu.memory_space<vmem>> -> memref<1x32x768xf32, #tpu.memory_space<vmem>>
    %dma_wait3A_1800 = tpu.memref_squeeze %dma_wait3A_1799 : memref<1x32x768xf32, #tpu.memory_space<vmem>> -> memref<32x768xf32, #tpu.memory_space<vmem>>
    %dma_wait3A_1801 = arith.constant 672 : i32
    %dma_wait3A_1802 = tpu.memref_slice %arg6[%dma_wait3A_1801] : memref<1280xi32, #tpu.memory_space<vmem>> -> memref<32xi32, #tpu.memory_space<vmem>>
    %dma_wait3A_1803 = arith.constant 0 : i32
    %dma_wait3A_1804 = arith.constant 0 : i32
    %dma_wait3A_1805 = tpu.memref_slice %arg3[%dma_wait3A_1803, %dma_wait3A_1804] : memref<10000x768xf32, #tpu.memory_space<hbm>> -> memref<10000x768xf32, #tpu.memory_space<hbm>>
    tpu.wait_indirect_dma semaphore(%arg8 : memref<!tpu.dma_semaphore, #tpu.memory_space<semaphore_mem>>) src(%dma_wait3A_1805 : memref<10000x768xf32, #tpu.memory_space<hbm>>) dst(%dma_wait3A_1800 : memref<32x768xf32, #tpu.memory_space<vmem>>)
    %add3A_1806 = arith.constant 20480 : i32
    %add3A_1807 = arith.addi %add3A_1806, %mul3A_2 : i32
    %add3A_1808 = arith.constant 32 : i32
    %add3A_1809 = arith.addi %add3A_1807, %add3A_1808 : i32
    %dma_start3A_1810 = arith.constant 1 : i32
    %dma_start3A_1811 = arith.constant 0 : i32
    %dma_start3A_1812 = arith.constant 0 : i32
    %dma_start3A_1813 = tpu.memref_slice %arg7[%dma_start3A_1810, %dma_start3A_1811, %dma_start3A_1812] : memref<5x32x768xf32, #tpu.memory_space<vmem>> -> memref<1x32x768xf32, #tpu.memory_space<vmem>>
    %dma_start3A_1814 = tpu.memref_squeeze %dma_start3A_1813 : memref<1x32x768xf32, #tpu.memory_space<vmem>> -> memref<32x768xf32, #tpu.memory_space<vmem>>
    %dma_start3A_1815 = arith.constant 0 : i32
    %dma_start3A_1816 = tpu.memref_slice %arg4[%add3A_1809, %dma_start3A_1815] : memref<40960x768xf32, #tpu.memory_space<hbm>> -> memref<32x768xf32, #tpu.memory_space<hbm>>
    %dma_start3A_1817 = arith.constant 0 : i32
    %dma_start3A_1818 = tpu.memref_slice %arg4[%add3A_1809, %dma_start3A_1817] : memref<40960x768xf32, #tpu.memory_space<hbm>> -> memref<32x768xf32, #tpu.memory_space<hbm>>
    %dma_start3A_1819 = arith.constant 0 : i32
    %dma_start3A_1820 = arith.constant 0 : i32
    %dma_start3A_1821 = tpu.memref_slice %arg7[%dma_start3A_1810, %dma_start3A_1819, %dma_start3A_1820] : memref<5x32x768xf32, #tpu.memory_space<vmem>> -> memref<1x32x768xf32, #tpu.memory_space<vmem>>
    %dma_start3A_1822 = tpu.memref_squeeze %dma_start3A_1821 : memref<1x32x768xf32, #tpu.memory_space<vmem>> -> memref<32x768xf32, #tpu.memory_space<vmem>>
    tpu.enqueue_dma source(%dma_start3A_1822 : memref<32x768xf32, #tpu.memory_space<vmem>>) target(%dma_start3A_1818 : memref<32x768xf32, #tpu.memory_space<hbm>>) target_semaphore(%arg9 : memref<!tpu.dma_semaphore, #tpu.memory_space<semaphore_mem>>)
    %dma_wait3A_1823 = arith.constant 0 : i32
    %dma_wait3A_1824 = arith.constant 0 : i32
    %dma_wait3A_1825 = arith.constant 0 : i32
    %dma_wait3A_1826 = tpu.memref_slice %arg7[%dma_wait3A_1823, %dma_wait3A_1824, %dma_wait3A_1825] : memref<5x32x768xf32, #tpu.memory_space<vmem>> -> memref<1x32x768xf32, #tpu.memory_space<vmem>>
    %dma_wait3A_1827 = tpu.memref_squeeze %dma_wait3A_1826 : memref<1x32x768xf32, #tpu.memory_space<vmem>> -> memref<32x768xf32, #tpu.memory_space<vmem>>
    %dma_wait3A_1828 = arith.constant 0 : i32
    %dma_wait3A_1829 = tpu.memref_slice %arg4[%add3A_1759, %dma_wait3A_1828] : memref<40960x768xf32, #tpu.memory_space<hbm>> -> memref<32x768xf32, #tpu.memory_space<hbm>>
    %dma_wait3A_1830 = arith.constant 0 : i32
    %dma_wait3A_1831 = tpu.memref_slice %arg4[%add3A_1759, %dma_wait3A_1830] : memref<40960x768xf32, #tpu.memory_space<hbm>> -> memref<32x768xf32, #tpu.memory_space<hbm>>
    %dma_wait3A_1832 = arith.constant 0 : i32
    %dma_wait3A_1833 = arith.constant 0 : i32
    %dma_wait3A_1834 = tpu.memref_slice %arg7[%dma_wait3A_1823, %dma_wait3A_1832, %dma_wait3A_1833] : memref<5x32x768xf32, #tpu.memory_space<vmem>> -> memref<1x32x768xf32, #tpu.memory_space<vmem>>
    %dma_wait3A_1835 = tpu.memref_squeeze %dma_wait3A_1834 : memref<1x32x768xf32, #tpu.memory_space<vmem>> -> memref<32x768xf32, #tpu.memory_space<vmem>>
    tpu.wait_dma2 semaphore(%arg9 : memref<!tpu.dma_semaphore, #tpu.memory_space<semaphore_mem>>) src(%dma_wait3A_1835 : memref<32x768xf32, #tpu.memory_space<vmem>>) dst(%dma_wait3A_1831 : memref<32x768xf32, #tpu.memory_space<hbm>>)
    %dma_start3A_1836 = arith.constant 0 : i32
    %dma_start3A_1837 = arith.constant 0 : i32
    %dma_start3A_1838 = arith.constant 0 : i32
    %dma_start3A_1839 = tpu.memref_slice %arg7[%dma_start3A_1836, %dma_start3A_1837, %dma_start3A_1838] : memref<5x32x768xf32, #tpu.memory_space<vmem>> -> memref<1x32x768xf32, #tpu.memory_space<vmem>>
    %dma_start3A_1840 = tpu.memref_squeeze %dma_start3A_1839 : memref<1x32x768xf32, #tpu.memory_space<vmem>> -> memref<32x768xf32, #tpu.memory_space<vmem>>
    %dma_start3A_1841 = arith.constant 800 : i32
    %dma_start3A_1842 = tpu.memref_slice %arg6[%dma_start3A_1841] : memref<1280xi32, #tpu.memory_space<vmem>> -> memref<32xi32, #tpu.memory_space<vmem>>
    %dma_start3A_1843 = arith.constant 0 : i32
    %dma_start3A_1844 = arith.constant 0 : i32
    %dma_start3A_1845 = tpu.memref_slice %arg3[%dma_start3A_1843, %dma_start3A_1844] : memref<10000x768xf32, #tpu.memory_space<hbm>> -> memref<10000x768xf32, #tpu.memory_space<hbm>>
    tpu.enqueue_indirect_dma source(%dma_start3A_1845 : memref<10000x768xf32, #tpu.memory_space<hbm>>) target(%dma_start3A_1840 : memref<32x768xf32, #tpu.memory_space<vmem>>) offsets(%dma_start3A_1842 : memref<32xi32, #tpu.memory_space<vmem>>) semaphore(%arg8 : memref<!tpu.dma_semaphore, #tpu.memory_space<semaphore_mem>>)
    %dma_wait3A_1846 = arith.constant 2 : i32
    %dma_wait3A_1847 = arith.constant 0 : i32
    %dma_wait3A_1848 = arith.constant 0 : i32
    %dma_wait3A_1849 = tpu.memref_slice %arg7[%dma_wait3A_1846, %dma_wait3A_1847, %dma_wait3A_1848] : memref<5x32x768xf32, #tpu.memory_space<vmem>> -> memref<1x32x768xf32, #tpu.memory_space<vmem>>
    %dma_wait3A_1850 = tpu.memref_squeeze %dma_wait3A_1849 : memref<1x32x768xf32, #tpu.memory_space<vmem>> -> memref<32x768xf32, #tpu.memory_space<vmem>>
    %dma_wait3A_1851 = arith.constant 704 : i32
    %dma_wait3A_1852 = tpu.memref_slice %arg6[%dma_wait3A_1851] : memref<1280xi32, #tpu.memory_space<vmem>> -> memref<32xi32, #tpu.memory_space<vmem>>
    %dma_wait3A_1853 = arith.constant 0 : i32
    %dma_wait3A_1854 = arith.constant 0 : i32
    %dma_wait3A_1855 = tpu.memref_slice %arg3[%dma_wait3A_1853, %dma_wait3A_1854] : memref<10000x768xf32, #tpu.memory_space<hbm>> -> memref<10000x768xf32, #tpu.memory_space<hbm>>
    tpu.wait_indirect_dma semaphore(%arg8 : memref<!tpu.dma_semaphore, #tpu.memory_space<semaphore_mem>>) src(%dma_wait3A_1855 : memref<10000x768xf32, #tpu.memory_space<hbm>>) dst(%dma_wait3A_1850 : memref<32x768xf32, #tpu.memory_space<vmem>>)
    %add3A_1856 = arith.constant 20480 : i32
    %add3A_1857 = arith.addi %add3A_1856, %mul3A_2 : i32
    %add3A_1858 = arith.constant 64 : i32
    %add3A_1859 = arith.addi %add3A_1857, %add3A_1858 : i32
    %dma_start3A_1860 = arith.constant 2 : i32
    %dma_start3A_1861 = arith.constant 0 : i32
    %dma_start3A_1862 = arith.constant 0 : i32
    %dma_start3A_1863 = tpu.memref_slice %arg7[%dma_start3A_1860, %dma_start3A_1861, %dma_start3A_1862] : memref<5x32x768xf32, #tpu.memory_space<vmem>> -> memref<1x32x768xf32, #tpu.memory_space<vmem>>
    %dma_start3A_1864 = tpu.memref_squeeze %dma_start3A_1863 : memref<1x32x768xf32, #tpu.memory_space<vmem>> -> memref<32x768xf32, #tpu.memory_space<vmem>>
    %dma_start3A_1865 = arith.constant 0 : i32
    %dma_start3A_1866 = tpu.memref_slice %arg4[%add3A_1859, %dma_start3A_1865] : memref<40960x768xf32, #tpu.memory_space<hbm>> -> memref<32x768xf32, #tpu.memory_space<hbm>>
    %dma_start3A_1867 = arith.constant 0 : i32
    %dma_start3A_1868 = tpu.memref_slice %arg4[%add3A_1859, %dma_start3A_1867] : memref<40960x768xf32, #tpu.memory_space<hbm>> -> memref<32x768xf32, #tpu.memory_space<hbm>>
    %dma_start3A_1869 = arith.constant 0 : i32
    %dma_start3A_1870 = arith.constant 0 : i32
    %dma_start3A_1871 = tpu.memref_slice %arg7[%dma_start3A_1860, %dma_start3A_1869, %dma_start3A_1870] : memref<5x32x768xf32, #tpu.memory_space<vmem>> -> memref<1x32x768xf32, #tpu.memory_space<vmem>>
    %dma_start3A_1872 = tpu.memref_squeeze %dma_start3A_1871 : memref<1x32x768xf32, #tpu.memory_space<vmem>> -> memref<32x768xf32, #tpu.memory_space<vmem>>
    tpu.enqueue_dma source(%dma_start3A_1872 : memref<32x768xf32, #tpu.memory_space<vmem>>) target(%dma_start3A_1868 : memref<32x768xf32, #tpu.memory_space<hbm>>) target_semaphore(%arg9 : memref<!tpu.dma_semaphore, #tpu.memory_space<semaphore_mem>>)
    %dma_wait3A_1873 = arith.constant 1 : i32
    %dma_wait3A_1874 = arith.constant 0 : i32
    %dma_wait3A_1875 = arith.constant 0 : i32
    %dma_wait3A_1876 = tpu.memref_slice %arg7[%dma_wait3A_1873, %dma_wait3A_1874, %dma_wait3A_1875] : memref<5x32x768xf32, #tpu.memory_space<vmem>> -> memref<1x32x768xf32, #tpu.memory_space<vmem>>
    %dma_wait3A_1877 = tpu.memref_squeeze %dma_wait3A_1876 : memref<1x32x768xf32, #tpu.memory_space<vmem>> -> memref<32x768xf32, #tpu.memory_space<vmem>>
    %dma_wait3A_1878 = arith.constant 0 : i32
    %dma_wait3A_1879 = tpu.memref_slice %arg4[%add3A_1809, %dma_wait3A_1878] : memref<40960x768xf32, #tpu.memory_space<hbm>> -> memref<32x768xf32, #tpu.memory_space<hbm>>
    %dma_wait3A_1880 = arith.constant 0 : i32
    %dma_wait3A_1881 = tpu.memref_slice %arg4[%add3A_1809, %dma_wait3A_1880] : memref<40960x768xf32, #tpu.memory_space<hbm>> -> memref<32x768xf32, #tpu.memory_space<hbm>>
    %dma_wait3A_1882 = arith.constant 0 : i32
    %dma_wait3A_1883 = arith.constant 0 : i32
    %dma_wait3A_1884 = tpu.memref_slice %arg7[%dma_wait3A_1873, %dma_wait3A_1882, %dma_wait3A_1883] : memref<5x32x768xf32, #tpu.memory_space<vmem>> -> memref<1x32x768xf32, #tpu.memory_space<vmem>>
    %dma_wait3A_1885 = tpu.memref_squeeze %dma_wait3A_1884 : memref<1x32x768xf32, #tpu.memory_space<vmem>> -> memref<32x768xf32, #tpu.memory_space<vmem>>
    tpu.wait_dma2 semaphore(%arg9 : memref<!tpu.dma_semaphore, #tpu.memory_space<semaphore_mem>>) src(%dma_wait3A_1885 : memref<32x768xf32, #tpu.memory_space<vmem>>) dst(%dma_wait3A_1881 : memref<32x768xf32, #tpu.memory_space<hbm>>)
    %dma_start3A_1886 = arith.constant 1 : i32
    %dma_start3A_1887 = arith.constant 0 : i32
    %dma_start3A_1888 = arith.constant 0 : i32
    %dma_start3A_1889 = tpu.memref_slice %arg7[%dma_start3A_1886, %dma_start3A_1887, %dma_start3A_1888] : memref<5x32x768xf32, #tpu.memory_space<vmem>> -> memref<1x32x768xf32, #tpu.memory_space<vmem>>
    %dma_start3A_1890 = tpu.memref_squeeze %dma_start3A_1889 : memref<1x32x768xf32, #tpu.memory_space<vmem>> -> memref<32x768xf32, #tpu.memory_space<vmem>>
    %dma_start3A_1891 = arith.constant 832 : i32
    %dma_start3A_1892 = tpu.memref_slice %arg6[%dma_start3A_1891] : memref<1280xi32, #tpu.memory_space<vmem>> -> memref<32xi32, #tpu.memory_space<vmem>>
    %dma_start3A_1893 = arith.constant 0 : i32
    %dma_start3A_1894 = arith.constant 0 : i32
    %dma_start3A_1895 = tpu.memref_slice %arg3[%dma_start3A_1893, %dma_start3A_1894] : memref<10000x768xf32, #tpu.memory_space<hbm>> -> memref<10000x768xf32, #tpu.memory_space<hbm>>
    tpu.enqueue_indirect_dma source(%dma_start3A_1895 : memref<10000x768xf32, #tpu.memory_space<hbm>>) target(%dma_start3A_1890 : memref<32x768xf32, #tpu.memory_space<vmem>>) offsets(%dma_start3A_1892 : memref<32xi32, #tpu.memory_space<vmem>>) semaphore(%arg8 : memref<!tpu.dma_semaphore, #tpu.memory_space<semaphore_mem>>)
    %dma_wait3A_1896 = arith.constant 3 : i32
    %dma_wait3A_1897 = arith.constant 0 : i32
    %dma_wait3A_1898 = arith.constant 0 : i32
    %dma_wait3A_1899 = tpu.memref_slice %arg7[%dma_wait3A_1896, %dma_wait3A_1897, %dma_wait3A_1898] : memref<5x32x768xf32, #tpu.memory_space<vmem>> -> memref<1x32x768xf32, #tpu.memory_space<vmem>>
    %dma_wait3A_1900 = tpu.memref_squeeze %dma_wait3A_1899 : memref<1x32x768xf32, #tpu.memory_space<vmem>> -> memref<32x768xf32, #tpu.memory_space<vmem>>
    %dma_wait3A_1901 = arith.constant 736 : i32
    %dma_wait3A_1902 = tpu.memref_slice %arg6[%dma_wait3A_1901] : memref<1280xi32, #tpu.memory_space<vmem>> -> memref<32xi32, #tpu.memory_space<vmem>>
    %dma_wait3A_1903 = arith.constant 0 : i32
    %dma_wait3A_1904 = arith.constant 0 : i32
    %dma_wait3A_1905 = tpu.memref_slice %arg3[%dma_wait3A_1903, %dma_wait3A_1904] : memref<10000x768xf32, #tpu.memory_space<hbm>> -> memref<10000x768xf32, #tpu.memory_space<hbm>>
    tpu.wait_indirect_dma semaphore(%arg8 : memref<!tpu.dma_semaphore, #tpu.memory_space<semaphore_mem>>) src(%dma_wait3A_1905 : memref<10000x768xf32, #tpu.memory_space<hbm>>) dst(%dma_wait3A_1900 : memref<32x768xf32, #tpu.memory_space<vmem>>)
    %add3A_1906 = arith.constant 20480 : i32
    %add3A_1907 = arith.addi %add3A_1906, %mul3A_2 : i32
    %add3A_1908 = arith.constant 96 : i32
    %add3A_1909 = arith.addi %add3A_1907, %add3A_1908 : i32
    %dma_start3A_1910 = arith.constant 3 : i32
    %dma_start3A_1911 = arith.constant 0 : i32
    %dma_start3A_1912 = arith.constant 0 : i32
    %dma_start3A_1913 = tpu.memref_slice %arg7[%dma_start3A_1910, %dma_start3A_1911, %dma_start3A_1912] : memref<5x32x768xf32, #tpu.memory_space<vmem>> -> memref<1x32x768xf32, #tpu.memory_space<vmem>>
    %dma_start3A_1914 = tpu.memref_squeeze %dma_start3A_1913 : memref<1x32x768xf32, #tpu.memory_space<vmem>> -> memref<32x768xf32, #tpu.memory_space<vmem>>
    %dma_start3A_1915 = arith.constant 0 : i32
    %dma_start3A_1916 = tpu.memref_slice %arg4[%add3A_1909, %dma_start3A_1915] : memref<40960x768xf32, #tpu.memory_space<hbm>> -> memref<32x768xf32, #tpu.memory_space<hbm>>
    %dma_start3A_1917 = arith.constant 0 : i32
    %dma_start3A_1918 = tpu.memref_slice %arg4[%add3A_1909, %dma_start3A_1917] : memref<40960x768xf32, #tpu.memory_space<hbm>> -> memref<32x768xf32, #tpu.memory_space<hbm>>
    %dma_start3A_1919 = arith.constant 0 : i32
    %dma_start3A_1920 = arith.constant 0 : i32
    %dma_start3A_1921 = tpu.memref_slice %arg7[%dma_start3A_1910, %dma_start3A_1919, %dma_start3A_1920] : memref<5x32x768xf32, #tpu.memory_space<vmem>> -> memref<1x32x768xf32, #tpu.memory_space<vmem>>
    %dma_start3A_1922 = tpu.memref_squeeze %dma_start3A_1921 : memref<1x32x768xf32, #tpu.memory_space<vmem>> -> memref<32x768xf32, #tpu.memory_space<vmem>>
    tpu.enqueue_dma source(%dma_start3A_1922 : memref<32x768xf32, #tpu.memory_space<vmem>>) target(%dma_start3A_1918 : memref<32x768xf32, #tpu.memory_space<hbm>>) target_semaphore(%arg9 : memref<!tpu.dma_semaphore, #tpu.memory_space<semaphore_mem>>)
    %dma_wait3A_1923 = arith.constant 2 : i32
    %dma_wait3A_1924 = arith.constant 0 : i32
    %dma_wait3A_1925 = arith.constant 0 : i32
    %dma_wait3A_1926 = tpu.memref_slice %arg7[%dma_wait3A_1923, %dma_wait3A_1924, %dma_wait3A_1925] : memref<5x32x768xf32, #tpu.memory_space<vmem>> -> memref<1x32x768xf32, #tpu.memory_space<vmem>>
    %dma_wait3A_1927 = tpu.memref_squeeze %dma_wait3A_1926 : memref<1x32x768xf32, #tpu.memory_space<vmem>> -> memref<32x768xf32, #tpu.memory_space<vmem>>
    %dma_wait3A_1928 = arith.constant 0 : i32
    %dma_wait3A_1929 = tpu.memref_slice %arg4[%add3A_1859, %dma_wait3A_1928] : memref<40960x768xf32, #tpu.memory_space<hbm>> -> memref<32x768xf32, #tpu.memory_space<hbm>>
    %dma_wait3A_1930 = arith.constant 0 : i32
    %dma_wait3A_1931 = tpu.memref_slice %arg4[%add3A_1859, %dma_wait3A_1930] : memref<40960x768xf32, #tpu.memory_space<hbm>> -> memref<32x768xf32, #tpu.memory_space<hbm>>
    %dma_wait3A_1932 = arith.constant 0 : i32
    %dma_wait3A_1933 = arith.constant 0 : i32
    %dma_wait3A_1934 = tpu.memref_slice %arg7[%dma_wait3A_1923, %dma_wait3A_1932, %dma_wait3A_1933] : memref<5x32x768xf32, #tpu.memory_space<vmem>> -> memref<1x32x768xf32, #tpu.memory_space<vmem>>
    %dma_wait3A_1935 = tpu.memref_squeeze %dma_wait3A_1934 : memref<1x32x768xf32, #tpu.memory_space<vmem>> -> memref<32x768xf32, #tpu.memory_space<vmem>>
    tpu.wait_dma2 semaphore(%arg9 : memref<!tpu.dma_semaphore, #tpu.memory_space<semaphore_mem>>) src(%dma_wait3A_1935 : memref<32x768xf32, #tpu.memory_space<vmem>>) dst(%dma_wait3A_1931 : memref<32x768xf32, #tpu.memory_space<hbm>>)
    %dma_start3A_1936 = arith.constant 2 : i32
    %dma_start3A_1937 = arith.constant 0 : i32
    %dma_start3A_1938 = arith.constant 0 : i32
    %dma_start3A_1939 = tpu.memref_slice %arg7[%dma_start3A_1936, %dma_start3A_1937, %dma_start3A_1938] : memref<5x32x768xf32, #tpu.memory_space<vmem>> -> memref<1x32x768xf32, #tpu.memory_space<vmem>>
    %dma_start3A_1940 = tpu.memref_squeeze %dma_start3A_1939 : memref<1x32x768xf32, #tpu.memory_space<vmem>> -> memref<32x768xf32, #tpu.memory_space<vmem>>
    %dma_start3A_1941 = arith.constant 864 : i32
    %dma_start3A_1942 = tpu.memref_slice %arg6[%dma_start3A_1941] : memref<1280xi32, #tpu.memory_space<vmem>> -> memref<32xi32, #tpu.memory_space<vmem>>
    %dma_start3A_1943 = arith.constant 0 : i32
    %dma_start3A_1944 = arith.constant 0 : i32
    %dma_start3A_1945 = tpu.memref_slice %arg3[%dma_start3A_1943, %dma_start3A_1944] : memref<10000x768xf32, #tpu.memory_space<hbm>> -> memref<10000x768xf32, #tpu.memory_space<hbm>>
    tpu.enqueue_indirect_dma source(%dma_start3A_1945 : memref<10000x768xf32, #tpu.memory_space<hbm>>) target(%dma_start3A_1940 : memref<32x768xf32, #tpu.memory_space<vmem>>) offsets(%dma_start3A_1942 : memref<32xi32, #tpu.memory_space<vmem>>) semaphore(%arg8 : memref<!tpu.dma_semaphore, #tpu.memory_space<semaphore_mem>>)
    %dma_wait3A_1946 = arith.constant 4 : i32
    %dma_wait3A_1947 = arith.constant 0 : i32
    %dma_wait3A_1948 = arith.constant 0 : i32
    %dma_wait3A_1949 = tpu.memref_slice %arg7[%dma_wait3A_1946, %dma_wait3A_1947, %dma_wait3A_1948] : memref<5x32x768xf32, #tpu.memory_space<vmem>> -> memref<1x32x768xf32, #tpu.memory_space<vmem>>
    %dma_wait3A_1950 = tpu.memref_squeeze %dma_wait3A_1949 : memref<1x32x768xf32, #tpu.memory_space<vmem>> -> memref<32x768xf32, #tpu.memory_space<vmem>>
    %dma_wait3A_1951 = arith.constant 768 : i32
    %dma_wait3A_1952 = tpu.memref_slice %arg6[%dma_wait3A_1951] : memref<1280xi32, #tpu.memory_space<vmem>> -> memref<32xi32, #tpu.memory_space<vmem>>
    %dma_wait3A_1953 = arith.constant 0 : i32
    %dma_wait3A_1954 = arith.constant 0 : i32
    %dma_wait3A_1955 = tpu.memref_slice %arg3[%dma_wait3A_1953, %dma_wait3A_1954] : memref<10000x768xf32, #tpu.memory_space<hbm>> -> memref<10000x768xf32, #tpu.memory_space<hbm>>
    tpu.wait_indirect_dma semaphore(%arg8 : memref<!tpu.dma_semaphore, #tpu.memory_space<semaphore_mem>>) src(%dma_wait3A_1955 : memref<10000x768xf32, #tpu.memory_space<hbm>>) dst(%dma_wait3A_1950 : memref<32x768xf32, #tpu.memory_space<vmem>>)
    %add3A_1956 = arith.constant 24576 : i32
    %add3A_1957 = arith.addi %add3A_1956, %mul3A_2 : i32
    %add3A_1958 = arith.constant 0 : i32
    %add3A_1959 = arith.addi %add3A_1957, %add3A_1958 : i32
    %dma_start3A_1960 = arith.constant 4 : i32
    %dma_start3A_1961 = arith.constant 0 : i32
    %dma_start3A_1962 = arith.constant 0 : i32
    %dma_start3A_1963 = tpu.memref_slice %arg7[%dma_start3A_1960, %dma_start3A_1961, %dma_start3A_1962] : memref<5x32x768xf32, #tpu.memory_space<vmem>> -> memref<1x32x768xf32, #tpu.memory_space<vmem>>
    %dma_start3A_1964 = tpu.memref_squeeze %dma_start3A_1963 : memref<1x32x768xf32, #tpu.memory_space<vmem>> -> memref<32x768xf32, #tpu.memory_space<vmem>>
    %dma_start3A_1965 = arith.constant 0 : i32
    %dma_start3A_1966 = tpu.memref_slice %arg4[%add3A_1959, %dma_start3A_1965] : memref<40960x768xf32, #tpu.memory_space<hbm>> -> memref<32x768xf32, #tpu.memory_space<hbm>>
    %dma_start3A_1967 = arith.constant 0 : i32
    %dma_start3A_1968 = tpu.memref_slice %arg4[%add3A_1959, %dma_start3A_1967] : memref<40960x768xf32, #tpu.memory_space<hbm>> -> memref<32x768xf32, #tpu.memory_space<hbm>>
    %dma_start3A_1969 = arith.constant 0 : i32
    %dma_start3A_1970 = arith.constant 0 : i32
    %dma_start3A_1971 = tpu.memref_slice %arg7[%dma_start3A_1960, %dma_start3A_1969, %dma_start3A_1970] : memref<5x32x768xf32, #tpu.memory_space<vmem>> -> memref<1x32x768xf32, #tpu.memory_space<vmem>>
    %dma_start3A_1972 = tpu.memref_squeeze %dma_start3A_1971 : memref<1x32x768xf32, #tpu.memory_space<vmem>> -> memref<32x768xf32, #tpu.memory_space<vmem>>
    tpu.enqueue_dma source(%dma_start3A_1972 : memref<32x768xf32, #tpu.memory_space<vmem>>) target(%dma_start3A_1968 : memref<32x768xf32, #tpu.memory_space<hbm>>) target_semaphore(%arg9 : memref<!tpu.dma_semaphore, #tpu.memory_space<semaphore_mem>>)
    %dma_wait3A_1973 = arith.constant 3 : i32
    %dma_wait3A_1974 = arith.constant 0 : i32
    %dma_wait3A_1975 = arith.constant 0 : i32
    %dma_wait3A_1976 = tpu.memref_slice %arg7[%dma_wait3A_1973, %dma_wait3A_1974, %dma_wait3A_1975] : memref<5x32x768xf32, #tpu.memory_space<vmem>> -> memref<1x32x768xf32, #tpu.memory_space<vmem>>
    %dma_wait3A_1977 = tpu.memref_squeeze %dma_wait3A_1976 : memref<1x32x768xf32, #tpu.memory_space<vmem>> -> memref<32x768xf32, #tpu.memory_space<vmem>>
    %dma_wait3A_1978 = arith.constant 0 : i32
    %dma_wait3A_1979 = tpu.memref_slice %arg4[%add3A_1909, %dma_wait3A_1978] : memref<40960x768xf32, #tpu.memory_space<hbm>> -> memref<32x768xf32, #tpu.memory_space<hbm>>
    %dma_wait3A_1980 = arith.constant 0 : i32
    %dma_wait3A_1981 = tpu.memref_slice %arg4[%add3A_1909, %dma_wait3A_1980] : memref<40960x768xf32, #tpu.memory_space<hbm>> -> memref<32x768xf32, #tpu.memory_space<hbm>>
    %dma_wait3A_1982 = arith.constant 0 : i32
    %dma_wait3A_1983 = arith.constant 0 : i32
    %dma_wait3A_1984 = tpu.memref_slice %arg7[%dma_wait3A_1973, %dma_wait3A_1982, %dma_wait3A_1983] : memref<5x32x768xf32, #tpu.memory_space<vmem>> -> memref<1x32x768xf32, #tpu.memory_space<vmem>>
    %dma_wait3A_1985 = tpu.memref_squeeze %dma_wait3A_1984 : memref<1x32x768xf32, #tpu.memory_space<vmem>> -> memref<32x768xf32, #tpu.memory_space<vmem>>
    tpu.wait_dma2 semaphore(%arg9 : memref<!tpu.dma_semaphore, #tpu.memory_space<semaphore_mem>>) src(%dma_wait3A_1985 : memref<32x768xf32, #tpu.memory_space<vmem>>) dst(%dma_wait3A_1981 : memref<32x768xf32, #tpu.memory_space<hbm>>)
    %dma_start3A_1986 = arith.constant 3 : i32
    %dma_start3A_1987 = arith.constant 0 : i32
    %dma_start3A_1988 = arith.constant 0 : i32
    %dma_start3A_1989 = tpu.memref_slice %arg7[%dma_start3A_1986, %dma_start3A_1987, %dma_start3A_1988] : memref<5x32x768xf32, #tpu.memory_space<vmem>> -> memref<1x32x768xf32, #tpu.memory_space<vmem>>
    %dma_start3A_1990 = tpu.memref_squeeze %dma_start3A_1989 : memref<1x32x768xf32, #tpu.memory_space<vmem>> -> memref<32x768xf32, #tpu.memory_space<vmem>>
    %dma_start3A_1991 = arith.constant 896 : i32
    %dma_start3A_1992 = tpu.memref_slice %arg6[%dma_start3A_1991] : memref<1280xi32, #tpu.memory_space<vmem>> -> memref<32xi32, #tpu.memory_space<vmem>>
    %dma_start3A_1993 = arith.constant 0 : i32
    %dma_start3A_1994 = arith.constant 0 : i32
    %dma_start3A_1995 = tpu.memref_slice %arg3[%dma_start3A_1993, %dma_start3A_1994] : memref<10000x768xf32, #tpu.memory_space<hbm>> -> memref<10000x768xf32, #tpu.memory_space<hbm>>
    tpu.enqueue_indirect_dma source(%dma_start3A_1995 : memref<10000x768xf32, #tpu.memory_space<hbm>>) target(%dma_start3A_1990 : memref<32x768xf32, #tpu.memory_space<vmem>>) offsets(%dma_start3A_1992 : memref<32xi32, #tpu.memory_space<vmem>>) semaphore(%arg8 : memref<!tpu.dma_semaphore, #tpu.memory_space<semaphore_mem>>)
    %dma_wait3A_1996 = arith.constant 0 : i32
    %dma_wait3A_1997 = arith.constant 0 : i32
    %dma_wait3A_1998 = arith.constant 0 : i32
    %dma_wait3A_1999 = tpu.memref_slice %arg7[%dma_wait3A_1996, %dma_wait3A_1997, %dma_wait3A_1998] : memref<5x32x768xf32, #tpu.memory_space<vmem>> -> memref<1x32x768xf32, #tpu.memory_space<vmem>>
    %dma_wait3A_2000 = tpu.memref_squeeze %dma_wait3A_1999 : memref<1x32x768xf32, #tpu.memory_space<vmem>> -> memref<32x768xf32, #tpu.memory_space<vmem>>
    %dma_wait3A_2001 = arith.constant 800 : i32
    %dma_wait3A_2002 = tpu.memref_slice %arg6[%dma_wait3A_2001] : memref<1280xi32, #tpu.memory_space<vmem>> -> memref<32xi32, #tpu.memory_space<vmem>>
    %dma_wait3A_2003 = arith.constant 0 : i32
    %dma_wait3A_2004 = arith.constant 0 : i32
    %dma_wait3A_2005 = tpu.memref_slice %arg3[%dma_wait3A_2003, %dma_wait3A_2004] : memref<10000x768xf32, #tpu.memory_space<hbm>> -> memref<10000x768xf32, #tpu.memory_space<hbm>>
    tpu.wait_indirect_dma semaphore(%arg8 : memref<!tpu.dma_semaphore, #tpu.memory_space<semaphore_mem>>) src(%dma_wait3A_2005 : memref<10000x768xf32, #tpu.memory_space<hbm>>) dst(%dma_wait3A_2000 : memref<32x768xf32, #tpu.memory_space<vmem>>)
    %add3A_2006 = arith.constant 24576 : i32
    %add3A_2007 = arith.addi %add3A_2006, %mul3A_2 : i32
    %add3A_2008 = arith.constant 32 : i32
    %add3A_2009 = arith.addi %add3A_2007, %add3A_2008 : i32
    %dma_start3A_2010 = arith.constant 0 : i32
    %dma_start3A_2011 = arith.constant 0 : i32
    %dma_start3A_2012 = arith.constant 0 : i32
    %dma_start3A_2013 = tpu.memref_slice %arg7[%dma_start3A_2010, %dma_start3A_2011, %dma_start3A_2012] : memref<5x32x768xf32, #tpu.memory_space<vmem>> -> memref<1x32x768xf32, #tpu.memory_space<vmem>>
    %dma_start3A_2014 = tpu.memref_squeeze %dma_start3A_2013 : memref<1x32x768xf32, #tpu.memory_space<vmem>> -> memref<32x768xf32, #tpu.memory_space<vmem>>
    %dma_start3A_2015 = arith.constant 0 : i32
    %dma_start3A_2016 = tpu.memref_slice %arg4[%add3A_2009, %dma_start3A_2015] : memref<40960x768xf32, #tpu.memory_space<hbm>> -> memref<32x768xf32, #tpu.memory_space<hbm>>
    %dma_start3A_2017 = arith.constant 0 : i32
    %dma_start3A_2018 = tpu.memref_slice %arg4[%add3A_2009, %dma_start3A_2017] : memref<40960x768xf32, #tpu.memory_space<hbm>> -> memref<32x768xf32, #tpu.memory_space<hbm>>
    %dma_start3A_2019 = arith.constant 0 : i32
    %dma_start3A_2020 = arith.constant 0 : i32
    %dma_start3A_2021 = tpu.memref_slice %arg7[%dma_start3A_2010, %dma_start3A_2019, %dma_start3A_2020] : memref<5x32x768xf32, #tpu.memory_space<vmem>> -> memref<1x32x768xf32, #tpu.memory_space<vmem>>
    %dma_start3A_2022 = tpu.memref_squeeze %dma_start3A_2021 : memref<1x32x768xf32, #tpu.memory_space<vmem>> -> memref<32x768xf32, #tpu.memory_space<vmem>>
    tpu.enqueue_dma source(%dma_start3A_2022 : memref<32x768xf32, #tpu.memory_space<vmem>>) target(%dma_start3A_2018 : memref<32x768xf32, #tpu.memory_space<hbm>>) target_semaphore(%arg9 : memref<!tpu.dma_semaphore, #tpu.memory_space<semaphore_mem>>)
    %dma_wait3A_2023 = arith.constant 4 : i32
    %dma_wait3A_2024 = arith.constant 0 : i32
    %dma_wait3A_2025 = arith.constant 0 : i32
    %dma_wait3A_2026 = tpu.memref_slice %arg7[%dma_wait3A_2023, %dma_wait3A_2024, %dma_wait3A_2025] : memref<5x32x768xf32, #tpu.memory_space<vmem>> -> memref<1x32x768xf32, #tpu.memory_space<vmem>>
    %dma_wait3A_2027 = tpu.memref_squeeze %dma_wait3A_2026 : memref<1x32x768xf32, #tpu.memory_space<vmem>> -> memref<32x768xf32, #tpu.memory_space<vmem>>
    %dma_wait3A_2028 = arith.constant 0 : i32
    %dma_wait3A_2029 = tpu.memref_slice %arg4[%add3A_1959, %dma_wait3A_2028] : memref<40960x768xf32, #tpu.memory_space<hbm>> -> memref<32x768xf32, #tpu.memory_space<hbm>>
    %dma_wait3A_2030 = arith.constant 0 : i32
    %dma_wait3A_2031 = tpu.memref_slice %arg4[%add3A_1959, %dma_wait3A_2030] : memref<40960x768xf32, #tpu.memory_space<hbm>> -> memref<32x768xf32, #tpu.memory_space<hbm>>
    %dma_wait3A_2032 = arith.constant 0 : i32
    %dma_wait3A_2033 = arith.constant 0 : i32
    %dma_wait3A_2034 = tpu.memref_slice %arg7[%dma_wait3A_2023, %dma_wait3A_2032, %dma_wait3A_2033] : memref<5x32x768xf32, #tpu.memory_space<vmem>> -> memref<1x32x768xf32, #tpu.memory_space<vmem>>
    %dma_wait3A_2035 = tpu.memref_squeeze %dma_wait3A_2034 : memref<1x32x768xf32, #tpu.memory_space<vmem>> -> memref<32x768xf32, #tpu.memory_space<vmem>>
    tpu.wait_dma2 semaphore(%arg9 : memref<!tpu.dma_semaphore, #tpu.memory_space<semaphore_mem>>) src(%dma_wait3A_2035 : memref<32x768xf32, #tpu.memory_space<vmem>>) dst(%dma_wait3A_2031 : memref<32x768xf32, #tpu.memory_space<hbm>>)
    %dma_start3A_2036 = arith.constant 4 : i32
    %dma_start3A_2037 = arith.constant 0 : i32
    %dma_start3A_2038 = arith.constant 0 : i32
    %dma_start3A_2039 = tpu.memref_slice %arg7[%dma_start3A_2036, %dma_start3A_2037, %dma_start3A_2038] : memref<5x32x768xf32, #tpu.memory_space<vmem>> -> memref<1x32x768xf32, #tpu.memory_space<vmem>>
    %dma_start3A_2040 = tpu.memref_squeeze %dma_start3A_2039 : memref<1x32x768xf32, #tpu.memory_space<vmem>> -> memref<32x768xf32, #tpu.memory_space<vmem>>
    %dma_start3A_2041 = arith.constant 928 : i32
    %dma_start3A_2042 = tpu.memref_slice %arg6[%dma_start3A_2041] : memref<1280xi32, #tpu.memory_space<vmem>> -> memref<32xi32, #tpu.memory_space<vmem>>
    %dma_start3A_2043 = arith.constant 0 : i32
    %dma_start3A_2044 = arith.constant 0 : i32
    %dma_start3A_2045 = tpu.memref_slice %arg3[%dma_start3A_2043, %dma_start3A_2044] : memref<10000x768xf32, #tpu.memory_space<hbm>> -> memref<10000x768xf32, #tpu.memory_space<hbm>>
    tpu.enqueue_indirect_dma source(%dma_start3A_2045 : memref<10000x768xf32, #tpu.memory_space<hbm>>) target(%dma_start3A_2040 : memref<32x768xf32, #tpu.memory_space<vmem>>) offsets(%dma_start3A_2042 : memref<32xi32, #tpu.memory_space<vmem>>) semaphore(%arg8 : memref<!tpu.dma_semaphore, #tpu.memory_space<semaphore_mem>>)
    %dma_wait3A_2046 = arith.constant 1 : i32
    %dma_wait3A_2047 = arith.constant 0 : i32
    %dma_wait3A_2048 = arith.constant 0 : i32
    %dma_wait3A_2049 = tpu.memref_slice %arg7[%dma_wait3A_2046, %dma_wait3A_2047, %dma_wait3A_2048] : memref<5x32x768xf32, #tpu.memory_space<vmem>> -> memref<1x32x768xf32, #tpu.memory_space<vmem>>
    %dma_wait3A_2050 = tpu.memref_squeeze %dma_wait3A_2049 : memref<1x32x768xf32, #tpu.memory_space<vmem>> -> memref<32x768xf32, #tpu.memory_space<vmem>>
    %dma_wait3A_2051 = arith.constant 832 : i32
    %dma_wait3A_2052 = tpu.memref_slice %arg6[%dma_wait3A_2051] : memref<1280xi32, #tpu.memory_space<vmem>> -> memref<32xi32, #tpu.memory_space<vmem>>
    %dma_wait3A_2053 = arith.constant 0 : i32
    %dma_wait3A_2054 = arith.constant 0 : i32
    %dma_wait3A_2055 = tpu.memref_slice %arg3[%dma_wait3A_2053, %dma_wait3A_2054] : memref<10000x768xf32, #tpu.memory_space<hbm>> -> memref<10000x768xf32, #tpu.memory_space<hbm>>
    tpu.wait_indirect_dma semaphore(%arg8 : memref<!tpu.dma_semaphore, #tpu.memory_space<semaphore_mem>>) src(%dma_wait3A_2055 : memref<10000x768xf32, #tpu.memory_space<hbm>>) dst(%dma_wait3A_2050 : memref<32x768xf32, #tpu.memory_space<vmem>>)
    %add3A_2056 = arith.constant 24576 : i32
    %add3A_2057 = arith.addi %add3A_2056, %mul3A_2 : i32
    %add3A_2058 = arith.constant 64 : i32
    %add3A_2059 = arith.addi %add3A_2057, %add3A_2058 : i32
    %dma_start3A_2060 = arith.constant 1 : i32
    %dma_start3A_2061 = arith.constant 0 : i32
    %dma_start3A_2062 = arith.constant 0 : i32
    %dma_start3A_2063 = tpu.memref_slice %arg7[%dma_start3A_2060, %dma_start3A_2061, %dma_start3A_2062] : memref<5x32x768xf32, #tpu.memory_space<vmem>> -> memref<1x32x768xf32, #tpu.memory_space<vmem>>
    %dma_start3A_2064 = tpu.memref_squeeze %dma_start3A_2063 : memref<1x32x768xf32, #tpu.memory_space<vmem>> -> memref<32x768xf32, #tpu.memory_space<vmem>>
    %dma_start3A_2065 = arith.constant 0 : i32
    %dma_start3A_2066 = tpu.memref_slice %arg4[%add3A_2059, %dma_start3A_2065] : memref<40960x768xf32, #tpu.memory_space<hbm>> -> memref<32x768xf32, #tpu.memory_space<hbm>>
    %dma_start3A_2067 = arith.constant 0 : i32
    %dma_start3A_2068 = tpu.memref_slice %arg4[%add3A_2059, %dma_start3A_2067] : memref<40960x768xf32, #tpu.memory_space<hbm>> -> memref<32x768xf32, #tpu.memory_space<hbm>>
    %dma_start3A_2069 = arith.constant 0 : i32
    %dma_start3A_2070 = arith.constant 0 : i32
    %dma_start3A_2071 = tpu.memref_slice %arg7[%dma_start3A_2060, %dma_start3A_2069, %dma_start3A_2070] : memref<5x32x768xf32, #tpu.memory_space<vmem>> -> memref<1x32x768xf32, #tpu.memory_space<vmem>>
    %dma_start3A_2072 = tpu.memref_squeeze %dma_start3A_2071 : memref<1x32x768xf32, #tpu.memory_space<vmem>> -> memref<32x768xf32, #tpu.memory_space<vmem>>
    tpu.enqueue_dma source(%dma_start3A_2072 : memref<32x768xf32, #tpu.memory_space<vmem>>) target(%dma_start3A_2068 : memref<32x768xf32, #tpu.memory_space<hbm>>) target_semaphore(%arg9 : memref<!tpu.dma_semaphore, #tpu.memory_space<semaphore_mem>>)
    %dma_wait3A_2073 = arith.constant 0 : i32
    %dma_wait3A_2074 = arith.constant 0 : i32
    %dma_wait3A_2075 = arith.constant 0 : i32
    %dma_wait3A_2076 = tpu.memref_slice %arg7[%dma_wait3A_2073, %dma_wait3A_2074, %dma_wait3A_2075] : memref<5x32x768xf32, #tpu.memory_space<vmem>> -> memref<1x32x768xf32, #tpu.memory_space<vmem>>
    %dma_wait3A_2077 = tpu.memref_squeeze %dma_wait3A_2076 : memref<1x32x768xf32, #tpu.memory_space<vmem>> -> memref<32x768xf32, #tpu.memory_space<vmem>>
    %dma_wait3A_2078 = arith.constant 0 : i32
    %dma_wait3A_2079 = tpu.memref_slice %arg4[%add3A_2009, %dma_wait3A_2078] : memref<40960x768xf32, #tpu.memory_space<hbm>> -> memref<32x768xf32, #tpu.memory_space<hbm>>
    %dma_wait3A_2080 = arith.constant 0 : i32
    %dma_wait3A_2081 = tpu.memref_slice %arg4[%add3A_2009, %dma_wait3A_2080] : memref<40960x768xf32, #tpu.memory_space<hbm>> -> memref<32x768xf32, #tpu.memory_space<hbm>>
    %dma_wait3A_2082 = arith.constant 0 : i32
    %dma_wait3A_2083 = arith.constant 0 : i32
    %dma_wait3A_2084 = tpu.memref_slice %arg7[%dma_wait3A_2073, %dma_wait3A_2082, %dma_wait3A_2083] : memref<5x32x768xf32, #tpu.memory_space<vmem>> -> memref<1x32x768xf32, #tpu.memory_space<vmem>>
    %dma_wait3A_2085 = tpu.memref_squeeze %dma_wait3A_2084 : memref<1x32x768xf32, #tpu.memory_space<vmem>> -> memref<32x768xf32, #tpu.memory_space<vmem>>
    tpu.wait_dma2 semaphore(%arg9 : memref<!tpu.dma_semaphore, #tpu.memory_space<semaphore_mem>>) src(%dma_wait3A_2085 : memref<32x768xf32, #tpu.memory_space<vmem>>) dst(%dma_wait3A_2081 : memref<32x768xf32, #tpu.memory_space<hbm>>)
    %dma_start3A_2086 = arith.constant 0 : i32
    %dma_start3A_2087 = arith.constant 0 : i32
    %dma_start3A_2088 = arith.constant 0 : i32
    %dma_start3A_2089 = tpu.memref_slice %arg7[%dma_start3A_2086, %dma_start3A_2087, %dma_start3A_2088] : memref<5x32x768xf32, #tpu.memory_space<vmem>> -> memref<1x32x768xf32, #tpu.memory_space<vmem>>
    %dma_start3A_2090 = tpu.memref_squeeze %dma_start3A_2089 : memref<1x32x768xf32, #tpu.memory_space<vmem>> -> memref<32x768xf32, #tpu.memory_space<vmem>>
    %dma_start3A_2091 = arith.constant 960 : i32
    %dma_start3A_2092 = tpu.memref_slice %arg6[%dma_start3A_2091] : memref<1280xi32, #tpu.memory_space<vmem>> -> memref<32xi32, #tpu.memory_space<vmem>>
    %dma_start3A_2093 = arith.constant 0 : i32
    %dma_start3A_2094 = arith.constant 0 : i32
    %dma_start3A_2095 = tpu.memref_slice %arg3[%dma_start3A_2093, %dma_start3A_2094] : memref<10000x768xf32, #tpu.memory_space<hbm>> -> memref<10000x768xf32, #tpu.memory_space<hbm>>
    tpu.enqueue_indirect_dma source(%dma_start3A_2095 : memref<10000x768xf32, #tpu.memory_space<hbm>>) target(%dma_start3A_2090 : memref<32x768xf32, #tpu.memory_space<vmem>>) offsets(%dma_start3A_2092 : memref<32xi32, #tpu.memory_space<vmem>>) semaphore(%arg8 : memref<!tpu.dma_semaphore, #tpu.memory_space<semaphore_mem>>)
    %dma_wait3A_2096 = arith.constant 2 : i32
    %dma_wait3A_2097 = arith.constant 0 : i32
    %dma_wait3A_2098 = arith.constant 0 : i32
    %dma_wait3A_2099 = tpu.memref_slice %arg7[%dma_wait3A_2096, %dma_wait3A_2097, %dma_wait3A_2098] : memref<5x32x768xf32, #tpu.memory_space<vmem>> -> memref<1x32x768xf32, #tpu.memory_space<vmem>>
    %dma_wait3A_2100 = tpu.memref_squeeze %dma_wait3A_2099 : memref<1x32x768xf32, #tpu.memory_space<vmem>> -> memref<32x768xf32, #tpu.memory_space<vmem>>
    %dma_wait3A_2101 = arith.constant 864 : i32
    %dma_wait3A_2102 = tpu.memref_slice %arg6[%dma_wait3A_2101] : memref<1280xi32, #tpu.memory_space<vmem>> -> memref<32xi32, #tpu.memory_space<vmem>>
    %dma_wait3A_2103 = arith.constant 0 : i32
    %dma_wait3A_2104 = arith.constant 0 : i32
    %dma_wait3A_2105 = tpu.memref_slice %arg3[%dma_wait3A_2103, %dma_wait3A_2104] : memref<10000x768xf32, #tpu.memory_space<hbm>> -> memref<10000x768xf32, #tpu.memory_space<hbm>>
    tpu.wait_indirect_dma semaphore(%arg8 : memref<!tpu.dma_semaphore, #tpu.memory_space<semaphore_mem>>) src(%dma_wait3A_2105 : memref<10000x768xf32, #tpu.memory_space<hbm>>) dst(%dma_wait3A_2100 : memref<32x768xf32, #tpu.memory_space<vmem>>)
    %add3A_2106 = arith.constant 24576 : i32
    %add3A_2107 = arith.addi %add3A_2106, %mul3A_2 : i32
    %add3A_2108 = arith.constant 96 : i32
    %add3A_2109 = arith.addi %add3A_2107, %add3A_2108 : i32
    %dma_start3A_2110 = arith.constant 2 : i32
    %dma_start3A_2111 = arith.constant 0 : i32
    %dma_start3A_2112 = arith.constant 0 : i32
    %dma_start3A_2113 = tpu.memref_slice %arg7[%dma_start3A_2110, %dma_start3A_2111, %dma_start3A_2112] : memref<5x32x768xf32, #tpu.memory_space<vmem>> -> memref<1x32x768xf32, #tpu.memory_space<vmem>>
    %dma_start3A_2114 = tpu.memref_squeeze %dma_start3A_2113 : memref<1x32x768xf32, #tpu.memory_space<vmem>> -> memref<32x768xf32, #tpu.memory_space<vmem>>
    %dma_start3A_2115 = arith.constant 0 : i32
    %dma_start3A_2116 = tpu.memref_slice %arg4[%add3A_2109, %dma_start3A_2115] : memref<40960x768xf32, #tpu.memory_space<hbm>> -> memref<32x768xf32, #tpu.memory_space<hbm>>
    %dma_start3A_2117 = arith.constant 0 : i32
    %dma_start3A_2118 = tpu.memref_slice %arg4[%add3A_2109, %dma_start3A_2117] : memref<40960x768xf32, #tpu.memory_space<hbm>> -> memref<32x768xf32, #tpu.memory_space<hbm>>
    %dma_start3A_2119 = arith.constant 0 : i32
    %dma_start3A_2120 = arith.constant 0 : i32
    %dma_start3A_2121 = tpu.memref_slice %arg7[%dma_start3A_2110, %dma_start3A_2119, %dma_start3A_2120] : memref<5x32x768xf32, #tpu.memory_space<vmem>> -> memref<1x32x768xf32, #tpu.memory_space<vmem>>
    %dma_start3A_2122 = tpu.memref_squeeze %dma_start3A_2121 : memref<1x32x768xf32, #tpu.memory_space<vmem>> -> memref<32x768xf32, #tpu.memory_space<vmem>>
    tpu.enqueue_dma source(%dma_start3A_2122 : memref<32x768xf32, #tpu.memory_space<vmem>>) target(%dma_start3A_2118 : memref<32x768xf32, #tpu.memory_space<hbm>>) target_semaphore(%arg9 : memref<!tpu.dma_semaphore, #tpu.memory_space<semaphore_mem>>)
    %dma_wait3A_2123 = arith.constant 1 : i32
    %dma_wait3A_2124 = arith.constant 0 : i32
    %dma_wait3A_2125 = arith.constant 0 : i32
    %dma_wait3A_2126 = tpu.memref_slice %arg7[%dma_wait3A_2123, %dma_wait3A_2124, %dma_wait3A_2125] : memref<5x32x768xf32, #tpu.memory_space<vmem>> -> memref<1x32x768xf32, #tpu.memory_space<vmem>>
    %dma_wait3A_2127 = tpu.memref_squeeze %dma_wait3A_2126 : memref<1x32x768xf32, #tpu.memory_space<vmem>> -> memref<32x768xf32, #tpu.memory_space<vmem>>
    %dma_wait3A_2128 = arith.constant 0 : i32
    %dma_wait3A_2129 = tpu.memref_slice %arg4[%add3A_2059, %dma_wait3A_2128] : memref<40960x768xf32, #tpu.memory_space<hbm>> -> memref<32x768xf32, #tpu.memory_space<hbm>>
    %dma_wait3A_2130 = arith.constant 0 : i32
    %dma_wait3A_2131 = tpu.memref_slice %arg4[%add3A_2059, %dma_wait3A_2130] : memref<40960x768xf32, #tpu.memory_space<hbm>> -> memref<32x768xf32, #tpu.memory_space<hbm>>
    %dma_wait3A_2132 = arith.constant 0 : i32
    %dma_wait3A_2133 = arith.constant 0 : i32
    %dma_wait3A_2134 = tpu.memref_slice %arg7[%dma_wait3A_2123, %dma_wait3A_2132, %dma_wait3A_2133] : memref<5x32x768xf32, #tpu.memory_space<vmem>> -> memref<1x32x768xf32, #tpu.memory_space<vmem>>
    %dma_wait3A_2135 = tpu.memref_squeeze %dma_wait3A_2134 : memref<1x32x768xf32, #tpu.memory_space<vmem>> -> memref<32x768xf32, #tpu.memory_space<vmem>>
    tpu.wait_dma2 semaphore(%arg9 : memref<!tpu.dma_semaphore, #tpu.memory_space<semaphore_mem>>) src(%dma_wait3A_2135 : memref<32x768xf32, #tpu.memory_space<vmem>>) dst(%dma_wait3A_2131 : memref<32x768xf32, #tpu.memory_space<hbm>>)
    %dma_start3A_2136 = arith.constant 1 : i32
    %dma_start3A_2137 = arith.constant 0 : i32
    %dma_start3A_2138 = arith.constant 0 : i32
    %dma_start3A_2139 = tpu.memref_slice %arg7[%dma_start3A_2136, %dma_start3A_2137, %dma_start3A_2138] : memref<5x32x768xf32, #tpu.memory_space<vmem>> -> memref<1x32x768xf32, #tpu.memory_space<vmem>>
    %dma_start3A_2140 = tpu.memref_squeeze %dma_start3A_2139 : memref<1x32x768xf32, #tpu.memory_space<vmem>> -> memref<32x768xf32, #tpu.memory_space<vmem>>
    %dma_start3A_2141 = arith.constant 992 : i32
    %dma_start3A_2142 = tpu.memref_slice %arg6[%dma_start3A_2141] : memref<1280xi32, #tpu.memory_space<vmem>> -> memref<32xi32, #tpu.memory_space<vmem>>
    %dma_start3A_2143 = arith.constant 0 : i32
    %dma_start3A_2144 = arith.constant 0 : i32
    %dma_start3A_2145 = tpu.memref_slice %arg3[%dma_start3A_2143, %dma_start3A_2144] : memref<10000x768xf32, #tpu.memory_space<hbm>> -> memref<10000x768xf32, #tpu.memory_space<hbm>>
    tpu.enqueue_indirect_dma source(%dma_start3A_2145 : memref<10000x768xf32, #tpu.memory_space<hbm>>) target(%dma_start3A_2140 : memref<32x768xf32, #tpu.memory_space<vmem>>) offsets(%dma_start3A_2142 : memref<32xi32, #tpu.memory_space<vmem>>) semaphore(%arg8 : memref<!tpu.dma_semaphore, #tpu.memory_space<semaphore_mem>>)
    %dma_wait3A_2146 = arith.constant 3 : i32
    %dma_wait3A_2147 = arith.constant 0 : i32
    %dma_wait3A_2148 = arith.constant 0 : i32
    %dma_wait3A_2149 = tpu.memref_slice %arg7[%dma_wait3A_2146, %dma_wait3A_2147, %dma_wait3A_2148] : memref<5x32x768xf32, #tpu.memory_space<vmem>> -> memref<1x32x768xf32, #tpu.memory_space<vmem>>
    %dma_wait3A_2150 = tpu.memref_squeeze %dma_wait3A_2149 : memref<1x32x768xf32, #tpu.memory_space<vmem>> -> memref<32x768xf32, #tpu.memory_space<vmem>>
    %dma_wait3A_2151 = arith.constant 896 : i32
    %dma_wait3A_2152 = tpu.memref_slice %arg6[%dma_wait3A_2151] : memref<1280xi32, #tpu.memory_space<vmem>> -> memref<32xi32, #tpu.memory_space<vmem>>
    %dma_wait3A_2153 = arith.constant 0 : i32
    %dma_wait3A_2154 = arith.constant 0 : i32
    %dma_wait3A_2155 = tpu.memref_slice %arg3[%dma_wait3A_2153, %dma_wait3A_2154] : memref<10000x768xf32, #tpu.memory_space<hbm>> -> memref<10000x768xf32, #tpu.memory_space<hbm>>
    tpu.wait_indirect_dma semaphore(%arg8 : memref<!tpu.dma_semaphore, #tpu.memory_space<semaphore_mem>>) src(%dma_wait3A_2155 : memref<10000x768xf32, #tpu.memory_space<hbm>>) dst(%dma_wait3A_2150 : memref<32x768xf32, #tpu.memory_space<vmem>>)
    %add3A_2156 = arith.constant 28672 : i32
    %add3A_2157 = arith.addi %add3A_2156, %mul3A_2 : i32
    %add3A_2158 = arith.constant 0 : i32
    %add3A_2159 = arith.addi %add3A_2157, %add3A_2158 : i32
    %dma_start3A_2160 = arith.constant 3 : i32
    %dma_start3A_2161 = arith.constant 0 : i32
    %dma_start3A_2162 = arith.constant 0 : i32
    %dma_start3A_2163 = tpu.memref_slice %arg7[%dma_start3A_2160, %dma_start3A_2161, %dma_start3A_2162] : memref<5x32x768xf32, #tpu.memory_space<vmem>> -> memref<1x32x768xf32, #tpu.memory_space<vmem>>
    %dma_start3A_2164 = tpu.memref_squeeze %dma_start3A_2163 : memref<1x32x768xf32, #tpu.memory_space<vmem>> -> memref<32x768xf32, #tpu.memory_space<vmem>>
    %dma_start3A_2165 = arith.constant 0 : i32
    %dma_start3A_2166 = tpu.memref_slice %arg4[%add3A_2159, %dma_start3A_2165] : memref<40960x768xf32, #tpu.memory_space<hbm>> -> memref<32x768xf32, #tpu.memory_space<hbm>>
    %dma_start3A_2167 = arith.constant 0 : i32
    %dma_start3A_2168 = tpu.memref_slice %arg4[%add3A_2159, %dma_start3A_2167] : memref<40960x768xf32, #tpu.memory_space<hbm>> -> memref<32x768xf32, #tpu.memory_space<hbm>>
    %dma_start3A_2169 = arith.constant 0 : i32
    %dma_start3A_2170 = arith.constant 0 : i32
    %dma_start3A_2171 = tpu.memref_slice %arg7[%dma_start3A_2160, %dma_start3A_2169, %dma_start3A_2170] : memref<5x32x768xf32, #tpu.memory_space<vmem>> -> memref<1x32x768xf32, #tpu.memory_space<vmem>>
    %dma_start3A_2172 = tpu.memref_squeeze %dma_start3A_2171 : memref<1x32x768xf32, #tpu.memory_space<vmem>> -> memref<32x768xf32, #tpu.memory_space<vmem>>
    tpu.enqueue_dma source(%dma_start3A_2172 : memref<32x768xf32, #tpu.memory_space<vmem>>) target(%dma_start3A_2168 : memref<32x768xf32, #tpu.memory_space<hbm>>) target_semaphore(%arg9 : memref<!tpu.dma_semaphore, #tpu.memory_space<semaphore_mem>>)
    %dma_wait3A_2173 = arith.constant 2 : i32
    %dma_wait3A_2174 = arith.constant 0 : i32
    %dma_wait3A_2175 = arith.constant 0 : i32
    %dma_wait3A_2176 = tpu.memref_slice %arg7[%dma_wait3A_2173, %dma_wait3A_2174, %dma_wait3A_2175] : memref<5x32x768xf32, #tpu.memory_space<vmem>> -> memref<1x32x768xf32, #tpu.memory_space<vmem>>
    %dma_wait3A_2177 = tpu.memref_squeeze %dma_wait3A_2176 : memref<1x32x768xf32, #tpu.memory_space<vmem>> -> memref<32x768xf32, #tpu.memory_space<vmem>>
    %dma_wait3A_2178 = arith.constant 0 : i32
    %dma_wait3A_2179 = tpu.memref_slice %arg4[%add3A_2109, %dma_wait3A_2178] : memref<40960x768xf32, #tpu.memory_space<hbm>> -> memref<32x768xf32, #tpu.memory_space<hbm>>
    %dma_wait3A_2180 = arith.constant 0 : i32
    %dma_wait3A_2181 = tpu.memref_slice %arg4[%add3A_2109, %dma_wait3A_2180] : memref<40960x768xf32, #tpu.memory_space<hbm>> -> memref<32x768xf32, #tpu.memory_space<hbm>>
    %dma_wait3A_2182 = arith.constant 0 : i32
    %dma_wait3A_2183 = arith.constant 0 : i32
    %dma_wait3A_2184 = tpu.memref_slice %arg7[%dma_wait3A_2173, %dma_wait3A_2182, %dma_wait3A_2183] : memref<5x32x768xf32, #tpu.memory_space<vmem>> -> memref<1x32x768xf32, #tpu.memory_space<vmem>>
    %dma_wait3A_2185 = tpu.memref_squeeze %dma_wait3A_2184 : memref<1x32x768xf32, #tpu.memory_space<vmem>> -> memref<32x768xf32, #tpu.memory_space<vmem>>
    tpu.wait_dma2 semaphore(%arg9 : memref<!tpu.dma_semaphore, #tpu.memory_space<semaphore_mem>>) src(%dma_wait3A_2185 : memref<32x768xf32, #tpu.memory_space<vmem>>) dst(%dma_wait3A_2181 : memref<32x768xf32, #tpu.memory_space<hbm>>)
    %dma_start3A_2186 = arith.constant 2 : i32
    %dma_start3A_2187 = arith.constant 0 : i32
    %dma_start3A_2188 = arith.constant 0 : i32
    %dma_start3A_2189 = tpu.memref_slice %arg7[%dma_start3A_2186, %dma_start3A_2187, %dma_start3A_2188] : memref<5x32x768xf32, #tpu.memory_space<vmem>> -> memref<1x32x768xf32, #tpu.memory_space<vmem>>
    %dma_start3A_2190 = tpu.memref_squeeze %dma_start3A_2189 : memref<1x32x768xf32, #tpu.memory_space<vmem>> -> memref<32x768xf32, #tpu.memory_space<vmem>>
    %dma_start3A_2191 = arith.constant 1024 : i32
    %dma_start3A_2192 = tpu.memref_slice %arg6[%dma_start3A_2191] : memref<1280xi32, #tpu.memory_space<vmem>> -> memref<32xi32, #tpu.memory_space<vmem>>
    %dma_start3A_2193 = arith.constant 0 : i32
    %dma_start3A_2194 = arith.constant 0 : i32
    %dma_start3A_2195 = tpu.memref_slice %arg3[%dma_start3A_2193, %dma_start3A_2194] : memref<10000x768xf32, #tpu.memory_space<hbm>> -> memref<10000x768xf32, #tpu.memory_space<hbm>>
    tpu.enqueue_indirect_dma source(%dma_start3A_2195 : memref<10000x768xf32, #tpu.memory_space<hbm>>) target(%dma_start3A_2190 : memref<32x768xf32, #tpu.memory_space<vmem>>) offsets(%dma_start3A_2192 : memref<32xi32, #tpu.memory_space<vmem>>) semaphore(%arg8 : memref<!tpu.dma_semaphore, #tpu.memory_space<semaphore_mem>>)
    %dma_wait3A_2196 = arith.constant 4 : i32
    %dma_wait3A_2197 = arith.constant 0 : i32
    %dma_wait3A_2198 = arith.constant 0 : i32
    %dma_wait3A_2199 = tpu.memref_slice %arg7[%dma_wait3A_2196, %dma_wait3A_2197, %dma_wait3A_2198] : memref<5x32x768xf32, #tpu.memory_space<vmem>> -> memref<1x32x768xf32, #tpu.memory_space<vmem>>
    %dma_wait3A_2200 = tpu.memref_squeeze %dma_wait3A_2199 : memref<1x32x768xf32, #tpu.memory_space<vmem>> -> memref<32x768xf32, #tpu.memory_space<vmem>>
    %dma_wait3A_2201 = arith.constant 928 : i32
    %dma_wait3A_2202 = tpu.memref_slice %arg6[%dma_wait3A_2201] : memref<1280xi32, #tpu.memory_space<vmem>> -> memref<32xi32, #tpu.memory_space<vmem>>
    %dma_wait3A_2203 = arith.constant 0 : i32
    %dma_wait3A_2204 = arith.constant 0 : i32
    %dma_wait3A_2205 = tpu.memref_slice %arg3[%dma_wait3A_2203, %dma_wait3A_2204] : memref<10000x768xf32, #tpu.memory_space<hbm>> -> memref<10000x768xf32, #tpu.memory_space<hbm>>
    tpu.wait_indirect_dma semaphore(%arg8 : memref<!tpu.dma_semaphore, #tpu.memory_space<semaphore_mem>>) src(%dma_wait3A_2205 : memref<10000x768xf32, #tpu.memory_space<hbm>>) dst(%dma_wait3A_2200 : memref<32x768xf32, #tpu.memory_space<vmem>>)
    %add3A_2206 = arith.constant 28672 : i32
    %add3A_2207 = arith.addi %add3A_2206, %mul3A_2 : i32
    %add3A_2208 = arith.constant 32 : i32
    %add3A_2209 = arith.addi %add3A_2207, %add3A_2208 : i32
    %dma_start3A_2210 = arith.constant 4 : i32
    %dma_start3A_2211 = arith.constant 0 : i32
    %dma_start3A_2212 = arith.constant 0 : i32
    %dma_start3A_2213 = tpu.memref_slice %arg7[%dma_start3A_2210, %dma_start3A_2211, %dma_start3A_2212] : memref<5x32x768xf32, #tpu.memory_space<vmem>> -> memref<1x32x768xf32, #tpu.memory_space<vmem>>
    %dma_start3A_2214 = tpu.memref_squeeze %dma_start3A_2213 : memref<1x32x768xf32, #tpu.memory_space<vmem>> -> memref<32x768xf32, #tpu.memory_space<vmem>>
    %dma_start3A_2215 = arith.constant 0 : i32
    %dma_start3A_2216 = tpu.memref_slice %arg4[%add3A_2209, %dma_start3A_2215] : memref<40960x768xf32, #tpu.memory_space<hbm>> -> memref<32x768xf32, #tpu.memory_space<hbm>>
    %dma_start3A_2217 = arith.constant 0 : i32
    %dma_start3A_2218 = tpu.memref_slice %arg4[%add3A_2209, %dma_start3A_2217] : memref<40960x768xf32, #tpu.memory_space<hbm>> -> memref<32x768xf32, #tpu.memory_space<hbm>>
    %dma_start3A_2219 = arith.constant 0 : i32
    %dma_start3A_2220 = arith.constant 0 : i32
    %dma_start3A_2221 = tpu.memref_slice %arg7[%dma_start3A_2210, %dma_start3A_2219, %dma_start3A_2220] : memref<5x32x768xf32, #tpu.memory_space<vmem>> -> memref<1x32x768xf32, #tpu.memory_space<vmem>>
    %dma_start3A_2222 = tpu.memref_squeeze %dma_start3A_2221 : memref<1x32x768xf32, #tpu.memory_space<vmem>> -> memref<32x768xf32, #tpu.memory_space<vmem>>
    tpu.enqueue_dma source(%dma_start3A_2222 : memref<32x768xf32, #tpu.memory_space<vmem>>) target(%dma_start3A_2218 : memref<32x768xf32, #tpu.memory_space<hbm>>) target_semaphore(%arg9 : memref<!tpu.dma_semaphore, #tpu.memory_space<semaphore_mem>>)
    %dma_wait3A_2223 = arith.constant 3 : i32
    %dma_wait3A_2224 = arith.constant 0 : i32
    %dma_wait3A_2225 = arith.constant 0 : i32
    %dma_wait3A_2226 = tpu.memref_slice %arg7[%dma_wait3A_2223, %dma_wait3A_2224, %dma_wait3A_2225] : memref<5x32x768xf32, #tpu.memory_space<vmem>> -> memref<1x32x768xf32, #tpu.memory_space<vmem>>
    %dma_wait3A_2227 = tpu.memref_squeeze %dma_wait3A_2226 : memref<1x32x768xf32, #tpu.memory_space<vmem>> -> memref<32x768xf32, #tpu.memory_space<vmem>>
    %dma_wait3A_2228 = arith.constant 0 : i32
    %dma_wait3A_2229 = tpu.memref_slice %arg4[%add3A_2159, %dma_wait3A_2228] : memref<40960x768xf32, #tpu.memory_space<hbm>> -> memref<32x768xf32, #tpu.memory_space<hbm>>
    %dma_wait3A_2230 = arith.constant 0 : i32
    %dma_wait3A_2231 = tpu.memref_slice %arg4[%add3A_2159, %dma_wait3A_2230] : memref<40960x768xf32, #tpu.memory_space<hbm>> -> memref<32x768xf32, #tpu.memory_space<hbm>>
    %dma_wait3A_2232 = arith.constant 0 : i32
    %dma_wait3A_2233 = arith.constant 0 : i32
    %dma_wait3A_2234 = tpu.memref_slice %arg7[%dma_wait3A_2223, %dma_wait3A_2232, %dma_wait3A_2233] : memref<5x32x768xf32, #tpu.memory_space<vmem>> -> memref<1x32x768xf32, #tpu.memory_space<vmem>>
    %dma_wait3A_2235 = tpu.memref_squeeze %dma_wait3A_2234 : memref<1x32x768xf32, #tpu.memory_space<vmem>> -> memref<32x768xf32, #tpu.memory_space<vmem>>
    tpu.wait_dma2 semaphore(%arg9 : memref<!tpu.dma_semaphore, #tpu.memory_space<semaphore_mem>>) src(%dma_wait3A_2235 : memref<32x768xf32, #tpu.memory_space<vmem>>) dst(%dma_wait3A_2231 : memref<32x768xf32, #tpu.memory_space<hbm>>)
    %dma_start3A_2236 = arith.constant 3 : i32
    %dma_start3A_2237 = arith.constant 0 : i32
    %dma_start3A_2238 = arith.constant 0 : i32
    %dma_start3A_2239 = tpu.memref_slice %arg7[%dma_start3A_2236, %dma_start3A_2237, %dma_start3A_2238] : memref<5x32x768xf32, #tpu.memory_space<vmem>> -> memref<1x32x768xf32, #tpu.memory_space<vmem>>
    %dma_start3A_2240 = tpu.memref_squeeze %dma_start3A_2239 : memref<1x32x768xf32, #tpu.memory_space<vmem>> -> memref<32x768xf32, #tpu.memory_space<vmem>>
    %dma_start3A_2241 = arith.constant 1056 : i32
    %dma_start3A_2242 = tpu.memref_slice %arg6[%dma_start3A_2241] : memref<1280xi32, #tpu.memory_space<vmem>> -> memref<32xi32, #tpu.memory_space<vmem>>
    %dma_start3A_2243 = arith.constant 0 : i32
    %dma_start3A_2244 = arith.constant 0 : i32
    %dma_start3A_2245 = tpu.memref_slice %arg3[%dma_start3A_2243, %dma_start3A_2244] : memref<10000x768xf32, #tpu.memory_space<hbm>> -> memref<10000x768xf32, #tpu.memory_space<hbm>>
    tpu.enqueue_indirect_dma source(%dma_start3A_2245 : memref<10000x768xf32, #tpu.memory_space<hbm>>) target(%dma_start3A_2240 : memref<32x768xf32, #tpu.memory_space<vmem>>) offsets(%dma_start3A_2242 : memref<32xi32, #tpu.memory_space<vmem>>) semaphore(%arg8 : memref<!tpu.dma_semaphore, #tpu.memory_space<semaphore_mem>>)
    %dma_wait3A_2246 = arith.constant 0 : i32
    %dma_wait3A_2247 = arith.constant 0 : i32
    %dma_wait3A_2248 = arith.constant 0 : i32
    %dma_wait3A_2249 = tpu.memref_slice %arg7[%dma_wait3A_2246, %dma_wait3A_2247, %dma_wait3A_2248] : memref<5x32x768xf32, #tpu.memory_space<vmem>> -> memref<1x32x768xf32, #tpu.memory_space<vmem>>
    %dma_wait3A_2250 = tpu.memref_squeeze %dma_wait3A_2249 : memref<1x32x768xf32, #tpu.memory_space<vmem>> -> memref<32x768xf32, #tpu.memory_space<vmem>>
    %dma_wait3A_2251 = arith.constant 960 : i32
    %dma_wait3A_2252 = tpu.memref_slice %arg6[%dma_wait3A_2251] : memref<1280xi32, #tpu.memory_space<vmem>> -> memref<32xi32, #tpu.memory_space<vmem>>
    %dma_wait3A_2253 = arith.constant 0 : i32
    %dma_wait3A_2254 = arith.constant 0 : i32
    %dma_wait3A_2255 = tpu.memref_slice %arg3[%dma_wait3A_2253, %dma_wait3A_2254] : memref<10000x768xf32, #tpu.memory_space<hbm>> -> memref<10000x768xf32, #tpu.memory_space<hbm>>
    tpu.wait_indirect_dma semaphore(%arg8 : memref<!tpu.dma_semaphore, #tpu.memory_space<semaphore_mem>>) src(%dma_wait3A_2255 : memref<10000x768xf32, #tpu.memory_space<hbm>>) dst(%dma_wait3A_2250 : memref<32x768xf32, #tpu.memory_space<vmem>>)
    %add3A_2256 = arith.constant 28672 : i32
    %add3A_2257 = arith.addi %add3A_2256, %mul3A_2 : i32
    %add3A_2258 = arith.constant 64 : i32
    %add3A_2259 = arith.addi %add3A_2257, %add3A_2258 : i32
    %dma_start3A_2260 = arith.constant 0 : i32
    %dma_start3A_2261 = arith.constant 0 : i32
    %dma_start3A_2262 = arith.constant 0 : i32
    %dma_start3A_2263 = tpu.memref_slice %arg7[%dma_start3A_2260, %dma_start3A_2261, %dma_start3A_2262] : memref<5x32x768xf32, #tpu.memory_space<vmem>> -> memref<1x32x768xf32, #tpu.memory_space<vmem>>
    %dma_start3A_2264 = tpu.memref_squeeze %dma_start3A_2263 : memref<1x32x768xf32, #tpu.memory_space<vmem>> -> memref<32x768xf32, #tpu.memory_space<vmem>>
    %dma_start3A_2265 = arith.constant 0 : i32
    %dma_start3A_2266 = tpu.memref_slice %arg4[%add3A_2259, %dma_start3A_2265] : memref<40960x768xf32, #tpu.memory_space<hbm>> -> memref<32x768xf32, #tpu.memory_space<hbm>>
    %dma_start3A_2267 = arith.constant 0 : i32
    %dma_start3A_2268 = tpu.memref_slice %arg4[%add3A_2259, %dma_start3A_2267] : memref<40960x768xf32, #tpu.memory_space<hbm>> -> memref<32x768xf32, #tpu.memory_space<hbm>>
    %dma_start3A_2269 = arith.constant 0 : i32
    %dma_start3A_2270 = arith.constant 0 : i32
    %dma_start3A_2271 = tpu.memref_slice %arg7[%dma_start3A_2260, %dma_start3A_2269, %dma_start3A_2270] : memref<5x32x768xf32, #tpu.memory_space<vmem>> -> memref<1x32x768xf32, #tpu.memory_space<vmem>>
    %dma_start3A_2272 = tpu.memref_squeeze %dma_start3A_2271 : memref<1x32x768xf32, #tpu.memory_space<vmem>> -> memref<32x768xf32, #tpu.memory_space<vmem>>
    tpu.enqueue_dma source(%dma_start3A_2272 : memref<32x768xf32, #tpu.memory_space<vmem>>) target(%dma_start3A_2268 : memref<32x768xf32, #tpu.memory_space<hbm>>) target_semaphore(%arg9 : memref<!tpu.dma_semaphore, #tpu.memory_space<semaphore_mem>>)
    %dma_wait3A_2273 = arith.constant 4 : i32
    %dma_wait3A_2274 = arith.constant 0 : i32
    %dma_wait3A_2275 = arith.constant 0 : i32
    %dma_wait3A_2276 = tpu.memref_slice %arg7[%dma_wait3A_2273, %dma_wait3A_2274, %dma_wait3A_2275] : memref<5x32x768xf32, #tpu.memory_space<vmem>> -> memref<1x32x768xf32, #tpu.memory_space<vmem>>
    %dma_wait3A_2277 = tpu.memref_squeeze %dma_wait3A_2276 : memref<1x32x768xf32, #tpu.memory_space<vmem>> -> memref<32x768xf32, #tpu.memory_space<vmem>>
    %dma_wait3A_2278 = arith.constant 0 : i32
    %dma_wait3A_2279 = tpu.memref_slice %arg4[%add3A_2209, %dma_wait3A_2278] : memref<40960x768xf32, #tpu.memory_space<hbm>> -> memref<32x768xf32, #tpu.memory_space<hbm>>
    %dma_wait3A_2280 = arith.constant 0 : i32
    %dma_wait3A_2281 = tpu.memref_slice %arg4[%add3A_2209, %dma_wait3A_2280] : memref<40960x768xf32, #tpu.memory_space<hbm>> -> memref<32x768xf32, #tpu.memory_space<hbm>>
    %dma_wait3A_2282 = arith.constant 0 : i32
    %dma_wait3A_2283 = arith.constant 0 : i32
    %dma_wait3A_2284 = tpu.memref_slice %arg7[%dma_wait3A_2273, %dma_wait3A_2282, %dma_wait3A_2283] : memref<5x32x768xf32, #tpu.memory_space<vmem>> -> memref<1x32x768xf32, #tpu.memory_space<vmem>>
    %dma_wait3A_2285 = tpu.memref_squeeze %dma_wait3A_2284 : memref<1x32x768xf32, #tpu.memory_space<vmem>> -> memref<32x768xf32, #tpu.memory_space<vmem>>
    tpu.wait_dma2 semaphore(%arg9 : memref<!tpu.dma_semaphore, #tpu.memory_space<semaphore_mem>>) src(%dma_wait3A_2285 : memref<32x768xf32, #tpu.memory_space<vmem>>) dst(%dma_wait3A_2281 : memref<32x768xf32, #tpu.memory_space<hbm>>)
    %dma_start3A_2286 = arith.constant 4 : i32
    %dma_start3A_2287 = arith.constant 0 : i32
    %dma_start3A_2288 = arith.constant 0 : i32
    %dma_start3A_2289 = tpu.memref_slice %arg7[%dma_start3A_2286, %dma_start3A_2287, %dma_start3A_2288] : memref<5x32x768xf32, #tpu.memory_space<vmem>> -> memref<1x32x768xf32, #tpu.memory_space<vmem>>
    %dma_start3A_2290 = tpu.memref_squeeze %dma_start3A_2289 : memref<1x32x768xf32, #tpu.memory_space<vmem>> -> memref<32x768xf32, #tpu.memory_space<vmem>>
    %dma_start3A_2291 = arith.constant 1088 : i32
    %dma_start3A_2292 = tpu.memref_slice %arg6[%dma_start3A_2291] : memref<1280xi32, #tpu.memory_space<vmem>> -> memref<32xi32, #tpu.memory_space<vmem>>
    %dma_start3A_2293 = arith.constant 0 : i32
    %dma_start3A_2294 = arith.constant 0 : i32
    %dma_start3A_2295 = tpu.memref_slice %arg3[%dma_start3A_2293, %dma_start3A_2294] : memref<10000x768xf32, #tpu.memory_space<hbm>> -> memref<10000x768xf32, #tpu.memory_space<hbm>>
    tpu.enqueue_indirect_dma source(%dma_start3A_2295 : memref<10000x768xf32, #tpu.memory_space<hbm>>) target(%dma_start3A_2290 : memref<32x768xf32, #tpu.memory_space<vmem>>) offsets(%dma_start3A_2292 : memref<32xi32, #tpu.memory_space<vmem>>) semaphore(%arg8 : memref<!tpu.dma_semaphore, #tpu.memory_space<semaphore_mem>>)
    %dma_wait3A_2296 = arith.constant 1 : i32
    %dma_wait3A_2297 = arith.constant 0 : i32
    %dma_wait3A_2298 = arith.constant 0 : i32
    %dma_wait3A_2299 = tpu.memref_slice %arg7[%dma_wait3A_2296, %dma_wait3A_2297, %dma_wait3A_2298] : memref<5x32x768xf32, #tpu.memory_space<vmem>> -> memref<1x32x768xf32, #tpu.memory_space<vmem>>
    %dma_wait3A_2300 = tpu.memref_squeeze %dma_wait3A_2299 : memref<1x32x768xf32, #tpu.memory_space<vmem>> -> memref<32x768xf32, #tpu.memory_space<vmem>>
    %dma_wait3A_2301 = arith.constant 992 : i32
    %dma_wait3A_2302 = tpu.memref_slice %arg6[%dma_wait3A_2301] : memref<1280xi32, #tpu.memory_space<vmem>> -> memref<32xi32, #tpu.memory_space<vmem>>
    %dma_wait3A_2303 = arith.constant 0 : i32
    %dma_wait3A_2304 = arith.constant 0 : i32
    %dma_wait3A_2305 = tpu.memref_slice %arg3[%dma_wait3A_2303, %dma_wait3A_2304] : memref<10000x768xf32, #tpu.memory_space<hbm>> -> memref<10000x768xf32, #tpu.memory_space<hbm>>
    tpu.wait_indirect_dma semaphore(%arg8 : memref<!tpu.dma_semaphore, #tpu.memory_space<semaphore_mem>>) src(%dma_wait3A_2305 : memref<10000x768xf32, #tpu.memory_space<hbm>>) dst(%dma_wait3A_2300 : memref<32x768xf32, #tpu.memory_space<vmem>>)
    %add3A_2306 = arith.constant 28672 : i32
    %add3A_2307 = arith.addi %add3A_2306, %mul3A_2 : i32
    %add3A_2308 = arith.constant 96 : i32
    %add3A_2309 = arith.addi %add3A_2307, %add3A_2308 : i32
    %dma_start3A_2310 = arith.constant 1 : i32
    %dma_start3A_2311 = arith.constant 0 : i32
    %dma_start3A_2312 = arith.constant 0 : i32
    %dma_start3A_2313 = tpu.memref_slice %arg7[%dma_start3A_2310, %dma_start3A_2311, %dma_start3A_2312] : memref<5x32x768xf32, #tpu.memory_space<vmem>> -> memref<1x32x768xf32, #tpu.memory_space<vmem>>
    %dma_start3A_2314 = tpu.memref_squeeze %dma_start3A_2313 : memref<1x32x768xf32, #tpu.memory_space<vmem>> -> memref<32x768xf32, #tpu.memory_space<vmem>>
    %dma_start3A_2315 = arith.constant 0 : i32
    %dma_start3A_2316 = tpu.memref_slice %arg4[%add3A_2309, %dma_start3A_2315] : memref<40960x768xf32, #tpu.memory_space<hbm>> -> memref<32x768xf32, #tpu.memory_space<hbm>>
    %dma_start3A_2317 = arith.constant 0 : i32
    %dma_start3A_2318 = tpu.memref_slice %arg4[%add3A_2309, %dma_start3A_2317] : memref<40960x768xf32, #tpu.memory_space<hbm>> -> memref<32x768xf32, #tpu.memory_space<hbm>>
    %dma_start3A_2319 = arith.constant 0 : i32
    %dma_start3A_2320 = arith.constant 0 : i32
    %dma_start3A_2321 = tpu.memref_slice %arg7[%dma_start3A_2310, %dma_start3A_2319, %dma_start3A_2320] : memref<5x32x768xf32, #tpu.memory_space<vmem>> -> memref<1x32x768xf32, #tpu.memory_space<vmem>>
    %dma_start3A_2322 = tpu.memref_squeeze %dma_start3A_2321 : memref<1x32x768xf32, #tpu.memory_space<vmem>> -> memref<32x768xf32, #tpu.memory_space<vmem>>
    tpu.enqueue_dma source(%dma_start3A_2322 : memref<32x768xf32, #tpu.memory_space<vmem>>) target(%dma_start3A_2318 : memref<32x768xf32, #tpu.memory_space<hbm>>) target_semaphore(%arg9 : memref<!tpu.dma_semaphore, #tpu.memory_space<semaphore_mem>>)
    %dma_wait3A_2323 = arith.constant 0 : i32
    %dma_wait3A_2324 = arith.constant 0 : i32
    %dma_wait3A_2325 = arith.constant 0 : i32
    %dma_wait3A_2326 = tpu.memref_slice %arg7[%dma_wait3A_2323, %dma_wait3A_2324, %dma_wait3A_2325] : memref<5x32x768xf32, #tpu.memory_space<vmem>> -> memref<1x32x768xf32, #tpu.memory_space<vmem>>
    %dma_wait3A_2327 = tpu.memref_squeeze %dma_wait3A_2326 : memref<1x32x768xf32, #tpu.memory_space<vmem>> -> memref<32x768xf32, #tpu.memory_space<vmem>>
    %dma_wait3A_2328 = arith.constant 0 : i32
    %dma_wait3A_2329 = tpu.memref_slice %arg4[%add3A_2259, %dma_wait3A_2328] : memref<40960x768xf32, #tpu.memory_space<hbm>> -> memref<32x768xf32, #tpu.memory_space<hbm>>
    %dma_wait3A_2330 = arith.constant 0 : i32
    %dma_wait3A_2331 = tpu.memref_slice %arg4[%add3A_2259, %dma_wait3A_2330] : memref<40960x768xf32, #tpu.memory_space<hbm>> -> memref<32x768xf32, #tpu.memory_space<hbm>>
    %dma_wait3A_2332 = arith.constant 0 : i32
    %dma_wait3A_2333 = arith.constant 0 : i32
    %dma_wait3A_2334 = tpu.memref_slice %arg7[%dma_wait3A_2323, %dma_wait3A_2332, %dma_wait3A_2333] : memref<5x32x768xf32, #tpu.memory_space<vmem>> -> memref<1x32x768xf32, #tpu.memory_space<vmem>>
    %dma_wait3A_2335 = tpu.memref_squeeze %dma_wait3A_2334 : memref<1x32x768xf32, #tpu.memory_space<vmem>> -> memref<32x768xf32, #tpu.memory_space<vmem>>
    tpu.wait_dma2 semaphore(%arg9 : memref<!tpu.dma_semaphore, #tpu.memory_space<semaphore_mem>>) src(%dma_wait3A_2335 : memref<32x768xf32, #tpu.memory_space<vmem>>) dst(%dma_wait3A_2331 : memref<32x768xf32, #tpu.memory_space<hbm>>)
    %dma_start3A_2336 = arith.constant 0 : i32
    %dma_start3A_2337 = arith.constant 0 : i32
    %dma_start3A_2338 = arith.constant 0 : i32
    %dma_start3A_2339 = tpu.memref_slice %arg7[%dma_start3A_2336, %dma_start3A_2337, %dma_start3A_2338] : memref<5x32x768xf32, #tpu.memory_space<vmem>> -> memref<1x32x768xf32, #tpu.memory_space<vmem>>
    %dma_start3A_2340 = tpu.memref_squeeze %dma_start3A_2339 : memref<1x32x768xf32, #tpu.memory_space<vmem>> -> memref<32x768xf32, #tpu.memory_space<vmem>>
    %dma_start3A_2341 = arith.constant 1120 : i32
    %dma_start3A_2342 = tpu.memref_slice %arg6[%dma_start3A_2341] : memref<1280xi32, #tpu.memory_space<vmem>> -> memref<32xi32, #tpu.memory_space<vmem>>
    %dma_start3A_2343 = arith.constant 0 : i32
    %dma_start3A_2344 = arith.constant 0 : i32
    %dma_start3A_2345 = tpu.memref_slice %arg3[%dma_start3A_2343, %dma_start3A_2344] : memref<10000x768xf32, #tpu.memory_space<hbm>> -> memref<10000x768xf32, #tpu.memory_space<hbm>>
    tpu.enqueue_indirect_dma source(%dma_start3A_2345 : memref<10000x768xf32, #tpu.memory_space<hbm>>) target(%dma_start3A_2340 : memref<32x768xf32, #tpu.memory_space<vmem>>) offsets(%dma_start3A_2342 : memref<32xi32, #tpu.memory_space<vmem>>) semaphore(%arg8 : memref<!tpu.dma_semaphore, #tpu.memory_space<semaphore_mem>>)
    %dma_wait3A_2346 = arith.constant 2 : i32
    %dma_wait3A_2347 = arith.constant 0 : i32
    %dma_wait3A_2348 = arith.constant 0 : i32
    %dma_wait3A_2349 = tpu.memref_slice %arg7[%dma_wait3A_2346, %dma_wait3A_2347, %dma_wait3A_2348] : memref<5x32x768xf32, #tpu.memory_space<vmem>> -> memref<1x32x768xf32, #tpu.memory_space<vmem>>
    %dma_wait3A_2350 = tpu.memref_squeeze %dma_wait3A_2349 : memref<1x32x768xf32, #tpu.memory_space<vmem>> -> memref<32x768xf32, #tpu.memory_space<vmem>>
    %dma_wait3A_2351 = arith.constant 1024 : i32
    %dma_wait3A_2352 = tpu.memref_slice %arg6[%dma_wait3A_2351] : memref<1280xi32, #tpu.memory_space<vmem>> -> memref<32xi32, #tpu.memory_space<vmem>>
    %dma_wait3A_2353 = arith.constant 0 : i32
    %dma_wait3A_2354 = arith.constant 0 : i32
    %dma_wait3A_2355 = tpu.memref_slice %arg3[%dma_wait3A_2353, %dma_wait3A_2354] : memref<10000x768xf32, #tpu.memory_space<hbm>> -> memref<10000x768xf32, #tpu.memory_space<hbm>>
    tpu.wait_indirect_dma semaphore(%arg8 : memref<!tpu.dma_semaphore, #tpu.memory_space<semaphore_mem>>) src(%dma_wait3A_2355 : memref<10000x768xf32, #tpu.memory_space<hbm>>) dst(%dma_wait3A_2350 : memref<32x768xf32, #tpu.memory_space<vmem>>)
    %add3A_2356 = arith.constant 32768 : i32
    %add3A_2357 = arith.addi %add3A_2356, %mul3A_2 : i32
    %add3A_2358 = arith.constant 0 : i32
    %add3A_2359 = arith.addi %add3A_2357, %add3A_2358 : i32
    %dma_start3A_2360 = arith.constant 2 : i32
    %dma_start3A_2361 = arith.constant 0 : i32
    %dma_start3A_2362 = arith.constant 0 : i32
    %dma_start3A_2363 = tpu.memref_slice %arg7[%dma_start3A_2360, %dma_start3A_2361, %dma_start3A_2362] : memref<5x32x768xf32, #tpu.memory_space<vmem>> -> memref<1x32x768xf32, #tpu.memory_space<vmem>>
    %dma_start3A_2364 = tpu.memref_squeeze %dma_start3A_2363 : memref<1x32x768xf32, #tpu.memory_space<vmem>> -> memref<32x768xf32, #tpu.memory_space<vmem>>
    %dma_start3A_2365 = arith.constant 0 : i32
    %dma_start3A_2366 = tpu.memref_slice %arg4[%add3A_2359, %dma_start3A_2365] : memref<40960x768xf32, #tpu.memory_space<hbm>> -> memref<32x768xf32, #tpu.memory_space<hbm>>
    %dma_start3A_2367 = arith.constant 0 : i32
    %dma_start3A_2368 = tpu.memref_slice %arg4[%add3A_2359, %dma_start3A_2367] : memref<40960x768xf32, #tpu.memory_space<hbm>> -> memref<32x768xf32, #tpu.memory_space<hbm>>
    %dma_start3A_2369 = arith.constant 0 : i32
    %dma_start3A_2370 = arith.constant 0 : i32
    %dma_start3A_2371 = tpu.memref_slice %arg7[%dma_start3A_2360, %dma_start3A_2369, %dma_start3A_2370] : memref<5x32x768xf32, #tpu.memory_space<vmem>> -> memref<1x32x768xf32, #tpu.memory_space<vmem>>
    %dma_start3A_2372 = tpu.memref_squeeze %dma_start3A_2371 : memref<1x32x768xf32, #tpu.memory_space<vmem>> -> memref<32x768xf32, #tpu.memory_space<vmem>>
    tpu.enqueue_dma source(%dma_start3A_2372 : memref<32x768xf32, #tpu.memory_space<vmem>>) target(%dma_start3A_2368 : memref<32x768xf32, #tpu.memory_space<hbm>>) target_semaphore(%arg9 : memref<!tpu.dma_semaphore, #tpu.memory_space<semaphore_mem>>)
    %dma_wait3A_2373 = arith.constant 1 : i32
    %dma_wait3A_2374 = arith.constant 0 : i32
    %dma_wait3A_2375 = arith.constant 0 : i32
    %dma_wait3A_2376 = tpu.memref_slice %arg7[%dma_wait3A_2373, %dma_wait3A_2374, %dma_wait3A_2375] : memref<5x32x768xf32, #tpu.memory_space<vmem>> -> memref<1x32x768xf32, #tpu.memory_space<vmem>>
    %dma_wait3A_2377 = tpu.memref_squeeze %dma_wait3A_2376 : memref<1x32x768xf32, #tpu.memory_space<vmem>> -> memref<32x768xf32, #tpu.memory_space<vmem>>
    %dma_wait3A_2378 = arith.constant 0 : i32
    %dma_wait3A_2379 = tpu.memref_slice %arg4[%add3A_2309, %dma_wait3A_2378] : memref<40960x768xf32, #tpu.memory_space<hbm>> -> memref<32x768xf32, #tpu.memory_space<hbm>>
    %dma_wait3A_2380 = arith.constant 0 : i32
    %dma_wait3A_2381 = tpu.memref_slice %arg4[%add3A_2309, %dma_wait3A_2380] : memref<40960x768xf32, #tpu.memory_space<hbm>> -> memref<32x768xf32, #tpu.memory_space<hbm>>
    %dma_wait3A_2382 = arith.constant 0 : i32
    %dma_wait3A_2383 = arith.constant 0 : i32
    %dma_wait3A_2384 = tpu.memref_slice %arg7[%dma_wait3A_2373, %dma_wait3A_2382, %dma_wait3A_2383] : memref<5x32x768xf32, #tpu.memory_space<vmem>> -> memref<1x32x768xf32, #tpu.memory_space<vmem>>
    %dma_wait3A_2385 = tpu.memref_squeeze %dma_wait3A_2384 : memref<1x32x768xf32, #tpu.memory_space<vmem>> -> memref<32x768xf32, #tpu.memory_space<vmem>>
    tpu.wait_dma2 semaphore(%arg9 : memref<!tpu.dma_semaphore, #tpu.memory_space<semaphore_mem>>) src(%dma_wait3A_2385 : memref<32x768xf32, #tpu.memory_space<vmem>>) dst(%dma_wait3A_2381 : memref<32x768xf32, #tpu.memory_space<hbm>>)
    %dma_start3A_2386 = arith.constant 1 : i32
    %dma_start3A_2387 = arith.constant 0 : i32
    %dma_start3A_2388 = arith.constant 0 : i32
    %dma_start3A_2389 = tpu.memref_slice %arg7[%dma_start3A_2386, %dma_start3A_2387, %dma_start3A_2388] : memref<5x32x768xf32, #tpu.memory_space<vmem>> -> memref<1x32x768xf32, #tpu.memory_space<vmem>>
    %dma_start3A_2390 = tpu.memref_squeeze %dma_start3A_2389 : memref<1x32x768xf32, #tpu.memory_space<vmem>> -> memref<32x768xf32, #tpu.memory_space<vmem>>
    %dma_start3A_2391 = arith.constant 1152 : i32
    %dma_start3A_2392 = tpu.memref_slice %arg6[%dma_start3A_2391] : memref<1280xi32, #tpu.memory_space<vmem>> -> memref<32xi32, #tpu.memory_space<vmem>>
    %dma_start3A_2393 = arith.constant 0 : i32
    %dma_start3A_2394 = arith.constant 0 : i32
    %dma_start3A_2395 = tpu.memref_slice %arg3[%dma_start3A_2393, %dma_start3A_2394] : memref<10000x768xf32, #tpu.memory_space<hbm>> -> memref<10000x768xf32, #tpu.memory_space<hbm>>
    tpu.enqueue_indirect_dma source(%dma_start3A_2395 : memref<10000x768xf32, #tpu.memory_space<hbm>>) target(%dma_start3A_2390 : memref<32x768xf32, #tpu.memory_space<vmem>>) offsets(%dma_start3A_2392 : memref<32xi32, #tpu.memory_space<vmem>>) semaphore(%arg8 : memref<!tpu.dma_semaphore, #tpu.memory_space<semaphore_mem>>)
    %dma_wait3A_2396 = arith.constant 3 : i32
    %dma_wait3A_2397 = arith.constant 0 : i32
    %dma_wait3A_2398 = arith.constant 0 : i32
    %dma_wait3A_2399 = tpu.memref_slice %arg7[%dma_wait3A_2396, %dma_wait3A_2397, %dma_wait3A_2398] : memref<5x32x768xf32, #tpu.memory_space<vmem>> -> memref<1x32x768xf32, #tpu.memory_space<vmem>>
    %dma_wait3A_2400 = tpu.memref_squeeze %dma_wait3A_2399 : memref<1x32x768xf32, #tpu.memory_space<vmem>> -> memref<32x768xf32, #tpu.memory_space<vmem>>
    %dma_wait3A_2401 = arith.constant 1056 : i32
    %dma_wait3A_2402 = tpu.memref_slice %arg6[%dma_wait3A_2401] : memref<1280xi32, #tpu.memory_space<vmem>> -> memref<32xi32, #tpu.memory_space<vmem>>
    %dma_wait3A_2403 = arith.constant 0 : i32
    %dma_wait3A_2404 = arith.constant 0 : i32
    %dma_wait3A_2405 = tpu.memref_slice %arg3[%dma_wait3A_2403, %dma_wait3A_2404] : memref<10000x768xf32, #tpu.memory_space<hbm>> -> memref<10000x768xf32, #tpu.memory_space<hbm>>
    tpu.wait_indirect_dma semaphore(%arg8 : memref<!tpu.dma_semaphore, #tpu.memory_space<semaphore_mem>>) src(%dma_wait3A_2405 : memref<10000x768xf32, #tpu.memory_space<hbm>>) dst(%dma_wait3A_2400 : memref<32x768xf32, #tpu.memory_space<vmem>>)
    %add3A_2406 = arith.constant 32768 : i32
    %add3A_2407 = arith.addi %add3A_2406, %mul3A_2 : i32
    %add3A_2408 = arith.constant 32 : i32
    %add3A_2409 = arith.addi %add3A_2407, %add3A_2408 : i32
    %dma_start3A_2410 = arith.constant 3 : i32
    %dma_start3A_2411 = arith.constant 0 : i32
    %dma_start3A_2412 = arith.constant 0 : i32
    %dma_start3A_2413 = tpu.memref_slice %arg7[%dma_start3A_2410, %dma_start3A_2411, %dma_start3A_2412] : memref<5x32x768xf32, #tpu.memory_space<vmem>> -> memref<1x32x768xf32, #tpu.memory_space<vmem>>
    %dma_start3A_2414 = tpu.memref_squeeze %dma_start3A_2413 : memref<1x32x768xf32, #tpu.memory_space<vmem>> -> memref<32x768xf32, #tpu.memory_space<vmem>>
    %dma_start3A_2415 = arith.constant 0 : i32
    %dma_start3A_2416 = tpu.memref_slice %arg4[%add3A_2409, %dma_start3A_2415] : memref<40960x768xf32, #tpu.memory_space<hbm>> -> memref<32x768xf32, #tpu.memory_space<hbm>>
    %dma_start3A_2417 = arith.constant 0 : i32
    %dma_start3A_2418 = tpu.memref_slice %arg4[%add3A_2409, %dma_start3A_2417] : memref<40960x768xf32, #tpu.memory_space<hbm>> -> memref<32x768xf32, #tpu.memory_space<hbm>>
    %dma_start3A_2419 = arith.constant 0 : i32
    %dma_start3A_2420 = arith.constant 0 : i32
    %dma_start3A_2421 = tpu.memref_slice %arg7[%dma_start3A_2410, %dma_start3A_2419, %dma_start3A_2420] : memref<5x32x768xf32, #tpu.memory_space<vmem>> -> memref<1x32x768xf32, #tpu.memory_space<vmem>>
    %dma_start3A_2422 = tpu.memref_squeeze %dma_start3A_2421 : memref<1x32x768xf32, #tpu.memory_space<vmem>> -> memref<32x768xf32, #tpu.memory_space<vmem>>
    tpu.enqueue_dma source(%dma_start3A_2422 : memref<32x768xf32, #tpu.memory_space<vmem>>) target(%dma_start3A_2418 : memref<32x768xf32, #tpu.memory_space<hbm>>) target_semaphore(%arg9 : memref<!tpu.dma_semaphore, #tpu.memory_space<semaphore_mem>>)
    %dma_wait3A_2423 = arith.constant 2 : i32
    %dma_wait3A_2424 = arith.constant 0 : i32
    %dma_wait3A_2425 = arith.constant 0 : i32
    %dma_wait3A_2426 = tpu.memref_slice %arg7[%dma_wait3A_2423, %dma_wait3A_2424, %dma_wait3A_2425] : memref<5x32x768xf32, #tpu.memory_space<vmem>> -> memref<1x32x768xf32, #tpu.memory_space<vmem>>
    %dma_wait3A_2427 = tpu.memref_squeeze %dma_wait3A_2426 : memref<1x32x768xf32, #tpu.memory_space<vmem>> -> memref<32x768xf32, #tpu.memory_space<vmem>>
    %dma_wait3A_2428 = arith.constant 0 : i32
    %dma_wait3A_2429 = tpu.memref_slice %arg4[%add3A_2359, %dma_wait3A_2428] : memref<40960x768xf32, #tpu.memory_space<hbm>> -> memref<32x768xf32, #tpu.memory_space<hbm>>
    %dma_wait3A_2430 = arith.constant 0 : i32
    %dma_wait3A_2431 = tpu.memref_slice %arg4[%add3A_2359, %dma_wait3A_2430] : memref<40960x768xf32, #tpu.memory_space<hbm>> -> memref<32x768xf32, #tpu.memory_space<hbm>>
    %dma_wait3A_2432 = arith.constant 0 : i32
    %dma_wait3A_2433 = arith.constant 0 : i32
    %dma_wait3A_2434 = tpu.memref_slice %arg7[%dma_wait3A_2423, %dma_wait3A_2432, %dma_wait3A_2433] : memref<5x32x768xf32, #tpu.memory_space<vmem>> -> memref<1x32x768xf32, #tpu.memory_space<vmem>>
    %dma_wait3A_2435 = tpu.memref_squeeze %dma_wait3A_2434 : memref<1x32x768xf32, #tpu.memory_space<vmem>> -> memref<32x768xf32, #tpu.memory_space<vmem>>
    tpu.wait_dma2 semaphore(%arg9 : memref<!tpu.dma_semaphore, #tpu.memory_space<semaphore_mem>>) src(%dma_wait3A_2435 : memref<32x768xf32, #tpu.memory_space<vmem>>) dst(%dma_wait3A_2431 : memref<32x768xf32, #tpu.memory_space<hbm>>)
    %dma_start3A_2436 = arith.constant 2 : i32
    %dma_start3A_2437 = arith.constant 0 : i32
    %dma_start3A_2438 = arith.constant 0 : i32
    %dma_start3A_2439 = tpu.memref_slice %arg7[%dma_start3A_2436, %dma_start3A_2437, %dma_start3A_2438] : memref<5x32x768xf32, #tpu.memory_space<vmem>> -> memref<1x32x768xf32, #tpu.memory_space<vmem>>
    %dma_start3A_2440 = tpu.memref_squeeze %dma_start3A_2439 : memref<1x32x768xf32, #tpu.memory_space<vmem>> -> memref<32x768xf32, #tpu.memory_space<vmem>>
    %dma_start3A_2441 = arith.constant 1184 : i32
    %dma_start3A_2442 = tpu.memref_slice %arg6[%dma_start3A_2441] : memref<1280xi32, #tpu.memory_space<vmem>> -> memref<32xi32, #tpu.memory_space<vmem>>
    %dma_start3A_2443 = arith.constant 0 : i32
    %dma_start3A_2444 = arith.constant 0 : i32
    %dma_start3A_2445 = tpu.memref_slice %arg3[%dma_start3A_2443, %dma_start3A_2444] : memref<10000x768xf32, #tpu.memory_space<hbm>> -> memref<10000x768xf32, #tpu.memory_space<hbm>>
    tpu.enqueue_indirect_dma source(%dma_start3A_2445 : memref<10000x768xf32, #tpu.memory_space<hbm>>) target(%dma_start3A_2440 : memref<32x768xf32, #tpu.memory_space<vmem>>) offsets(%dma_start3A_2442 : memref<32xi32, #tpu.memory_space<vmem>>) semaphore(%arg8 : memref<!tpu.dma_semaphore, #tpu.memory_space<semaphore_mem>>)
    %dma_wait3A_2446 = arith.constant 4 : i32
    %dma_wait3A_2447 = arith.constant 0 : i32
    %dma_wait3A_2448 = arith.constant 0 : i32
    %dma_wait3A_2449 = tpu.memref_slice %arg7[%dma_wait3A_2446, %dma_wait3A_2447, %dma_wait3A_2448] : memref<5x32x768xf32, #tpu.memory_space<vmem>> -> memref<1x32x768xf32, #tpu.memory_space<vmem>>
    %dma_wait3A_2450 = tpu.memref_squeeze %dma_wait3A_2449 : memref<1x32x768xf32, #tpu.memory_space<vmem>> -> memref<32x768xf32, #tpu.memory_space<vmem>>
    %dma_wait3A_2451 = arith.constant 1088 : i32
    %dma_wait3A_2452 = tpu.memref_slice %arg6[%dma_wait3A_2451] : memref<1280xi32, #tpu.memory_space<vmem>> -> memref<32xi32, #tpu.memory_space<vmem>>
    %dma_wait3A_2453 = arith.constant 0 : i32
    %dma_wait3A_2454 = arith.constant 0 : i32
    %dma_wait3A_2455 = tpu.memref_slice %arg3[%dma_wait3A_2453, %dma_wait3A_2454] : memref<10000x768xf32, #tpu.memory_space<hbm>> -> memref<10000x768xf32, #tpu.memory_space<hbm>>
    tpu.wait_indirect_dma semaphore(%arg8 : memref<!tpu.dma_semaphore, #tpu.memory_space<semaphore_mem>>) src(%dma_wait3A_2455 : memref<10000x768xf32, #tpu.memory_space<hbm>>) dst(%dma_wait3A_2450 : memref<32x768xf32, #tpu.memory_space<vmem>>)
    %add3A_2456 = arith.constant 32768 : i32
    %add3A_2457 = arith.addi %add3A_2456, %mul3A_2 : i32
    %add3A_2458 = arith.constant 64 : i32
    %add3A_2459 = arith.addi %add3A_2457, %add3A_2458 : i32
    %dma_start3A_2460 = arith.constant 4 : i32
    %dma_start3A_2461 = arith.constant 0 : i32
    %dma_start3A_2462 = arith.constant 0 : i32
    %dma_start3A_2463 = tpu.memref_slice %arg7[%dma_start3A_2460, %dma_start3A_2461, %dma_start3A_2462] : memref<5x32x768xf32, #tpu.memory_space<vmem>> -> memref<1x32x768xf32, #tpu.memory_space<vmem>>
    %dma_start3A_2464 = tpu.memref_squeeze %dma_start3A_2463 : memref<1x32x768xf32, #tpu.memory_space<vmem>> -> memref<32x768xf32, #tpu.memory_space<vmem>>
    %dma_start3A_2465 = arith.constant 0 : i32
    %dma_start3A_2466 = tpu.memref_slice %arg4[%add3A_2459, %dma_start3A_2465] : memref<40960x768xf32, #tpu.memory_space<hbm>> -> memref<32x768xf32, #tpu.memory_space<hbm>>
    %dma_start3A_2467 = arith.constant 0 : i32
    %dma_start3A_2468 = tpu.memref_slice %arg4[%add3A_2459, %dma_start3A_2467] : memref<40960x768xf32, #tpu.memory_space<hbm>> -> memref<32x768xf32, #tpu.memory_space<hbm>>
    %dma_start3A_2469 = arith.constant 0 : i32
    %dma_start3A_2470 = arith.constant 0 : i32
    %dma_start3A_2471 = tpu.memref_slice %arg7[%dma_start3A_2460, %dma_start3A_2469, %dma_start3A_2470] : memref<5x32x768xf32, #tpu.memory_space<vmem>> -> memref<1x32x768xf32, #tpu.memory_space<vmem>>
    %dma_start3A_2472 = tpu.memref_squeeze %dma_start3A_2471 : memref<1x32x768xf32, #tpu.memory_space<vmem>> -> memref<32x768xf32, #tpu.memory_space<vmem>>
    tpu.enqueue_dma source(%dma_start3A_2472 : memref<32x768xf32, #tpu.memory_space<vmem>>) target(%dma_start3A_2468 : memref<32x768xf32, #tpu.memory_space<hbm>>) target_semaphore(%arg9 : memref<!tpu.dma_semaphore, #tpu.memory_space<semaphore_mem>>)
    %dma_wait3A_2473 = arith.constant 3 : i32
    %dma_wait3A_2474 = arith.constant 0 : i32
    %dma_wait3A_2475 = arith.constant 0 : i32
    %dma_wait3A_2476 = tpu.memref_slice %arg7[%dma_wait3A_2473, %dma_wait3A_2474, %dma_wait3A_2475] : memref<5x32x768xf32, #tpu.memory_space<vmem>> -> memref<1x32x768xf32, #tpu.memory_space<vmem>>
    %dma_wait3A_2477 = tpu.memref_squeeze %dma_wait3A_2476 : memref<1x32x768xf32, #tpu.memory_space<vmem>> -> memref<32x768xf32, #tpu.memory_space<vmem>>
    %dma_wait3A_2478 = arith.constant 0 : i32
    %dma_wait3A_2479 = tpu.memref_slice %arg4[%add3A_2409, %dma_wait3A_2478] : memref<40960x768xf32, #tpu.memory_space<hbm>> -> memref<32x768xf32, #tpu.memory_space<hbm>>
    %dma_wait3A_2480 = arith.constant 0 : i32
    %dma_wait3A_2481 = tpu.memref_slice %arg4[%add3A_2409, %dma_wait3A_2480] : memref<40960x768xf32, #tpu.memory_space<hbm>> -> memref<32x768xf32, #tpu.memory_space<hbm>>
    %dma_wait3A_2482 = arith.constant 0 : i32
    %dma_wait3A_2483 = arith.constant 0 : i32
    %dma_wait3A_2484 = tpu.memref_slice %arg7[%dma_wait3A_2473, %dma_wait3A_2482, %dma_wait3A_2483] : memref<5x32x768xf32, #tpu.memory_space<vmem>> -> memref<1x32x768xf32, #tpu.memory_space<vmem>>
    %dma_wait3A_2485 = tpu.memref_squeeze %dma_wait3A_2484 : memref<1x32x768xf32, #tpu.memory_space<vmem>> -> memref<32x768xf32, #tpu.memory_space<vmem>>
    tpu.wait_dma2 semaphore(%arg9 : memref<!tpu.dma_semaphore, #tpu.memory_space<semaphore_mem>>) src(%dma_wait3A_2485 : memref<32x768xf32, #tpu.memory_space<vmem>>) dst(%dma_wait3A_2481 : memref<32x768xf32, #tpu.memory_space<hbm>>)
    %dma_start3A_2486 = arith.constant 3 : i32
    %dma_start3A_2487 = arith.constant 0 : i32
    %dma_start3A_2488 = arith.constant 0 : i32
    %dma_start3A_2489 = tpu.memref_slice %arg7[%dma_start3A_2486, %dma_start3A_2487, %dma_start3A_2488] : memref<5x32x768xf32, #tpu.memory_space<vmem>> -> memref<1x32x768xf32, #tpu.memory_space<vmem>>
    %dma_start3A_2490 = tpu.memref_squeeze %dma_start3A_2489 : memref<1x32x768xf32, #tpu.memory_space<vmem>> -> memref<32x768xf32, #tpu.memory_space<vmem>>
    %dma_start3A_2491 = arith.constant 1216 : i32
    %dma_start3A_2492 = tpu.memref_slice %arg6[%dma_start3A_2491] : memref<1280xi32, #tpu.memory_space<vmem>> -> memref<32xi32, #tpu.memory_space<vmem>>
    %dma_start3A_2493 = arith.constant 0 : i32
    %dma_start3A_2494 = arith.constant 0 : i32
    %dma_start3A_2495 = tpu.memref_slice %arg3[%dma_start3A_2493, %dma_start3A_2494] : memref<10000x768xf32, #tpu.memory_space<hbm>> -> memref<10000x768xf32, #tpu.memory_space<hbm>>
    tpu.enqueue_indirect_dma source(%dma_start3A_2495 : memref<10000x768xf32, #tpu.memory_space<hbm>>) target(%dma_start3A_2490 : memref<32x768xf32, #tpu.memory_space<vmem>>) offsets(%dma_start3A_2492 : memref<32xi32, #tpu.memory_space<vmem>>) semaphore(%arg8 : memref<!tpu.dma_semaphore, #tpu.memory_space<semaphore_mem>>)
    %dma_wait3A_2496 = arith.constant 0 : i32
    %dma_wait3A_2497 = arith.constant 0 : i32
    %dma_wait3A_2498 = arith.constant 0 : i32
    %dma_wait3A_2499 = tpu.memref_slice %arg7[%dma_wait3A_2496, %dma_wait3A_2497, %dma_wait3A_2498] : memref<5x32x768xf32, #tpu.memory_space<vmem>> -> memref<1x32x768xf32, #tpu.memory_space<vmem>>
    %dma_wait3A_2500 = tpu.memref_squeeze %dma_wait3A_2499 : memref<1x32x768xf32, #tpu.memory_space<vmem>> -> memref<32x768xf32, #tpu.memory_space<vmem>>
    %dma_wait3A_2501 = arith.constant 1120 : i32
    %dma_wait3A_2502 = tpu.memref_slice %arg6[%dma_wait3A_2501] : memref<1280xi32, #tpu.memory_space<vmem>> -> memref<32xi32, #tpu.memory_space<vmem>>
    %dma_wait3A_2503 = arith.constant 0 : i32
    %dma_wait3A_2504 = arith.constant 0 : i32
    %dma_wait3A_2505 = tpu.memref_slice %arg3[%dma_wait3A_2503, %dma_wait3A_2504] : memref<10000x768xf32, #tpu.memory_space<hbm>> -> memref<10000x768xf32, #tpu.memory_space<hbm>>
    tpu.wait_indirect_dma semaphore(%arg8 : memref<!tpu.dma_semaphore, #tpu.memory_space<semaphore_mem>>) src(%dma_wait3A_2505 : memref<10000x768xf32, #tpu.memory_space<hbm>>) dst(%dma_wait3A_2500 : memref<32x768xf32, #tpu.memory_space<vmem>>)
    %add3A_2506 = arith.constant 32768 : i32
    %add3A_2507 = arith.addi %add3A_2506, %mul3A_2 : i32
    %add3A_2508 = arith.constant 96 : i32
    %add3A_2509 = arith.addi %add3A_2507, %add3A_2508 : i32
    %dma_start3A_2510 = arith.constant 0 : i32
    %dma_start3A_2511 = arith.constant 0 : i32
    %dma_start3A_2512 = arith.constant 0 : i32
    %dma_start3A_2513 = tpu.memref_slice %arg7[%dma_start3A_2510, %dma_start3A_2511, %dma_start3A_2512] : memref<5x32x768xf32, #tpu.memory_space<vmem>> -> memref<1x32x768xf32, #tpu.memory_space<vmem>>
    %dma_start3A_2514 = tpu.memref_squeeze %dma_start3A_2513 : memref<1x32x768xf32, #tpu.memory_space<vmem>> -> memref<32x768xf32, #tpu.memory_space<vmem>>
    %dma_start3A_2515 = arith.constant 0 : i32
    %dma_start3A_2516 = tpu.memref_slice %arg4[%add3A_2509, %dma_start3A_2515] : memref<40960x768xf32, #tpu.memory_space<hbm>> -> memref<32x768xf32, #tpu.memory_space<hbm>>
    %dma_start3A_2517 = arith.constant 0 : i32
    %dma_start3A_2518 = tpu.memref_slice %arg4[%add3A_2509, %dma_start3A_2517] : memref<40960x768xf32, #tpu.memory_space<hbm>> -> memref<32x768xf32, #tpu.memory_space<hbm>>
    %dma_start3A_2519 = arith.constant 0 : i32
    %dma_start3A_2520 = arith.constant 0 : i32
    %dma_start3A_2521 = tpu.memref_slice %arg7[%dma_start3A_2510, %dma_start3A_2519, %dma_start3A_2520] : memref<5x32x768xf32, #tpu.memory_space<vmem>> -> memref<1x32x768xf32, #tpu.memory_space<vmem>>
    %dma_start3A_2522 = tpu.memref_squeeze %dma_start3A_2521 : memref<1x32x768xf32, #tpu.memory_space<vmem>> -> memref<32x768xf32, #tpu.memory_space<vmem>>
    tpu.enqueue_dma source(%dma_start3A_2522 : memref<32x768xf32, #tpu.memory_space<vmem>>) target(%dma_start3A_2518 : memref<32x768xf32, #tpu.memory_space<hbm>>) target_semaphore(%arg9 : memref<!tpu.dma_semaphore, #tpu.memory_space<semaphore_mem>>)
    %dma_wait3A_2523 = arith.constant 4 : i32
    %dma_wait3A_2524 = arith.constant 0 : i32
    %dma_wait3A_2525 = arith.constant 0 : i32
    %dma_wait3A_2526 = tpu.memref_slice %arg7[%dma_wait3A_2523, %dma_wait3A_2524, %dma_wait3A_2525] : memref<5x32x768xf32, #tpu.memory_space<vmem>> -> memref<1x32x768xf32, #tpu.memory_space<vmem>>
    %dma_wait3A_2527 = tpu.memref_squeeze %dma_wait3A_2526 : memref<1x32x768xf32, #tpu.memory_space<vmem>> -> memref<32x768xf32, #tpu.memory_space<vmem>>
    %dma_wait3A_2528 = arith.constant 0 : i32
    %dma_wait3A_2529 = tpu.memref_slice %arg4[%add3A_2459, %dma_wait3A_2528] : memref<40960x768xf32, #tpu.memory_space<hbm>> -> memref<32x768xf32, #tpu.memory_space<hbm>>
    %dma_wait3A_2530 = arith.constant 0 : i32
    %dma_wait3A_2531 = tpu.memref_slice %arg4[%add3A_2459, %dma_wait3A_2530] : memref<40960x768xf32, #tpu.memory_space<hbm>> -> memref<32x768xf32, #tpu.memory_space<hbm>>
    %dma_wait3A_2532 = arith.constant 0 : i32
    %dma_wait3A_2533 = arith.constant 0 : i32
    %dma_wait3A_2534 = tpu.memref_slice %arg7[%dma_wait3A_2523, %dma_wait3A_2532, %dma_wait3A_2533] : memref<5x32x768xf32, #tpu.memory_space<vmem>> -> memref<1x32x768xf32, #tpu.memory_space<vmem>>
    %dma_wait3A_2535 = tpu.memref_squeeze %dma_wait3A_2534 : memref<1x32x768xf32, #tpu.memory_space<vmem>> -> memref<32x768xf32, #tpu.memory_space<vmem>>
    tpu.wait_dma2 semaphore(%arg9 : memref<!tpu.dma_semaphore, #tpu.memory_space<semaphore_mem>>) src(%dma_wait3A_2535 : memref<32x768xf32, #tpu.memory_space<vmem>>) dst(%dma_wait3A_2531 : memref<32x768xf32, #tpu.memory_space<hbm>>)
    %dma_start3A_2536 = arith.constant 4 : i32
    %dma_start3A_2537 = arith.constant 0 : i32
    %dma_start3A_2538 = arith.constant 0 : i32
    %dma_start3A_2539 = tpu.memref_slice %arg7[%dma_start3A_2536, %dma_start3A_2537, %dma_start3A_2538] : memref<5x32x768xf32, #tpu.memory_space<vmem>> -> memref<1x32x768xf32, #tpu.memory_space<vmem>>
    %dma_start3A_2540 = tpu.memref_squeeze %dma_start3A_2539 : memref<1x32x768xf32, #tpu.memory_space<vmem>> -> memref<32x768xf32, #tpu.memory_space<vmem>>
    %dma_start3A_2541 = arith.constant 1248 : i32
    %dma_start3A_2542 = tpu.memref_slice %arg6[%dma_start3A_2541] : memref<1280xi32, #tpu.memory_space<vmem>> -> memref<32xi32, #tpu.memory_space<vmem>>
    %dma_start3A_2543 = arith.constant 0 : i32
    %dma_start3A_2544 = arith.constant 0 : i32
    %dma_start3A_2545 = tpu.memref_slice %arg3[%dma_start3A_2543, %dma_start3A_2544] : memref<10000x768xf32, #tpu.memory_space<hbm>> -> memref<10000x768xf32, #tpu.memory_space<hbm>>
    tpu.enqueue_indirect_dma source(%dma_start3A_2545 : memref<10000x768xf32, #tpu.memory_space<hbm>>) target(%dma_start3A_2540 : memref<32x768xf32, #tpu.memory_space<vmem>>) offsets(%dma_start3A_2542 : memref<32xi32, #tpu.memory_space<vmem>>) semaphore(%arg8 : memref<!tpu.dma_semaphore, #tpu.memory_space<semaphore_mem>>)
    %dma_wait3A_2546 = arith.constant 1 : i32
    %dma_wait3A_2547 = arith.constant 0 : i32
    %dma_wait3A_2548 = arith.constant 0 : i32
    %dma_wait3A_2549 = tpu.memref_slice %arg7[%dma_wait3A_2546, %dma_wait3A_2547, %dma_wait3A_2548] : memref<5x32x768xf32, #tpu.memory_space<vmem>> -> memref<1x32x768xf32, #tpu.memory_space<vmem>>
    %dma_wait3A_2550 = tpu.memref_squeeze %dma_wait3A_2549 : memref<1x32x768xf32, #tpu.memory_space<vmem>> -> memref<32x768xf32, #tpu.memory_space<vmem>>
    %dma_wait3A_2551 = arith.constant 1152 : i32
    %dma_wait3A_2552 = tpu.memref_slice %arg6[%dma_wait3A_2551] : memref<1280xi32, #tpu.memory_space<vmem>> -> memref<32xi32, #tpu.memory_space<vmem>>
    %dma_wait3A_2553 = arith.constant 0 : i32
    %dma_wait3A_2554 = arith.constant 0 : i32
    %dma_wait3A_2555 = tpu.memref_slice %arg3[%dma_wait3A_2553, %dma_wait3A_2554] : memref<10000x768xf32, #tpu.memory_space<hbm>> -> memref<10000x768xf32, #tpu.memory_space<hbm>>
    tpu.wait_indirect_dma semaphore(%arg8 : memref<!tpu.dma_semaphore, #tpu.memory_space<semaphore_mem>>) src(%dma_wait3A_2555 : memref<10000x768xf32, #tpu.memory_space<hbm>>) dst(%dma_wait3A_2550 : memref<32x768xf32, #tpu.memory_space<vmem>>)
    %add3A_2556 = arith.constant 36864 : i32
    %add3A_2557 = arith.addi %add3A_2556, %mul3A_2 : i32
    %add3A_2558 = arith.constant 0 : i32
    %add3A_2559 = arith.addi %add3A_2557, %add3A_2558 : i32
    %dma_start3A_2560 = arith.constant 1 : i32
    %dma_start3A_2561 = arith.constant 0 : i32
    %dma_start3A_2562 = arith.constant 0 : i32
    %dma_start3A_2563 = tpu.memref_slice %arg7[%dma_start3A_2560, %dma_start3A_2561, %dma_start3A_2562] : memref<5x32x768xf32, #tpu.memory_space<vmem>> -> memref<1x32x768xf32, #tpu.memory_space<vmem>>
    %dma_start3A_2564 = tpu.memref_squeeze %dma_start3A_2563 : memref<1x32x768xf32, #tpu.memory_space<vmem>> -> memref<32x768xf32, #tpu.memory_space<vmem>>
    %dma_start3A_2565 = arith.constant 0 : i32
    %dma_start3A_2566 = tpu.memref_slice %arg4[%add3A_2559, %dma_start3A_2565] : memref<40960x768xf32, #tpu.memory_space<hbm>> -> memref<32x768xf32, #tpu.memory_space<hbm>>
    %dma_start3A_2567 = arith.constant 0 : i32
    %dma_start3A_2568 = tpu.memref_slice %arg4[%add3A_2559, %dma_start3A_2567] : memref<40960x768xf32, #tpu.memory_space<hbm>> -> memref<32x768xf32, #tpu.memory_space<hbm>>
    %dma_start3A_2569 = arith.constant 0 : i32
    %dma_start3A_2570 = arith.constant 0 : i32
    %dma_start3A_2571 = tpu.memref_slice %arg7[%dma_start3A_2560, %dma_start3A_2569, %dma_start3A_2570] : memref<5x32x768xf32, #tpu.memory_space<vmem>> -> memref<1x32x768xf32, #tpu.memory_space<vmem>>
    %dma_start3A_2572 = tpu.memref_squeeze %dma_start3A_2571 : memref<1x32x768xf32, #tpu.memory_space<vmem>> -> memref<32x768xf32, #tpu.memory_space<vmem>>
    tpu.enqueue_dma source(%dma_start3A_2572 : memref<32x768xf32, #tpu.memory_space<vmem>>) target(%dma_start3A_2568 : memref<32x768xf32, #tpu.memory_space<hbm>>) target_semaphore(%arg9 : memref<!tpu.dma_semaphore, #tpu.memory_space<semaphore_mem>>)
    %dma_wait3A_2573 = arith.constant 2 : i32
    %dma_wait3A_2574 = arith.constant 0 : i32
    %dma_wait3A_2575 = arith.constant 0 : i32
    %dma_wait3A_2576 = tpu.memref_slice %arg7[%dma_wait3A_2573, %dma_wait3A_2574, %dma_wait3A_2575] : memref<5x32x768xf32, #tpu.memory_space<vmem>> -> memref<1x32x768xf32, #tpu.memory_space<vmem>>
    %dma_wait3A_2577 = tpu.memref_squeeze %dma_wait3A_2576 : memref<1x32x768xf32, #tpu.memory_space<vmem>> -> memref<32x768xf32, #tpu.memory_space<vmem>>
    %dma_wait3A_2578 = arith.constant 1184 : i32
    %dma_wait3A_2579 = tpu.memref_slice %arg6[%dma_wait3A_2578] : memref<1280xi32, #tpu.memory_space<vmem>> -> memref<32xi32, #tpu.memory_space<vmem>>
    %dma_wait3A_2580 = arith.constant 0 : i32
    %dma_wait3A_2581 = arith.constant 0 : i32
    %dma_wait3A_2582 = tpu.memref_slice %arg3[%dma_wait3A_2580, %dma_wait3A_2581] : memref<10000x768xf32, #tpu.memory_space<hbm>> -> memref<10000x768xf32, #tpu.memory_space<hbm>>
    tpu.wait_indirect_dma semaphore(%arg8 : memref<!tpu.dma_semaphore, #tpu.memory_space<semaphore_mem>>) src(%dma_wait3A_2582 : memref<10000x768xf32, #tpu.memory_space<hbm>>) dst(%dma_wait3A_2577 : memref<32x768xf32, #tpu.memory_space<vmem>>)
    %add3A_2583 = arith.constant 36864 : i32
    %add3A_2584 = arith.addi %add3A_2583, %mul3A_2 : i32
    %add3A_2585 = arith.constant 32 : i32
    %add3A_2586 = arith.addi %add3A_2584, %add3A_2585 : i32
    %dma_start3A_2587 = arith.constant 2 : i32
    %dma_start3A_2588 = arith.constant 0 : i32
    %dma_start3A_2589 = arith.constant 0 : i32
    %dma_start3A_2590 = tpu.memref_slice %arg7[%dma_start3A_2587, %dma_start3A_2588, %dma_start3A_2589] : memref<5x32x768xf32, #tpu.memory_space<vmem>> -> memref<1x32x768xf32, #tpu.memory_space<vmem>>
    %dma_start3A_2591 = tpu.memref_squeeze %dma_start3A_2590 : memref<1x32x768xf32, #tpu.memory_space<vmem>> -> memref<32x768xf32, #tpu.memory_space<vmem>>
    %dma_start3A_2592 = arith.constant 0 : i32
    %dma_start3A_2593 = tpu.memref_slice %arg4[%add3A_2586, %dma_start3A_2592] : memref<40960x768xf32, #tpu.memory_space<hbm>> -> memref<32x768xf32, #tpu.memory_space<hbm>>
    %dma_start3A_2594 = arith.constant 0 : i32
    %dma_start3A_2595 = tpu.memref_slice %arg4[%add3A_2586, %dma_start3A_2594] : memref<40960x768xf32, #tpu.memory_space<hbm>> -> memref<32x768xf32, #tpu.memory_space<hbm>>
    %dma_start3A_2596 = arith.constant 0 : i32
    %dma_start3A_2597 = arith.constant 0 : i32
    %dma_start3A_2598 = tpu.memref_slice %arg7[%dma_start3A_2587, %dma_start3A_2596, %dma_start3A_2597] : memref<5x32x768xf32, #tpu.memory_space<vmem>> -> memref<1x32x768xf32, #tpu.memory_space<vmem>>
    %dma_start3A_2599 = tpu.memref_squeeze %dma_start3A_2598 : memref<1x32x768xf32, #tpu.memory_space<vmem>> -> memref<32x768xf32, #tpu.memory_space<vmem>>
    tpu.enqueue_dma source(%dma_start3A_2599 : memref<32x768xf32, #tpu.memory_space<vmem>>) target(%dma_start3A_2595 : memref<32x768xf32, #tpu.memory_space<hbm>>) target_semaphore(%arg9 : memref<!tpu.dma_semaphore, #tpu.memory_space<semaphore_mem>>)
    %dma_wait3A_2600 = arith.constant 3 : i32
    %dma_wait3A_2601 = arith.constant 0 : i32
    %dma_wait3A_2602 = arith.constant 0 : i32
    %dma_wait3A_2603 = tpu.memref_slice %arg7[%dma_wait3A_2600, %dma_wait3A_2601, %dma_wait3A_2602] : memref<5x32x768xf32, #tpu.memory_space<vmem>> -> memref<1x32x768xf32, #tpu.memory_space<vmem>>
    %dma_wait3A_2604 = tpu.memref_squeeze %dma_wait3A_2603 : memref<1x32x768xf32, #tpu.memory_space<vmem>> -> memref<32x768xf32, #tpu.memory_space<vmem>>
    %dma_wait3A_2605 = arith.constant 1216 : i32
    %dma_wait3A_2606 = tpu.memref_slice %arg6[%dma_wait3A_2605] : memref<1280xi32, #tpu.memory_space<vmem>> -> memref<32xi32, #tpu.memory_space<vmem>>
    %dma_wait3A_2607 = arith.constant 0 : i32
    %dma_wait3A_2608 = arith.constant 0 : i32
    %dma_wait3A_2609 = tpu.memref_slice %arg3[%dma_wait3A_2607, %dma_wait3A_2608] : memref<10000x768xf32, #tpu.memory_space<hbm>> -> memref<10000x768xf32, #tpu.memory_space<hbm>>
    tpu.wait_indirect_dma semaphore(%arg8 : memref<!tpu.dma_semaphore, #tpu.memory_space<semaphore_mem>>) src(%dma_wait3A_2609 : memref<10000x768xf32, #tpu.memory_space<hbm>>) dst(%dma_wait3A_2604 : memref<32x768xf32, #tpu.memory_space<vmem>>)
    %add3A_2610 = arith.constant 36864 : i32
    %add3A_2611 = arith.addi %add3A_2610, %mul3A_2 : i32
    %add3A_2612 = arith.constant 64 : i32
    %add3A_2613 = arith.addi %add3A_2611, %add3A_2612 : i32
    %dma_start3A_2614 = arith.constant 3 : i32
    %dma_start3A_2615 = arith.constant 0 : i32
    %dma_start3A_2616 = arith.constant 0 : i32
    %dma_start3A_2617 = tpu.memref_slice %arg7[%dma_start3A_2614, %dma_start3A_2615, %dma_start3A_2616] : memref<5x32x768xf32, #tpu.memory_space<vmem>> -> memref<1x32x768xf32, #tpu.memory_space<vmem>>
    %dma_start3A_2618 = tpu.memref_squeeze %dma_start3A_2617 : memref<1x32x768xf32, #tpu.memory_space<vmem>> -> memref<32x768xf32, #tpu.memory_space<vmem>>
    %dma_start3A_2619 = arith.constant 0 : i32
    %dma_start3A_2620 = tpu.memref_slice %arg4[%add3A_2613, %dma_start3A_2619] : memref<40960x768xf32, #tpu.memory_space<hbm>> -> memref<32x768xf32, #tpu.memory_space<hbm>>
    %dma_start3A_2621 = arith.constant 0 : i32
    %dma_start3A_2622 = tpu.memref_slice %arg4[%add3A_2613, %dma_start3A_2621] : memref<40960x768xf32, #tpu.memory_space<hbm>> -> memref<32x768xf32, #tpu.memory_space<hbm>>
    %dma_start3A_2623 = arith.constant 0 : i32
    %dma_start3A_2624 = arith.constant 0 : i32
    %dma_start3A_2625 = tpu.memref_slice %arg7[%dma_start3A_2614, %dma_start3A_2623, %dma_start3A_2624] : memref<5x32x768xf32, #tpu.memory_space<vmem>> -> memref<1x32x768xf32, #tpu.memory_space<vmem>>
    %dma_start3A_2626 = tpu.memref_squeeze %dma_start3A_2625 : memref<1x32x768xf32, #tpu.memory_space<vmem>> -> memref<32x768xf32, #tpu.memory_space<vmem>>
    tpu.enqueue_dma source(%dma_start3A_2626 : memref<32x768xf32, #tpu.memory_space<vmem>>) target(%dma_start3A_2622 : memref<32x768xf32, #tpu.memory_space<hbm>>) target_semaphore(%arg9 : memref<!tpu.dma_semaphore, #tpu.memory_space<semaphore_mem>>)
    %dma_wait3A_2627 = arith.constant 4 : i32
    %dma_wait3A_2628 = arith.constant 0 : i32
    %dma_wait3A_2629 = arith.constant 0 : i32
    %dma_wait3A_2630 = tpu.memref_slice %arg7[%dma_wait3A_2627, %dma_wait3A_2628, %dma_wait3A_2629] : memref<5x32x768xf32, #tpu.memory_space<vmem>> -> memref<1x32x768xf32, #tpu.memory_space<vmem>>
    %dma_wait3A_2631 = tpu.memref_squeeze %dma_wait3A_2630 : memref<1x32x768xf32, #tpu.memory_space<vmem>> -> memref<32x768xf32, #tpu.memory_space<vmem>>
    %dma_wait3A_2632 = arith.constant 1248 : i32
    %dma_wait3A_2633 = tpu.memref_slice %arg6[%dma_wait3A_2632] : memref<1280xi32, #tpu.memory_space<vmem>> -> memref<32xi32, #tpu.memory_space<vmem>>
    %dma_wait3A_2634 = arith.constant 0 : i32
    %dma_wait3A_2635 = arith.constant 0 : i32
    %dma_wait3A_2636 = tpu.memref_slice %arg3[%dma_wait3A_2634, %dma_wait3A_2635] : memref<10000x768xf32, #tpu.memory_space<hbm>> -> memref<10000x768xf32, #tpu.memory_space<hbm>>
    tpu.wait_indirect_dma semaphore(%arg8 : memref<!tpu.dma_semaphore, #tpu.memory_space<semaphore_mem>>) src(%dma_wait3A_2636 : memref<10000x768xf32, #tpu.memory_space<hbm>>) dst(%dma_wait3A_2631 : memref<32x768xf32, #tpu.memory_space<vmem>>)
    %add3A_2637 = arith.constant 36864 : i32
    %add3A_2638 = arith.addi %add3A_2637, %mul3A_2 : i32
    %add3A_2639 = arith.constant 96 : i32
    %add3A_2640 = arith.addi %add3A_2638, %add3A_2639 : i32
    %dma_start3A_2641 = arith.constant 4 : i32
    %dma_start3A_2642 = arith.constant 0 : i32
    %dma_start3A_2643 = arith.constant 0 : i32
    %dma_start3A_2644 = tpu.memref_slice %arg7[%dma_start3A_2641, %dma_start3A_2642, %dma_start3A_2643] : memref<5x32x768xf32, #tpu.memory_space<vmem>> -> memref<1x32x768xf32, #tpu.memory_space<vmem>>
    %dma_start3A_2645 = tpu.memref_squeeze %dma_start3A_2644 : memref<1x32x768xf32, #tpu.memory_space<vmem>> -> memref<32x768xf32, #tpu.memory_space<vmem>>
    %dma_start3A_2646 = arith.constant 0 : i32
    %dma_start3A_2647 = tpu.memref_slice %arg4[%add3A_2640, %dma_start3A_2646] : memref<40960x768xf32, #tpu.memory_space<hbm>> -> memref<32x768xf32, #tpu.memory_space<hbm>>
    %dma_start3A_2648 = arith.constant 0 : i32
    %dma_start3A_2649 = tpu.memref_slice %arg4[%add3A_2640, %dma_start3A_2648] : memref<40960x768xf32, #tpu.memory_space<hbm>> -> memref<32x768xf32, #tpu.memory_space<hbm>>
    %dma_start3A_2650 = arith.constant 0 : i32
    %dma_start3A_2651 = arith.constant 0 : i32
    %dma_start3A_2652 = tpu.memref_slice %arg7[%dma_start3A_2641, %dma_start3A_2650, %dma_start3A_2651] : memref<5x32x768xf32, #tpu.memory_space<vmem>> -> memref<1x32x768xf32, #tpu.memory_space<vmem>>
    %dma_start3A_2653 = tpu.memref_squeeze %dma_start3A_2652 : memref<1x32x768xf32, #tpu.memory_space<vmem>> -> memref<32x768xf32, #tpu.memory_space<vmem>>
    tpu.enqueue_dma source(%dma_start3A_2653 : memref<32x768xf32, #tpu.memory_space<vmem>>) target(%dma_start3A_2649 : memref<32x768xf32, #tpu.memory_space<hbm>>) target_semaphore(%arg9 : memref<!tpu.dma_semaphore, #tpu.memory_space<semaphore_mem>>)
    %dma_wait3A_2654 = arith.constant 0 : i32
    %dma_wait3A_2655 = arith.constant 0 : i32
    %dma_wait3A_2656 = arith.constant 0 : i32
    %dma_wait3A_2657 = tpu.memref_slice %arg7[%dma_wait3A_2654, %dma_wait3A_2655, %dma_wait3A_2656] : memref<5x32x768xf32, #tpu.memory_space<vmem>> -> memref<1x32x768xf32, #tpu.memory_space<vmem>>
    %dma_wait3A_2658 = tpu.memref_squeeze %dma_wait3A_2657 : memref<1x32x768xf32, #tpu.memory_space<vmem>> -> memref<32x768xf32, #tpu.memory_space<vmem>>
    %dma_wait3A_2659 = arith.constant 0 : i32
    %dma_wait3A_2660 = tpu.memref_slice %arg4[%add3A_2509, %dma_wait3A_2659] : memref<40960x768xf32, #tpu.memory_space<hbm>> -> memref<32x768xf32, #tpu.memory_space<hbm>>
    %dma_wait3A_2661 = arith.constant 0 : i32
    %dma_wait3A_2662 = tpu.memref_slice %arg4[%add3A_2509, %dma_wait3A_2661] : memref<40960x768xf32, #tpu.memory_space<hbm>> -> memref<32x768xf32, #tpu.memory_space<hbm>>
    %dma_wait3A_2663 = arith.constant 0 : i32
    %dma_wait3A_2664 = arith.constant 0 : i32
    %dma_wait3A_2665 = tpu.memref_slice %arg7[%dma_wait3A_2654, %dma_wait3A_2663, %dma_wait3A_2664] : memref<5x32x768xf32, #tpu.memory_space<vmem>> -> memref<1x32x768xf32, #tpu.memory_space<vmem>>
    %dma_wait3A_2666 = tpu.memref_squeeze %dma_wait3A_2665 : memref<1x32x768xf32, #tpu.memory_space<vmem>> -> memref<32x768xf32, #tpu.memory_space<vmem>>
    tpu.wait_dma2 semaphore(%arg9 : memref<!tpu.dma_semaphore, #tpu.memory_space<semaphore_mem>>) src(%dma_wait3A_2666 : memref<32x768xf32, #tpu.memory_space<vmem>>) dst(%dma_wait3A_2662 : memref<32x768xf32, #tpu.memory_space<hbm>>)
    %dma_wait3A_2667 = arith.constant 1 : i32
    %dma_wait3A_2668 = arith.constant 0 : i32
    %dma_wait3A_2669 = arith.constant 0 : i32
    %dma_wait3A_2670 = tpu.memref_slice %arg7[%dma_wait3A_2667, %dma_wait3A_2668, %dma_wait3A_2669] : memref<5x32x768xf32, #tpu.memory_space<vmem>> -> memref<1x32x768xf32, #tpu.memory_space<vmem>>
    %dma_wait3A_2671 = tpu.memref_squeeze %dma_wait3A_2670 : memref<1x32x768xf32, #tpu.memory_space<vmem>> -> memref<32x768xf32, #tpu.memory_space<vmem>>
    %dma_wait3A_2672 = arith.constant 0 : i32
    %dma_wait3A_2673 = tpu.memref_slice %arg4[%add3A_2559, %dma_wait3A_2672] : memref<40960x768xf32, #tpu.memory_space<hbm>> -> memref<32x768xf32, #tpu.memory_space<hbm>>
    %dma_wait3A_2674 = arith.constant 0 : i32
    %dma_wait3A_2675 = tpu.memref_slice %arg4[%add3A_2559, %dma_wait3A_2674] : memref<40960x768xf32, #tpu.memory_space<hbm>> -> memref<32x768xf32, #tpu.memory_space<hbm>>
    %dma_wait3A_2676 = arith.constant 0 : i32
    %dma_wait3A_2677 = arith.constant 0 : i32
    %dma_wait3A_2678 = tpu.memref_slice %arg7[%dma_wait3A_2667, %dma_wait3A_2676, %dma_wait3A_2677] : memref<5x32x768xf32, #tpu.memory_space<vmem>> -> memref<1x32x768xf32, #tpu.memory_space<vmem>>
    %dma_wait3A_2679 = tpu.memref_squeeze %dma_wait3A_2678 : memref<1x32x768xf32, #tpu.memory_space<vmem>> -> memref<32x768xf32, #tpu.memory_space<vmem>>
    tpu.wait_dma2 semaphore(%arg9 : memref<!tpu.dma_semaphore, #tpu.memory_space<semaphore_mem>>) src(%dma_wait3A_2679 : memref<32x768xf32, #tpu.memory_space<vmem>>) dst(%dma_wait3A_2675 : memref<32x768xf32, #tpu.memory_space<hbm>>)
    %dma_wait3A_2680 = arith.constant 2 : i32
    %dma_wait3A_2681 = arith.constant 0 : i32
    %dma_wait3A_2682 = arith.constant 0 : i32
    %dma_wait3A_2683 = tpu.memref_slice %arg7[%dma_wait3A_2680, %dma_wait3A_2681, %dma_wait3A_2682] : memref<5x32x768xf32, #tpu.memory_space<vmem>> -> memref<1x32x768xf32, #tpu.memory_space<vmem>>
    %dma_wait3A_2684 = tpu.memref_squeeze %dma_wait3A_2683 : memref<1x32x768xf32, #tpu.memory_space<vmem>> -> memref<32x768xf32, #tpu.memory_space<vmem>>
    %dma_wait3A_2685 = arith.constant 0 : i32
    %dma_wait3A_2686 = tpu.memref_slice %arg4[%add3A_2586, %dma_wait3A_2685] : memref<40960x768xf32, #tpu.memory_space<hbm>> -> memref<32x768xf32, #tpu.memory_space<hbm>>
    %dma_wait3A_2687 = arith.constant 0 : i32
    %dma_wait3A_2688 = tpu.memref_slice %arg4[%add3A_2586, %dma_wait3A_2687] : memref<40960x768xf32, #tpu.memory_space<hbm>> -> memref<32x768xf32, #tpu.memory_space<hbm>>
    %dma_wait3A_2689 = arith.constant 0 : i32
    %dma_wait3A_2690 = arith.constant 0 : i32
    %dma_wait3A_2691 = tpu.memref_slice %arg7[%dma_wait3A_2680, %dma_wait3A_2689, %dma_wait3A_2690] : memref<5x32x768xf32, #tpu.memory_space<vmem>> -> memref<1x32x768xf32, #tpu.memory_space<vmem>>
    %dma_wait3A_2692 = tpu.memref_squeeze %dma_wait3A_2691 : memref<1x32x768xf32, #tpu.memory_space<vmem>> -> memref<32x768xf32, #tpu.memory_space<vmem>>
    tpu.wait_dma2 semaphore(%arg9 : memref<!tpu.dma_semaphore, #tpu.memory_space<semaphore_mem>>) src(%dma_wait3A_2692 : memref<32x768xf32, #tpu.memory_space<vmem>>) dst(%dma_wait3A_2688 : memref<32x768xf32, #tpu.memory_space<hbm>>)
    %dma_wait3A_2693 = arith.constant 3 : i32
    %dma_wait3A_2694 = arith.constant 0 : i32
    %dma_wait3A_2695 = arith.constant 0 : i32
    %dma_wait3A_2696 = tpu.memref_slice %arg7[%dma_wait3A_2693, %dma_wait3A_2694, %dma_wait3A_2695] : memref<5x32x768xf32, #tpu.memory_space<vmem>> -> memref<1x32x768xf32, #tpu.memory_space<vmem>>
    %dma_wait3A_2697 = tpu.memref_squeeze %dma_wait3A_2696 : memref<1x32x768xf32, #tpu.memory_space<vmem>> -> memref<32x768xf32, #tpu.memory_space<vmem>>
    %dma_wait3A_2698 = arith.constant 0 : i32
    %dma_wait3A_2699 = tpu.memref_slice %arg4[%add3A_2613, %dma_wait3A_2698] : memref<40960x768xf32, #tpu.memory_space<hbm>> -> memref<32x768xf32, #tpu.memory_space<hbm>>
    %dma_wait3A_2700 = arith.constant 0 : i32
    %dma_wait3A_2701 = tpu.memref_slice %arg4[%add3A_2613, %dma_wait3A_2700] : memref<40960x768xf32, #tpu.memory_space<hbm>> -> memref<32x768xf32, #tpu.memory_space<hbm>>
    %dma_wait3A_2702 = arith.constant 0 : i32
    %dma_wait3A_2703 = arith.constant 0 : i32
    %dma_wait3A_2704 = tpu.memref_slice %arg7[%dma_wait3A_2693, %dma_wait3A_2702, %dma_wait3A_2703] : memref<5x32x768xf32, #tpu.memory_space<vmem>> -> memref<1x32x768xf32, #tpu.memory_space<vmem>>
    %dma_wait3A_2705 = tpu.memref_squeeze %dma_wait3A_2704 : memref<1x32x768xf32, #tpu.memory_space<vmem>> -> memref<32x768xf32, #tpu.memory_space<vmem>>
    tpu.wait_dma2 semaphore(%arg9 : memref<!tpu.dma_semaphore, #tpu.memory_space<semaphore_mem>>) src(%dma_wait3A_2705 : memref<32x768xf32, #tpu.memory_space<vmem>>) dst(%dma_wait3A_2701 : memref<32x768xf32, #tpu.memory_space<hbm>>)
    %dma_wait3A_2706 = arith.constant 4 : i32
    %dma_wait3A_2707 = arith.constant 0 : i32
    %dma_wait3A_2708 = arith.constant 0 : i32
    %dma_wait3A_2709 = tpu.memref_slice %arg7[%dma_wait3A_2706, %dma_wait3A_2707, %dma_wait3A_2708] : memref<5x32x768xf32, #tpu.memory_space<vmem>> -> memref<1x32x768xf32, #tpu.memory_space<vmem>>
    %dma_wait3A_2710 = tpu.memref_squeeze %dma_wait3A_2709 : memref<1x32x768xf32, #tpu.memory_space<vmem>> -> memref<32x768xf32, #tpu.memory_space<vmem>>
    %dma_wait3A_2711 = arith.constant 0 : i32
    %dma_wait3A_2712 = tpu.memref_slice %arg4[%add3A_2640, %dma_wait3A_2711] : memref<40960x768xf32, #tpu.memory_space<hbm>> -> memref<32x768xf32, #tpu.memory_space<hbm>>
    %dma_wait3A_2713 = arith.constant 0 : i32
    %dma_wait3A_2714 = tpu.memref_slice %arg4[%add3A_2640, %dma_wait3A_2713] : memref<40960x768xf32, #tpu.memory_space<hbm>> -> memref<32x768xf32, #tpu.memory_space<hbm>>
    %dma_wait3A_2715 = arith.constant 0 : i32
    %dma_wait3A_2716 = arith.constant 0 : i32
    %dma_wait3A_2717 = tpu.memref_slice %arg7[%dma_wait3A_2706, %dma_wait3A_2715, %dma_wait3A_2716] : memref<5x32x768xf32, #tpu.memory_space<vmem>> -> memref<1x32x768xf32, #tpu.memory_space<vmem>>
    %dma_wait3A_2718 = tpu.memref_squeeze %dma_wait3A_2717 : memref<1x32x768xf32, #tpu.memory_space<vmem>> -> memref<32x768xf32, #tpu.memory_space<vmem>>
    tpu.wait_dma2 semaphore(%arg9 : memref<!tpu.dma_semaphore, #tpu.memory_space<semaphore_mem>>) src(%dma_wait3A_2718 : memref<32x768xf32, #tpu.memory_space<vmem>>) dst(%dma_wait3A_2714 : memref<32x768xf32, #tpu.memory_space<hbm>>)
    return
  }
}

</mosaic_0001>

<sc_bundles>
// kernel: kernel.3.cloned.1.call-start
scs
__scs_entry_jumppad:
0x0: {  	(pc) =	sbr.rel $0x88, $3  }
0x1: {  	(tag) =	ssettag $0x0;
	lr =	simm.s32 $0x1  }
0x2: {  	[smem:$0x3F9F] =	sst lr;
	_ =	strace $0xD0000000  }
0x3: {  	_ = 	snop  }
0x4: {  	_ = 	snop  }
0x5: {  	_ = 	snop  }
0x6: {  	_ = 	snop  }
0x7: {  	_ = 	snop  }
__scs_overlays_trampoline_lowered:
0x8: {  	[smem:$0x3FAE] =	sst s0  }
0x9: {  	[smem:$0x3FAF] =	sst s1  }
0xa: {  	[smem:$0x3FB0] =	sst s2  }
0xb: {  	[smem:$0x3FB1] =	sst s3  }
0xc: {  	[smem:$0x3FB2] =	sst s4  }
0xd: {  	[smem:$0x3FB3] =	sst s5  }
0xe: {  	[smem:$0x3FB4] =	sst s6  }
0xf: {  	[smem:$0x3FB5] =	sst s7  }
0x10: {  	[smem:$0x3FB6] =	sst s8  }
0x11: {  	[smem:$0x3FB7] =	sst s9;
	s0 =	simm.s32 @!p0 $0x0  }
0x12: {  	s1 =	sld [smem:$0x3F9D];
	s0 =	simm.s32 @p0 $0x1  }
0x13: {  	[smem:$0x3FB8] =	sst s0;
	s0 =	simm.s32 @!p1 $0x0  }
0x14: {  	s2 =	sld [smem:$0x3F9C];
	s0 =	simm.s32 @p1 $0x1  }
0x15: {  	[smem:$0x3FB9] =	sst s0;
	s0 =	simm.s32 @!p2 $0x0  }
0x16: {  	s3 =	sld [smem:$0x3FDB];
	s0 =	simm.s32 @p2 $0x1  }
0x17: {  	s4 =	simm.s32 $0x1BF5;
	[smem:$0x3FBB] =	sst s0  }
0x18: {  	s0 =	sld [smem:$0x3F9E];
	_ =	swait.ge [sflag:s4], $0x0  }
0x19: {  	s7 =	sld [smem:$0x3F9F]  }
0x1a: {  	s8 =	sadd.s32 $0xFFFFE003, lr  }
0x1b: {  	s9 =	sadd.s32 $0xFFFFFEF7, lr;
	s5 =	simm.s32 $0xFFFFFFFF;
	p2 =	slt.u32 s8, $0xFFFFF086  }
0x1c: {  	p1 =	slt.u32 s9, $0xF7A;
	s5 =	simm.s32 @!p2 $0x0  }
0x1d: {  	s5 =	simm.s32 @p1 $0x1;
	p0 =	seq.s32 s7, s2  }
0x1e: {  	s7 =	smul.u32 @!p0 $0xF7A, s2;
	p2 =	seq.s32 @!p0 s5, $0x0  }
0x1f: {  	s9 =	smul.u32 $0xF7A, s1;
	s8 =	simm.s32 @!p0 $0x1BF5;
	p2 =	por !p2, p0  }
0x20: {  	[sflag:s8] =	ssyncset.s32 @!p0 $0xFFFFF086;
	s6 =	sadd.s32 @!p0 s3, s7;
	s7 =	simm.s32 @!p0 $0x108  }
0x21: {  	s3 =	sadd.s32 s3, s9;
	s6 =	sadd.s32 @!p0 $0x88, s6;
	s7 =	simm.s32 @p2 $0x1082  }
0x22: {  	[simem:s7], [sflag:s8] =	dma.local @!p0 [hbm:s6], $0xF7A  }
0x23: {  	s9 =	sor.u32 $0xD0000000, s2;
	s6 =	simm.s32 $0x108;
	_ =	swait.ge @!p0 [sflag:s8], $0x0  }
0x24: {  	s3 =	sadd.s32 $0x88, s3;
	s6 =	simm.s32 @!p1 $0x1082;
	[sflag:s4] =	ssyncset.s32 $0xFFFFF086  }
0x25: {  	[simem:s6], [sflag:s4] =	dma.local [hbm:s3], $0xF7A  }
0x26: {  	[smem:$0x3F9F] =	sst s1;
	(tag) =	ssettag s2;
	_ =	strace s9  }
0x27: {  	s1 =	sld [smem:$0x3FAF]  }
0x28: {  	s2 =	sld [smem:$0x3FB0]  }
0x29: {  	s4 =	sld [smem:$0x3FB2]  }
0x2a: {  	p0 =	seq.s32 s5, $0x0;
	s5 =	sld [smem:$0x3FB3]  }
0x2b: {  	s6 =	sld [smem:$0x3FB4]  }
0x2c: {  	s7 =	sld [smem:$0x3FB5]  }
0x2d: {  	s3 =	simm.s32 $0x108;
	s8 =	sld [smem:$0x3FB6]  }
0x2e: {  	s3 =	simm.s32 @!p0 $0x1082;
	s9 =	sld [smem:$0x3FB7]  }
0x2f: {  	lr =	sadd.s32 s0, s3;
	s0 =	sld [smem:$0x3FAE]  }
0x30: {  	s3 =	sld [smem:$0x3FB1]  }
0x31: {  	[smem:$0x3FBA] =	sst s10  }
0x32: {  	s10 =	sld [smem:$0x3FB8];
	_ =	sdelay $0x3  }
0x33: {  	p0 =	seq.s32 s10, $0x1;
	s10 =	sld [smem:$0x3FBA];
	_ =	sdelay $0x3  }
0x34: {  	[smem:$0x3FBA] =	sst s10  }
0x35: {  	s10 =	sld [smem:$0x3FB9];
	_ =	sdelay $0x3  }
0x36: {  	p1 =	seq.s32 s10, $0x1;
	s10 =	sld [smem:$0x3FBA];
	_ =	sdelay $0x3  }
0x37: {  	[smem:$0x3FBA] =	sst s10  }
0x38: {  	s10 =	sld [smem:$0x3FBB]  }
0x39: {  	_ = 	snop;
	(pc) =	sbr.ind lr, $3  }
0x3a: {  	_ = 	snop  }
0x3b: {  	_ = 	snop  }
0x3c: {  	p2 =	seq.s32 s10, $0x1;
	s10 =	sld [smem:$0x3FBA]  }
0x3d: {  	_ =	shalt  }
0x3e: {  	_ =	shalt  }
0x3f: {  	_ =	shalt  }
0x40: {  	_ =	shalt  }
0x41: {  	_ =	shalt  }
0x42: {  	_ =	shalt  }
0x43: {  	_ =	shalt  }
0x44: {  	_ =	shalt  }
0x45: {  	_ =	shalt  }
0x46: {  	_ =	shalt  }
0x47: {  	_ =	shalt  }
0x48: {  	_ =	shalt  }
0x49: {  	_ =	shalt  }
0x4a: {  	_ =	shalt  }
0x4b: {  	_ =	shalt  }
0x4c: {  	_ =	shalt  }
0x4d: {  	_ =	shalt  }
0x4e: {  	_ =	shalt  }
0x4f: {  	_ =	shalt  }
0x50: {  	_ =	shalt  }
0x51: {  	_ =	shalt  }
0x52: {  	_ =	shalt  }
0x53: {  	_ =	shalt  }
0x54: {  	_ =	shalt  }
0x55: {  	_ =	shalt  }
0x56: {  	_ =	shalt  }
0x57: {  	_ =	shalt  }
0x58: {  	_ =	shalt  }
0x59: {  	_ =	shalt  }
0x5a: {  	_ =	shalt  }
0x5b: {  	_ =	shalt  }
0x5c: {  	_ =	shalt  }
0x5d: {  	_ =	shalt  }
0x5e: {  	_ =	shalt  }
0x5f: {  	_ =	shalt  }
0x60: {  	_ =	shalt  }
0x61: {  	_ =	shalt  }
0x62: {  	_ =	shalt  }
0x63: {  	_ =	shalt  }
0x64: {  	_ =	shalt  }
0x65: {  	_ =	shalt  }
0x66: {  	_ =	shalt  }
0x67: {  	_ =	shalt  }
0x68: {  	_ =	shalt  }
0x69: {  	_ =	shalt  }
0x6a: {  	_ =	shalt  }
0x6b: {  	_ =	shalt  }
0x6c: {  	_ =	shalt  }
0x6d: {  	_ =	shalt  }
0x6e: {  	_ =	shalt  }
0x6f: {  	_ =	shalt  }
0x70: {  	_ =	shalt  }
0x71: {  	_ =	shalt  }
0x72: {  	_ =	shalt  }
0x73: {  	_ =	shalt  }
0x74: {  	_ =	shalt  }
0x75: {  	_ =	shalt  }
0x76: {  	_ =	shalt  }
0x77: {  	_ =	shalt  }
0x78: {  	_ =	shalt  }
0x79: {  	_ =	shalt  }
0x7a: {  	_ =	shalt  }
0x7b: {  	_ =	shalt  }
0x7c: {  	_ =	shalt  }
0x7d: {  	_ =	shalt  }
0x7e: {  	_ =	shalt  }
0x7f: {  	_ =	shalt  }
0x80: {  	_ =	shalt  }
0x81: {  	_ =	shalt  }
0x82: {  	_ =	shalt  }
0x83: {  	_ =	shalt  }
0x84: {  	_ =	shalt  }
0x85: {  	_ =	shalt  }
0x86: {  	_ =	shalt  }
0x87: {  	_ =	shalt  }
.Lfunc_end0:
.L_simem_size_0:
called_computation_lowered:
.L_overlay_start_0:
0x88: {  	s2 =	sld [smem:$0x3FD9]  }
0x89: {  	s3 =	sld [smem:$0x3FFE];
	_ =	sdelay $0x1  }
0x8a: {  	s1 =	srdreg.scid  }
0x8b: {  	s0 =	sand.u32 $0x1, s1  }
0x8c: {  	s18 =	sshll.u32 s0, $0xA;
	s2 =	sadd.s32 s3, s2  }
0x8d: {  	s2 =	sadd.s32 s2, s18  }
0x8e: {  	[smem:$0x3FC6] =	sst s2  }
0x8f: {  	_ = 	snop  }
0x90: {  	s2 =	sld [smem:$0x3FC9]  }
0x91: {  	s19 =	sld [smem:$0x3FC8]  }
0x92: {  	s4 =	sld [smem:$0x3FD0];
	(tm) =	ssettm $0x1  }
0x93: {  	s5 =	sld [smem:$0x3FFB];
	_ =	sdelay $0x3  }
0x94: {  	_ =	strace s5  }
0x95: {  	s5 =	sld [smem:$0x3FFC];
	_ =	sdelay $0x3  }
0x96: {  	_ =	strace s5  }
0x97: {  	s5 =	sld [smem:$0x3FFD];
	_ =	sdelay $0x3  }
0x98: {  	_ =	strace s5  }
0x99: {  	_ =	strace $0x8FFFFFFF  }
0x9a: {  	s20 =	sld [smem:$0x3FDB];
	_ =	sdelay $0x1  }
0x9b: {  	s6 =	simm.s32 $_scs_section_size  }
0x9c: {  	s7 =	simm.s32 $_size__tile_overlayer_lowered;
	s8 =	simm.s32 $_tile_overlayer_lowered  }
0x9d: {  	s23 =	simm.s32 $0x1BFF;
	s22 =	sshll.u32 s8, $0x1;
	s5 =	sadd.s32 s6, s20  }
0x9e: {  	s9 =	simm.s32 $0x0;
	s21 =	sshll.u32 s7, $0x1;
	s7 =	sadd.s32 s22, s5  }
0x9f: {  	[timem:s9], [sflag:s23] =	dma.local [hbm:s7], s21  }
0xa0: {  	_ =	swait.ge [sflag:s23], s21  }
0xa1: {  	s6 =	ssub.s32 $0x0, s21;
	[sflag:s23] =	ssyncset.done $0x0  }
0xa2: {  	[sflag:s23] =	ssyncadd.s32 s6;
	_ =	sdelay $0x1  }
0xa3: {  	s24 =	simm.s32 $0x1B8B  }
0xa4: {  	_ =	swait.ge [sflag:s24], $0x1  }
0xa5: {  	[sflag:s24] =	ssyncset.done $0x0  }
0xa6: {  	s25 =	simm.s32 $0x1B8E;
	[sflag:s24] =	ssyncadd.s32 $0xFFFFFFFF  }
0xa7: {  	s26 =	simm.s32 $execute0_lowered;
	[smem:$0x3FD2] =	sst s25  }
0xa8: {  	s6 =	sshll.u32 s26, $0x1;
	_ =	strace $0x80000046;
	[dreg:$0x1] =	wrdreg $0xFFFFFFFF  }
0xa9: {  	s28 =	simm.s32 $_size_execute0_lowered;
	s5 =	sadd.s32 s5, s6;
	[dreg:$0x0] =	wrdreg $0x0  }
0xaa: {  	s6 =	sshll.u32 s28, $0x1;
	[dreg:$0x2] =	wrdreg s5  }
0xab: {  	[dreg:$0x3] =	wrdreg s6  }
0xac: {  	[dreg:$0x4] =	wrdreg $0xC0  }
0xad: {  	_ =	task [dreg:s9], $0x5FFFF  }
0xae: {  	[dreg:$0x1] =	wrdreg $0xFFFFFFFF  }
0xaf: {  	[dreg:$0x0] =	wrdreg $0x60  }
0xb0: {  	[dreg:$0x2] =	wrdreg s2  }
0xb1: {  	[dreg:$0x3] =	wrdreg s19  }
0xb2: {  	[dreg:$0x4] =	wrdreg s4  }
0xb3: {  	[dreg:$0x5] =	wrdreg $0x9  }
0xb4: {  	_ =	task.clear_ibuf [dreg:s9], $0x6FFFF;
	_ =	strace $0x90000046  }
0xb5: {  	s29 =	simm.s32 $0x9;
	_ =	strace $0x80000048  }
0xb6: {  	_ =	swait.ge [sflag:s29], $0x1  }
0xb7: {  	[sflag:s29] =	ssyncadd.s32 $0xFFFFFFFF  }
0xb8: {  	_ =	strace $0x90000048  }
0xb9: {  	_ =	sfence  }
0xba: {  	s30 =	sld [smem:$0x0];
	_ =	sdelay $0x2  }
0xbb: {  	s31 =	sshll.u32 s1, $0xD;
	s1 =	sshrl.u32 s1, $0x2  }
0xbc: {  	s3 =	sand.u32 $0x4000, s31;
	s1 =	sadd.s32 s1, s30  }
0xbd: {  	s0 =	sor.u32 s3, s0;
	s1 =	sshll.u32 s1, $0x11  }
0xbe: {  	s0 =	sor.u32 s1, s0  }
0xbf: {  	s0 =	sadd.s32 $0x8F2B, s0  }
0xc0: {  	[sflag:s0] =	ssyncadd.remote.s32 $0x1  }
0xc1: {  	_ =	sfence.sel $0xFFFF  }
0xc2: {  	[dreg:$0x0] =	wrdreg $0xFFFFFFFF;
	(pc) =	sbr.abs _section_cstart, $3  }
0xc3: {  	[dreg:$0x1] =	wrdreg $0xFFFFFFFF  }
0xc4: {  	_ =	task.clear_ibuf [dreg:s9], $0x2FFFF;
	_ =	strace $0x9FFFFFFF  }
0xc5: {  	(tm) =	ssettm $0x7FFFFFFF  }
tec
execute0_lowered:
.L_overlay_start_1:
0x0: {  	(tag) =	ssettag $0x1  }
0x1: {  	s0 =	srdreg.scid  }
0x2: {  	s3 =	stileid.u32;
	s0 =	sand.u32 $0x1, s0  }
0x3: {  	s1 =	rddreg [dreg:$0x0];
	s3 =	sshll.u32 s3, $0x5;
	s4 =	sshll.u32 s0, $0x4  }
0x4: {  	s2 =	rddreg [dreg:$0x1];
	s4 =	sor.u32 s4, s3  }
0x5: {  	s5 =	rddreg [dreg:$0x2];
	s3 =	simm.s32 $0x0;
	s6 =	smul.u32 $0x300, s4  }
0x6: {  	[smem:$0x7FF] =	sst s3;
	s1 =	sadd.s32 s1, s4  }
0x7: {  	_ =	strace $0x80000047;
	[dreg:$0x4] =	wrdreg s1;
	s6 =	sadd.s32 s5, s6  }
0x8: {  	s17 =	sadd.s32 $0xC00, s6;
	[smem:$0x7FC] =	sst s6  }
0x9: {  	s20 =	sadd.s32 $0x60000, s6;
	[dreg:$0x5] =	wrdreg s17  }
0xa: {  	s21 =	sadd.s32 $0x60C00, s6;
	[dreg:$0x8] =	wrdreg s20  }
0xb: {  	s22 =	sadd.s32 $0x61800, s6;
	[dreg:$0x9] =	wrdreg s21  }
0xc: {  	s23 =	sadd.s32 $0x62400, s6;
	[dreg:$0xa] =	wrdreg s22  }
0xd: {  	s24 =	sadd.s32 $0xC0000, s6;
	[dreg:$0xb] =	wrdreg s23  }
0xe: {  	s25 =	sadd.s32 $0xC0C00, s6;
	[dreg:$0xc] =	wrdreg s24  }
0xf: {  	s26 =	sadd.s32 $0xC1800, s6;
	[dreg:$0xd] =	wrdreg s25  }
0x10: {  	s28 =	sadd.s32 $0xC2400, s6;
	[dreg:$0xe] =	wrdreg s26  }
0x11: {  	s7 =	smul.u32 $0x1800, s4;
	s29 =	sadd.s32 $0x120000, s6;
	[dreg:$0xf] =	wrdreg s28  }
0x12: {  	s30 =	sadd.s32 $0x120C00, s6;
	[dreg:$0x10] =	wrdreg s29  }
0x13: {  	s16 =	sshrl.u32 s7, $0x3;
	s31 =	sadd.s32 $0x121800, s6;
	[dreg:$0x11] =	wrdreg s30  }
0x14: {  	s4 =	sadd.s32 s5, s16;
	s5 =	sadd.s32 $0x180000, s6;
	[dreg:$0x12] =	wrdreg s31  }
0x15: {  	s7 =	sadd.s32 $0x180C00, s6;
	[dreg:$0x14] =	wrdreg s5  }
0x16: {  	s8 =	sadd.s32 $0x181800, s6;
	[dreg:$0x15] =	wrdreg s7  }
0x17: {  	s9 =	sadd.s32 $0x182400, s6;
	[dreg:$0x16] =	wrdreg s8  }
0x18: {  	s10 =	sadd.s32 $0x1E0000, s6;
	[dreg:$0x17] =	wrdreg s9  }
0x19: {  	s11 =	sadd.s32 $0x1E0C00, s6;
	[dreg:$0x18] =	wrdreg s10  }
0x1a: {  	s12 =	sadd.s32 $0x1E1800, s6;
	[dreg:$0x19] =	wrdreg s11  }
0x1b: {  	s13 =	sadd.s32 $0x1E2400, s6;
	[dreg:$0x1a] =	wrdreg s12  }
0x1c: {  	s14 =	sadd.s32 $0x240000, s6;
	[dreg:$0x1b] =	wrdreg s13  }
0x1d: {  	s15 =	sadd.s32 $0x240C00, s6;
	[dreg:$0x1c] =	wrdreg s14  }
0x1e: {  	s16 =	sadd.s32 $0x241800, s6;
	[dreg:$0x1d] =	wrdreg s15  }
0x1f: {  	s18 =	sadd.s32 $0x1800, s4;
	[dreg:$0x1e] =	wrdreg s16  }
0x20: {  	s19 =	sadd.s32 $0x2400, s4;
	[dreg:$0x6] =	wrdreg s18  }
0x21: {  	s4 =	sadd.s32 $0x122400, s6;
	[dreg:$0x7] =	wrdreg s19  }
0x22: {  	s17 =	sadd.s32 $0x242400, s6;
	[dreg:$0x13] =	wrdreg s4  }
0x23: {  	s20 =	sadd.s32 $0x2A1800, s6;
	[dreg:$0x1f] =	wrdreg s17  }
0x24: {  	s21 =	sadd.s32 $0x2A2400, s6;
	[smem:$0x7F3] =	sst s20  }
0x25: {  	s22 =	sadd.s32 $0x300000, s6;
	[smem:$0x7F4] =	sst s21  }
0x26: {  	s23 =	sadd.s32 $0x300C00, s6;
	[smem:$0x7F5] =	sst s22  }
0x27: {  	s24 =	sadd.s32 $0x301800, s6;
	[smem:$0x7F6] =	sst s23  }
0x28: {  	s25 =	sadd.s32 $0x302400, s6;
	[smem:$0x7F7] =	sst s24  }
0x29: {  	s0 =	ssub.s32 $0x2, s0;
	s26 =	sadd.s32 $0x360000, s6;
	[smem:$0x7F8] =	sst s25  }
0x2a: {  	s28 =	sshrl.u32 s0, $0x1;
	s29 =	sadd.s32 $0x360C00, s6;
	[smem:$0x7F9] =	sst s26  }
0x2b: {  	s30 =	sadd.s32 $0x361800, s6;
	s5 =	sadd.s32 $0x100, s2;
	[smem:$0x7FA] =	sst s29  }
0x2c: {  	s31 =	sadd.s32 $0x362400, s6;
	s18 =	sadd.s32 $0x2A0000, s6;
	[smem:$0x7FB] =	sst s30  }
0x2d: {  	v2 =	vlaneseq.u32;
	s19 =	sadd.s32 $0x2A0C00, s6;
	s0 =	ssub.s32 s0, s28;
	[smem:$0x7FD] =	sst s31  }
0x2e: {  	vm0 =	vmmov $0xffff;
	v1 =	vshrl.u32 v2, $0x3;
	s6 =	sadd.s32 $0x200, s2;
	s4 =	simm.s32 $0x1;
	[smem:$0x7F1] =	sst s18  }
0x2f: {  	v0 =	vand.u32 $0x7, v2;
	v2 =	vor.u32 $0x8, v2;
	v1 =	vmul.u32 $0x8, v1;
	s24 =	simm.s32 $0x2;
	[smem:$0x7F2] =	sst s19;
	s0 =	smax.u32 s0, $0x1  }
.LBB2_1:
0x30: {  	[smem:$0x7F0] =	sst s0  }
0x31: {  	s25 =	rddreg [dreg:$0x4];
	s9 =	simm.s32 $0x3  }
0x32: {  	[tilespmem:s3], [sflag:$0x3] =	stream.linear.gather [hbm4b:s25+s3], $0x80, $0x38;
	[tilespmem:$0x1E580] =	vst v63  }
0x33: {  	_ =	swait.ge [sflag:s9], $0x80  }
0x34: {  	[sflag:s9] =	ssyncset.done $0x0  }
0x35: {  	[sflag:s9] =	ssyncadd.s32 $0xFFFFFF80  }
0x36: {  	v3 =	vld [tilespmem:$0x0];
	_ =	sdelay $0x4  }
0x37: {  	v4 =	vshrl.u32 v3, $0x3  }
0x38: {  	v4 =	vmul.u32 $0x30, v4  }
0x39: {  	v3 =	vand.u32 $0x7, v3  }
0x3a: {  	v3 =	vor.u32 v3, v4  }
0x3b: {  	v4 =	vperm.xlane v3, v0;
	_ =	sdelay $0x1  }
0x3c: {  	v4 =	vadd.s32 v1, v4;
	_ =	sdelay $0x3  }
0x3d: {  	s10 =	simm.s32 $0x580;
	v3 =	vperm.xlane v3, v2  }
0x3e: {  	[tilespmem:s10], [sflag:$0x1] =	stream.indirect_vreg.gather [hbm4b:s2+s3], $0x80, v4, vm0, $0xb8;
	[tilespmem:$0x1E580] =	vst v63  }
0x3f: {  	s11 =	simm.s32 $0xD80;
	v3 =	vadd.s32 v1, v3  }
0x40: {  	[tilespmem:s11], [sflag:$0x1] =	stream.indirect_vreg.gather [hbm4b:s5+s3], $0x80, v4, vm0, $0xb8;
	[tilespmem:$0x1E580] =	vst v63  }
0x41: {  	s12 =	simm.s32 $0x1580  }
0x42: {  	[tilespmem:s12], [sflag:$0x1] =	stream.indirect_vreg.gather [hbm4b:s6+s3], $0x80, v4, vm0, $0xb8;
	[tilespmem:$0x1E580] =	vst v63  }
0x43: {  	s13 =	simm.s32 $0x1D80  }
0x44: {  	[tilespmem:s13], [sflag:$0x1] =	stream.indirect_vreg.gather [hbm4b:s2+s3], $0x80, v3, vm0, $0xb8;
	[tilespmem:$0x1E580] =	vst v63  }
0x45: {  	s14 =	simm.s32 $0x2580  }
0x46: {  	[tilespmem:s14], [sflag:$0x1] =	stream.indirect_vreg.gather [hbm4b:s5+s3], $0x80, v3, vm0, $0xb8;
	[tilespmem:$0x1E580] =	vst v63  }
0x47: {  	s15 =	simm.s32 $0x2D80  }
0x48: {  	[tilespmem:s15], [sflag:$0x1] =	stream.indirect_vreg.gather [hbm4b:s6+s3], $0x80, v3, vm0, $0xb8;
	[tilespmem:$0x1E580] =	vst v63  }
0x49: {  	v3 =	vld [tilespmem:$0x10];
	_ =	sdelay $0x4  }
0x4a: {  	v27 =	vshrl.u32 v3, $0x3  }
0x4b: {  	v4 =	vmul.u32 $0x30, v27  }
0x4c: {  	v3 =	vand.u32 $0x7, v3  }
0x4d: {  	v3 =	vor.u32 v3, v4  }
0x4e: {  	v4 =	vperm.xlane v3, v0;
	_ =	sdelay $0x1  }
0x4f: {  	v4 =	vadd.s32 v1, v4;
	_ =	sdelay $0x3  }
0x50: {  	s16 =	simm.s32 $0x3580;
	v3 =	vperm.xlane v3, v2  }
0x51: {  	[tilespmem:s16], [sflag:$0x1] =	stream.indirect_vreg.gather [hbm4b:s2+s3], $0x80, v4, vm0, $0xb8;
	[tilespmem:$0x1E580] =	vst v63  }
0x52: {  	s17 =	simm.s32 $0x3D80;
	v3 =	vadd.s32 v1, v3  }
0x53: {  	[tilespmem:s17], [sflag:$0x1] =	stream.indirect_vreg.gather [hbm4b:s5+s3], $0x80, v4, vm0, $0xb8;
	[tilespmem:$0x1E580] =	vst v63  }
0x54: {  	s18 =	simm.s32 $0x4580  }
0x55: {  	[tilespmem:s18], [sflag:$0x1] =	stream.indirect_vreg.gather [hbm4b:s6+s3], $0x80, v4, vm0, $0xb8;
	[tilespmem:$0x1E580] =	vst v63  }
0x56: {  	s19 =	simm.s32 $0x4D80  }
0x57: {  	[tilespmem:s19], [sflag:$0x1] =	stream.indirect_vreg.gather [hbm4b:s2+s3], $0x80, v3, vm0, $0xb8;
	[tilespmem:$0x1E580] =	vst v63  }
0x58: {  	s20 =	simm.s32 $0x5580  }
0x59: {  	[tilespmem:s20], [sflag:$0x1] =	stream.indirect_vreg.gather [hbm4b:s5+s3], $0x80, v3, vm0, $0xb8;
	[tilespmem:$0x1E580] =	vst v63  }
0x5a: {  	s21 =	simm.s32 $0x5D80  }
0x5b: {  	[tilespmem:s21], [sflag:$0x1] =	stream.indirect_vreg.gather [hbm4b:s6+s3], $0x80, v3, vm0, $0xb8;
	[tilespmem:$0x1E580] =	vst v63  }
0x5c: {  	v3 =	vld [tilespmem:$0x20];
	_ =	sdelay $0x4  }
0x5d: {  	v28 =	vshrl.u32 v3, $0x3  }
0x5e: {  	v4 =	vmul.u32 $0x30, v28  }
0x5f: {  	v3 =	vand.u32 $0x7, v3  }
0x60: {  	v3 =	vor.u32 v3, v4  }
0x61: {  	v4 =	vperm.xlane v3, v0;
	_ =	sdelay $0x1  }
0x62: {  	v4 =	vadd.s32 v1, v4;
	_ =	sdelay $0x3  }
0x63: {  	s22 =	simm.s32 $0x6580;
	v3 =	vperm.xlane v3, v2  }
0x64: {  	[tilespmem:s22], [sflag:$0x1] =	stream.indirect_vreg.gather [hbm4b:s2+s3], $0x80, v4, vm0, $0xb8;
	[tilespmem:$0x1E580] =	vst v63  }
0x65: {  	s23 =	simm.s32 $0x6D80;
	v3 =	vadd.s32 v1, v3  }
0x66: {  	[tilespmem:s23], [sflag:$0x1] =	stream.indirect_vreg.gather [hbm4b:s5+s3], $0x80, v4, vm0, $0xb8;
	[tilespmem:$0x1E580] =	vst v63  }
0x67: {  	s25 =	simm.s32 $0x7580  }
0x68: {  	[tilespmem:s25], [sflag:$0x1] =	stream.indirect_vreg.gather [hbm4b:s6+s3], $0x80, v4, vm0, $0xb8;
	[tilespmem:$0x1E580] =	vst v63  }
0x69: {  	s26 =	simm.s32 $0x7D80  }
0x6a: {  	[tilespmem:s26], [sflag:$0x1] =	stream.indirect_vreg.gather [hbm4b:s2+s3], $0x80, v3, vm0, $0xb8;
	[tilespmem:$0x1E580] =	vst v63  }
0x6b: {  	s28 =	simm.s32 $0x8580  }
0x6c: {  	[tilespmem:s28], [sflag:$0x1] =	stream.indirect_vreg.gather [hbm4b:s5+s3], $0x80, v3, vm0, $0xb8;
	[tilespmem:$0x1E580] =	vst v63  }
0x6d: {  	s29 =	simm.s32 $0x8D80  }
0x6e: {  	[tilespmem:s29], [sflag:$0x1] =	stream.indirect_vreg.gather [hbm4b:s6+s3], $0x80, v3, vm0, $0xb8;
	[tilespmem:$0x1E580] =	vst v63  }
0x6f: {  	v3 =	vld [tilespmem:$0x30];
	_ =	sdelay $0x4  }
0x70: {  	v29 =	vshrl.u32 v3, $0x3  }
0x71: {  	v4 =	vmul.u32 $0x30, v29  }
0x72: {  	v3 =	vand.u32 $0x7, v3  }
0x73: {  	v3 =	vor.u32 v3, v4  }
0x74: {  	v4 =	vperm.xlane v3, v0;
	_ =	sdelay $0x1  }
0x75: {  	v4 =	vadd.s32 v1, v4;
	_ =	sdelay $0x3  }
0x76: {  	s30 =	simm.s32 $0x9580;
	v3 =	vperm.xlane v3, v2  }
0x77: {  	[tilespmem:s30], [sflag:$0x1] =	stream.indirect_vreg.gather [hbm4b:s2+s3], $0x80, v4, vm0, $0xb8;
	[tilespmem:$0x1E580] =	vst v63  }
0x78: {  	s31 =	simm.s32 $0x9D80;
	v3 =	vadd.s32 v1, v3  }
0x79: {  	[tilespmem:s31], [sflag:$0x1] =	stream.indirect_vreg.gather [hbm4b:s5+s3], $0x80, v4, vm0, $0xb8;
	[tilespmem:$0x1E580] =	vst v63  }
0x7a: {  	s1 =	simm.s32 $0xA580  }
0x7b: {  	[tilespmem:s1], [sflag:$0x1] =	stream.indirect_vreg.gather [hbm4b:s6+s3], $0x80, v4, vm0, $0xb8;
	[tilespmem:$0x1E580] =	vst v63  }
0x7c: {  	s7 =	simm.s32 $0xAD80  }
0x7d: {  	[tilespmem:s7], [sflag:$0x1] =	stream.indirect_vreg.gather [hbm4b:s2+s3], $0x80, v3, vm0, $0xb8;
	[tilespmem:$0x1E580] =	vst v63  }
0x7e: {  	s8 =	simm.s32 $0xB580  }
0x7f: {  	[tilespmem:s8], [sflag:$0x1] =	stream.indirect_vreg.gather [hbm4b:s5+s3], $0x80, v3, vm0, $0xb8;
	[tilespmem:$0x1E580] =	vst v63  }
0x80: {  	s9 =	simm.s32 $0xBD80  }
0x81: {  	[tilespmem:s9], [sflag:$0x1] =	stream.indirect_vreg.gather [hbm4b:s6+s3], $0x80, v3, vm0, $0xb8;
	[tilespmem:$0x1E580] =	vst v63  }
0x82: {  	v3 =	vld [tilespmem:$0x40];
	_ =	sdelay $0x4  }
0x83: {  	v30 =	vshrl.u32 v3, $0x3  }
0x84: {  	v4 =	vmul.u32 $0x30, v30  }
0x85: {  	v3 =	vand.u32 $0x7, v3  }
0x86: {  	v3 =	vor.u32 v3, v4  }
0x87: {  	v4 =	vperm.xlane v3, v0;
	_ =	sdelay $0x1  }
0x88: {  	v4 =	vadd.s32 v1, v4;
	_ =	sdelay $0x3  }
0x89: {  	s10 =	simm.s32 $0xC580;
	v3 =	vperm.xlane v3, v2  }
0x8a: {  	[tilespmem:s10], [sflag:$0x1] =	stream.indirect_vreg.gather [hbm4b:s2+s3], $0x80, v4, vm0, $0xb8;
	[tilespmem:$0x1E580] =	vst v63  }
0x8b: {  	s11 =	simm.s32 $0xCD80;
	v3 =	vadd.s32 v1, v3  }
0x8c: {  	[tilespmem:s11], [sflag:$0x1] =	stream.indirect_vreg.gather [hbm4b:s5+s3], $0x80, v4, vm0, $0xb8;
	[tilespmem:$0x1E580] =	vst v63  }
0x8d: {  	s12 =	simm.s32 $0xD580  }
0x8e: {  	[tilespmem:s12], [sflag:$0x1] =	stream.indirect_vreg.gather [hbm4b:s6+s3], $0x80, v4, vm0, $0xb8;
	[tilespmem:$0x1E580] =	vst v63  }
0x8f: {  	s13 =	simm.s32 $0xDD80  }
0x90: {  	[tilespmem:s13], [sflag:$0x1] =	stream.indirect_vreg.gather [hbm4b:s2+s3], $0x80, v3, vm0, $0xb8;
	[tilespmem:$0x1E580] =	vst v63  }
0x91: {  	s14 =	simm.s32 $0xE580  }
0x92: {  	[tilespmem:s14], [sflag:$0x1] =	stream.indirect_vreg.gather [hbm4b:s5+s3], $0x80, v3, vm0, $0xb8;
	[tilespmem:$0x1E580] =	vst v63  }
0x93: {  	s15 =	simm.s32 $0xED80  }
0x94: {  	[tilespmem:s15], [sflag:$0x1] =	stream.indirect_vreg.gather [hbm4b:s6+s3], $0x80, v3, vm0, $0xb8;
	[tilespmem:$0x1E580] =	vst v63  }
0x95: {  	v3 =	vld [tilespmem:$0x50];
	_ =	sdelay $0x4  }
0x96: {  	v31 =	vshrl.u32 v3, $0x3  }
0x97: {  	v4 =	vmul.u32 $0x30, v31  }
0x98: {  	v3 =	vand.u32 $0x7, v3  }
0x99: {  	v3 =	vor.u32 v3, v4  }
0x9a: {  	v4 =	vperm.xlane v3, v0;
	_ =	sdelay $0x1  }
0x9b: {  	v4 =	vadd.s32 v1, v4;
	_ =	sdelay $0x3  }
0x9c: {  	s16 =	simm.s32 $0xF580;
	v3 =	vperm.xlane v3, v2  }
0x9d: {  	[tilespmem:s16], [sflag:$0x1] =	stream.indirect_vreg.gather [hbm4b:s2+s3], $0x80, v4, vm0, $0xb8;
	[tilespmem:$0x1E580] =	vst v63  }
0x9e: {  	s17 =	simm.s32 $0xFD80;
	v3 =	vadd.s32 v1, v3  }
0x9f: {  	[tilespmem:s17], [sflag:$0x1] =	stream.indirect_vreg.gather [hbm4b:s5+s3], $0x80, v4, vm0, $0xb8;
	[tilespmem:$0x1E580] =	vst v63  }
0xa0: {  	s18 =	simm.s32 $0x10580  }
0xa1: {  	[tilespmem:s18], [sflag:$0x1] =	stream.indirect_vreg.gather [hbm4b:s6+s3], $0x80, v4, vm0, $0xb8;
	[tilespmem:$0x1E580] =	vst v63  }
0xa2: {  	s19 =	simm.s32 $0x10D80  }
0xa3: {  	[tilespmem:s19], [sflag:$0x1] =	stream.indirect_vreg.gather [hbm4b:s2+s3], $0x80, v3, vm0, $0xb8;
	[tilespmem:$0x1E580] =	vst v63  }
0xa4: {  	s20 =	simm.s32 $0x11580  }
0xa5: {  	[tilespmem:s20], [sflag:$0x1] =	stream.indirect_vreg.gather [hbm4b:s5+s3], $0x80, v3, vm0, $0xb8;
	[tilespmem:$0x1E580] =	vst v63  }
0xa6: {  	s21 =	simm.s32 $0x11D80  }
0xa7: {  	[tilespmem:s21], [sflag:$0x1] =	stream.indirect_vreg.gather [hbm4b:s6+s3], $0x80, v3, vm0, $0xb8;
	[tilespmem:$0x1E580] =	vst v63  }
0xa8: {  	v3 =	vld [tilespmem:$0x60];
	_ =	sdelay $0x4  }
0xa9: {  	v32 =	vshrl.u32 v3, $0x3  }
0xaa: {  	v4 =	vmul.u32 $0x30, v32  }
0xab: {  	v3 =	vand.u32 $0x7, v3  }
0xac: {  	v3 =	vor.u32 v3, v4  }
0xad: {  	v4 =	vperm.xlane v3, v0;
	_ =	sdelay $0x1  }
0xae: {  	v4 =	vadd.s32 v1, v4;
	_ =	sdelay $0x3  }
0xaf: {  	s22 =	simm.s32 $0x12580;
	v3 =	vperm.xlane v3, v2  }
0xb0: {  	[tilespmem:s22], [sflag:$0x1] =	stream.indirect_vreg.gather [hbm4b:s2+s3], $0x80, v4, vm0, $0xb8;
	[tilespmem:$0x1E580] =	vst v63  }
0xb1: {  	s23 =	simm.s32 $0x12D80;
	v3 =	vadd.s32 v1, v3  }
0xb2: {  	[tilespmem:s23], [sflag:$0x1] =	stream.indirect_vreg.gather [hbm4b:s5+s3], $0x80, v4, vm0, $0xb8;
	[tilespmem:$0x1E580] =	vst v63  }
0xb3: {  	s25 =	simm.s32 $0x13580  }
0xb4: {  	[tilespmem:s25], [sflag:$0x1] =	stream.indirect_vreg.gather [hbm4b:s6+s3], $0x80, v4, vm0, $0xb8;
	[tilespmem:$0x1E580] =	vst v63  }
0xb5: {  	s26 =	simm.s32 $0x13D80  }
0xb6: {  	[tilespmem:s26], [sflag:$0x1] =	stream.indirect_vreg.gather [hbm4b:s2+s3], $0x80, v3, vm0, $0xb8;
	[tilespmem:$0x1E580] =	vst v63  }
0xb7: {  	s28 =	simm.s32 $0x14580  }
0xb8: {  	[tilespmem:s28], [sflag:$0x1] =	stream.indirect_vreg.gather [hbm4b:s5+s3], $0x80, v3, vm0, $0xb8;
	[tilespmem:$0x1E580] =	vst v63  }
0xb9: {  	s29 =	simm.s32 $0x14D80  }
0xba: {  	[tilespmem:s29], [sflag:$0x1] =	stream.indirect_vreg.gather [hbm4b:s6+s3], $0x80, v3, vm0, $0xb8;
	[tilespmem:$0x1E580] =	vst v63  }
0xbb: {  	v3 =	vld [tilespmem:$0x70];
	_ =	sdelay $0x4  }
0xbc: {  	v33 =	vshrl.u32 v3, $0x3  }
0xbd: {  	v4 =	vmul.u32 $0x30, v33  }
0xbe: {  	v3 =	vand.u32 $0x7, v3  }
0xbf: {  	v3 =	vor.u32 v3, v4  }
0xc0: {  	v4 =	vperm.xlane v3, v0;
	_ =	sdelay $0x1  }
0xc1: {  	v4 =	vadd.s32 v1, v4;
	_ =	sdelay $0x3  }
0xc2: {  	s30 =	simm.s32 $0x15580;
	v3 =	vperm.xlane v3, v2  }
0xc3: {  	[tilespmem:s30], [sflag:$0x1] =	stream.indirect_vreg.gather [hbm4b:s2+s3], $0x80, v4, vm0, $0xb8;
	[tilespmem:$0x1E580] =	vst v63  }
0xc4: {  	s31 =	simm.s32 $0x15D80;
	v3 =	vadd.s32 v1, v3  }
0xc5: {  	[tilespmem:s31], [sflag:$0x1] =	stream.indirect_vreg.gather [hbm4b:s5+s3], $0x80, v4, vm0, $0xb8;
	[tilespmem:$0x1E580] =	vst v63  }
0xc6: {  	s1 =	simm.s32 $0x16580  }
0xc7: {  	[tilespmem:s1], [sflag:$0x1] =	stream.indirect_vreg.gather [hbm4b:s6+s3], $0x80, v4, vm0, $0xb8;
	[tilespmem:$0x1E580] =	vst v63  }
0xc8: {  	s7 =	simm.s32 $0x16D80  }
0xc9: {  	[tilespmem:s7], [sflag:$0x1] =	stream.indirect_vreg.gather [hbm4b:s2+s3], $0x80, v3, vm0, $0xb8;
	[tilespmem:$0x1E580] =	vst v63  }
0xca: {  	s8 =	simm.s32 $0x17580  }
0xcb: {  	[tilespmem:s8], [sflag:$0x1] =	stream.indirect_vreg.gather [hbm4b:s5+s3], $0x80, v3, vm0, $0xb8;
	[tilespmem:$0x1E580] =	vst v63  }
0xcc: {  	s9 =	simm.s32 $0x17D80  }
0xcd: {  	[tilespmem:s9], [sflag:$0x1] =	stream.indirect_vreg.gather [hbm4b:s6+s3], $0x80, v3, vm0, $0xb8;
	[tilespmem:$0x1E580] =	vst v63  }
0xce: {  	v3 =	vld [tilespmem:$0x0]  }
0xcf: {  	v4 =	vld [tilespmem:$0x10]  }
0xd0: {  	v5 =	vld [tilespmem:$0x20]  }
0xd1: {  	v6 =	vld [tilespmem:$0x30]  }
0xd2: {  	v7 =	vld [tilespmem:$0x40]  }
0xd3: {  	v8 =	vld [tilespmem:$0x50];
	v3 =	vadd.s32 $0x3E8, v3  }
0xd4: {  	v34 =	vld [tilespmem:$0x60];
	[tilespmem:$0x100] =	vst v3;
	v3 =	vadd.s32 $0x3E8, v4  }
0xd5: {  	v35 =	vld [tilespmem:$0x70];
	[tilespmem:$0x110] =	vst v3;
	v3 =	vadd.s32 $0x3E8, v5  }
0xd6: {  	v36 =	vld [tilespmem:$0x0];
	[tilespmem:$0x120] =	vst v3;
	v3 =	vadd.s32 $0x3E8, v6  }
0xd7: {  	v37 =	vld [tilespmem:$0x10];
	[tilespmem:$0x130] =	vst v3;
	v3 =	vadd.s32 $0x3E8, v7  }
0xd8: {  	v38 =	vld [tilespmem:$0x20];
	[tilespmem:$0x140] =	vst v3;
	v3 =	vadd.s32 $0x3E8, v8  }
0xd9: {  	v39 =	vld [tilespmem:$0x30];
	[tilespmem:$0x150] =	vst v3;
	v3 =	vadd.s32 $0x3E8, v34  }
0xda: {  	v40 =	vld [tilespmem:$0x40];
	[tilespmem:$0x160] =	vst v3;
	v3 =	vadd.s32 $0x3E8, v35  }
0xdb: {  	v41 =	vld [tilespmem:$0x50];
	[tilespmem:$0x170] =	vst v3;
	v3 =	vadd.s32 $0x7D0, v36  }
0xdc: {  	v42 =	vld [tilespmem:$0x60];
	[tilespmem:$0x180] =	vst v3;
	v3 =	vadd.s32 $0x7D0, v37  }
0xdd: {  	v43 =	vld [tilespmem:$0x70];
	[tilespmem:$0x190] =	vst v3;
	v3 =	vadd.s32 $0x7D0, v38  }
0xde: {  	v44 =	vld [tilespmem:$0x0];
	[tilespmem:$0x1A0] =	vst v3;
	v3 =	vadd.s32 $0x7D0, v39  }
0xdf: {  	v45 =	vld [tilespmem:$0x10];
	[tilespmem:$0x1B0] =	vst v3;
	v3 =	vadd.s32 $0x7D0, v40  }
0xe0: {  	v46 =	vld [tilespmem:$0x20];
	[tilespmem:$0x1C0] =	vst v3;
	v3 =	vadd.s32 $0x7D0, v41  }
0xe1: {  	v47 =	vld [tilespmem:$0x30];
	[tilespmem:$0x1D0] =	vst v3;
	v3 =	vadd.s32 $0x7D0, v42  }
0xe2: {  	v48 =	vld [tilespmem:$0x40];
	[tilespmem:$0x1E0] =	vst v3;
	v3 =	vadd.s32 $0x7D0, v43  }
0xe3: {  	v49 =	vld [tilespmem:$0x50];
	[tilespmem:$0x1F0] =	vst v3;
	v3 =	vadd.s32 $0xBB8, v44  }
0xe4: {  	v50 =	vld [tilespmem:$0x60];
	[tilespmem:$0x200] =	vst v3;
	v3 =	vadd.s32 $0xBB8, v45  }
0xe5: {  	v51 =	vld [tilespmem:$0x70];
	[tilespmem:$0x210] =	vst v3;
	v3 =	vadd.s32 $0xBB8, v46  }
0xe6: {  	v52 =	vld [tilespmem:$0x0];
	[tilespmem:$0x220] =	vst v3;
	v3 =	vadd.s32 $0xBB8, v47  }
0xe7: {  	v53 =	vld [tilespmem:$0x10];
	[tilespmem:$0x230] =	vst v3;
	v3 =	vadd.s32 $0xBB8, v48  }
0xe8: {  	v54 =	vld [tilespmem:$0x20];
	[tilespmem:$0x240] =	vst v3;
	v3 =	vadd.s32 $0xBB8, v49  }
0xe9: {  	v55 =	vld [tilespmem:$0x30];
	[tilespmem:$0x250] =	vst v3;
	v3 =	vadd.s32 $0xBB8, v50  }
0xea: {  	v56 =	vld [tilespmem:$0x40];
	[tilespmem:$0x260] =	vst v3;
	v3 =	vadd.s32 $0xBB8, v51  }
0xeb: {  	v57 =	vld [tilespmem:$0x50];
	[tilespmem:$0x270] =	vst v3;
	v3 =	vadd.s32 $0xFA0, v52  }
0xec: {  	v58 =	vld [tilespmem:$0x60];
	[tilespmem:$0x280] =	vst v3;
	v3 =	vadd.s32 $0xFA0, v53  }
0xed: {  	v59 =	vld [tilespmem:$0x70];
	[tilespmem:$0x290] =	vst v3;
	v3 =	vadd.s32 $0xFA0, v54  }
0xee: {  	v60 =	vld [tilespmem:$0x0];
	[tilespmem:$0x2A0] =	vst v3;
	v3 =	vadd.s32 $0xFA0, v55  }
0xef: {  	v61 =	vld [tilespmem:$0x10];
	[tilespmem:$0x2B0] =	vst v3;
	v3 =	vadd.s32 $0xFA0, v56  }
0xf0: {  	v62 =	vld [tilespmem:$0x20];
	[tilespmem:$0x2C0] =	vst v3;
	v3 =	vadd.s32 $0xFA0, v57  }
0xf1: {  	v63 =	vld [tilespmem:$0x30];
	[tilespmem:$0x2D0] =	vst v3;
	v3 =	vadd.s32 $0xFA0, v58  }
0xf2: {  	v12 =	vld [tilespmem:$0x40];
	[tilespmem:$0x2E0] =	vst v3;
	v3 =	vadd.s32 $0xFA0, v59  }
0xf3: {  	v13 =	vld [tilespmem:$0x50];
	[tilespmem:$0x2F0] =	vst v3;
	v3 =	vadd.s32 $0x1388, v60  }
0xf4: {  	v14 =	vld [tilespmem:$0x60];
	[tilespmem:$0x300] =	vst v3;
	v3 =	vadd.s32 $0x1388, v61  }
0xf5: {  	v15 =	vld [tilespmem:$0x70];
	[tilespmem:$0x310] =	vst v3;
	v3 =	vadd.s32 $0x1388, v62  }
0xf6: {  	v16 =	vld [tilespmem:$0x0];
	[tilespmem:$0x320] =	vst v3;
	v3 =	vadd.s32 $0x1388, v63  }
0xf7: {  	v17 =	vld [tilespmem:$0x10];
	[tilespmem:$0x330] =	vst v3;
	v3 =	vadd.s32 $0x1388, v12  }
0xf8: {  	v18 =	vld [tilespmem:$0x20];
	[tilespmem:$0x340] =	vst v3;
	v3 =	vadd.s32 $0x1388, v13  }
0xf9: {  	v19 =	vld [tilespmem:$0x30];
	[tilespmem:$0x350] =	vst v3;
	v3 =	vadd.s32 $0x1388, v14  }
0xfa: {  	v20 =	vld [tilespmem:$0x40];
	[tilespmem:$0x360] =	vst v3;
	v3 =	vadd.s32 $0x1388, v15  }
0xfb: {  	v21 =	vld [tilespmem:$0x50];
	[tilespmem:$0x370] =	vst v3;
	v3 =	vadd.s32 $0x1770, v16  }
0xfc: {  	v22 =	vld [tilespmem:$0x60];
	[tilespmem:$0x380] =	vst v3;
	v3 =	vadd.s32 $0x1770, v17  }
0xfd: {  	v23 =	vld [tilespmem:$0x70];
	[tilespmem:$0x390] =	vst v3;
	v3 =	vadd.s32 $0x1770, v18  }
0xfe: {  	v24 =	vld [tilespmem:$0x0];
	[tilespmem:$0x3A0] =	vst v3;
	v3 =	vadd.s32 $0x1770, v19  }
0xff: {  	v25 =	vld [tilespmem:$0x10];
	[tilespmem:$0x3B0] =	vst v3;
	v3 =	vadd.s32 $0x1770, v20  }
0x100: {  	v26 =	vld [tilespmem:$0x20];
	[tilespmem:$0x3C0] =	vst v3;
	v3 =	vadd.s32 $0x1770, v21  }
0x101: {  	v27 =	vld [tilespmem:$0x30];
	[tilespmem:$0x3D0] =	vst v3;
	v3 =	vadd.s32 $0x1770, v22  }
0x102: {  	v28 =	vld [tilespmem:$0x40];
	[tilespmem:$0x3E0] =	vst v3;
	v3 =	vadd.s32 $0x1770, v23  }
0x103: {  	v29 =	vld [tilespmem:$0x50];
	[tilespmem:$0x3F0] =	vst v3;
	v3 =	vadd.s32 $0x1B58, v24  }
0x104: {  	v30 =	vld [tilespmem:$0x60];
	[tilespmem:$0x400] =	vst v3;
	v3 =	vadd.s32 $0x1B58, v25  }
0x105: {  	v31 =	vld [tilespmem:$0x70];
	[tilespmem:$0x410] =	vst v3;
	v3 =	vadd.s32 $0x1B58, v26  }
0x106: {  	v32 =	vld [tilespmem:$0x0];
	[tilespmem:$0x420] =	vst v3;
	v3 =	vadd.s32 $0x1B58, v27  }
0x107: {  	v33 =	vld [tilespmem:$0x10];
	[tilespmem:$0x430] =	vst v3;
	v3 =	vadd.s32 $0x1B58, v28  }
0x108: {  	v34 =	vld [tilespmem:$0x20];
	[tilespmem:$0x440] =	vst v3;
	v3 =	vadd.s32 $0x1B58, v29  }
0x109: {  	v35 =	vld [tilespmem:$0x30];
	[tilespmem:$0x450] =	vst v3;
	v3 =	vadd.s32 $0x1B58, v30  }
0x10a: {  	v36 =	vld [tilespmem:$0x40];
	[tilespmem:$0x460] =	vst v3;
	v3 =	vadd.s32 $0x1B58, v31  }
0x10b: {  	v37 =	vld [tilespmem:$0x50];
	[tilespmem:$0x470] =	vst v3;
	v3 =	vadd.s32 $0x1F40, v32  }
0x10c: {  	v38 =	vld [tilespmem:$0x60];
	[tilespmem:$0x480] =	vst v3;
	v3 =	vadd.s32 $0x1F40, v33  }
0x10d: {  	v39 =	vld [tilespmem:$0x70];
	[tilespmem:$0x490] =	vst v3;
	v3 =	vadd.s32 $0x1F40, v34  }
0x10e: {  	v40 =	vld [tilespmem:$0x0];
	[tilespmem:$0x4A0] =	vst v3;
	v3 =	vadd.s32 $0x1F40, v35  }
0x10f: {  	v41 =	vld [tilespmem:$0x10];
	[tilespmem:$0x4B0] =	vst v3;
	v3 =	vadd.s32 $0x1F40, v36  }
0x110: {  	v42 =	vld [tilespmem:$0x20];
	[tilespmem:$0x4C0] =	vst v3;
	v3 =	vadd.s32 $0x1F40, v37  }
0x111: {  	v43 =	vld [tilespmem:$0x30];
	[tilespmem:$0x4D0] =	vst v3;
	v3 =	vadd.s32 $0x1F40, v38  }
0x112: {  	v44 =	vld [tilespmem:$0x40];
	[tilespmem:$0x4E0] =	vst v3;
	v3 =	vadd.s32 $0x1F40, v39  }
0x113: {  	v45 =	vld [tilespmem:$0x50];
	[tilespmem:$0x4F0] =	vst v3;
	v3 =	vadd.s32 $0x2328, v40  }
0x114: {  	v46 =	vld [tilespmem:$0x60];
	[tilespmem:$0x500] =	vst v3;
	v3 =	vadd.s32 $0x2328, v41  }
0x115: {  	v47 =	vld [tilespmem:$0x70];
	[tilespmem:$0x510] =	vst v3;
	v3 =	vadd.s32 $0x2328, v42  }
0x116: {  	[tilespmem:$0x520] =	vst v3;
	v3 =	vadd.s32 $0x2328, v43  }
0x117: {  	[tilespmem:$0x530] =	vst v3;
	v3 =	vadd.s32 $0x2328, v44  }
0x118: {  	[tilespmem:$0x540] =	vst v3;
	v3 =	vadd.s32 $0x2328, v45  }
0x119: {  	[tilespmem:$0x550] =	vst v3;
	v3 =	vadd.s32 $0x2328, v46  }
0x11a: {  	[tilespmem:$0x560] =	vst v3;
	v3 =	vadd.s32 $0x2328, v47  }
0x11b: {  	[tilespmem:$0x570] =	vst v3  }
0x11c: {  	_ =	swait.ge [sflag:s4], $0x6000  }
0x11d: {  	s10 =	sld [smem:$0x7FC]  }
0x11e: {  	[sflag:s4] =	ssyncset.done $0x0  }
0x11f: {  	s1 =	simm.s32 $0x580;
	[sflag:s4] =	ssyncadd.s32 $0xFFFFA000  }
0x120: {  	[hbm4b:s10+s3] =	stream.linear.scatter [tilespmem:s1], [sflag:$0x2], $0x6000, $0x38;
	[tilespmem:$0x1E580] =	vst v63  }
0x121: {  	v3 =	vld [tilespmem:$0x100];
	_ =	sdelay $0x4  }
0x122: {  	v48 =	vshrl.u32 v3, $0x3  }
0x123: {  	v4 =	vmul.u32 $0x30, v48  }
0x124: {  	v3 =	vand.u32 $0x7, v3  }
0x125: {  	v3 =	vor.u32 v3, v4  }
0x126: {  	v4 =	vperm.xlane v3, v0;
	_ =	sdelay $0x1  }
0x127: {  	v4 =	vadd.s32 v1, v4;
	_ =	sdelay $0x3  }
0x128: {  	s11 =	simm.s32 $0x18580;
	v3 =	vperm.xlane v3, v2  }
0x129: {  	[tilespmem:s11], [sflag:$0x1] =	stream.indirect_vreg.gather [hbm4b:s2+s3], $0x80, v4, vm0, $0xb8;
	[tilespmem:$0x1E580] =	vst v63  }
0x12a: {  	s12 =	simm.s32 $0x18D80;
	v3 =	vadd.s32 v1, v3  }
0x12b: {  	[tilespmem:s12], [sflag:$0x1] =	stream.indirect_vreg.gather [hbm4b:s5+s3], $0x80, v4, vm0, $0xb8;
	[tilespmem:$0x1E580] =	vst v63  }
0x12c: {  	s13 =	simm.s32 $0x19580  }
0x12d: {  	[tilespmem:s13], [sflag:$0x1] =	stream.indirect_vreg.gather [hbm4b:s6+s3], $0x80, v4, vm0, $0xb8;
	[tilespmem:$0x1E580] =	vst v63  }
0x12e: {  	s14 =	simm.s32 $0x19D80  }
0x12f: {  	[tilespmem:s14], [sflag:$0x1] =	stream.indirect_vreg.gather [hbm4b:s2+s3], $0x80, v3, vm0, $0xb8;
	[tilespmem:$0x1E580] =	vst v63  }
0x130: {  	s15 =	simm.s32 $0x1A580  }
0x131: {  	[tilespmem:s15], [sflag:$0x1] =	stream.indirect_vreg.gather [hbm4b:s5+s3], $0x80, v3, vm0, $0xb8;
	[tilespmem:$0x1E580] =	vst v63  }
0x132: {  	s16 =	simm.s32 $0x1AD80  }
0x133: {  	[tilespmem:s16], [sflag:$0x1] =	stream.indirect_vreg.gather [hbm4b:s6+s3], $0x80, v3, vm0, $0xb8;
	[tilespmem:$0x1E580] =	vst v63  }
0x134: {  	v3 =	vld [tilespmem:$0x110];
	_ =	sdelay $0x4  }
0x135: {  	v49 =	vshrl.u32 v3, $0x3  }
0x136: {  	v4 =	vmul.u32 $0x30, v49  }
0x137: {  	v3 =	vand.u32 $0x7, v3  }
0x138: {  	v3 =	vor.u32 v3, v4  }
0x139: {  	v4 =	vperm.xlane v3, v0;
	_ =	sdelay $0x1  }
0x13a: {  	v4 =	vadd.s32 v1, v4;
	_ =	sdelay $0x3  }
0x13b: {  	s17 =	simm.s32 $0x1B580;
	v3 =	vperm.xlane v3, v2  }
0x13c: {  	[tilespmem:s17], [sflag:$0x1] =	stream.indirect_vreg.gather [hbm4b:s2+s3], $0x80, v4, vm0, $0xb8;
	[tilespmem:$0x1E580] =	vst v63  }
0x13d: {  	s18 =	simm.s32 $0x1BD80;
	v3 =	vadd.s32 v1, v3  }
0x13e: {  	[tilespmem:s18], [sflag:$0x1] =	stream.indirect_vreg.gather [hbm4b:s5+s3], $0x80, v4, vm0, $0xb8;
	[tilespmem:$0x1E580] =	vst v63  }
0x13f: {  	s19 =	simm.s32 $0x1C580  }
0x140: {  	[tilespmem:s19], [sflag:$0x1] =	stream.indirect_vreg.gather [hbm4b:s6+s3], $0x80, v4, vm0, $0xb8;
	[tilespmem:$0x1E580] =	vst v63  }
0x141: {  	s20 =	simm.s32 $0x1CD80  }
0x142: {  	[tilespmem:s20], [sflag:$0x1] =	stream.indirect_vreg.gather [hbm4b:s2+s3], $0x80, v3, vm0, $0xb8;
	[tilespmem:$0x1E580] =	vst v63  }
0x143: {  	s21 =	simm.s32 $0x1D580  }
0x144: {  	[tilespmem:s21], [sflag:$0x1] =	stream.indirect_vreg.gather [hbm4b:s5+s3], $0x80, v3, vm0, $0xb8;
	[tilespmem:$0x1E580] =	vst v63  }
0x145: {  	s22 =	simm.s32 $0x1DD80  }
0x146: {  	[tilespmem:s22], [sflag:$0x1] =	stream.indirect_vreg.gather [hbm4b:s6+s3], $0x80, v3, vm0, $0xb8;
	[tilespmem:$0x1E580] =	vst v63  }
0x147: {  	_ =	swait.ge [sflag:s4], $0x6000  }
0x148: {  	[sflag:s4] =	ssyncset.done $0x0  }
0x149: {  	s26 =	simm.s32 $0x6580;
	s23 =	rddreg [dreg:$0x5];
	[sflag:s4] =	ssyncadd.s32 $0xFFFFA000  }
0x14a: {  	[hbm4b:s23+s3] =	stream.linear.scatter [tilespmem:s26], [sflag:$0x2], $0x6000, $0x38;
	[tilespmem:$0x1E580] =	vst v63  }
0x14b: {  	_ =	swait.ge [sflag:s24], $0x6000  }
0x14c: {  	[sflag:s24] =	ssyncset.done $0x0  }
0x14d: {  	[sflag:s24] =	ssyncadd.s32 $0xFFFFA000  }
0x14e: {  	v3 =	vld [tilespmem:$0x120];
	_ =	sdelay $0x4  }
0x14f: {  	v50 =	vshrl.u32 v3, $0x3  }
0x150: {  	v4 =	vmul.u32 $0x30, v50  }
0x151: {  	v3 =	vand.u32 $0x7, v3  }
0x152: {  	v3 =	vor.u32 v3, v4  }
0x153: {  	v4 =	vperm.xlane v3, v0;
	_ =	sdelay $0x1  }
0x154: {  	v4 =	vadd.s32 v1, v4;
	_ =	sdelay $0x3  }
0x155: {  	v3 =	vperm.xlane v3, v2  }
0x156: {  	[tilespmem:s1], [sflag:$0x1] =	stream.indirect_vreg.gather [hbm4b:s2+s3], $0x80, v4, vm0, $0xb8;
	[tilespmem:$0x1E580] =	vst v63  }
0x157: {  	s28 =	simm.s32 $0xD80;
	v3 =	vadd.s32 v1, v3  }
0x158: {  	[tilespmem:s28], [sflag:$0x1] =	stream.indirect_vreg.gather [hbm4b:s5+s3], $0x80, v4, vm0, $0xb8;
	[tilespmem:$0x1E580] =	vst v63  }
0x159: {  	s29 =	simm.s32 $0x1580  }
0x15a: {  	[tilespmem:s29], [sflag:$0x1] =	stream.indirect_vreg.gather [hbm4b:s6+s3], $0x80, v4, vm0, $0xb8;
	[tilespmem:$0x1E580] =	vst v63  }
0x15b: {  	s30 =	simm.s32 $0x1D80  }
0x15c: {  	[tilespmem:s30], [sflag:$0x1] =	stream.indirect_vreg.gather [hbm4b:s2+s3], $0x80, v3, vm0, $0xb8;
	[tilespmem:$0x1E580] =	vst v63  }
0x15d: {  	s31 =	simm.s32 $0x2580  }
0x15e: {  	[tilespmem:s31], [sflag:$0x1] =	stream.indirect_vreg.gather [hbm4b:s5+s3], $0x80, v3, vm0, $0xb8;
	[tilespmem:$0x1E580] =	vst v63  }
0x15f: {  	s7 =	simm.s32 $0x2D80  }
0x160: {  	[tilespmem:s7], [sflag:$0x1] =	stream.indirect_vreg.gather [hbm4b:s6+s3], $0x80, v3, vm0, $0xb8;
	[tilespmem:$0x1E580] =	vst v63  }
0x161: {  	v3 =	vld [tilespmem:$0x130];
	_ =	sdelay $0x4  }
0x162: {  	v51 =	vshrl.u32 v3, $0x3  }
0x163: {  	v4 =	vmul.u32 $0x30, v51  }
0x164: {  	v3 =	vand.u32 $0x7, v3  }
0x165: {  	v3 =	vor.u32 v3, v4  }
0x166: {  	v4 =	vperm.xlane v3, v0;
	_ =	sdelay $0x1  }
0x167: {  	v4 =	vadd.s32 v1, v4;
	_ =	sdelay $0x3  }
0x168: {  	s8 =	simm.s32 $0x3580;
	v3 =	vperm.xlane v3, v2  }
0x169: {  	[tilespmem:s8], [sflag:$0x1] =	stream.indirect_vreg.gather [hbm4b:s2+s3], $0x80, v4, vm0, $0xb8;
	[tilespmem:$0x1E580] =	vst v63  }
0x16a: {  	s9 =	simm.s32 $0x3D80;
	v3 =	vadd.s32 v1, v3  }
0x16b: {  	[tilespmem:s9], [sflag:$0x1] =	stream.indirect_vreg.gather [hbm4b:s5+s3], $0x80, v4, vm0, $0xb8;
	[tilespmem:$0x1E580] =	vst v63  }
0x16c: {  	s10 =	simm.s32 $0x4580  }
0x16d: {  	[tilespmem:s10], [sflag:$0x1] =	stream.indirect_vreg.gather [hbm4b:s6+s3], $0x80, v4, vm0, $0xb8;
	[tilespmem:$0x1E580] =	vst v63  }
0x16e: {  	s11 =	simm.s32 $0x4D80  }
0x16f: {  	[tilespmem:s11], [sflag:$0x1] =	stream.indirect_vreg.gather [hbm4b:s2+s3], $0x80, v3, vm0, $0xb8;
	[tilespmem:$0x1E580] =	vst v63  }
0x170: {  	s12 =	simm.s32 $0x5580  }
0x171: {  	[tilespmem:s12], [sflag:$0x1] =	stream.indirect_vreg.gather [hbm4b:s5+s3], $0x80, v3, vm0, $0xb8;
	[tilespmem:$0x1E580] =	vst v63  }
0x172: {  	s13 =	simm.s32 $0x5D80  }
0x173: {  	[tilespmem:s13], [sflag:$0x1] =	stream.indirect_vreg.gather [hbm4b:s6+s3], $0x80, v3, vm0, $0xb8;
	[tilespmem:$0x1E580] =	vst v63  }
0x174: {  	_ =	swait.ge [sflag:s4], $0x6000  }
0x175: {  	[sflag:s4] =	ssyncset.done $0x0  }
0x176: {  	s15 =	simm.s32 $0xC580;
	s14 =	rddreg [dreg:$0x6];
	[sflag:s4] =	ssyncadd.s32 $0xFFFFA000  }
0x177: {  	[hbm4b:s14+s3] =	stream.linear.scatter [tilespmem:s15], [sflag:$0x2], $0x6000, $0x38;
	[tilespmem:$0x1E580] =	vst v63  }
0x178: {  	_ =	swait.ge [sflag:s24], $0x6000  }
0x179: {  	[sflag:s24] =	ssyncset.done $0x0  }
0x17a: {  	[sflag:s24] =	ssyncadd.s32 $0xFFFFA000  }
0x17b: {  	v3 =	vld [tilespmem:$0x140];
	_ =	sdelay $0x4  }
0x17c: {  	v52 =	vshrl.u32 v3, $0x3  }
0x17d: {  	v4 =	vmul.u32 $0x30, v52  }
0x17e: {  	v3 =	vand.u32 $0x7, v3  }
0x17f: {  	v3 =	vor.u32 v3, v4  }
0x180: {  	v4 =	vperm.xlane v3, v0;
	_ =	sdelay $0x1  }
0x181: {  	v4 =	vadd.s32 v1, v4;
	_ =	sdelay $0x3  }
0x182: {  	v3 =	vperm.xlane v3, v2  }
0x183: {  	[tilespmem:s26], [sflag:$0x1] =	stream.indirect_vreg.gather [hbm4b:s2+s3], $0x80, v4, vm0, $0xb8;
	[tilespmem:$0x1E580] =	vst v63  }
0x184: {  	s20 =	simm.s32 $0x6D80;
	v3 =	vadd.s32 v1, v3  }
0x185: {  	[tilespmem:s20], [sflag:$0x1] =	stream.indirect_vreg.gather [hbm4b:s5+s3], $0x80, v4, vm0, $0xb8;
	[tilespmem:$0x1E580] =	vst v63  }
0x186: {  	s21 =	simm.s32 $0x7580  }
0x187: {  	[tilespmem:s21], [sflag:$0x1] =	stream.indirect_vreg.gather [hbm4b:s6+s3], $0x80, v4, vm0, $0xb8;
	[tilespmem:$0x1E580] =	vst v63  }
0x188: {  	s16 =	simm.s32 $0x7D80  }
0x189: {  	[tilespmem:s16], [sflag:$0x1] =	stream.indirect_vreg.gather [hbm4b:s2+s3], $0x80, v3, vm0, $0xb8;
	[tilespmem:$0x1E580] =	vst v63  }
0x18a: {  	s17 =	simm.s32 $0x8580  }
0x18b: {  	[tilespmem:s17], [sflag:$0x1] =	stream.indirect_vreg.gather [hbm4b:s5+s3], $0x80, v3, vm0, $0xb8;
	[tilespmem:$0x1E580] =	vst v63  }
0x18c: {  	s18 =	simm.s32 $0x8D80  }
0x18d: {  	[tilespmem:s18], [sflag:$0x1] =	stream.indirect_vreg.gather [hbm4b:s6+s3], $0x80, v3, vm0, $0xb8;
	[tilespmem:$0x1E580] =	vst v63  }
0x18e: {  	v3 =	vld [tilespmem:$0x150];
	_ =	sdelay $0x4  }
0x18f: {  	v53 =	vshrl.u32 v3, $0x3  }
0x190: {  	v4 =	vmul.u32 $0x30, v53  }
0x191: {  	v3 =	vand.u32 $0x7, v3  }
0x192: {  	v3 =	vor.u32 v3, v4  }
0x193: {  	v4 =	vperm.xlane v3, v0;
	_ =	sdelay $0x1  }
0x194: {  	v4 =	vadd.s32 v1, v4;
	_ =	sdelay $0x3  }
0x195: {  	s19 =	simm.s32 $0x9580;
	v3 =	vperm.xlane v3, v2  }
0x196: {  	[tilespmem:s19], [sflag:$0x1] =	stream.indirect_vreg.gather [hbm4b:s2+s3], $0x80, v4, vm0, $0xb8;
	[tilespmem:$0x1E580] =	vst v63  }
0x197: {  	s22 =	simm.s32 $0x9D80;
	v3 =	vadd.s32 v1, v3  }
0x198: {  	[tilespmem:s22], [sflag:$0x1] =	stream.indirect_vreg.gather [hbm4b:s5+s3], $0x80, v4, vm0, $0xb8;
	[tilespmem:$0x1E580] =	vst v63  }
0x199: {  	s23 =	simm.s32 $0xA580  }
0x19a: {  	[tilespmem:s23], [sflag:$0x1] =	stream.indirect_vreg.gather [hbm4b:s6+s3], $0x80, v4, vm0, $0xb8;
	[tilespmem:$0x1E580] =	vst v63  }
0x19b: {  	s25 =	simm.s32 $0xAD80  }
0x19c: {  	[tilespmem:s25], [sflag:$0x1] =	stream.indirect_vreg.gather [hbm4b:s2+s3], $0x80, v3, vm0, $0xb8;
	[tilespmem:$0x1E580] =	vst v63  }
0x19d: {  	s26 =	simm.s32 $0xB580  }
0x19e: {  	[tilespmem:s26], [sflag:$0x1] =	stream.indirect_vreg.gather [hbm4b:s5+s3], $0x80, v3, vm0, $0xb8;
	[tilespmem:$0x1E580] =	vst v63  }
0x19f: {  	s28 =	simm.s32 $0xBD80  }
0x1a0: {  	[tilespmem:s28], [sflag:$0x1] =	stream.indirect_vreg.gather [hbm4b:s6+s3], $0x80, v3, vm0, $0xb8;
	[tilespmem:$0x1E580] =	vst v63  }
0x1a1: {  	_ =	swait.ge [sflag:s4], $0x6000  }
0x1a2: {  	[sflag:s4] =	ssyncset.done $0x0  }
0x1a3: {  	s30 =	simm.s32 $0x12580;
	s29 =	rddreg [dreg:$0x7];
	[sflag:s4] =	ssyncadd.s32 $0xFFFFA000  }
0x1a4: {  	[hbm4b:s29+s3] =	stream.linear.scatter [tilespmem:s30], [sflag:$0x2], $0x6000, $0x38;
	[tilespmem:$0x1E580] =	vst v63  }
0x1a5: {  	_ =	swait.ge [sflag:s24], $0x6000  }
0x1a6: {  	[sflag:s24] =	ssyncset.done $0x0  }
0x1a7: {  	[sflag:s24] =	ssyncadd.s32 $0xFFFFA000  }
0x1a8: {  	v3 =	vld [tilespmem:$0x160];
	_ =	sdelay $0x4  }
0x1a9: {  	v54 =	vshrl.u32 v3, $0x3  }
0x1aa: {  	v4 =	vmul.u32 $0x30, v54  }
0x1ab: {  	v3 =	vand.u32 $0x7, v3  }
0x1ac: {  	v3 =	vor.u32 v3, v4  }
0x1ad: {  	v4 =	vperm.xlane v3, v0;
	_ =	sdelay $0x1  }
0x1ae: {  	v4 =	vadd.s32 v1, v4;
	_ =	sdelay $0x3  }
0x1af: {  	v3 =	vperm.xlane v3, v2  }
0x1b0: {  	[tilespmem:s15], [sflag:$0x1] =	stream.indirect_vreg.gather [hbm4b:s2+s3], $0x80, v4, vm0, $0xb8;
	[tilespmem:$0x1E580] =	vst v63  }
0x1b1: {  	s12 =	simm.s32 $0xCD80;
	v3 =	vadd.s32 v1, v3  }
0x1b2: {  	[tilespmem:s12], [sflag:$0x1] =	stream.indirect_vreg.gather [hbm4b:s5+s3], $0x80, v4, vm0, $0xb8;
	[tilespmem:$0x1E580] =	vst v63  }
0x1b3: {  	s13 =	simm.s32 $0xD580  }
0x1b4: {  	[tilespmem:s13], [sflag:$0x1] =	stream.indirect_vreg.gather [hbm4b:s6+s3], $0x80, v4, vm0, $0xb8;
	[tilespmem:$0x1E580] =	vst v63  }
0x1b5: {  	s14 =	simm.s32 $0xDD80  }
0x1b6: {  	[tilespmem:s14], [sflag:$0x1] =	stream.indirect_vreg.gather [hbm4b:s2+s3], $0x80, v3, vm0, $0xb8;
	[tilespmem:$0x1E580] =	vst v63  }
0x1b7: {  	s15 =	simm.s32 $0xE580  }
0x1b8: {  	[tilespmem:s15], [sflag:$0x1] =	stream.indirect_vreg.gather [hbm4b:s5+s3], $0x80, v3, vm0, $0xb8;
	[tilespmem:$0x1E580] =	vst v63  }
0x1b9: {  	s9 =	simm.s32 $0xED80  }
0x1ba: {  	[tilespmem:s9], [sflag:$0x1] =	stream.indirect_vreg.gather [hbm4b:s6+s3], $0x80, v3, vm0, $0xb8;
	[tilespmem:$0x1E580] =	vst v63  }
0x1bb: {  	v3 =	vld [tilespmem:$0x170];
	_ =	sdelay $0x4  }
0x1bc: {  	v55 =	vshrl.u32 v3, $0x3  }
0x1bd: {  	v4 =	vmul.u32 $0x30, v55  }
0x1be: {  	v3 =	vand.u32 $0x7, v3  }
0x1bf: {  	v3 =	vor.u32 v3, v4  }
0x1c0: {  	v4 =	vperm.xlane v3, v0;
	_ =	sdelay $0x1  }
0x1c1: {  	v4 =	vadd.s32 v1, v4;
	_ =	sdelay $0x3  }
0x1c2: {  	s8 =	simm.s32 $0xF580;
	v3 =	vperm.xlane v3, v2  }
0x1c3: {  	[tilespmem:s8], [sflag:$0x1] =	stream.indirect_vreg.gather [hbm4b:s2+s3], $0x80, v4, vm0, $0xb8;
	[tilespmem:$0x1E580] =	vst v63  }
0x1c4: {  	s16 =	simm.s32 $0xFD80;
	v3 =	vadd.s32 v1, v3  }
0x1c5: {  	[tilespmem:s16], [sflag:$0x1] =	stream.indirect_vreg.gather [hbm4b:s5+s3], $0x80, v4, vm0, $0xb8;
	[tilespmem:$0x1E580] =	vst v63  }
0x1c6: {  	s17 =	simm.s32 $0x10580  }
0x1c7: {  	[tilespmem:s17], [sflag:$0x1] =	stream.indirect_vreg.gather [hbm4b:s6+s3], $0x80, v4, vm0, $0xb8;
	[tilespmem:$0x1E580] =	vst v63  }
0x1c8: {  	s18 =	simm.s32 $0x10D80  }
0x1c9: {  	[tilespmem:s18], [sflag:$0x1] =	stream.indirect_vreg.gather [hbm4b:s2+s3], $0x80, v3, vm0, $0xb8;
	[tilespmem:$0x1E580] =	vst v63  }
0x1ca: {  	s19 =	simm.s32 $0x11580  }
0x1cb: {  	[tilespmem:s19], [sflag:$0x1] =	stream.indirect_vreg.gather [hbm4b:s5+s3], $0x80, v3, vm0, $0xb8;
	[tilespmem:$0x1E580] =	vst v63  }
0x1cc: {  	s10 =	simm.s32 $0x11D80  }
0x1cd: {  	[tilespmem:s10], [sflag:$0x1] =	stream.indirect_vreg.gather [hbm4b:s6+s3], $0x80, v3, vm0, $0xb8;
	[tilespmem:$0x1E580] =	vst v63  }
0x1ce: {  	_ =	swait.ge [sflag:s4], $0x6000  }
0x1cf: {  	[sflag:s4] =	ssyncset.done $0x0  }
0x1d0: {  	s1 =	simm.s32 $0x18580;
	s31 =	rddreg [dreg:$0x8];
	[sflag:s4] =	ssyncadd.s32 $0xFFFFA000  }
0x1d1: {  	[hbm4b:s31+s3] =	stream.linear.scatter [tilespmem:s1], [sflag:$0x2], $0x6000, $0x38;
	[tilespmem:$0x1E580] =	vst v63  }
0x1d2: {  	_ =	swait.ge [sflag:s24], $0x6000  }
0x1d3: {  	[sflag:s24] =	ssyncset.done $0x0  }
0x1d4: {  	[sflag:s24] =	ssyncadd.s32 $0xFFFFA000  }
0x1d5: {  	v3 =	vld [tilespmem:$0x180];
	_ =	sdelay $0x4  }
0x1d6: {  	v56 =	vshrl.u32 v3, $0x3  }
0x1d7: {  	v4 =	vmul.u32 $0x30, v56  }
0x1d8: {  	v3 =	vand.u32 $0x7, v3  }
0x1d9: {  	v3 =	vor.u32 v3, v4  }
0x1da: {  	v4 =	vperm.xlane v3, v0;
	_ =	sdelay $0x1  }
0x1db: {  	v4 =	vadd.s32 v1, v4;
	_ =	sdelay $0x3  }
0x1dc: {  	v3 =	vperm.xlane v3, v2  }
0x1dd: {  	[tilespmem:s30], [sflag:$0x1] =	stream.indirect_vreg.gather [hbm4b:s2+s3], $0x80, v4, vm0, $0xb8;
	[tilespmem:$0x1E580] =	vst v63  }
0x1de: {  	s22 =	simm.s32 $0x12D80;
	v3 =	vadd.s32 v1, v3  }
0x1df: {  	[tilespmem:s22], [sflag:$0x1] =	stream.indirect_vreg.gather [hbm4b:s5+s3], $0x80, v4, vm0, $0xb8;
	[tilespmem:$0x1E580] =	vst v63  }
0x1e0: {  	s23 =	simm.s32 $0x13580  }
0x1e1: {  	[tilespmem:s23], [sflag:$0x1] =	stream.indirect_vreg.gather [hbm4b:s6+s3], $0x80, v4, vm0, $0xb8;
	[tilespmem:$0x1E580] =	vst v63  }
0x1e2: {  	s26 =	simm.s32 $0x13D80  }
0x1e3: {  	[tilespmem:s26], [sflag:$0x1] =	stream.indirect_vreg.gather [hbm4b:s2+s3], $0x80, v3, vm0, $0xb8;
	[tilespmem:$0x1E580] =	vst v63  }
0x1e4: {  	s28 =	simm.s32 $0x14580  }
0x1e5: {  	[tilespmem:s28], [sflag:$0x1] =	stream.indirect_vreg.gather [hbm4b:s5+s3], $0x80, v3, vm0, $0xb8;
	[tilespmem:$0x1E580] =	vst v63  }
0x1e6: {  	s7 =	simm.s32 $0x14D80  }
0x1e7: {  	[tilespmem:s7], [sflag:$0x1] =	stream.indirect_vreg.gather [hbm4b:s6+s3], $0x80, v3, vm0, $0xb8;
	[tilespmem:$0x1E580] =	vst v63  }
0x1e8: {  	v3 =	vld [tilespmem:$0x190];
	_ =	sdelay $0x4  }
0x1e9: {  	v57 =	vshrl.u32 v3, $0x3  }
0x1ea: {  	v4 =	vmul.u32 $0x30, v57  }
0x1eb: {  	v3 =	vand.u32 $0x7, v3  }
0x1ec: {  	v3 =	vor.u32 v3, v4  }
0x1ed: {  	v4 =	vperm.xlane v3, v0;
	_ =	sdelay $0x1  }
0x1ee: {  	v4 =	vadd.s32 v1, v4;
	_ =	sdelay $0x3  }
0x1ef: {  	s11 =	simm.s32 $0x15580;
	v3 =	vperm.xlane v3, v2  }
0x1f0: {  	[tilespmem:s11], [sflag:$0x1] =	stream.indirect_vreg.gather [hbm4b:s2+s3], $0x80, v4, vm0, $0xb8;
	[tilespmem:$0x1E580] =	vst v63  }
0x1f1: {  	s29 =	simm.s32 $0x15D80;
	v3 =	vadd.s32 v1, v3  }
0x1f2: {  	[tilespmem:s29], [sflag:$0x1] =	stream.indirect_vreg.gather [hbm4b:s5+s3], $0x80, v4, vm0, $0xb8;
	[tilespmem:$0x1E580] =	vst v63  }
0x1f3: {  	s30 =	simm.s32 $0x16580  }
0x1f4: {  	[tilespmem:s30], [sflag:$0x1] =	stream.indirect_vreg.gather [hbm4b:s6+s3], $0x80, v4, vm0, $0xb8;
	[tilespmem:$0x1E580] =	vst v63  }
0x1f5: {  	s31 =	simm.s32 $0x16D80  }
0x1f6: {  	[tilespmem:s31], [sflag:$0x1] =	stream.indirect_vreg.gather [hbm4b:s2+s3], $0x80, v3, vm0, $0xb8;
	[tilespmem:$0x1E580] =	vst v63  }
0x1f7: {  	s25 =	simm.s32 $0x17580  }
0x1f8: {  	[tilespmem:s25], [sflag:$0x1] =	stream.indirect_vreg.gather [hbm4b:s5+s3], $0x80, v3, vm0, $0xb8;
	[tilespmem:$0x1E580] =	vst v63  }
0x1f9: {  	s11 =	simm.s32 $0x17D80  }
0x1fa: {  	[tilespmem:s11], [sflag:$0x1] =	stream.indirect_vreg.gather [hbm4b:s6+s3], $0x80, v3, vm0, $0xb8;
	[tilespmem:$0x1E580] =	vst v63  }
0x1fb: {  	_ =	swait.ge [sflag:s4], $0x6000  }
0x1fc: {  	[sflag:s4] =	ssyncset.done $0x0  }
0x1fd: {  	s7 =	simm.s32 $0x580;
	s0 =	rddreg [dreg:$0x9];
	[sflag:s4] =	ssyncadd.s32 $0xFFFFA000  }
0x1fe: {  	[hbm4b:s0+s3] =	stream.linear.scatter [tilespmem:s7], [sflag:$0x2], $0x6000, $0x38;
	[tilespmem:$0x1E580] =	vst v63  }
0x1ff: {  	_ =	swait.ge [sflag:s24], $0x6000  }
0x200: {  	[sflag:s24] =	ssyncset.done $0x0  }
0x201: {  	[sflag:s24] =	ssyncadd.s32 $0xFFFFA000  }
0x202: {  	v3 =	vld [tilespmem:$0x1A0];
	_ =	sdelay $0x4  }
0x203: {  	v58 =	vshrl.u32 v3, $0x3  }
0x204: {  	v4 =	vmul.u32 $0x30, v58  }
0x205: {  	v3 =	vand.u32 $0x7, v3  }
0x206: {  	v3 =	vor.u32 v3, v4  }
0x207: {  	v4 =	vperm.xlane v3, v0;
	_ =	sdelay $0x1  }
0x208: {  	v4 =	vadd.s32 v1, v4;
	_ =	sdelay $0x3  }
0x209: {  	v3 =	vperm.xlane v3, v2  }
0x20a: {  	[tilespmem:s1], [sflag:$0x1] =	stream.indirect_vreg.gather [hbm4b:s2+s3], $0x80, v4, vm0, $0xb8;
	[tilespmem:$0x1E580] =	vst v63  }
0x20b: {  	v3 =	vadd.s32 v1, v3;
	s1 =	simm.s32 $0x18D80  }
0x20c: {  	[tilespmem:s1], [sflag:$0x1] =	stream.indirect_vreg.gather [hbm4b:s5+s3], $0x80, v4, vm0, $0xb8;
	[tilespmem:$0x1E580] =	vst v63  }
0x20d: {  	s25 =	simm.s32 $0x19580  }
0x20e: {  	[tilespmem:s25], [sflag:$0x1] =	stream.indirect_vreg.gather [hbm4b:s6+s3], $0x80, v4, vm0, $0xb8;
	[tilespmem:$0x1E580] =	vst v63  }
0x20f: {  	s25 =	simm.s32 $0x19D80  }
0x210: {  	[tilespmem:s25], [sflag:$0x1] =	stream.indirect_vreg.gather [hbm4b:s2+s3], $0x80, v3, vm0, $0xb8;
	[tilespmem:$0x1E580] =	vst v63  }
0x211: {  	s25 =	simm.s32 $0x1A580  }
0x212: {  	[tilespmem:s25], [sflag:$0x1] =	stream.indirect_vreg.gather [hbm4b:s5+s3], $0x80, v3, vm0, $0xb8;
	[tilespmem:$0x1E580] =	vst v63  }
0x213: {  	s25 =	simm.s32 $0x1AD80  }
0x214: {  	[tilespmem:s25], [sflag:$0x1] =	stream.indirect_vreg.gather [hbm4b:s6+s3], $0x80, v3, vm0, $0xb8;
	[tilespmem:$0x1E580] =	vst v63  }
0x215: {  	v3 =	vld [tilespmem:$0x1B0];
	_ =	sdelay $0x4  }
0x216: {  	v59 =	vshrl.u32 v3, $0x3  }
0x217: {  	v4 =	vmul.u32 $0x30, v59  }
0x218: {  	v3 =	vand.u32 $0x7, v3  }
0x219: {  	v3 =	vor.u32 v3, v4  }
0x21a: {  	v4 =	vperm.xlane v3, v0;
	_ =	sdelay $0x1  }
0x21b: {  	v4 =	vadd.s32 v1, v4;
	_ =	sdelay $0x3  }
0x21c: {  	s25 =	simm.s32 $0x1B580;
	v3 =	vperm.xlane v3, v2  }
0x21d: {  	[tilespmem:s25], [sflag:$0x1] =	stream.indirect_vreg.gather [hbm4b:s2+s3], $0x80, v4, vm0, $0xb8;
	[tilespmem:$0x1E580] =	vst v63  }
0x21e: {  	v3 =	vadd.s32 v1, v3;
	s25 =	simm.s32 $0x1BD80  }
0x21f: {  	[tilespmem:s25], [sflag:$0x1] =	stream.indirect_vreg.gather [hbm4b:s5+s3], $0x80, v4, vm0, $0xb8;
	[tilespmem:$0x1E580] =	vst v63  }
0x220: {  	s25 =	simm.s32 $0x1C580  }
0x221: {  	[tilespmem:s25], [sflag:$0x1] =	stream.indirect_vreg.gather [hbm4b:s6+s3], $0x80, v4, vm0, $0xb8;
	[tilespmem:$0x1E580] =	vst v63  }
0x222: {  	s25 =	simm.s32 $0x1CD80  }
0x223: {  	[tilespmem:s25], [sflag:$0x1] =	stream.indirect_vreg.gather [hbm4b:s2+s3], $0x80, v3, vm0, $0xb8;
	[tilespmem:$0x1E580] =	vst v63  }
0x224: {  	s25 =	simm.s32 $0x1D580  }
0x225: {  	[tilespmem:s25], [sflag:$0x1] =	stream.indirect_vreg.gather [hbm4b:s5+s3], $0x80, v3, vm0, $0xb8;
	[tilespmem:$0x1E580] =	vst v63  }
0x226: {  	s25 =	simm.s32 $0x1DD80  }
0x227: {  	[tilespmem:s25], [sflag:$0x1] =	stream.indirect_vreg.gather [hbm4b:s6+s3], $0x80, v3, vm0, $0xb8;
	[tilespmem:$0x1E580] =	vst v63  }
0x228: {  	_ =	swait.ge [sflag:s4], $0x6000  }
0x229: {  	[sflag:s4] =	ssyncset.done $0x0  }
0x22a: {  	s0 =	simm.s32 $0x6580;
	s25 =	rddreg [dreg:$0xa];
	[sflag:s4] =	ssyncadd.s32 $0xFFFFA000  }
0x22b: {  	[hbm4b:s25+s3] =	stream.linear.scatter [tilespmem:s0], [sflag:$0x2], $0x6000, $0x38;
	[tilespmem:$0x1E580] =	vst v63  }
0x22c: {  	_ =	swait.ge [sflag:s24], $0x6000  }
0x22d: {  	[sflag:s24] =	ssyncset.done $0x0  }
0x22e: {  	[sflag:s24] =	ssyncadd.s32 $0xFFFFA000  }
0x22f: {  	v3 =	vld [tilespmem:$0x1C0];
	_ =	sdelay $0x4  }
0x230: {  	v60 =	vshrl.u32 v3, $0x3  }
0x231: {  	v4 =	vmul.u32 $0x30, v60  }
0x232: {  	v3 =	vand.u32 $0x7, v3  }
0x233: {  	v3 =	vor.u32 v3, v4  }
0x234: {  	v4 =	vperm.xlane v3, v0;
	_ =	sdelay $0x1  }
0x235: {  	v4 =	vadd.s32 v1, v4;
	_ =	sdelay $0x3  }
0x236: {  	v3 =	vperm.xlane v3, v2  }
0x237: {  	[tilespmem:s7], [sflag:$0x1] =	stream.indirect_vreg.gather [hbm4b:s2+s3], $0x80, v4, vm0, $0xb8;
	[tilespmem:$0x1E580] =	vst v63  }
0x238: {  	s25 =	simm.s32 $0xD80;
	v3 =	vadd.s32 v1, v3  }
0x239: {  	[tilespmem:s25], [sflag:$0x1] =	stream.indirect_vreg.gather [hbm4b:s5+s3], $0x80, v4, vm0, $0xb8;
	[tilespmem:$0x1E580] =	vst v63  }
0x23a: {  	s25 =	simm.s32 $0x1580  }
0x23b: {  	[tilespmem:s25], [sflag:$0x1] =	stream.indirect_vreg.gather [hbm4b:s6+s3], $0x80, v4, vm0, $0xb8;
	[tilespmem:$0x1E580] =	vst v63  }
0x23c: {  	s25 =	simm.s32 $0x1D80  }
0x23d: {  	[tilespmem:s25], [sflag:$0x1] =	stream.indirect_vreg.gather [hbm4b:s2+s3], $0x80, v3, vm0, $0xb8;
	[tilespmem:$0x1E580] =	vst v63  }
0x23e: {  	s25 =	simm.s32 $0x2580  }
0x23f: {  	[tilespmem:s25], [sflag:$0x1] =	stream.indirect_vreg.gather [hbm4b:s5+s3], $0x80, v3, vm0, $0xb8;
	[tilespmem:$0x1E580] =	vst v63  }
0x240: {  	s25 =	simm.s32 $0x2D80  }
0x241: {  	[tilespmem:s25], [sflag:$0x1] =	stream.indirect_vreg.gather [hbm4b:s6+s3], $0x80, v3, vm0, $0xb8;
	[tilespmem:$0x1E580] =	vst v63  }
0x242: {  	v3 =	vld [tilespmem:$0x1D0];
	_ =	sdelay $0x4  }
0x243: {  	v61 =	vshrl.u32 v3, $0x3  }
0x244: {  	v4 =	vmul.u32 $0x30, v61  }
0x245: {  	v3 =	vand.u32 $0x7, v3  }
0x246: {  	v3 =	vor.u32 v3, v4  }
0x247: {  	v4 =	vperm.xlane v3, v0;
	_ =	sdelay $0x1  }
0x248: {  	v4 =	vadd.s32 v1, v4;
	_ =	sdelay $0x3  }
0x249: {  	s25 =	simm.s32 $0x3580;
	v3 =	vperm.xlane v3, v2  }
0x24a: {  	[tilespmem:s25], [sflag:$0x1] =	stream.indirect_vreg.gather [hbm4b:s2+s3], $0x80, v4, vm0, $0xb8;
	[tilespmem:$0x1E580] =	vst v63  }
0x24b: {  	v3 =	vadd.s32 v1, v3;
	s25 =	simm.s32 $0x3D80  }
0x24c: {  	[tilespmem:s25], [sflag:$0x1] =	stream.indirect_vreg.gather [hbm4b:s5+s3], $0x80, v4, vm0, $0xb8;
	[tilespmem:$0x1E580] =	vst v63  }
0x24d: {  	s25 =	simm.s32 $0x4580  }
0x24e: {  	[tilespmem:s25], [sflag:$0x1] =	stream.indirect_vreg.gather [hbm4b:s6+s3], $0x80, v4, vm0, $0xb8;
	[tilespmem:$0x1E580] =	vst v63  }
0x24f: {  	s25 =	simm.s32 $0x4D80  }
0x250: {  	[tilespmem:s25], [sflag:$0x1] =	stream.indirect_vreg.gather [hbm4b:s2+s3], $0x80, v3, vm0, $0xb8;
	[tilespmem:$0x1E580] =	vst v63  }
0x251: {  	s25 =	simm.s32 $0x5580  }
0x252: {  	[tilespmem:s25], [sflag:$0x1] =	stream.indirect_vreg.gather [hbm4b:s5+s3], $0x80, v3, vm0, $0xb8;
	[tilespmem:$0x1E580] =	vst v63  }
0x253: {  	s25 =	simm.s32 $0x5D80  }
0x254: {  	[tilespmem:s25], [sflag:$0x1] =	stream.indirect_vreg.gather [hbm4b:s6+s3], $0x80, v3, vm0, $0xb8;
	[tilespmem:$0x1E580] =	vst v63  }
0x255: {  	_ =	swait.ge [sflag:s4], $0x6000  }
0x256: {  	[sflag:s4] =	ssyncset.done $0x0  }
0x257: {  	s7 =	simm.s32 $0xC580;
	s25 =	rddreg [dreg:$0xb];
	[sflag:s4] =	ssyncadd.s32 $0xFFFFA000  }
0x258: {  	[hbm4b:s25+s3] =	stream.linear.scatter [tilespmem:s7], [sflag:$0x2], $0x6000, $0x38;
	[tilespmem:$0x1E580] =	vst v63  }
0x259: {  	_ =	swait.ge [sflag:s24], $0x6000  }
0x25a: {  	[sflag:s24] =	ssyncset.done $0x0  }
0x25b: {  	[sflag:s24] =	ssyncadd.s32 $0xFFFFA000  }
0x25c: {  	v3 =	vld [tilespmem:$0x1E0];
	_ =	sdelay $0x4  }
0x25d: {  	v62 =	vshrl.u32 v3, $0x3  }
0x25e: {  	v4 =	vmul.u32 $0x30, v62  }
0x25f: {  	v3 =	vand.u32 $0x7, v3  }
0x260: {  	v3 =	vor.u32 v3, v4  }
0x261: {  	v4 =	vperm.xlane v3, v0;
	_ =	sdelay $0x1  }
0x262: {  	v4 =	vadd.s32 v1, v4;
	_ =	sdelay $0x3  }
0x263: {  	v3 =	vperm.xlane v3, v2  }
0x264: {  	[tilespmem:s0], [sflag:$0x1] =	stream.indirect_vreg.gather [hbm4b:s2+s3], $0x80, v4, vm0, $0xb8;
	[tilespmem:$0x1E580] =	vst v63  }
0x265: {  	v3 =	vadd.s32 v1, v3  }
0x266: {  	[tilespmem:s20], [sflag:$0x1] =	stream.indirect_vreg.gather [hbm4b:s5+s3], $0x80, v4, vm0, $0xb8;
	[tilespmem:$0x1E580] =	vst v63  }
0x267: {  	_ = 	snop  }
0x268: {  	[tilespmem:s21], [sflag:$0x1] =	stream.indirect_vreg.gather [hbm4b:s6+s3], $0x80, v4, vm0, $0xb8;
	[tilespmem:$0x1E580] =	vst v63  }
0x269: {  	s21 =	simm.s32 $0x7D80  }
0x26a: {  	[tilespmem:s21], [sflag:$0x1] =	stream.indirect_vreg.gather [hbm4b:s2+s3], $0x80, v3, vm0, $0xb8;
	[tilespmem:$0x1E580] =	vst v63  }
0x26b: {  	s25 =	simm.s32 $0x8580  }
0x26c: {  	[tilespmem:s25], [sflag:$0x1] =	stream.indirect_vreg.gather [hbm4b:s5+s3], $0x80, v3, vm0, $0xb8;
	[tilespmem:$0x1E580] =	vst v63  }
0x26d: {  	s20 =	simm.s32 $0x8D80  }
0x26e: {  	[tilespmem:s20], [sflag:$0x1] =	stream.indirect_vreg.gather [hbm4b:s6+s3], $0x80, v3, vm0, $0xb8;
	[tilespmem:$0x1E580] =	vst v63  }
0x26f: {  	v3 =	vld [tilespmem:$0x1F0];
	_ =	sdelay $0x4  }
0x270: {  	v63 =	vshrl.u32 v3, $0x3  }
0x271: {  	v4 =	vmul.u32 $0x30, v63  }
0x272: {  	v3 =	vand.u32 $0x7, v3  }
0x273: {  	v3 =	vor.u32 v3, v4  }
0x274: {  	v4 =	vperm.xlane v3, v0;
	_ =	sdelay $0x1  }
0x275: {  	v4 =	vadd.s32 v1, v4;
	_ =	sdelay $0x3  }
0x276: {  	s21 =	simm.s32 $0x9580;
	v3 =	vperm.xlane v3, v2  }
0x277: {  	[tilespmem:s21], [sflag:$0x1] =	stream.indirect_vreg.gather [hbm4b:s2+s3], $0x80, v4, vm0, $0xb8;
	[tilespmem:$0x1E580] =	vst v63  }
0x278: {  	s25 =	simm.s32 $0x9D80;
	v3 =	vadd.s32 v1, v3  }
0x279: {  	[tilespmem:s25], [sflag:$0x1] =	stream.indirect_vreg.gather [hbm4b:s5+s3], $0x80, v4, vm0, $0xb8;
	[tilespmem:$0x1E580] =	vst v63  }
0x27a: {  	s21 =	simm.s32 $0xA580  }
0x27b: {  	[tilespmem:s21], [sflag:$0x1] =	stream.indirect_vreg.gather [hbm4b:s6+s3], $0x80, v4, vm0, $0xb8;
	[tilespmem:$0x1E580] =	vst v63  }
0x27c: {  	s25 =	simm.s32 $0xAD80  }
0x27d: {  	[tilespmem:s25], [sflag:$0x1] =	stream.indirect_vreg.gather [hbm4b:s2+s3], $0x80, v3, vm0, $0xb8;
	[tilespmem:$0x1E580] =	vst v63  }
0x27e: {  	s21 =	simm.s32 $0xB580  }
0x27f: {  	[tilespmem:s21], [sflag:$0x1] =	stream.indirect_vreg.gather [hbm4b:s5+s3], $0x80, v3, vm0, $0xb8;
	[tilespmem:$0x1E580] =	vst v63  }
0x280: {  	s25 =	simm.s32 $0xBD80  }
0x281: {  	[tilespmem:s25], [sflag:$0x1] =	stream.indirect_vreg.gather [hbm4b:s6+s3], $0x80, v3, vm0, $0xb8;
	[tilespmem:$0x1E580] =	vst v63  }
0x282: {  	_ =	swait.ge [sflag:s4], $0x6000  }
0x283: {  	[sflag:s4] =	ssyncset.done $0x0  }
0x284: {  	s0 =	simm.s32 $0x12580;
	s21 =	rddreg [dreg:$0xc];
	[sflag:s4] =	ssyncadd.s32 $0xFFFFA000  }
0x285: {  	[hbm4b:s21+s3] =	stream.linear.scatter [tilespmem:s0], [sflag:$0x2], $0x6000, $0x38;
	[tilespmem:$0x1E580] =	vst v63  }
0x286: {  	_ =	swait.ge [sflag:s24], $0x6000  }
0x287: {  	[sflag:s24] =	ssyncset.done $0x0  }
0x288: {  	[sflag:s24] =	ssyncadd.s32 $0xFFFFA000  }
0x289: {  	v3 =	vld [tilespmem:$0x200];
	_ =	sdelay $0x4  }
0x28a: {  	v8 =	vshrl.u32 v3, $0x3  }
0x28b: {  	v4 =	vmul.u32 $0x30, v8  }
0x28c: {  	v3 =	vand.u32 $0x7, v3  }
0x28d: {  	v3 =	vor.u32 v3, v4  }
0x28e: {  	v4 =	vperm.xlane v3, v0;
	_ =	sdelay $0x1  }
0x28f: {  	v4 =	vadd.s32 v1, v4;
	_ =	sdelay $0x3  }
0x290: {  	v3 =	vperm.xlane v3, v2  }
0x291: {  	[tilespmem:s7], [sflag:$0x1] =	stream.indirect_vreg.gather [hbm4b:s2+s3], $0x80, v4, vm0, $0xb8;
	[tilespmem:$0x1E580] =	vst v63  }
0x292: {  	v3 =	vadd.s32 v1, v3  }
0x293: {  	[tilespmem:s12], [sflag:$0x1] =	stream.indirect_vreg.gather [hbm4b:s5+s3], $0x80, v4, vm0, $0xb8;
	[tilespmem:$0x1E580] =	vst v63  }
0x294: {  	_ = 	snop  }
0x295: {  	[tilespmem:s13], [sflag:$0x1] =	stream.indirect_vreg.gather [hbm4b:s6+s3], $0x80, v4, vm0, $0xb8;
	[tilespmem:$0x1E580] =	vst v63  }
0x296: {  	_ = 	snop  }
0x297: {  	[tilespmem:s14], [sflag:$0x1] =	stream.indirect_vreg.gather [hbm4b:s2+s3], $0x80, v3, vm0, $0xb8;
	[tilespmem:$0x1E580] =	vst v63  }
0x298: {  	_ = 	snop  }
0x299: {  	[tilespmem:s15], [sflag:$0x1] =	stream.indirect_vreg.gather [hbm4b:s5+s3], $0x80, v3, vm0, $0xb8;
	[tilespmem:$0x1E580] =	vst v63  }
0x29a: {  	_ = 	snop  }
0x29b: {  	[tilespmem:s9], [sflag:$0x1] =	stream.indirect_vreg.gather [hbm4b:s6+s3], $0x80, v3, vm0, $0xb8;
	[tilespmem:$0x1E580] =	vst v63  }
0x29c: {  	v3 =	vld [tilespmem:$0x210];
	_ =	sdelay $0x4  }
0x29d: {  	v9 =	vshrl.u32 v3, $0x3  }
0x29e: {  	v4 =	vmul.u32 $0x30, v9  }
0x29f: {  	v3 =	vand.u32 $0x7, v3  }
0x2a0: {  	v3 =	vor.u32 v3, v4  }
0x2a1: {  	v4 =	vperm.xlane v3, v0;
	_ =	sdelay $0x1  }
0x2a2: {  	v4 =	vadd.s32 v1, v4;
	_ =	sdelay $0x3  }
0x2a3: {  	v3 =	vperm.xlane v3, v2  }
0x2a4: {  	[tilespmem:s8], [sflag:$0x1] =	stream.indirect_vreg.gather [hbm4b:s2+s3], $0x80, v4, vm0, $0xb8;
	[tilespmem:$0x1E580] =	vst v63  }
0x2a5: {  	v3 =	vadd.s32 v1, v3  }
0x2a6: {  	[tilespmem:s16], [sflag:$0x1] =	stream.indirect_vreg.gather [hbm4b:s5+s3], $0x80, v4, vm0, $0xb8;
	[tilespmem:$0x1E580] =	vst v63  }
0x2a7: {  	_ = 	snop  }
0x2a8: {  	[tilespmem:s17], [sflag:$0x1] =	stream.indirect_vreg.gather [hbm4b:s6+s3], $0x80, v4, vm0, $0xb8;
	[tilespmem:$0x1E580] =	vst v63  }
0x2a9: {  	_ = 	snop  }
0x2aa: {  	[tilespmem:s18], [sflag:$0x1] =	stream.indirect_vreg.gather [hbm4b:s2+s3], $0x80, v3, vm0, $0xb8;
	[tilespmem:$0x1E580] =	vst v63  }
0x2ab: {  	_ = 	snop  }
0x2ac: {  	[tilespmem:s19], [sflag:$0x1] =	stream.indirect_vreg.gather [hbm4b:s5+s3], $0x80, v3, vm0, $0xb8;
	[tilespmem:$0x1E580] =	vst v63  }
0x2ad: {  	_ = 	snop  }
0x2ae: {  	[tilespmem:s10], [sflag:$0x1] =	stream.indirect_vreg.gather [hbm4b:s6+s3], $0x80, v3, vm0, $0xb8;
	[tilespmem:$0x1E580] =	vst v63  }
0x2af: {  	_ =	swait.ge [sflag:s4], $0x6000  }
0x2b0: {  	[sflag:s4] =	ssyncset.done $0x0  }
0x2b1: {  	s16 =	simm.s32 $0x18580;
	s13 =	rddreg [dreg:$0xd];
	[sflag:s4] =	ssyncadd.s32 $0xFFFFA000  }
0x2b2: {  	[hbm4b:s13+s3] =	stream.linear.scatter [tilespmem:s16], [sflag:$0x2], $0x6000, $0x38;
	[tilespmem:$0x1E580] =	vst v63  }
0x2b3: {  	_ =	swait.ge [sflag:s24], $0x6000  }
0x2b4: {  	[sflag:s24] =	ssyncset.done $0x0  }
0x2b5: {  	[sflag:s24] =	ssyncadd.s32 $0xFFFFA000  }
0x2b6: {  	v3 =	vld [tilespmem:$0x220];
	_ =	sdelay $0x4  }
0x2b7: {  	v10 =	vshrl.u32 v3, $0x3  }
0x2b8: {  	v4 =	vmul.u32 $0x30, v10  }
0x2b9: {  	v3 =	vand.u32 $0x7, v3  }
0x2ba: {  	v3 =	vor.u32 v3, v4  }
0x2bb: {  	v4 =	vperm.xlane v3, v0;
	_ =	sdelay $0x1  }
0x2bc: {  	v4 =	vadd.s32 v1, v4;
	_ =	sdelay $0x3  }
0x2bd: {  	v3 =	vperm.xlane v3, v2  }
0x2be: {  	[tilespmem:s0], [sflag:$0x1] =	stream.indirect_vreg.gather [hbm4b:s2+s3], $0x80, v4, vm0, $0xb8;
	[tilespmem:$0x1E580] =	vst v63  }
0x2bf: {  	v3 =	vadd.s32 v1, v3  }
0x2c0: {  	[tilespmem:s22], [sflag:$0x1] =	stream.indirect_vreg.gather [hbm4b:s5+s3], $0x80, v4, vm0, $0xb8;
	[tilespmem:$0x1E580] =	vst v63  }
0x2c1: {  	_ = 	snop  }
0x2c2: {  	[tilespmem:s23], [sflag:$0x1] =	stream.indirect_vreg.gather [hbm4b:s6+s3], $0x80, v4, vm0, $0xb8;
	[tilespmem:$0x1E580] =	vst v63  }
0x2c3: {  	_ = 	snop  }
0x2c4: {  	[tilespmem:s26], [sflag:$0x1] =	stream.indirect_vreg.gather [hbm4b:s2+s3], $0x80, v3, vm0, $0xb8;
	[tilespmem:$0x1E580] =	vst v63  }
0x2c5: {  	_ = 	snop  }
0x2c6: {  	[tilespmem:s28], [sflag:$0x1] =	stream.indirect_vreg.gather [hbm4b:s5+s3], $0x80, v3, vm0, $0xb8;
	[tilespmem:$0x1E580] =	vst v63  }
0x2c7: {  	s26 =	simm.s32 $0x14D80  }
0x2c8: {  	[tilespmem:s26], [sflag:$0x1] =	stream.indirect_vreg.gather [hbm4b:s6+s3], $0x80, v3, vm0, $0xb8;
	[tilespmem:$0x1E580] =	vst v63  }
0x2c9: {  	v3 =	vld [tilespmem:$0x230];
	_ =	sdelay $0x4  }
0x2ca: {  	v11 =	vshrl.u32 v3, $0x3  }
0x2cb: {  	v4 =	vmul.u32 $0x30, v11  }
0x2cc: {  	v3 =	vand.u32 $0x7, v3  }
0x2cd: {  	v3 =	vor.u32 v3, v4  }
0x2ce: {  	v4 =	vperm.xlane v3, v0;
	_ =	sdelay $0x1  }
0x2cf: {  	v4 =	vadd.s32 v1, v4;
	_ =	sdelay $0x3  }
0x2d0: {  	s28 =	simm.s32 $0x15580;
	v3 =	vperm.xlane v3, v2  }
0x2d1: {  	[tilespmem:s28], [sflag:$0x1] =	stream.indirect_vreg.gather [hbm4b:s2+s3], $0x80, v4, vm0, $0xb8;
	[tilespmem:$0x1E580] =	vst v63  }
0x2d2: {  	v3 =	vadd.s32 v1, v3  }
0x2d3: {  	[tilespmem:s29], [sflag:$0x1] =	stream.indirect_vreg.gather [hbm4b:s5+s3], $0x80, v4, vm0, $0xb8;
	[tilespmem:$0x1E580] =	vst v63  }
0x2d4: {  	_ = 	snop  }
0x2d5: {  	[tilespmem:s30], [sflag:$0x1] =	stream.indirect_vreg.gather [hbm4b:s6+s3], $0x80, v4, vm0, $0xb8;
	[tilespmem:$0x1E580] =	vst v63  }
0x2d6: {  	_ = 	snop  }
0x2d7: {  	[tilespmem:s31], [sflag:$0x1] =	stream.indirect_vreg.gather [hbm4b:s2+s3], $0x80, v3, vm0, $0xb8;
	[tilespmem:$0x1E580] =	vst v63  }
0x2d8: {  	s8 =	simm.s32 $0x17580  }
0x2d9: {  	[tilespmem:s8], [sflag:$0x1] =	stream.indirect_vreg.gather [hbm4b:s5+s3], $0x80, v3, vm0, $0xb8;
	[tilespmem:$0x1E580] =	vst v63  }
0x2da: {  	_ = 	snop  }
0x2db: {  	[tilespmem:s11], [sflag:$0x1] =	stream.indirect_vreg.gather [hbm4b:s6+s3], $0x80, v3, vm0, $0xb8;
	[tilespmem:$0x1E580] =	vst v63  }
0x2dc: {  	_ =	swait.ge [sflag:s4], $0x6000  }
0x2dd: {  	[sflag:s4] =	ssyncset.done $0x0  }
0x2de: {  	s11 =	simm.s32 $0x580;
	s9 =	rddreg [dreg:$0xe];
	[sflag:s4] =	ssyncadd.s32 $0xFFFFA000  }
0x2df: {  	[hbm4b:s9+s3] =	stream.linear.scatter [tilespmem:s11], [sflag:$0x2], $0x6000, $0x38;
	[tilespmem:$0x1E580] =	vst v63  }
0x2e0: {  	_ =	swait.ge [sflag:s24], $0x6000  }
0x2e1: {  	[sflag:s24] =	ssyncset.done $0x0  }
0x2e2: {  	[sflag:s24] =	ssyncadd.s32 $0xFFFFA000  }
0x2e3: {  	v3 =	vld [tilespmem:$0x240];
	_ =	sdelay $0x4  }
0x2e4: {  	v12 =	vshrl.u32 v3, $0x3  }
0x2e5: {  	v4 =	vmul.u32 $0x30, v12  }
0x2e6: {  	v3 =	vand.u32 $0x7, v3  }
0x2e7: {  	v3 =	vor.u32 v3, v4  }
0x2e8: {  	v4 =	vperm.xlane v3, v0;
	_ =	sdelay $0x1  }
0x2e9: {  	v4 =	vadd.s32 v1, v4;
	_ =	sdelay $0x3  }
0x2ea: {  	v3 =	vperm.xlane v3, v2  }
0x2eb: {  	[tilespmem:s16], [sflag:$0x1] =	stream.indirect_vreg.gather [hbm4b:s2+s3], $0x80, v4, vm0, $0xb8;
	[tilespmem:$0x1E580] =	vst v63  }
0x2ec: {  	v3 =	vadd.s32 v1, v3  }
0x2ed: {  	[tilespmem:s1], [sflag:$0x1] =	stream.indirect_vreg.gather [hbm4b:s5+s3], $0x80, v4, vm0, $0xb8;
	[tilespmem:$0x1E580] =	vst v63  }
0x2ee: {  	s13 =	simm.s32 $0x19580  }
0x2ef: {  	[tilespmem:s13], [sflag:$0x1] =	stream.indirect_vreg.gather [hbm4b:s6+s3], $0x80, v4, vm0, $0xb8;
	[tilespmem:$0x1E580] =	vst v63  }
0x2f0: {  	s16 =	simm.s32 $0x19D80  }
0x2f1: {  	[tilespmem:s16], [sflag:$0x1] =	stream.indirect_vreg.gather [hbm4b:s2+s3], $0x80, v3, vm0, $0xb8;
	[tilespmem:$0x1E580] =	vst v63  }
0x2f2: {  	s23 =	simm.s32 $0x1A580  }
0x2f3: {  	[tilespmem:s23], [sflag:$0x1] =	stream.indirect_vreg.gather [hbm4b:s5+s3], $0x80, v3, vm0, $0xb8;
	[tilespmem:$0x1E580] =	vst v63  }
0x2f4: {  	s25 =	simm.s32 $0x1AD80  }
0x2f5: {  	[tilespmem:s25], [sflag:$0x1] =	stream.indirect_vreg.gather [hbm4b:s6+s3], $0x80, v3, vm0, $0xb8;
	[tilespmem:$0x1E580] =	vst v63  }
0x2f6: {  	v3 =	vld [tilespmem:$0x250];
	_ =	sdelay $0x4  }
0x2f7: {  	v13 =	vshrl.u32 v3, $0x3  }
0x2f8: {  	v4 =	vmul.u32 $0x30, v13  }
0x2f9: {  	v3 =	vand.u32 $0x7, v3  }
0x2fa: {  	v3 =	vor.u32 v3, v4  }
0x2fb: {  	v4 =	vperm.xlane v3, v0;
	_ =	sdelay $0x1  }
0x2fc: {  	v4 =	vadd.s32 v1, v4;
	_ =	sdelay $0x3  }
0x2fd: {  	s26 =	simm.s32 $0x1B580;
	v3 =	vperm.xlane v3, v2  }
0x2fe: {  	[tilespmem:s26], [sflag:$0x1] =	stream.indirect_vreg.gather [hbm4b:s2+s3], $0x80, v4, vm0, $0xb8;
	[tilespmem:$0x1E580] =	vst v63  }
0x2ff: {  	s28 =	simm.s32 $0x1BD80;
	v3 =	vadd.s32 v1, v3  }
0x300: {  	[tilespmem:s28], [sflag:$0x1] =	stream.indirect_vreg.gather [hbm4b:s5+s3], $0x80, v4, vm0, $0xb8;
	[tilespmem:$0x1E580] =	vst v63  }
0x301: {  	s29 =	simm.s32 $0x1C580  }
0x302: {  	[tilespmem:s29], [sflag:$0x1] =	stream.indirect_vreg.gather [hbm4b:s6+s3], $0x80, v4, vm0, $0xb8;
	[tilespmem:$0x1E580] =	vst v63  }
0x303: {  	s30 =	simm.s32 $0x1CD80  }
0x304: {  	[tilespmem:s30], [sflag:$0x1] =	stream.indirect_vreg.gather [hbm4b:s2+s3], $0x80, v3, vm0, $0xb8;
	[tilespmem:$0x1E580] =	vst v63  }
0x305: {  	s31 =	simm.s32 $0x1D580  }
0x306: {  	[tilespmem:s31], [sflag:$0x1] =	stream.indirect_vreg.gather [hbm4b:s5+s3], $0x80, v3, vm0, $0xb8;
	[tilespmem:$0x1E580] =	vst v63  }
0x307: {  	s1 =	simm.s32 $0x1DD80  }
0x308: {  	[tilespmem:s1], [sflag:$0x1] =	stream.indirect_vreg.gather [hbm4b:s6+s3], $0x80, v3, vm0, $0xb8;
	[tilespmem:$0x1E580] =	vst v63  }
0x309: {  	_ =	swait.ge [sflag:s4], $0x6000  }
0x30a: {  	[sflag:s4] =	ssyncset.done $0x0  }
0x30b: {  	s8 =	simm.s32 $0x6580;
	s7 =	rddreg [dreg:$0xf];
	[sflag:s4] =	ssyncadd.s32 $0xFFFFA000  }
0x30c: {  	[hbm4b:s7+s3] =	stream.linear.scatter [tilespmem:s8], [sflag:$0x2], $0x6000, $0x38;
	[tilespmem:$0x1E580] =	vst v63  }
0x30d: {  	_ =	swait.ge [sflag:s24], $0x6000  }
0x30e: {  	[sflag:s24] =	ssyncset.done $0x0  }
0x30f: {  	[sflag:s24] =	ssyncadd.s32 $0xFFFFA000  }
0x310: {  	v3 =	vld [tilespmem:$0x260];
	_ =	sdelay $0x4  }
0x311: {  	v14 =	vshrl.u32 v3, $0x3  }
0x312: {  	v4 =	vmul.u32 $0x30, v14  }
0x313: {  	v3 =	vand.u32 $0x7, v3  }
0x314: {  	v3 =	vor.u32 v3, v4  }
0x315: {  	v4 =	vperm.xlane v3, v0;
	_ =	sdelay $0x1  }
0x316: {  	v4 =	vadd.s32 v1, v4;
	_ =	sdelay $0x3  }
0x317: {  	v3 =	vperm.xlane v3, v2  }
0x318: {  	[tilespmem:s11], [sflag:$0x1] =	stream.indirect_vreg.gather [hbm4b:s2+s3], $0x80, v4, vm0, $0xb8;
	[tilespmem:$0x1E580] =	vst v63  }
0x319: {  	v3 =	vadd.s32 v1, v3;
	s11 =	simm.s32 $0xD80  }
0x31a: {  	[tilespmem:s11], [sflag:$0x1] =	stream.indirect_vreg.gather [hbm4b:s5+s3], $0x80, v4, vm0, $0xb8;
	[tilespmem:$0x1E580] =	vst v63  }
0x31b: {  	s9 =	simm.s32 $0x1580  }
0x31c: {  	[tilespmem:s9], [sflag:$0x1] =	stream.indirect_vreg.gather [hbm4b:s6+s3], $0x80, v4, vm0, $0xb8;
	[tilespmem:$0x1E580] =	vst v63  }
0x31d: {  	s13 =	simm.s32 $0x1D80  }
0x31e: {  	[tilespmem:s13], [sflag:$0x1] =	stream.indirect_vreg.gather [hbm4b:s2+s3], $0x80, v3, vm0, $0xb8;
	[tilespmem:$0x1E580] =	vst v63  }
0x31f: {  	s16 =	simm.s32 $0x2580  }
0x320: {  	[tilespmem:s16], [sflag:$0x1] =	stream.indirect_vreg.gather [hbm4b:s5+s3], $0x80, v3, vm0, $0xb8;
	[tilespmem:$0x1E580] =	vst v63  }
0x321: {  	s23 =	simm.s32 $0x2D80  }
0x322: {  	[tilespmem:s23], [sflag:$0x1] =	stream.indirect_vreg.gather [hbm4b:s6+s3], $0x80, v3, vm0, $0xb8;
	[tilespmem:$0x1E580] =	vst v63  }
0x323: {  	v3 =	vld [tilespmem:$0x270];
	_ =	sdelay $0x4  }
0x324: {  	v15 =	vshrl.u32 v3, $0x3  }
0x325: {  	v4 =	vmul.u32 $0x30, v15  }
0x326: {  	v3 =	vand.u32 $0x7, v3  }
0x327: {  	v3 =	vor.u32 v3, v4  }
0x328: {  	v4 =	vperm.xlane v3, v0;
	_ =	sdelay $0x1  }
0x329: {  	v4 =	vadd.s32 v1, v4;
	_ =	sdelay $0x3  }
0x32a: {  	s25 =	simm.s32 $0x3580;
	v3 =	vperm.xlane v3, v2  }
0x32b: {  	[tilespmem:s25], [sflag:$0x1] =	stream.indirect_vreg.gather [hbm4b:s2+s3], $0x80, v4, vm0, $0xb8;
	[tilespmem:$0x1E580] =	vst v63  }
0x32c: {  	s26 =	simm.s32 $0x3D80;
	v3 =	vadd.s32 v1, v3  }
0x32d: {  	[tilespmem:s26], [sflag:$0x1] =	stream.indirect_vreg.gather [hbm4b:s5+s3], $0x80, v4, vm0, $0xb8;
	[tilespmem:$0x1E580] =	vst v63  }
0x32e: {  	s28 =	simm.s32 $0x4580  }
0x32f: {  	[tilespmem:s28], [sflag:$0x1] =	stream.indirect_vreg.gather [hbm4b:s6+s3], $0x80, v4, vm0, $0xb8;
	[tilespmem:$0x1E580] =	vst v63  }
0x330: {  	s29 =	simm.s32 $0x4D80  }
0x331: {  	[tilespmem:s29], [sflag:$0x1] =	stream.indirect_vreg.gather [hbm4b:s2+s3], $0x80, v3, vm0, $0xb8;
	[tilespmem:$0x1E580] =	vst v63  }
0x332: {  	s30 =	simm.s32 $0x5580  }
0x333: {  	[tilespmem:s30], [sflag:$0x1] =	stream.indirect_vreg.gather [hbm4b:s5+s3], $0x80, v3, vm0, $0xb8;
	[tilespmem:$0x1E580] =	vst v63  }
0x334: {  	s31 =	simm.s32 $0x5D80  }
0x335: {  	[tilespmem:s31], [sflag:$0x1] =	stream.indirect_vreg.gather [hbm4b:s6+s3], $0x80, v3, vm0, $0xb8;
	[tilespmem:$0x1E580] =	vst v63  }
0x336: {  	_ =	swait.ge [sflag:s4], $0x6000  }
0x337: {  	[sflag:s4] =	ssyncset.done $0x0  }
0x338: {  	s7 =	simm.s32 $0xC580;
	s0 =	rddreg [dreg:$0x10];
	[sflag:s4] =	ssyncadd.s32 $0xFFFFA000  }
0x339: {  	[hbm4b:s0+s3] =	stream.linear.scatter [tilespmem:s7], [sflag:$0x2], $0x6000, $0x38;
	[tilespmem:$0x1E580] =	vst v63  }
0x33a: {  	_ =	swait.ge [sflag:s24], $0x6000  }
0x33b: {  	[sflag:s24] =	ssyncset.done $0x0  }
0x33c: {  	[sflag:s24] =	ssyncadd.s32 $0xFFFFA000  }
0x33d: {  	v3 =	vld [tilespmem:$0x280];
	_ =	sdelay $0x4  }
0x33e: {  	v16 =	vshrl.u32 v3, $0x3  }
0x33f: {  	v4 =	vmul.u32 $0x30, v16  }
0x340: {  	v3 =	vand.u32 $0x7, v3  }
0x341: {  	v3 =	vor.u32 v3, v4  }
0x342: {  	v4 =	vperm.xlane v3, v0;
	_ =	sdelay $0x1  }
0x343: {  	v4 =	vadd.s32 v1, v4;
	_ =	sdelay $0x3  }
0x344: {  	v3 =	vperm.xlane v3, v2  }
0x345: {  	[tilespmem:s8], [sflag:$0x1] =	stream.indirect_vreg.gather [hbm4b:s2+s3], $0x80, v4, vm0, $0xb8;
	[tilespmem:$0x1E580] =	vst v63  }
0x346: {  	s23 =	simm.s32 $0x6D80;
	v3 =	vadd.s32 v1, v3  }
0x347: {  	[tilespmem:s23], [sflag:$0x1] =	stream.indirect_vreg.gather [hbm4b:s5+s3], $0x80, v4, vm0, $0xb8;
	[tilespmem:$0x1E580] =	vst v63  }
0x348: {  	s26 =	simm.s32 $0x7580  }
0x349: {  	[tilespmem:s26], [sflag:$0x1] =	stream.indirect_vreg.gather [hbm4b:s6+s3], $0x80, v4, vm0, $0xb8;
	[tilespmem:$0x1E580] =	vst v63  }
0x34a: {  	s28 =	simm.s32 $0x7D80  }
0x34b: {  	[tilespmem:s28], [sflag:$0x1] =	stream.indirect_vreg.gather [hbm4b:s2+s3], $0x80, v3, vm0, $0xb8;
	[tilespmem:$0x1E580] =	vst v63  }
0x34c: {  	s29 =	simm.s32 $0x8580  }
0x34d: {  	[tilespmem:s29], [sflag:$0x1] =	stream.indirect_vreg.gather [hbm4b:s5+s3], $0x80, v3, vm0, $0xb8;
	[tilespmem:$0x1E580] =	vst v63  }
0x34e: {  	s20 =	simm.s32 $0x8D80  }
0x34f: {  	[tilespmem:s20], [sflag:$0x1] =	stream.indirect_vreg.gather [hbm4b:s6+s3], $0x80, v3, vm0, $0xb8;
	[tilespmem:$0x1E580] =	vst v63  }
0x350: {  	v3 =	vld [tilespmem:$0x290];
	_ =	sdelay $0x4  }
0x351: {  	v17 =	vshrl.u32 v3, $0x3  }
0x352: {  	v4 =	vmul.u32 $0x30, v17  }
0x353: {  	v3 =	vand.u32 $0x7, v3  }
0x354: {  	v3 =	vor.u32 v3, v4  }
0x355: {  	v4 =	vperm.xlane v3, v0;
	_ =	sdelay $0x1  }
0x356: {  	v4 =	vadd.s32 v1, v4;
	_ =	sdelay $0x3  }
0x357: {  	s8 =	simm.s32 $0x9580;
	v3 =	vperm.xlane v3, v2  }
0x358: {  	[tilespmem:s8], [sflag:$0x1] =	stream.indirect_vreg.gather [hbm4b:s2+s3], $0x80, v4, vm0, $0xb8;
	[tilespmem:$0x1E580] =	vst v63  }
0x359: {  	s30 =	simm.s32 $0x9D80;
	v3 =	vadd.s32 v1, v3  }
0x35a: {  	[tilespmem:s30], [sflag:$0x1] =	stream.indirect_vreg.gather [hbm4b:s5+s3], $0x80, v4, vm0, $0xb8;
	[tilespmem:$0x1E580] =	vst v63  }
0x35b: {  	s31 =	simm.s32 $0xA580  }
0x35c: {  	[tilespmem:s31], [sflag:$0x1] =	stream.indirect_vreg.gather [hbm4b:s6+s3], $0x80, v4, vm0, $0xb8;
	[tilespmem:$0x1E580] =	vst v63  }
0x35d: {  	s1 =	simm.s32 $0xAD80  }
0x35e: {  	[tilespmem:s1], [sflag:$0x1] =	stream.indirect_vreg.gather [hbm4b:s2+s3], $0x80, v3, vm0, $0xb8;
	[tilespmem:$0x1E580] =	vst v63  }
0x35f: {  	s20 =	simm.s32 $0xB580  }
0x360: {  	[tilespmem:s20], [sflag:$0x1] =	stream.indirect_vreg.gather [hbm4b:s5+s3], $0x80, v3, vm0, $0xb8;
	[tilespmem:$0x1E580] =	vst v63  }
0x361: {  	s13 =	simm.s32 $0xBD80  }
0x362: {  	[tilespmem:s13], [sflag:$0x1] =	stream.indirect_vreg.gather [hbm4b:s6+s3], $0x80, v3, vm0, $0xb8;
	[tilespmem:$0x1E580] =	vst v63  }
0x363: {  	_ =	swait.ge [sflag:s4], $0x6000  }
0x364: {  	[sflag:s4] =	ssyncset.done $0x0  }
0x365: {  	s8 =	simm.s32 $0x12580;
	s16 =	rddreg [dreg:$0x11];
	[sflag:s4] =	ssyncadd.s32 $0xFFFFA000  }
0x366: {  	[hbm4b:s16+s3] =	stream.linear.scatter [tilespmem:s8], [sflag:$0x2], $0x6000, $0x38;
	[tilespmem:$0x1E580] =	vst v63  }
0x367: {  	_ =	swait.ge [sflag:s24], $0x6000  }
0x368: {  	[sflag:s24] =	ssyncset.done $0x0  }
0x369: {  	[sflag:s24] =	ssyncadd.s32 $0xFFFFA000  }
0x36a: {  	v3 =	vld [tilespmem:$0x2A0];
	_ =	sdelay $0x4  }
0x36b: {  	v18 =	vshrl.u32 v3, $0x3  }
0x36c: {  	v4 =	vmul.u32 $0x30, v18  }
0x36d: {  	v3 =	vand.u32 $0x7, v3  }
0x36e: {  	v3 =	vor.u32 v3, v4  }
0x36f: {  	v4 =	vperm.xlane v3, v0;
	_ =	sdelay $0x1  }
0x370: {  	v4 =	vadd.s32 v1, v4;
	_ =	sdelay $0x3  }
0x371: {  	v3 =	vperm.xlane v3, v2  }
0x372: {  	[tilespmem:s7], [sflag:$0x1] =	stream.indirect_vreg.gather [hbm4b:s2+s3], $0x80, v4, vm0, $0xb8;
	[tilespmem:$0x1E580] =	vst v63  }
0x373: {  	s12 =	simm.s32 $0xCD80;
	v3 =	vadd.s32 v1, v3  }
0x374: {  	[tilespmem:s12], [sflag:$0x1] =	stream.indirect_vreg.gather [hbm4b:s5+s3], $0x80, v4, vm0, $0xb8;
	[tilespmem:$0x1E580] =	vst v63  }
0x375: {  	s12 =	simm.s32 $0xD580  }
0x376: {  	[tilespmem:s12], [sflag:$0x1] =	stream.indirect_vreg.gather [hbm4b:s6+s3], $0x80, v4, vm0, $0xb8;
	[tilespmem:$0x1E580] =	vst v63  }
0x377: {  	s14 =	simm.s32 $0xDD80  }
0x378: {  	[tilespmem:s14], [sflag:$0x1] =	stream.indirect_vreg.gather [hbm4b:s2+s3], $0x80, v3, vm0, $0xb8;
	[tilespmem:$0x1E580] =	vst v63  }
0x379: {  	s13 =	simm.s32 $0xE580  }
0x37a: {  	[tilespmem:s13], [sflag:$0x1] =	stream.indirect_vreg.gather [hbm4b:s5+s3], $0x80, v3, vm0, $0xb8;
	[tilespmem:$0x1E580] =	vst v63  }
0x37b: {  	s15 =	simm.s32 $0xED80  }
0x37c: {  	[tilespmem:s15], [sflag:$0x1] =	stream.indirect_vreg.gather [hbm4b:s6+s3], $0x80, v3, vm0, $0xb8;
	[tilespmem:$0x1E580] =	vst v63  }
0x37d: {  	v3 =	vld [tilespmem:$0x2B0];
	_ =	sdelay $0x4  }
0x37e: {  	v19 =	vshrl.u32 v3, $0x3  }
0x37f: {  	v4 =	vmul.u32 $0x30, v19  }
0x380: {  	v3 =	vand.u32 $0x7, v3  }
0x381: {  	v3 =	vor.u32 v3, v4  }
0x382: {  	v4 =	vperm.xlane v3, v0;
	_ =	sdelay $0x1  }
0x383: {  	v4 =	vadd.s32 v1, v4;
	_ =	sdelay $0x3  }
0x384: {  	s21 =	simm.s32 $0xF580;
	v3 =	vperm.xlane v3, v2  }
0x385: {  	[tilespmem:s21], [sflag:$0x1] =	stream.indirect_vreg.gather [hbm4b:s2+s3], $0x80, v4, vm0, $0xb8;
	[tilespmem:$0x1E580] =	vst v63  }
0x386: {  	s14 =	simm.s32 $0xFD80;
	v3 =	vadd.s32 v1, v3  }
0x387: {  	[tilespmem:s14], [sflag:$0x1] =	stream.indirect_vreg.gather [hbm4b:s5+s3], $0x80, v4, vm0, $0xb8;
	[tilespmem:$0x1E580] =	vst v63  }
0x388: {  	s17 =	simm.s32 $0x10580  }
0x389: {  	[tilespmem:s17], [sflag:$0x1] =	stream.indirect_vreg.gather [hbm4b:s6+s3], $0x80, v4, vm0, $0xb8;
	[tilespmem:$0x1E580] =	vst v63  }
0x38a: {  	s15 =	simm.s32 $0x10D80  }
0x38b: {  	[tilespmem:s15], [sflag:$0x1] =	stream.indirect_vreg.gather [hbm4b:s2+s3], $0x80, v3, vm0, $0xb8;
	[tilespmem:$0x1E580] =	vst v63  }
0x38c: {  	s16 =	simm.s32 $0x11580  }
0x38d: {  	[tilespmem:s16], [sflag:$0x1] =	stream.indirect_vreg.gather [hbm4b:s5+s3], $0x80, v3, vm0, $0xb8;
	[tilespmem:$0x1E580] =	vst v63  }
0x38e: {  	s18 =	simm.s32 $0x11D80  }
0x38f: {  	[tilespmem:s18], [sflag:$0x1] =	stream.indirect_vreg.gather [hbm4b:s6+s3], $0x80, v3, vm0, $0xb8;
	[tilespmem:$0x1E580] =	vst v63  }
0x390: {  	_ =	swait.ge [sflag:s4], $0x6000  }
0x391: {  	[sflag:s4] =	ssyncset.done $0x0  }
0x392: {  	s7 =	simm.s32 $0x18580;
	s0 =	rddreg [dreg:$0x12];
	[sflag:s4] =	ssyncadd.s32 $0xFFFFA000  }
0x393: {  	[hbm4b:s0+s3] =	stream.linear.scatter [tilespmem:s7], [sflag:$0x2], $0x6000, $0x38;
	[tilespmem:$0x1E580] =	vst v63  }
0x394: {  	_ =	swait.ge [sflag:s24], $0x6000  }
0x395: {  	[sflag:s24] =	ssyncset.done $0x0  }
0x396: {  	[sflag:s24] =	ssyncadd.s32 $0xFFFFA000  }
0x397: {  	v3 =	vld [tilespmem:$0x2C0];
	_ =	sdelay $0x4  }
0x398: {  	v20 =	vshrl.u32 v3, $0x3  }
0x399: {  	v4 =	vmul.u32 $0x30, v20  }
0x39a: {  	v3 =	vand.u32 $0x7, v3  }
0x39b: {  	v3 =	vor.u32 v3, v4  }
0x39c: {  	v4 =	vperm.xlane v3, v0;
	_ =	sdelay $0x1  }
0x39d: {  	v4 =	vadd.s32 v1, v4;
	_ =	sdelay $0x3  }
0x39e: {  	v3 =	vperm.xlane v3, v2  }
0x39f: {  	[tilespmem:s8], [sflag:$0x1] =	stream.indirect_vreg.gather [hbm4b:s2+s3], $0x80, v4, vm0, $0xb8;
	[tilespmem:$0x1E580] =	vst v63  }
0x3a0: {  	s10 =	simm.s32 $0x12D80;
	v3 =	vadd.s32 v1, v3  }
0x3a1: {  	[tilespmem:s10], [sflag:$0x1] =	stream.indirect_vreg.gather [hbm4b:s5+s3], $0x80, v4, vm0, $0xb8;
	[tilespmem:$0x1E580] =	vst v63  }
0x3a2: {  	s17 =	simm.s32 $0x13580  }
0x3a3: {  	[tilespmem:s17], [sflag:$0x1] =	stream.indirect_vreg.gather [hbm4b:s6+s3], $0x80, v4, vm0, $0xb8;
	[tilespmem:$0x1E580] =	vst v63  }
0x3a4: {  	s19 =	simm.s32 $0x13D80  }
0x3a5: {  	[tilespmem:s19], [sflag:$0x1] =	stream.indirect_vreg.gather [hbm4b:s2+s3], $0x80, v3, vm0, $0xb8;
	[tilespmem:$0x1E580] =	vst v63  }
0x3a6: {  	s18 =	simm.s32 $0x14580  }
0x3a7: {  	[tilespmem:s18], [sflag:$0x1] =	stream.indirect_vreg.gather [hbm4b:s5+s3], $0x80, v3, vm0, $0xb8;
	[tilespmem:$0x1E580] =	vst v63  }
0x3a8: {  	s22 =	simm.s32 $0x14D80  }
0x3a9: {  	[tilespmem:s22], [sflag:$0x1] =	stream.indirect_vreg.gather [hbm4b:s6+s3], $0x80, v3, vm0, $0xb8;
	[tilespmem:$0x1E580] =	vst v63  }
0x3aa: {  	v3 =	vld [tilespmem:$0x2D0];
	_ =	sdelay $0x4  }
0x3ab: {  	v21 =	vshrl.u32 v3, $0x3  }
0x3ac: {  	v4 =	vmul.u32 $0x30, v21  }
0x3ad: {  	v3 =	vand.u32 $0x7, v3  }
0x3ae: {  	v3 =	vor.u32 v3, v4  }
0x3af: {  	v4 =	vperm.xlane v3, v0;
	_ =	sdelay $0x1  }
0x3b0: {  	v4 =	vadd.s32 v1, v4;
	_ =	sdelay $0x3  }
0x3b1: {  	s9 =	simm.s32 $0x15580;
	v3 =	vperm.xlane v3, v2  }
0x3b2: {  	[tilespmem:s9], [sflag:$0x1] =	stream.indirect_vreg.gather [hbm4b:s2+s3], $0x80, v4, vm0, $0xb8;
	[tilespmem:$0x1E580] =	vst v63  }
0x3b3: {  	s19 =	simm.s32 $0x15D80;
	v3 =	vadd.s32 v1, v3  }
0x3b4: {  	[tilespmem:s19], [sflag:$0x1] =	stream.indirect_vreg.gather [hbm4b:s5+s3], $0x80, v4, vm0, $0xb8;
	[tilespmem:$0x1E580] =	vst v63  }
0x3b5: {  	s21 =	simm.s32 $0x16580  }
0x3b6: {  	[tilespmem:s21], [sflag:$0x1] =	stream.indirect_vreg.gather [hbm4b:s6+s3], $0x80, v4, vm0, $0xb8;
	[tilespmem:$0x1E580] =	vst v63  }
0x3b7: {  	s22 =	simm.s32 $0x16D80  }
0x3b8: {  	[tilespmem:s22], [sflag:$0x1] =	stream.indirect_vreg.gather [hbm4b:s2+s3], $0x80, v3, vm0, $0xb8;
	[tilespmem:$0x1E580] =	vst v63  }
0x3b9: {  	s10 =	simm.s32 $0x17580  }
0x3ba: {  	[tilespmem:s10], [sflag:$0x1] =	stream.indirect_vreg.gather [hbm4b:s5+s3], $0x80, v3, vm0, $0xb8;
	[tilespmem:$0x1E580] =	vst v63  }
0x3bb: {  	s25 =	simm.s32 $0x17D80  }
0x3bc: {  	[tilespmem:s25], [sflag:$0x1] =	stream.indirect_vreg.gather [hbm4b:s6+s3], $0x80, v3, vm0, $0xb8;
	[tilespmem:$0x1E580] =	vst v63  }
0x3bd: {  	_ =	swait.ge [sflag:s4], $0x6000  }
0x3be: {  	[sflag:s4] =	ssyncset.done $0x0  }
0x3bf: {  	s0 =	simm.s32 $0x580;
	s8 =	rddreg [dreg:$0x13];
	[sflag:s4] =	ssyncadd.s32 $0xFFFFA000  }
0x3c0: {  	[hbm4b:s8+s3] =	stream.linear.scatter [tilespmem:s0], [sflag:$0x2], $0x6000, $0x38;
	[tilespmem:$0x1E580] =	vst v63  }
0x3c1: {  	_ =	swait.ge [sflag:s24], $0x6000  }
0x3c2: {  	[sflag:s24] =	ssyncset.done $0x0  }
0x3c3: {  	[sflag:s24] =	ssyncadd.s32 $0xFFFFA000  }
0x3c4: {  	v3 =	vld [tilespmem:$0x2E0];
	_ =	sdelay $0x4  }
0x3c5: {  	v22 =	vshrl.u32 v3, $0x3  }
0x3c6: {  	v4 =	vmul.u32 $0x30, v22  }
0x3c7: {  	v3 =	vand.u32 $0x7, v3  }
0x3c8: {  	v3 =	vor.u32 v3, v4  }
0x3c9: {  	v4 =	vperm.xlane v3, v0;
	_ =	sdelay $0x1  }
0x3ca: {  	v4 =	vadd.s32 v1, v4;
	_ =	sdelay $0x3  }
0x3cb: {  	v3 =	vperm.xlane v3, v2  }
0x3cc: {  	[tilespmem:s7], [sflag:$0x1] =	stream.indirect_vreg.gather [hbm4b:s2+s3], $0x80, v4, vm0, $0xb8;
	[tilespmem:$0x1E580] =	vst v63  }
0x3cd: {  	v3 =	vadd.s32 v1, v3;
	s7 =	simm.s32 $0x18D80  }
0x3ce: {  	[tilespmem:s7], [sflag:$0x1] =	stream.indirect_vreg.gather [hbm4b:s5+s3], $0x80, v4, vm0, $0xb8;
	[tilespmem:$0x1E580] =	vst v63  }
0x3cf: {  	s9 =	simm.s32 $0x19580  }
0x3d0: {  	[tilespmem:s9], [sflag:$0x1] =	stream.indirect_vreg.gather [hbm4b:s6+s3], $0x80, v4, vm0, $0xb8;
	[tilespmem:$0x1E580] =	vst v63  }
0x3d1: {  	s10 =	simm.s32 $0x19D80  }
0x3d2: {  	[tilespmem:s10], [sflag:$0x1] =	stream.indirect_vreg.gather [hbm4b:s2+s3], $0x80, v3, vm0, $0xb8;
	[tilespmem:$0x1E580] =	vst v63  }
0x3d3: {  	s25 =	simm.s32 $0x1A580  }
0x3d4: {  	[tilespmem:s25], [sflag:$0x1] =	stream.indirect_vreg.gather [hbm4b:s5+s3], $0x80, v3, vm0, $0xb8;
	[tilespmem:$0x1E580] =	vst v63  }
0x3d5: {  	s9 =	simm.s32 $0x1AD80  }
0x3d6: {  	[tilespmem:s9], [sflag:$0x1] =	stream.indirect_vreg.gather [hbm4b:s6+s3], $0x80, v3, vm0, $0xb8;
	[tilespmem:$0x1E580] =	vst v63  }
0x3d7: {  	v3 =	vld [tilespmem:$0x2F0];
	_ =	sdelay $0x4  }
0x3d8: {  	v23 =	vshrl.u32 v3, $0x3  }
0x3d9: {  	v4 =	vmul.u32 $0x30, v23  }
0x3da: {  	v3 =	vand.u32 $0x7, v3  }
0x3db: {  	v3 =	vor.u32 v3, v4  }
0x3dc: {  	v4 =	vperm.xlane v3, v0;
	_ =	sdelay $0x1  }
0x3dd: {  	v4 =	vadd.s32 v1, v4;
	_ =	sdelay $0x3  }
0x3de: {  	s10 =	simm.s32 $0x1B580;
	v3 =	vperm.xlane v3, v2  }
0x3df: {  	[tilespmem:s10], [sflag:$0x1] =	stream.indirect_vreg.gather [hbm4b:s2+s3], $0x80, v4, vm0, $0xb8;
	[tilespmem:$0x1E580] =	vst v63  }
0x3e0: {  	s25 =	simm.s32 $0x1BD80;
	v3 =	vadd.s32 v1, v3  }
0x3e1: {  	[tilespmem:s25], [sflag:$0x1] =	stream.indirect_vreg.gather [hbm4b:s5+s3], $0x80, v4, vm0, $0xb8;
	[tilespmem:$0x1E580] =	vst v63  }
0x3e2: {  	s9 =	simm.s32 $0x1C580  }
0x3e3: {  	[tilespmem:s9], [sflag:$0x1] =	stream.indirect_vreg.gather [hbm4b:s6+s3], $0x80, v4, vm0, $0xb8;
	[tilespmem:$0x1E580] =	vst v63  }
0x3e4: {  	s10 =	simm.s32 $0x1CD80  }
0x3e5: {  	[tilespmem:s10], [sflag:$0x1] =	stream.indirect_vreg.gather [hbm4b:s2+s3], $0x80, v3, vm0, $0xb8;
	[tilespmem:$0x1E580] =	vst v63  }
0x3e6: {  	s25 =	simm.s32 $0x1D580  }
0x3e7: {  	[tilespmem:s25], [sflag:$0x1] =	stream.indirect_vreg.gather [hbm4b:s5+s3], $0x80, v3, vm0, $0xb8;
	[tilespmem:$0x1E580] =	vst v63  }
0x3e8: {  	s9 =	simm.s32 $0x1DD80  }
0x3e9: {  	[tilespmem:s9], [sflag:$0x1] =	stream.indirect_vreg.gather [hbm4b:s6+s3], $0x80, v3, vm0, $0xb8;
	[tilespmem:$0x1E580] =	vst v63  }
0x3ea: {  	_ =	swait.ge [sflag:s4], $0x6000  }
0x3eb: {  	[sflag:s4] =	ssyncset.done $0x0  }
0x3ec: {  	s9 =	simm.s32 $0x6580;
	s10 =	rddreg [dreg:$0x14];
	[sflag:s4] =	ssyncadd.s32 $0xFFFFA000  }
0x3ed: {  	[hbm4b:s10+s3] =	stream.linear.scatter [tilespmem:s9], [sflag:$0x2], $0x6000, $0x38;
	[tilespmem:$0x1E580] =	vst v63  }
0x3ee: {  	_ =	swait.ge [sflag:s24], $0x6000  }
0x3ef: {  	[sflag:s24] =	ssyncset.done $0x0  }
0x3f0: {  	[sflag:s24] =	ssyncadd.s32 $0xFFFFA000  }
0x3f1: {  	v3 =	vld [tilespmem:$0x300];
	_ =	sdelay $0x4  }
0x3f2: {  	v24 =	vshrl.u32 v3, $0x3  }
0x3f3: {  	v4 =	vmul.u32 $0x30, v24  }
0x3f4: {  	v3 =	vand.u32 $0x7, v3  }
0x3f5: {  	v3 =	vor.u32 v3, v4  }
0x3f6: {  	v4 =	vperm.xlane v3, v0;
	_ =	sdelay $0x1  }
0x3f7: {  	v4 =	vadd.s32 v1, v4;
	_ =	sdelay $0x3  }
0x3f8: {  	v3 =	vperm.xlane v3, v2  }
0x3f9: {  	[tilespmem:s0], [sflag:$0x1] =	stream.indirect_vreg.gather [hbm4b:s2+s3], $0x80, v4, vm0, $0xb8;
	[tilespmem:$0x1E580] =	vst v63  }
0x3fa: {  	v3 =	vadd.s32 v1, v3  }
0x3fb: {  	[tilespmem:s11], [sflag:$0x1] =	stream.indirect_vreg.gather [hbm4b:s5+s3], $0x80, v4, vm0, $0xb8;
	[tilespmem:$0x1E580] =	vst v63  }
0x3fc: {  	s11 =	simm.s32 $0x1580  }
0x3fd: {  	[tilespmem:s11], [sflag:$0x1] =	stream.indirect_vreg.gather [hbm4b:s6+s3], $0x80, v4, vm0, $0xb8;
	[tilespmem:$0x1E580] =	vst v63  }
0x3fe: {  	s8 =	simm.s32 $0x1D80  }
0x3ff: {  	[tilespmem:s8], [sflag:$0x1] =	stream.indirect_vreg.gather [hbm4b:s2+s3], $0x80, v3, vm0, $0xb8;
	[tilespmem:$0x1E580] =	vst v63  }
0x400: {  	s10 =	simm.s32 $0x2580  }
0x401: {  	[tilespmem:s10], [sflag:$0x1] =	stream.indirect_vreg.gather [hbm4b:s5+s3], $0x80, v3, vm0, $0xb8;
	[tilespmem:$0x1E580] =	vst v63  }
0x402: {  	s25 =	simm.s32 $0x2D80  }
0x403: {  	[tilespmem:s25], [sflag:$0x1] =	stream.indirect_vreg.gather [hbm4b:s6+s3], $0x80, v3, vm0, $0xb8;
	[tilespmem:$0x1E580] =	vst v63  }
0x404: {  	v3 =	vld [tilespmem:$0x310];
	_ =	sdelay $0x4  }
0x405: {  	v25 =	vshrl.u32 v3, $0x3  }
0x406: {  	v4 =	vmul.u32 $0x30, v25  }
0x407: {  	v3 =	vand.u32 $0x7, v3  }
0x408: {  	v3 =	vor.u32 v3, v4  }
0x409: {  	v4 =	vperm.xlane v3, v0;
	_ =	sdelay $0x1  }
0x40a: {  	v4 =	vadd.s32 v1, v4;
	_ =	sdelay $0x3  }
0x40b: {  	s8 =	simm.s32 $0x3580;
	v3 =	vperm.xlane v3, v2  }
0x40c: {  	[tilespmem:s8], [sflag:$0x1] =	stream.indirect_vreg.gather [hbm4b:s2+s3], $0x80, v4, vm0, $0xb8;
	[tilespmem:$0x1E580] =	vst v63  }
0x40d: {  	s10 =	simm.s32 $0x3D80;
	v3 =	vadd.s32 v1, v3  }
0x40e: {  	[tilespmem:s10], [sflag:$0x1] =	stream.indirect_vreg.gather [hbm4b:s5+s3], $0x80, v4, vm0, $0xb8;
	[tilespmem:$0x1E580] =	vst v63  }
0x40f: {  	s25 =	simm.s32 $0x4580  }
0x410: {  	[tilespmem:s25], [sflag:$0x1] =	stream.indirect_vreg.gather [hbm4b:s6+s3], $0x80, v4, vm0, $0xb8;
	[tilespmem:$0x1E580] =	vst v63  }
0x411: {  	s8 =	simm.s32 $0x4D80  }
0x412: {  	[tilespmem:s8], [sflag:$0x1] =	stream.indirect_vreg.gather [hbm4b:s2+s3], $0x80, v3, vm0, $0xb8;
	[tilespmem:$0x1E580] =	vst v63  }
0x413: {  	s10 =	simm.s32 $0x5580  }
0x414: {  	[tilespmem:s10], [sflag:$0x1] =	stream.indirect_vreg.gather [hbm4b:s5+s3], $0x80, v3, vm0, $0xb8;
	[tilespmem:$0x1E580] =	vst v63  }
0x415: {  	s25 =	simm.s32 $0x5D80  }
0x416: {  	[tilespmem:s25], [sflag:$0x1] =	stream.indirect_vreg.gather [hbm4b:s6+s3], $0x80, v3, vm0, $0xb8;
	[tilespmem:$0x1E580] =	vst v63  }
0x417: {  	_ =	swait.ge [sflag:s4], $0x6000  }
0x418: {  	[sflag:s4] =	ssyncset.done $0x0  }
0x419: {  	s10 =	simm.s32 $0xC580;
	s8 =	rddreg [dreg:$0x15];
	[sflag:s4] =	ssyncadd.s32 $0xFFFFA000  }
0x41a: {  	[hbm4b:s8+s3] =	stream.linear.scatter [tilespmem:s10], [sflag:$0x2], $0x6000, $0x38;
	[tilespmem:$0x1E580] =	vst v63  }
0x41b: {  	_ =	swait.ge [sflag:s24], $0x6000  }
0x41c: {  	[sflag:s24] =	ssyncset.done $0x0  }
0x41d: {  	[sflag:s24] =	ssyncadd.s32 $0xFFFFA000  }
0x41e: {  	v3 =	vld [tilespmem:$0x320];
	_ =	sdelay $0x4  }
0x41f: {  	v26 =	vshrl.u32 v3, $0x3  }
0x420: {  	v4 =	vmul.u32 $0x30, v26  }
0x421: {  	v3 =	vand.u32 $0x7, v3  }
0x422: {  	v3 =	vor.u32 v3, v4  }
0x423: {  	v4 =	vperm.xlane v3, v0;
	_ =	sdelay $0x1  }
0x424: {  	v4 =	vadd.s32 v1, v4;
	_ =	sdelay $0x3  }
0x425: {  	v3 =	vperm.xlane v3, v2  }
0x426: {  	[tilespmem:s9], [sflag:$0x1] =	stream.indirect_vreg.gather [hbm4b:s2+s3], $0x80, v4, vm0, $0xb8;
	[tilespmem:$0x1E580] =	vst v63  }
0x427: {  	v3 =	vadd.s32 v1, v3  }
0x428: {  	[tilespmem:s23], [sflag:$0x1] =	stream.indirect_vreg.gather [hbm4b:s5+s3], $0x80, v4, vm0, $0xb8;
	[tilespmem:$0x1E580] =	vst v63  }
0x429: {  	_ = 	snop  }
0x42a: {  	[tilespmem:s26], [sflag:$0x1] =	stream.indirect_vreg.gather [hbm4b:s6+s3], $0x80, v4, vm0, $0xb8;
	[tilespmem:$0x1E580] =	vst v63  }
0x42b: {  	_ = 	snop  }
0x42c: {  	[tilespmem:s28], [sflag:$0x1] =	stream.indirect_vreg.gather [hbm4b:s2+s3], $0x80, v3, vm0, $0xb8;
	[tilespmem:$0x1E580] =	vst v63  }
0x42d: {  	_ = 	snop  }
0x42e: {  	[tilespmem:s29], [sflag:$0x1] =	stream.indirect_vreg.gather [hbm4b:s5+s3], $0x80, v3, vm0, $0xb8;
	[tilespmem:$0x1E580] =	vst v63  }
0x42f: {  	s8 =	simm.s32 $0x8D80  }
0x430: {  	[tilespmem:s8], [sflag:$0x1] =	stream.indirect_vreg.gather [hbm4b:s6+s3], $0x80, v3, vm0, $0xb8;
	[tilespmem:$0x1E580] =	vst v63  }
0x431: {  	v3 =	vld [tilespmem:$0x330];
	_ =	sdelay $0x4  }
0x432: {  	v27 =	vshrl.u32 v3, $0x3  }
0x433: {  	v4 =	vmul.u32 $0x30, v27  }
0x434: {  	v3 =	vand.u32 $0x7, v3  }
0x435: {  	v3 =	vor.u32 v3, v4  }
0x436: {  	v4 =	vperm.xlane v3, v0;
	_ =	sdelay $0x1  }
0x437: {  	v4 =	vadd.s32 v1, v4;
	_ =	sdelay $0x3  }
0x438: {  	s23 =	simm.s32 $0x9580;
	v3 =	vperm.xlane v3, v2  }
0x439: {  	[tilespmem:s23], [sflag:$0x1] =	stream.indirect_vreg.gather [hbm4b:s2+s3], $0x80, v4, vm0, $0xb8;
	[tilespmem:$0x1E580] =	vst v63  }
0x43a: {  	v3 =	vadd.s32 v1, v3  }
0x43b: {  	[tilespmem:s30], [sflag:$0x1] =	stream.indirect_vreg.gather [hbm4b:s5+s3], $0x80, v4, vm0, $0xb8;
	[tilespmem:$0x1E580] =	vst v63  }
0x43c: {  	_ = 	snop  }
0x43d: {  	[tilespmem:s31], [sflag:$0x1] =	stream.indirect_vreg.gather [hbm4b:s6+s3], $0x80, v4, vm0, $0xb8;
	[tilespmem:$0x1E580] =	vst v63  }
0x43e: {  	_ = 	snop  }
0x43f: {  	[tilespmem:s1], [sflag:$0x1] =	stream.indirect_vreg.gather [hbm4b:s2+s3], $0x80, v3, vm0, $0xb8;
	[tilespmem:$0x1E580] =	vst v63  }
0x440: {  	_ = 	snop  }
0x441: {  	[tilespmem:s20], [sflag:$0x1] =	stream.indirect_vreg.gather [hbm4b:s5+s3], $0x80, v3, vm0, $0xb8;
	[tilespmem:$0x1E580] =	vst v63  }
0x442: {  	s9 =	simm.s32 $0xBD80  }
0x443: {  	[tilespmem:s9], [sflag:$0x1] =	stream.indirect_vreg.gather [hbm4b:s6+s3], $0x80, v3, vm0, $0xb8;
	[tilespmem:$0x1E580] =	vst v63  }
0x444: {  	_ =	swait.ge [sflag:s4], $0x6000  }
0x445: {  	[sflag:s4] =	ssyncset.done $0x0  }
0x446: {  	s30 =	simm.s32 $0x12580;
	s29 =	rddreg [dreg:$0x16];
	[sflag:s4] =	ssyncadd.s32 $0xFFFFA000  }
0x447: {  	[hbm4b:s29+s3] =	stream.linear.scatter [tilespmem:s30], [sflag:$0x2], $0x6000, $0x38;
	[tilespmem:$0x1E580] =	vst v63  }
0x448: {  	_ =	swait.ge [sflag:s24], $0x6000  }
0x449: {  	[sflag:s24] =	ssyncset.done $0x0  }
0x44a: {  	[sflag:s24] =	ssyncadd.s32 $0xFFFFA000  }
0x44b: {  	v3 =	vld [tilespmem:$0x340];
	_ =	sdelay $0x4  }
0x44c: {  	v28 =	vshrl.u32 v3, $0x3  }
0x44d: {  	v4 =	vmul.u32 $0x30, v28  }
0x44e: {  	v3 =	vand.u32 $0x7, v3  }
0x44f: {  	v3 =	vor.u32 v3, v4  }
0x450: {  	v4 =	vperm.xlane v3, v0;
	_ =	sdelay $0x1  }
0x451: {  	v4 =	vadd.s32 v1, v4;
	_ =	sdelay $0x3  }
0x452: {  	v3 =	vperm.xlane v3, v2  }
0x453: {  	[tilespmem:s10], [sflag:$0x1] =	stream.indirect_vreg.gather [hbm4b:s2+s3], $0x80, v4, vm0, $0xb8;
	[tilespmem:$0x1E580] =	vst v63  }
0x454: {  	v3 =	vadd.s32 v1, v3;
	s10 =	simm.s32 $0xCD80  }
0x455: {  	[tilespmem:s10], [sflag:$0x1] =	stream.indirect_vreg.gather [hbm4b:s5+s3], $0x80, v4, vm0, $0xb8;
	[tilespmem:$0x1E580] =	vst v63  }
0x456: {  	_ = 	snop  }
0x457: {  	[tilespmem:s12], [sflag:$0x1] =	stream.indirect_vreg.gather [hbm4b:s6+s3], $0x80, v4, vm0, $0xb8;
	[tilespmem:$0x1E580] =	vst v63  }
0x458: {  	s12 =	simm.s32 $0xDD80  }
0x459: {  	[tilespmem:s12], [sflag:$0x1] =	stream.indirect_vreg.gather [hbm4b:s2+s3], $0x80, v3, vm0, $0xb8;
	[tilespmem:$0x1E580] =	vst v63  }
0x45a: {  	_ = 	snop  }
0x45b: {  	[tilespmem:s13], [sflag:$0x1] =	stream.indirect_vreg.gather [hbm4b:s5+s3], $0x80, v3, vm0, $0xb8;
	[tilespmem:$0x1E580] =	vst v63  }
0x45c: {  	s28 =	simm.s32 $0xED80  }
0x45d: {  	[tilespmem:s28], [sflag:$0x1] =	stream.indirect_vreg.gather [hbm4b:s6+s3], $0x80, v3, vm0, $0xb8;
	[tilespmem:$0x1E580] =	vst v63  }
0x45e: {  	v3 =	vld [tilespmem:$0x350];
	_ =	sdelay $0x4  }
0x45f: {  	v29 =	vshrl.u32 v3, $0x3  }
0x460: {  	v4 =	vmul.u32 $0x30, v29  }
0x461: {  	v3 =	vand.u32 $0x7, v3  }
0x462: {  	v3 =	vor.u32 v3, v4  }
0x463: {  	v4 =	vperm.xlane v3, v0;
	_ =	sdelay $0x1  }
0x464: {  	v4 =	vadd.s32 v1, v4;
	_ =	sdelay $0x3  }
0x465: {  	s31 =	simm.s32 $0xF580;
	v3 =	vperm.xlane v3, v2  }
0x466: {  	[tilespmem:s31], [sflag:$0x1] =	stream.indirect_vreg.gather [hbm4b:s2+s3], $0x80, v4, vm0, $0xb8;
	[tilespmem:$0x1E580] =	vst v63  }
0x467: {  	v3 =	vadd.s32 v1, v3  }
0x468: {  	[tilespmem:s14], [sflag:$0x1] =	stream.indirect_vreg.gather [hbm4b:s5+s3], $0x80, v4, vm0, $0xb8;
	[tilespmem:$0x1E580] =	vst v63  }
0x469: {  	s14 =	simm.s32 $0x10580  }
0x46a: {  	[tilespmem:s14], [sflag:$0x1] =	stream.indirect_vreg.gather [hbm4b:s6+s3], $0x80, v4, vm0, $0xb8;
	[tilespmem:$0x1E580] =	vst v63  }
0x46b: {  	_ = 	snop  }
0x46c: {  	[tilespmem:s15], [sflag:$0x1] =	stream.indirect_vreg.gather [hbm4b:s2+s3], $0x80, v3, vm0, $0xb8;
	[tilespmem:$0x1E580] =	vst v63  }
0x46d: {  	_ = 	snop  }
0x46e: {  	[tilespmem:s16], [sflag:$0x1] =	stream.indirect_vreg.gather [hbm4b:s5+s3], $0x80, v3, vm0, $0xb8;
	[tilespmem:$0x1E580] =	vst v63  }
0x46f: {  	s10 =	simm.s32 $0x11D80  }
0x470: {  	[tilespmem:s10], [sflag:$0x1] =	stream.indirect_vreg.gather [hbm4b:s6+s3], $0x80, v3, vm0, $0xb8;
	[tilespmem:$0x1E580] =	vst v63  }
0x471: {  	_ =	swait.ge [sflag:s4], $0x6000  }
0x472: {  	[sflag:s4] =	ssyncset.done $0x0  }
0x473: {  	s16 =	simm.s32 $0x18580;
	s15 =	rddreg [dreg:$0x17];
	[sflag:s4] =	ssyncadd.s32 $0xFFFFA000  }
0x474: {  	[hbm4b:s15+s3] =	stream.linear.scatter [tilespmem:s16], [sflag:$0x2], $0x6000, $0x38;
	[tilespmem:$0x1E580] =	vst v63  }
0x475: {  	_ =	swait.ge [sflag:s24], $0x6000  }
0x476: {  	[sflag:s24] =	ssyncset.done $0x0  }
0x477: {  	[sflag:s24] =	ssyncadd.s32 $0xFFFFA000  }
0x478: {  	v3 =	vld [tilespmem:$0x360];
	_ =	sdelay $0x4  }
0x479: {  	v30 =	vshrl.u32 v3, $0x3  }
0x47a: {  	v4 =	vmul.u32 $0x30, v30  }
0x47b: {  	v3 =	vand.u32 $0x7, v3  }
0x47c: {  	v3 =	vor.u32 v3, v4  }
0x47d: {  	v4 =	vperm.xlane v3, v0;
	_ =	sdelay $0x1  }
0x47e: {  	v4 =	vadd.s32 v1, v4;
	_ =	sdelay $0x3  }
0x47f: {  	v3 =	vperm.xlane v3, v2  }
0x480: {  	[tilespmem:s30], [sflag:$0x1] =	stream.indirect_vreg.gather [hbm4b:s2+s3], $0x80, v4, vm0, $0xb8;
	[tilespmem:$0x1E580] =	vst v63  }
0x481: {  	s29 =	simm.s32 $0x12D80;
	v3 =	vadd.s32 v1, v3  }
0x482: {  	[tilespmem:s29], [sflag:$0x1] =	stream.indirect_vreg.gather [hbm4b:s5+s3], $0x80, v4, vm0, $0xb8;
	[tilespmem:$0x1E580] =	vst v63  }
0x483: {  	_ = 	snop  }
0x484: {  	[tilespmem:s17], [sflag:$0x1] =	stream.indirect_vreg.gather [hbm4b:s6+s3], $0x80, v4, vm0, $0xb8;
	[tilespmem:$0x1E580] =	vst v63  }
0x485: {  	s30 =	simm.s32 $0x13D80  }
0x486: {  	[tilespmem:s30], [sflag:$0x1] =	stream.indirect_vreg.gather [hbm4b:s2+s3], $0x80, v3, vm0, $0xb8;
	[tilespmem:$0x1E580] =	vst v63  }
0x487: {  	_ = 	snop  }
0x488: {  	[tilespmem:s18], [sflag:$0x1] =	stream.indirect_vreg.gather [hbm4b:s5+s3], $0x80, v3, vm0, $0xb8;
	[tilespmem:$0x1E580] =	vst v63  }
0x489: {  	s18 =	simm.s32 $0x14D80  }
0x48a: {  	[tilespmem:s18], [sflag:$0x1] =	stream.indirect_vreg.gather [hbm4b:s6+s3], $0x80, v3, vm0, $0xb8;
	[tilespmem:$0x1E580] =	vst v63  }
0x48b: {  	v3 =	vld [tilespmem:$0x370];
	_ =	sdelay $0x4  }
0x48c: {  	v31 =	vshrl.u32 v3, $0x3  }
0x48d: {  	v4 =	vmul.u32 $0x30, v31  }
0x48e: {  	v3 =	vand.u32 $0x7, v3  }
0x48f: {  	v3 =	vor.u32 v3, v4  }
0x490: {  	v4 =	vperm.xlane v3, v0;
	_ =	sdelay $0x1  }
0x491: {  	v4 =	vadd.s32 v1, v4;
	_ =	sdelay $0x3  }
0x492: {  	s25 =	simm.s32 $0x15580;
	v3 =	vperm.xlane v3, v2  }
0x493: {  	[tilespmem:s25], [sflag:$0x1] =	stream.indirect_vreg.gather [hbm4b:s2+s3], $0x80, v4, vm0, $0xb8;
	[tilespmem:$0x1E580] =	vst v63  }
0x494: {  	v3 =	vadd.s32 v1, v3  }
0x495: {  	[tilespmem:s19], [sflag:$0x1] =	stream.indirect_vreg.gather [hbm4b:s5+s3], $0x80, v4, vm0, $0xb8;
	[tilespmem:$0x1E580] =	vst v63  }
0x496: {  	_ = 	snop  }
0x497: {  	[tilespmem:s21], [sflag:$0x1] =	stream.indirect_vreg.gather [hbm4b:s6+s3], $0x80, v4, vm0, $0xb8;
	[tilespmem:$0x1E580] =	vst v63  }
0x498: {  	_ = 	snop  }
0x499: {  	[tilespmem:s22], [sflag:$0x1] =	stream.indirect_vreg.gather [hbm4b:s2+s3], $0x80, v3, vm0, $0xb8;
	[tilespmem:$0x1E580] =	vst v63  }
0x49a: {  	s26 =	simm.s32 $0x17580  }
0x49b: {  	[tilespmem:s26], [sflag:$0x1] =	stream.indirect_vreg.gather [hbm4b:s5+s3], $0x80, v3, vm0, $0xb8;
	[tilespmem:$0x1E580] =	vst v63  }
0x49c: {  	s12 =	simm.s32 $0x17D80  }
0x49d: {  	[tilespmem:s12], [sflag:$0x1] =	stream.indirect_vreg.gather [hbm4b:s6+s3], $0x80, v3, vm0, $0xb8;
	[tilespmem:$0x1E580] =	vst v63  }
0x49e: {  	_ =	swait.ge [sflag:s4], $0x6000  }
0x49f: {  	[sflag:s4] =	ssyncset.done $0x0  }
0x4a0: {  	s14 =	simm.s32 $0x580;
	s13 =	rddreg [dreg:$0x18];
	[sflag:s4] =	ssyncadd.s32 $0xFFFFA000  }
0x4a1: {  	[hbm4b:s13+s3] =	stream.linear.scatter [tilespmem:s14], [sflag:$0x2], $0x6000, $0x38;
	[tilespmem:$0x1E580] =	vst v63  }
0x4a2: {  	_ =	swait.ge [sflag:s24], $0x6000  }
0x4a3: {  	[sflag:s24] =	ssyncset.done $0x0  }
0x4a4: {  	[sflag:s24] =	ssyncadd.s32 $0xFFFFA000  }
0x4a5: {  	v3 =	vld [tilespmem:$0x380];
	_ =	sdelay $0x4  }
0x4a6: {  	v32 =	vshrl.u32 v3, $0x3  }
0x4a7: {  	v4 =	vmul.u32 $0x30, v32  }
0x4a8: {  	v3 =	vand.u32 $0x7, v3  }
0x4a9: {  	v3 =	vor.u32 v3, v4  }
0x4aa: {  	v4 =	vperm.xlane v3, v0;
	_ =	sdelay $0x1  }
0x4ab: {  	v4 =	vadd.s32 v1, v4;
	_ =	sdelay $0x3  }
0x4ac: {  	v3 =	vperm.xlane v3, v2  }
0x4ad: {  	[tilespmem:s16], [sflag:$0x1] =	stream.indirect_vreg.gather [hbm4b:s2+s3], $0x80, v4, vm0, $0xb8;
	[tilespmem:$0x1E580] =	vst v63  }
0x4ae: {  	v3 =	vadd.s32 v1, v3  }
0x4af: {  	[tilespmem:s7], [sflag:$0x1] =	stream.indirect_vreg.gather [hbm4b:s5+s3], $0x80, v4, vm0, $0xb8;
	[tilespmem:$0x1E580] =	vst v63  }
0x4b0: {  	s15 =	simm.s32 $0x19580  }
0x4b1: {  	[tilespmem:s15], [sflag:$0x1] =	stream.indirect_vreg.gather [hbm4b:s6+s3], $0x80, v4, vm0, $0xb8;
	[tilespmem:$0x1E580] =	vst v63  }
0x4b2: {  	s16 =	simm.s32 $0x19D80  }
0x4b3: {  	[tilespmem:s16], [sflag:$0x1] =	stream.indirect_vreg.gather [hbm4b:s2+s3], $0x80, v3, vm0, $0xb8;
	[tilespmem:$0x1E580] =	vst v63  }
0x4b4: {  	s17 =	simm.s32 $0x1A580  }
0x4b5: {  	[tilespmem:s17], [sflag:$0x1] =	stream.indirect_vreg.gather [hbm4b:s5+s3], $0x80, v3, vm0, $0xb8;
	[tilespmem:$0x1E580] =	vst v63  }
0x4b6: {  	s18 =	simm.s32 $0x1AD80  }
0x4b7: {  	[tilespmem:s18], [sflag:$0x1] =	stream.indirect_vreg.gather [hbm4b:s6+s3], $0x80, v3, vm0, $0xb8;
	[tilespmem:$0x1E580] =	vst v63  }
0x4b8: {  	v3 =	vld [tilespmem:$0x390];
	_ =	sdelay $0x4  }
0x4b9: {  	v33 =	vshrl.u32 v3, $0x3  }
0x4ba: {  	v4 =	vmul.u32 $0x30, v33  }
0x4bb: {  	v3 =	vand.u32 $0x7, v3  }
0x4bc: {  	v3 =	vor.u32 v3, v4  }
0x4bd: {  	v4 =	vperm.xlane v3, v0;
	_ =	sdelay $0x1  }
0x4be: {  	v4 =	vadd.s32 v1, v4;
	_ =	sdelay $0x3  }
0x4bf: {  	s19 =	simm.s32 $0x1B580;
	v3 =	vperm.xlane v3, v2  }
0x4c0: {  	[tilespmem:s19], [sflag:$0x1] =	stream.indirect_vreg.gather [hbm4b:s2+s3], $0x80, v4, vm0, $0xb8;
	[tilespmem:$0x1E580] =	vst v63  }
0x4c1: {  	s21 =	simm.s32 $0x1BD80;
	v3 =	vadd.s32 v1, v3  }
0x4c2: {  	[tilespmem:s21], [sflag:$0x1] =	stream.indirect_vreg.gather [hbm4b:s5+s3], $0x80, v4, vm0, $0xb8;
	[tilespmem:$0x1E580] =	vst v63  }
0x4c3: {  	s22 =	simm.s32 $0x1C580  }
0x4c4: {  	[tilespmem:s22], [sflag:$0x1] =	stream.indirect_vreg.gather [hbm4b:s6+s3], $0x80, v4, vm0, $0xb8;
	[tilespmem:$0x1E580] =	vst v63  }
0x4c5: {  	s25 =	simm.s32 $0x1CD80  }
0x4c6: {  	[tilespmem:s25], [sflag:$0x1] =	stream.indirect_vreg.gather [hbm4b:s2+s3], $0x80, v3, vm0, $0xb8;
	[tilespmem:$0x1E580] =	vst v63  }
0x4c7: {  	s26 =	simm.s32 $0x1D580  }
0x4c8: {  	[tilespmem:s26], [sflag:$0x1] =	stream.indirect_vreg.gather [hbm4b:s5+s3], $0x80, v3, vm0, $0xb8;
	[tilespmem:$0x1E580] =	vst v63  }
0x4c9: {  	s7 =	simm.s32 $0x1DD80  }
0x4ca: {  	[tilespmem:s7], [sflag:$0x1] =	stream.indirect_vreg.gather [hbm4b:s6+s3], $0x80, v3, vm0, $0xb8;
	[tilespmem:$0x1E580] =	vst v63  }
0x4cb: {  	_ =	swait.ge [sflag:s4], $0x6000  }
0x4cc: {  	[sflag:s4] =	ssyncset.done $0x0  }
0x4cd: {  	s13 =	simm.s32 $0x6580;
	s12 =	rddreg [dreg:$0x19];
	[sflag:s4] =	ssyncadd.s32 $0xFFFFA000  }
0x4ce: {  	[hbm4b:s12+s3] =	stream.linear.scatter [tilespmem:s13], [sflag:$0x2], $0x6000, $0x38;
	[tilespmem:$0x1E580] =	vst v63  }
0x4cf: {  	_ =	swait.ge [sflag:s24], $0x6000  }
0x4d0: {  	[sflag:s24] =	ssyncset.done $0x0  }
0x4d1: {  	[sflag:s24] =	ssyncadd.s32 $0xFFFFA000  }
0x4d2: {  	v3 =	vld [tilespmem:$0x3A0];
	_ =	sdelay $0x4  }
0x4d3: {  	v34 =	vshrl.u32 v3, $0x3  }
0x4d4: {  	v4 =	vmul.u32 $0x30, v34  }
0x4d5: {  	v3 =	vand.u32 $0x7, v3  }
0x4d6: {  	v3 =	vor.u32 v3, v4  }
0x4d7: {  	v4 =	vperm.xlane v3, v0;
	_ =	sdelay $0x1  }
0x4d8: {  	v4 =	vadd.s32 v1, v4;
	_ =	sdelay $0x3  }
0x4d9: {  	v3 =	vperm.xlane v3, v2  }
0x4da: {  	[tilespmem:s14], [sflag:$0x1] =	stream.indirect_vreg.gather [hbm4b:s2+s3], $0x80, v4, vm0, $0xb8;
	[tilespmem:$0x1E580] =	vst v63  }
0x4db: {  	s26 =	simm.s32 $0xD80;
	v3 =	vadd.s32 v1, v3  }
0x4dc: {  	[tilespmem:s26], [sflag:$0x1] =	stream.indirect_vreg.gather [hbm4b:s5+s3], $0x80, v4, vm0, $0xb8;
	[tilespmem:$0x1E580] =	vst v63  }
0x4dd: {  	_ = 	snop  }
0x4de: {  	[tilespmem:s11], [sflag:$0x1] =	stream.indirect_vreg.gather [hbm4b:s6+s3], $0x80, v4, vm0, $0xb8;
	[tilespmem:$0x1E580] =	vst v63  }
0x4df: {  	s14 =	simm.s32 $0x1D80  }
0x4e0: {  	[tilespmem:s14], [sflag:$0x1] =	stream.indirect_vreg.gather [hbm4b:s2+s3], $0x80, v3, vm0, $0xb8;
	[tilespmem:$0x1E580] =	vst v63  }
0x4e1: {  	s15 =	simm.s32 $0x2580  }
0x4e2: {  	[tilespmem:s15], [sflag:$0x1] =	stream.indirect_vreg.gather [hbm4b:s5+s3], $0x80, v3, vm0, $0xb8;
	[tilespmem:$0x1E580] =	vst v63  }
0x4e3: {  	s16 =	simm.s32 $0x2D80  }
0x4e4: {  	[tilespmem:s16], [sflag:$0x1] =	stream.indirect_vreg.gather [hbm4b:s6+s3], $0x80, v3, vm0, $0xb8;
	[tilespmem:$0x1E580] =	vst v63  }
0x4e5: {  	v3 =	vld [tilespmem:$0x3B0];
	_ =	sdelay $0x4  }
0x4e6: {  	v35 =	vshrl.u32 v3, $0x3  }
0x4e7: {  	v4 =	vmul.u32 $0x30, v35  }
0x4e8: {  	v3 =	vand.u32 $0x7, v3  }
0x4e9: {  	v3 =	vor.u32 v3, v4  }
0x4ea: {  	v4 =	vperm.xlane v3, v0;
	_ =	sdelay $0x1  }
0x4eb: {  	v4 =	vadd.s32 v1, v4;
	_ =	sdelay $0x3  }
0x4ec: {  	s17 =	simm.s32 $0x3580;
	v3 =	vperm.xlane v3, v2  }
0x4ed: {  	[tilespmem:s17], [sflag:$0x1] =	stream.indirect_vreg.gather [hbm4b:s2+s3], $0x80, v4, vm0, $0xb8;
	[tilespmem:$0x1E580] =	vst v63  }
0x4ee: {  	s18 =	simm.s32 $0x3D80;
	v3 =	vadd.s32 v1, v3  }
0x4ef: {  	[tilespmem:s18], [sflag:$0x1] =	stream.indirect_vreg.gather [hbm4b:s5+s3], $0x80, v4, vm0, $0xb8;
	[tilespmem:$0x1E580] =	vst v63  }
0x4f0: {  	s19 =	simm.s32 $0x4580  }
0x4f1: {  	[tilespmem:s19], [sflag:$0x1] =	stream.indirect_vreg.gather [hbm4b:s6+s3], $0x80, v4, vm0, $0xb8;
	[tilespmem:$0x1E580] =	vst v63  }
0x4f2: {  	s21 =	simm.s32 $0x4D80  }
0x4f3: {  	[tilespmem:s21], [sflag:$0x1] =	stream.indirect_vreg.gather [hbm4b:s2+s3], $0x80, v3, vm0, $0xb8;
	[tilespmem:$0x1E580] =	vst v63  }
0x4f4: {  	s22 =	simm.s32 $0x5580  }
0x4f5: {  	[tilespmem:s22], [sflag:$0x1] =	stream.indirect_vreg.gather [hbm4b:s5+s3], $0x80, v3, vm0, $0xb8;
	[tilespmem:$0x1E580] =	vst v63  }
0x4f6: {  	s25 =	simm.s32 $0x5D80  }
0x4f7: {  	[tilespmem:s25], [sflag:$0x1] =	stream.indirect_vreg.gather [hbm4b:s6+s3], $0x80, v3, vm0, $0xb8;
	[tilespmem:$0x1E580] =	vst v63  }
0x4f8: {  	_ =	swait.ge [sflag:s4], $0x6000  }
0x4f9: {  	[sflag:s4] =	ssyncset.done $0x0  }
0x4fa: {  	s11 =	simm.s32 $0xC580;
	s1 =	rddreg [dreg:$0x1a];
	[sflag:s4] =	ssyncadd.s32 $0xFFFFA000  }
0x4fb: {  	[hbm4b:s1+s3] =	stream.linear.scatter [tilespmem:s11], [sflag:$0x2], $0x6000, $0x38;
	[tilespmem:$0x1E580] =	vst v63  }
0x4fc: {  	_ =	swait.ge [sflag:s24], $0x6000  }
0x4fd: {  	[sflag:s24] =	ssyncset.done $0x0  }
0x4fe: {  	[sflag:s24] =	ssyncadd.s32 $0xFFFFA000  }
0x4ff: {  	v3 =	vld [tilespmem:$0x3C0];
	_ =	sdelay $0x4  }
0x500: {  	v36 =	vshrl.u32 v3, $0x3  }
0x501: {  	v4 =	vmul.u32 $0x30, v36  }
0x502: {  	v3 =	vand.u32 $0x7, v3  }
0x503: {  	v3 =	vor.u32 v3, v4  }
0x504: {  	v4 =	vperm.xlane v3, v0;
	_ =	sdelay $0x1  }
0x505: {  	v4 =	vadd.s32 v1, v4;
	_ =	sdelay $0x3  }
0x506: {  	v3 =	vperm.xlane v3, v2  }
0x507: {  	[tilespmem:s13], [sflag:$0x1] =	stream.indirect_vreg.gather [hbm4b:s2+s3], $0x80, v4, vm0, $0xb8;
	[tilespmem:$0x1E580] =	vst v63  }
0x508: {  	s21 =	simm.s32 $0x6D80;
	v3 =	vadd.s32 v1, v3  }
0x509: {  	[tilespmem:s21], [sflag:$0x1] =	stream.indirect_vreg.gather [hbm4b:s5+s3], $0x80, v4, vm0, $0xb8;
	[tilespmem:$0x1E580] =	vst v63  }
0x50a: {  	s22 =	simm.s32 $0x7580  }
0x50b: {  	[tilespmem:s22], [sflag:$0x1] =	stream.indirect_vreg.gather [hbm4b:s6+s3], $0x80, v4, vm0, $0xb8;
	[tilespmem:$0x1E580] =	vst v63  }
0x50c: {  	s12 =	simm.s32 $0x7D80  }
0x50d: {  	[tilespmem:s12], [sflag:$0x1] =	stream.indirect_vreg.gather [hbm4b:s2+s3], $0x80, v3, vm0, $0xb8;
	[tilespmem:$0x1E580] =	vst v63  }
0x50e: {  	s13 =	simm.s32 $0x8580  }
0x50f: {  	[tilespmem:s13], [sflag:$0x1] =	stream.indirect_vreg.gather [hbm4b:s5+s3], $0x80, v3, vm0, $0xb8;
	[tilespmem:$0x1E580] =	vst v63  }
0x510: {  	_ = 	snop  }
0x511: {  	[tilespmem:s8], [sflag:$0x1] =	stream.indirect_vreg.gather [hbm4b:s6+s3], $0x80, v3, vm0, $0xb8;
	[tilespmem:$0x1E580] =	vst v63  }
0x512: {  	v3 =	vld [tilespmem:$0x3D0];
	_ =	sdelay $0x4  }
0x513: {  	v37 =	vshrl.u32 v3, $0x3  }
0x514: {  	v4 =	vmul.u32 $0x30, v37  }
0x515: {  	v3 =	vand.u32 $0x7, v3  }
0x516: {  	v3 =	vor.u32 v3, v4  }
0x517: {  	v4 =	vperm.xlane v3, v0;
	_ =	sdelay $0x1  }
0x518: {  	v4 =	vadd.s32 v1, v4;
	_ =	sdelay $0x3  }
0x519: {  	v3 =	vperm.xlane v3, v2  }
0x51a: {  	[tilespmem:s23], [sflag:$0x1] =	stream.indirect_vreg.gather [hbm4b:s2+s3], $0x80, v4, vm0, $0xb8;
	[tilespmem:$0x1E580] =	vst v63  }
0x51b: {  	s14 =	simm.s32 $0x9D80;
	v3 =	vadd.s32 v1, v3  }
0x51c: {  	[tilespmem:s14], [sflag:$0x1] =	stream.indirect_vreg.gather [hbm4b:s5+s3], $0x80, v4, vm0, $0xb8;
	[tilespmem:$0x1E580] =	vst v63  }
0x51d: {  	s15 =	simm.s32 $0xA580  }
0x51e: {  	[tilespmem:s15], [sflag:$0x1] =	stream.indirect_vreg.gather [hbm4b:s6+s3], $0x80, v4, vm0, $0xb8;
	[tilespmem:$0x1E580] =	vst v63  }
0x51f: {  	s16 =	simm.s32 $0xAD80  }
0x520: {  	[tilespmem:s16], [sflag:$0x1] =	stream.indirect_vreg.gather [hbm4b:s2+s3], $0x80, v3, vm0, $0xb8;
	[tilespmem:$0x1E580] =	vst v63  }
0x521: {  	s20 =	simm.s32 $0xB580  }
0x522: {  	[tilespmem:s20], [sflag:$0x1] =	stream.indirect_vreg.gather [hbm4b:s5+s3], $0x80, v3, vm0, $0xb8;
	[tilespmem:$0x1E580] =	vst v63  }
0x523: {  	_ = 	snop  }
0x524: {  	[tilespmem:s9], [sflag:$0x1] =	stream.indirect_vreg.gather [hbm4b:s6+s3], $0x80, v3, vm0, $0xb8;
	[tilespmem:$0x1E580] =	vst v63  }
0x525: {  	_ =	swait.ge [sflag:s4], $0x6000  }
0x526: {  	[sflag:s4] =	ssyncset.done $0x0  }
0x527: {  	s18 =	simm.s32 $0x12580;
	s17 =	rddreg [dreg:$0x1b];
	[sflag:s4] =	ssyncadd.s32 $0xFFFFA000  }
0x528: {  	[hbm4b:s17+s3] =	stream.linear.scatter [tilespmem:s18], [sflag:$0x2], $0x6000, $0x38;
	[tilespmem:$0x1E580] =	vst v63  }
0x529: {  	_ =	swait.ge [sflag:s24], $0x6000  }
0x52a: {  	[sflag:s24] =	ssyncset.done $0x0  }
0x52b: {  	[sflag:s24] =	ssyncadd.s32 $0xFFFFA000  }
0x52c: {  	v3 =	vld [tilespmem:$0x3E0];
	_ =	sdelay $0x4  }
0x52d: {  	v38 =	vshrl.u32 v3, $0x3  }
0x52e: {  	v4 =	vmul.u32 $0x30, v38  }
0x52f: {  	v3 =	vand.u32 $0x7, v3  }
0x530: {  	v3 =	vor.u32 v3, v4  }
0x531: {  	v4 =	vperm.xlane v3, v0;
	_ =	sdelay $0x1  }
0x532: {  	v4 =	vadd.s32 v1, v4;
	_ =	sdelay $0x3  }
0x533: {  	v3 =	vperm.xlane v3, v2  }
0x534: {  	[tilespmem:s11], [sflag:$0x1] =	stream.indirect_vreg.gather [hbm4b:s2+s3], $0x80, v4, vm0, $0xb8;
	[tilespmem:$0x1E580] =	vst v63  }
0x535: {  	s23 =	simm.s32 $0xCD80;
	v3 =	vadd.s32 v1, v3  }
0x536: {  	[tilespmem:s23], [sflag:$0x1] =	stream.indirect_vreg.gather [hbm4b:s5+s3], $0x80, v4, vm0, $0xb8;
	[tilespmem:$0x1E580] =	vst v63  }
0x537: {  	s11 =	simm.s32 $0xD580  }
0x538: {  	[tilespmem:s11], [sflag:$0x1] =	stream.indirect_vreg.gather [hbm4b:s6+s3], $0x80, v4, vm0, $0xb8;
	[tilespmem:$0x1E580] =	vst v63  }
0x539: {  	s16 =	simm.s32 $0xDD80  }
0x53a: {  	[tilespmem:s16], [sflag:$0x1] =	stream.indirect_vreg.gather [hbm4b:s2+s3], $0x80, v3, vm0, $0xb8;
	[tilespmem:$0x1E580] =	vst v63  }
0x53b: {  	s12 =	simm.s32 $0xE580  }
0x53c: {  	[tilespmem:s12], [sflag:$0x1] =	stream.indirect_vreg.gather [hbm4b:s5+s3], $0x80, v3, vm0, $0xb8;
	[tilespmem:$0x1E580] =	vst v63  }
0x53d: {  	_ = 	snop  }
0x53e: {  	[tilespmem:s28], [sflag:$0x1] =	stream.indirect_vreg.gather [hbm4b:s6+s3], $0x80, v3, vm0, $0xb8;
	[tilespmem:$0x1E580] =	vst v63  }
0x53f: {  	v3 =	vld [tilespmem:$0x3F0];
	_ =	sdelay $0x4  }
0x540: {  	v39 =	vshrl.u32 v3, $0x3  }
0x541: {  	v4 =	vmul.u32 $0x30, v39  }
0x542: {  	v3 =	vand.u32 $0x7, v3  }
0x543: {  	v3 =	vor.u32 v3, v4  }
0x544: {  	v4 =	vperm.xlane v3, v0;
	_ =	sdelay $0x1  }
0x545: {  	v4 =	vadd.s32 v1, v4;
	_ =	sdelay $0x3  }
0x546: {  	v3 =	vperm.xlane v3, v2  }
0x547: {  	[tilespmem:s31], [sflag:$0x1] =	stream.indirect_vreg.gather [hbm4b:s2+s3], $0x80, v4, vm0, $0xb8;
	[tilespmem:$0x1E580] =	vst v63  }
0x548: {  	s13 =	simm.s32 $0xFD80;
	v3 =	vadd.s32 v1, v3  }
0x549: {  	[tilespmem:s13], [sflag:$0x1] =	stream.indirect_vreg.gather [hbm4b:s5+s3], $0x80, v4, vm0, $0xb8;
	[tilespmem:$0x1E580] =	vst v63  }
0x54a: {  	s17 =	simm.s32 $0x10580  }
0x54b: {  	[tilespmem:s17], [sflag:$0x1] =	stream.indirect_vreg.gather [hbm4b:s6+s3], $0x80, v4, vm0, $0xb8;
	[tilespmem:$0x1E580] =	vst v63  }
0x54c: {  	s14 =	simm.s32 $0x10D80  }
0x54d: {  	[tilespmem:s14], [sflag:$0x1] =	stream.indirect_vreg.gather [hbm4b:s2+s3], $0x80, v3, vm0, $0xb8;
	[tilespmem:$0x1E580] =	vst v63  }
0x54e: {  	s15 =	simm.s32 $0x11580  }
0x54f: {  	[tilespmem:s15], [sflag:$0x1] =	stream.indirect_vreg.gather [hbm4b:s5+s3], $0x80, v3, vm0, $0xb8;
	[tilespmem:$0x1E580] =	vst v63  }
0x550: {  	_ = 	snop  }
0x551: {  	[tilespmem:s10], [sflag:$0x1] =	stream.indirect_vreg.gather [hbm4b:s6+s3], $0x80, v3, vm0, $0xb8;
	[tilespmem:$0x1E580] =	vst v63  }
0x552: {  	_ =	swait.ge [sflag:s4], $0x6000  }
0x553: {  	[sflag:s4] =	ssyncset.done $0x0  }
0x554: {  	s28 =	simm.s32 $0x18580;
	s19 =	rddreg [dreg:$0x1c];
	[sflag:s4] =	ssyncadd.s32 $0xFFFFA000  }
0x555: {  	[hbm4b:s19+s3] =	stream.linear.scatter [tilespmem:s28], [sflag:$0x2], $0x6000, $0x38;
	[tilespmem:$0x1E580] =	vst v63  }
0x556: {  	_ =	swait.ge [sflag:s24], $0x6000  }
0x557: {  	[sflag:s24] =	ssyncset.done $0x0  }
0x558: {  	[sflag:s24] =	ssyncadd.s32 $0xFFFFA000  }
0x559: {  	v3 =	vld [tilespmem:$0x400];
	_ =	sdelay $0x4  }
0x55a: {  	v40 =	vshrl.u32 v3, $0x3  }
0x55b: {  	v4 =	vmul.u32 $0x30, v40  }
0x55c: {  	v3 =	vand.u32 $0x7, v3  }
0x55d: {  	v3 =	vor.u32 v3, v4  }
0x55e: {  	v4 =	vperm.xlane v3, v0;
	_ =	sdelay $0x1  }
0x55f: {  	v4 =	vadd.s32 v1, v4;
	_ =	sdelay $0x3  }
0x560: {  	v3 =	vperm.xlane v3, v2  }
0x561: {  	[tilespmem:s18], [sflag:$0x1] =	stream.indirect_vreg.gather [hbm4b:s2+s3], $0x80, v4, vm0, $0xb8;
	[tilespmem:$0x1E580] =	vst v63  }
0x562: {  	v3 =	vadd.s32 v1, v3  }
0x563: {  	[tilespmem:s29], [sflag:$0x1] =	stream.indirect_vreg.gather [hbm4b:s5+s3], $0x80, v4, vm0, $0xb8;
	[tilespmem:$0x1E580] =	vst v63  }
0x564: {  	s10 =	simm.s32 $0x13580  }
0x565: {  	[tilespmem:s10], [sflag:$0x1] =	stream.indirect_vreg.gather [hbm4b:s6+s3], $0x80, v4, vm0, $0xb8;
	[tilespmem:$0x1E580] =	vst v63  }
0x566: {  	_ = 	snop  }
0x567: {  	[tilespmem:s30], [sflag:$0x1] =	stream.indirect_vreg.gather [hbm4b:s2+s3], $0x80, v3, vm0, $0xb8;
	[tilespmem:$0x1E580] =	vst v63  }
0x568: {  	s9 =	simm.s32 $0x14580  }
0x569: {  	[tilespmem:s9], [sflag:$0x1] =	stream.indirect_vreg.gather [hbm4b:s5+s3], $0x80, v3, vm0, $0xb8;
	[tilespmem:$0x1E580] =	vst v63  }
0x56a: {  	s20 =	simm.s32 $0x14D80  }
0x56b: {  	[tilespmem:s20], [sflag:$0x1] =	stream.indirect_vreg.gather [hbm4b:s6+s3], $0x80, v3, vm0, $0xb8;
	[tilespmem:$0x1E580] =	vst v63  }
0x56c: {  	v3 =	vld [tilespmem:$0x410];
	_ =	sdelay $0x4  }
0x56d: {  	v41 =	vshrl.u32 v3, $0x3  }
0x56e: {  	v4 =	vmul.u32 $0x30, v41  }
0x56f: {  	v3 =	vand.u32 $0x7, v3  }
0x570: {  	v3 =	vor.u32 v3, v4  }
0x571: {  	v4 =	vperm.xlane v3, v0;
	_ =	sdelay $0x1  }
0x572: {  	v4 =	vadd.s32 v1, v4;
	_ =	sdelay $0x3  }
0x573: {  	s25 =	simm.s32 $0x15580;
	v3 =	vperm.xlane v3, v2  }
0x574: {  	[tilespmem:s25], [sflag:$0x1] =	stream.indirect_vreg.gather [hbm4b:s2+s3], $0x80, v4, vm0, $0xb8;
	[tilespmem:$0x1E580] =	vst v63  }
0x575: {  	s18 =	simm.s32 $0x15D80;
	v3 =	vadd.s32 v1, v3  }
0x576: {  	[tilespmem:s18], [sflag:$0x1] =	stream.indirect_vreg.gather [hbm4b:s5+s3], $0x80, v4, vm0, $0xb8;
	[tilespmem:$0x1E580] =	vst v63  }
0x577: {  	s19 =	simm.s32 $0x16580  }
0x578: {  	[tilespmem:s19], [sflag:$0x1] =	stream.indirect_vreg.gather [hbm4b:s6+s3], $0x80, v4, vm0, $0xb8;
	[tilespmem:$0x1E580] =	vst v63  }
0x579: {  	s20 =	simm.s32 $0x16D80  }
0x57a: {  	[tilespmem:s20], [sflag:$0x1] =	stream.indirect_vreg.gather [hbm4b:s2+s3], $0x80, v3, vm0, $0xb8;
	[tilespmem:$0x1E580] =	vst v63  }
0x57b: {  	s29 =	simm.s32 $0x17580  }
0x57c: {  	[tilespmem:s29], [sflag:$0x1] =	stream.indirect_vreg.gather [hbm4b:s5+s3], $0x80, v3, vm0, $0xb8;
	[tilespmem:$0x1E580] =	vst v63  }
0x57d: {  	s30 =	simm.s32 $0x17D80  }
0x57e: {  	[tilespmem:s30], [sflag:$0x1] =	stream.indirect_vreg.gather [hbm4b:s6+s3], $0x80, v3, vm0, $0xb8;
	[tilespmem:$0x1E580] =	vst v63  }
0x57f: {  	_ =	swait.ge [sflag:s4], $0x6000  }
0x580: {  	[sflag:s4] =	ssyncset.done $0x0  }
0x581: {  	s7 =	simm.s32 $0x580;
	s31 =	rddreg [dreg:$0x1d];
	[sflag:s4] =	ssyncadd.s32 $0xFFFFA000  }
0x582: {  	[hbm4b:s31+s3] =	stream.linear.scatter [tilespmem:s7], [sflag:$0x2], $0x6000, $0x38;
	[tilespmem:$0x1E580] =	vst v63  }
0x583: {  	_ =	swait.ge [sflag:s24], $0x6000  }
0x584: {  	[sflag:s24] =	ssyncset.done $0x0  }
0x585: {  	[sflag:s24] =	ssyncadd.s32 $0xFFFFA000  }
0x586: {  	v3 =	vld [tilespmem:$0x420];
	_ =	sdelay $0x4  }
0x587: {  	v42 =	vshrl.u32 v3, $0x3  }
0x588: {  	v4 =	vmul.u32 $0x30, v42  }
0x589: {  	v3 =	vand.u32 $0x7, v3  }
0x58a: {  	v3 =	vor.u32 v3, v4  }
0x58b: {  	v4 =	vperm.xlane v3, v0;
	_ =	sdelay $0x1  }
0x58c: {  	v4 =	vadd.s32 v1, v4;
	_ =	sdelay $0x3  }
0x58d: {  	v3 =	vperm.xlane v3, v2  }
0x58e: {  	[tilespmem:s28], [sflag:$0x1] =	stream.indirect_vreg.gather [hbm4b:s2+s3], $0x80, v4, vm0, $0xb8;
	[tilespmem:$0x1E580] =	vst v63  }
0x58f: {  	v3 =	vadd.s32 v1, v3;
	s28 =	simm.s32 $0x18D80  }
0x590: {  	[tilespmem:s28], [sflag:$0x1] =	stream.indirect_vreg.gather [hbm4b:s5+s3], $0x80, v4, vm0, $0xb8;
	[tilespmem:$0x1E580] =	vst v63  }
0x591: {  	s29 =	simm.s32 $0x19580  }
0x592: {  	[tilespmem:s29], [sflag:$0x1] =	stream.indirect_vreg.gather [hbm4b:s6+s3], $0x80, v4, vm0, $0xb8;
	[tilespmem:$0x1E580] =	vst v63  }
0x593: {  	s30 =	simm.s32 $0x19D80  }
0x594: {  	[tilespmem:s30], [sflag:$0x1] =	stream.indirect_vreg.gather [hbm4b:s2+s3], $0x80, v3, vm0, $0xb8;
	[tilespmem:$0x1E580] =	vst v63  }
0x595: {  	s31 =	simm.s32 $0x1A580  }
0x596: {  	[tilespmem:s31], [sflag:$0x1] =	stream.indirect_vreg.gather [hbm4b:s5+s3], $0x80, v3, vm0, $0xb8;
	[tilespmem:$0x1E580] =	vst v63  }
0x597: {  	s0 =	simm.s32 $0x1AD80  }
0x598: {  	[tilespmem:s0], [sflag:$0x1] =	stream.indirect_vreg.gather [hbm4b:s6+s3], $0x80, v3, vm0, $0xb8;
	[tilespmem:$0x1E580] =	vst v63  }
0x599: {  	v3 =	vld [tilespmem:$0x430];
	_ =	sdelay $0x4  }
0x59a: {  	v43 =	vshrl.u32 v3, $0x3  }
0x59b: {  	v4 =	vmul.u32 $0x30, v43  }
0x59c: {  	v3 =	vand.u32 $0x7, v3  }
0x59d: {  	v3 =	vor.u32 v3, v4  }
0x59e: {  	v4 =	vperm.xlane v3, v0;
	_ =	sdelay $0x1  }
0x59f: {  	v4 =	vadd.s32 v1, v4;
	_ =	sdelay $0x3  }
0x5a0: {  	s0 =	simm.s32 $0x1B580;
	v3 =	vperm.xlane v3, v2  }
0x5a1: {  	[tilespmem:s0], [sflag:$0x1] =	stream.indirect_vreg.gather [hbm4b:s2+s3], $0x80, v4, vm0, $0xb8;
	[tilespmem:$0x1E580] =	vst v63  }
0x5a2: {  	v3 =	vadd.s32 v1, v3;
	s0 =	simm.s32 $0x1BD80  }
0x5a3: {  	[tilespmem:s0], [sflag:$0x1] =	stream.indirect_vreg.gather [hbm4b:s5+s3], $0x80, v4, vm0, $0xb8;
	[tilespmem:$0x1E580] =	vst v63  }
0x5a4: {  	s0 =	simm.s32 $0x1C580  }
0x5a5: {  	[tilespmem:s0], [sflag:$0x1] =	stream.indirect_vreg.gather [hbm4b:s6+s3], $0x80, v4, vm0, $0xb8;
	[tilespmem:$0x1E580] =	vst v63  }
0x5a6: {  	s0 =	simm.s32 $0x1CD80  }
0x5a7: {  	[tilespmem:s0], [sflag:$0x1] =	stream.indirect_vreg.gather [hbm4b:s2+s3], $0x80, v3, vm0, $0xb8;
	[tilespmem:$0x1E580] =	vst v63  }
0x5a8: {  	s0 =	simm.s32 $0x1D580  }
0x5a9: {  	[tilespmem:s0], [sflag:$0x1] =	stream.indirect_vreg.gather [hbm4b:s5+s3], $0x80, v3, vm0, $0xb8;
	[tilespmem:$0x1E580] =	vst v63  }
0x5aa: {  	s0 =	simm.s32 $0x1DD80  }
0x5ab: {  	[tilespmem:s0], [sflag:$0x1] =	stream.indirect_vreg.gather [hbm4b:s6+s3], $0x80, v3, vm0, $0xb8;
	[tilespmem:$0x1E580] =	vst v63  }
0x5ac: {  	_ =	swait.ge [sflag:s4], $0x6000  }
0x5ad: {  	[sflag:s4] =	ssyncset.done $0x0  }
0x5ae: {  	s0 =	simm.s32 $0x6580;
	s25 =	rddreg [dreg:$0x1e];
	[sflag:s4] =	ssyncadd.s32 $0xFFFFA000  }
0x5af: {  	[hbm4b:s25+s3] =	stream.linear.scatter [tilespmem:s0], [sflag:$0x2], $0x6000, $0x38;
	[tilespmem:$0x1E580] =	vst v63  }
0x5b0: {  	_ =	swait.ge [sflag:s24], $0x6000  }
0x5b1: {  	[sflag:s24] =	ssyncset.done $0x0  }
0x5b2: {  	[sflag:s24] =	ssyncadd.s32 $0xFFFFA000  }
0x5b3: {  	v3 =	vld [tilespmem:$0x440];
	_ =	sdelay $0x4  }
0x5b4: {  	v44 =	vshrl.u32 v3, $0x3  }
0x5b5: {  	v4 =	vmul.u32 $0x30, v44  }
0x5b6: {  	v3 =	vand.u32 $0x7, v3  }
0x5b7: {  	v3 =	vor.u32 v3, v4  }
0x5b8: {  	v4 =	vperm.xlane v3, v0;
	_ =	sdelay $0x1  }
0x5b9: {  	v4 =	vadd.s32 v1, v4;
	_ =	sdelay $0x3  }
0x5ba: {  	v3 =	vperm.xlane v3, v2  }
0x5bb: {  	[tilespmem:s7], [sflag:$0x1] =	stream.indirect_vreg.gather [hbm4b:s2+s3], $0x80, v4, vm0, $0xb8;
	[tilespmem:$0x1E580] =	vst v63  }
0x5bc: {  	v3 =	vadd.s32 v1, v3  }
0x5bd: {  	[tilespmem:s26], [sflag:$0x1] =	stream.indirect_vreg.gather [hbm4b:s5+s3], $0x80, v4, vm0, $0xb8;
	[tilespmem:$0x1E580] =	vst v63  }
0x5be: {  	s25 =	simm.s32 $0x1580  }
0x5bf: {  	[tilespmem:s25], [sflag:$0x1] =	stream.indirect_vreg.gather [hbm4b:s6+s3], $0x80, v4, vm0, $0xb8;
	[tilespmem:$0x1E580] =	vst v63  }
0x5c0: {  	s26 =	simm.s32 $0x1D80  }
0x5c1: {  	[tilespmem:s26], [sflag:$0x1] =	stream.indirect_vreg.gather [hbm4b:s2+s3], $0x80, v3, vm0, $0xb8;
	[tilespmem:$0x1E580] =	vst v63  }
0x5c2: {  	s25 =	simm.s32 $0x2580  }
0x5c3: {  	[tilespmem:s25], [sflag:$0x1] =	stream.indirect_vreg.gather [hbm4b:s5+s3], $0x80, v3, vm0, $0xb8;
	[tilespmem:$0x1E580] =	vst v63  }
0x5c4: {  	s26 =	simm.s32 $0x2D80  }
0x5c5: {  	[tilespmem:s26], [sflag:$0x1] =	stream.indirect_vreg.gather [hbm4b:s6+s3], $0x80, v3, vm0, $0xb8;
	[tilespmem:$0x1E580] =	vst v63  }
0x5c6: {  	v3 =	vld [tilespmem:$0x450];
	_ =	sdelay $0x4  }
0x5c7: {  	v45 =	vshrl.u32 v3, $0x3  }
0x5c8: {  	v4 =	vmul.u32 $0x30, v45  }
0x5c9: {  	v3 =	vand.u32 $0x7, v3  }
0x5ca: {  	v3 =	vor.u32 v3, v4  }
0x5cb: {  	v4 =	vperm.xlane v3, v0;
	_ =	sdelay $0x1  }
0x5cc: {  	v4 =	vadd.s32 v1, v4;
	_ =	sdelay $0x3  }
0x5cd: {  	s25 =	simm.s32 $0x3580;
	v3 =	vperm.xlane v3, v2  }
0x5ce: {  	[tilespmem:s25], [sflag:$0x1] =	stream.indirect_vreg.gather [hbm4b:s2+s3], $0x80, v4, vm0, $0xb8;
	[tilespmem:$0x1E580] =	vst v63  }
0x5cf: {  	s26 =	simm.s32 $0x3D80;
	v3 =	vadd.s32 v1, v3  }
0x5d0: {  	[tilespmem:s26], [sflag:$0x1] =	stream.indirect_vreg.gather [hbm4b:s5+s3], $0x80, v4, vm0, $0xb8;
	[tilespmem:$0x1E580] =	vst v63  }
0x5d1: {  	s25 =	simm.s32 $0x4580  }
0x5d2: {  	[tilespmem:s25], [sflag:$0x1] =	stream.indirect_vreg.gather [hbm4b:s6+s3], $0x80, v4, vm0, $0xb8;
	[tilespmem:$0x1E580] =	vst v63  }
0x5d3: {  	s26 =	simm.s32 $0x4D80  }
0x5d4: {  	[tilespmem:s26], [sflag:$0x1] =	stream.indirect_vreg.gather [hbm4b:s2+s3], $0x80, v3, vm0, $0xb8;
	[tilespmem:$0x1E580] =	vst v63  }
0x5d5: {  	s25 =	simm.s32 $0x5580  }
0x5d6: {  	[tilespmem:s25], [sflag:$0x1] =	stream.indirect_vreg.gather [hbm4b:s5+s3], $0x80, v3, vm0, $0xb8;
	[tilespmem:$0x1E580] =	vst v63  }
0x5d7: {  	s26 =	simm.s32 $0x5D80  }
0x5d8: {  	[tilespmem:s26], [sflag:$0x1] =	stream.indirect_vreg.gather [hbm4b:s6+s3], $0x80, v3, vm0, $0xb8;
	[tilespmem:$0x1E580] =	vst v63  }
0x5d9: {  	_ =	swait.ge [sflag:s4], $0x6000  }
0x5da: {  	[sflag:s4] =	ssyncset.done $0x0  }
0x5db: {  	s1 =	simm.s32 $0xC580;
	s7 =	rddreg [dreg:$0x1f];
	[sflag:s4] =	ssyncadd.s32 $0xFFFFA000  }
0x5dc: {  	[hbm4b:s7+s3] =	stream.linear.scatter [tilespmem:s1], [sflag:$0x2], $0x6000, $0x38;
	[tilespmem:$0x1E580] =	vst v63  }
0x5dd: {  	_ =	swait.ge [sflag:s24], $0x6000  }
0x5de: {  	[sflag:s24] =	ssyncset.done $0x0  }
0x5df: {  	[sflag:s24] =	ssyncadd.s32 $0xFFFFA000  }
0x5e0: {  	v3 =	vld [tilespmem:$0x460];
	_ =	sdelay $0x4  }
0x5e1: {  	v46 =	vshrl.u32 v3, $0x3  }
0x5e2: {  	v4 =	vmul.u32 $0x30, v46  }
0x5e3: {  	v3 =	vand.u32 $0x7, v3  }
0x5e4: {  	v3 =	vor.u32 v3, v4  }
0x5e5: {  	v4 =	vperm.xlane v3, v0;
	_ =	sdelay $0x1  }
0x5e6: {  	v4 =	vadd.s32 v1, v4;
	_ =	sdelay $0x3  }
0x5e7: {  	v3 =	vperm.xlane v3, v2  }
0x5e8: {  	[tilespmem:s0], [sflag:$0x1] =	stream.indirect_vreg.gather [hbm4b:s2+s3], $0x80, v4, vm0, $0xb8;
	[tilespmem:$0x1E580] =	vst v63  }
0x5e9: {  	v3 =	vadd.s32 v1, v3  }
0x5ea: {  	[tilespmem:s21], [sflag:$0x1] =	stream.indirect_vreg.gather [hbm4b:s5+s3], $0x80, v4, vm0, $0xb8;
	[tilespmem:$0x1E580] =	vst v63  }
0x5eb: {  	_ = 	snop  }
0x5ec: {  	[tilespmem:s22], [sflag:$0x1] =	stream.indirect_vreg.gather [hbm4b:s6+s3], $0x80, v4, vm0, $0xb8;
	[tilespmem:$0x1E580] =	vst v63  }
0x5ed: {  	s25 =	simm.s32 $0x7D80  }
0x5ee: {  	[tilespmem:s25], [sflag:$0x1] =	stream.indirect_vreg.gather [hbm4b:s2+s3], $0x80, v3, vm0, $0xb8;
	[tilespmem:$0x1E580] =	vst v63  }
0x5ef: {  	s7 =	simm.s32 $0x8580  }
0x5f0: {  	[tilespmem:s7], [sflag:$0x1] =	stream.indirect_vreg.gather [hbm4b:s5+s3], $0x80, v3, vm0, $0xb8;
	[tilespmem:$0x1E580] =	vst v63  }
0x5f1: {  	s8 =	simm.s32 $0x8D80  }
0x5f2: {  	[tilespmem:s8], [sflag:$0x1] =	stream.indirect_vreg.gather [hbm4b:s6+s3], $0x80, v3, vm0, $0xb8;
	[tilespmem:$0x1E580] =	vst v63  }
0x5f3: {  	v3 =	vld [tilespmem:$0x470];
	_ =	sdelay $0x4  }
0x5f4: {  	v47 =	vshrl.u32 v3, $0x3  }
0x5f5: {  	v4 =	vmul.u32 $0x30, v47  }
0x5f6: {  	v3 =	vand.u32 $0x7, v3  }
0x5f7: {  	v3 =	vor.u32 v3, v4  }
0x5f8: {  	v4 =	vperm.xlane v3, v0;
	_ =	sdelay $0x1  }
0x5f9: {  	v4 =	vadd.s32 v1, v4;
	_ =	sdelay $0x3  }
0x5fa: {  	s8 =	simm.s32 $0x9580;
	v3 =	vperm.xlane v3, v2  }
0x5fb: {  	[tilespmem:s8], [sflag:$0x1] =	stream.indirect_vreg.gather [hbm4b:s2+s3], $0x80, v4, vm0, $0xb8;
	[tilespmem:$0x1E580] =	vst v63  }
0x5fc: {  	s25 =	simm.s32 $0x9D80;
	v3 =	vadd.s32 v1, v3  }
0x5fd: {  	[tilespmem:s25], [sflag:$0x1] =	stream.indirect_vreg.gather [hbm4b:s5+s3], $0x80, v4, vm0, $0xb8;
	[tilespmem:$0x1E580] =	vst v63  }
0x5fe: {  	s7 =	simm.s32 $0xA580  }
0x5ff: {  	[tilespmem:s7], [sflag:$0x1] =	stream.indirect_vreg.gather [hbm4b:s6+s3], $0x80, v4, vm0, $0xb8;
	[tilespmem:$0x1E580] =	vst v63  }
0x600: {  	s8 =	simm.s32 $0xAD80  }
0x601: {  	[tilespmem:s8], [sflag:$0x1] =	stream.indirect_vreg.gather [hbm4b:s2+s3], $0x80, v3, vm0, $0xb8;
	[tilespmem:$0x1E580] =	vst v63  }
0x602: {  	s25 =	simm.s32 $0xB580  }
0x603: {  	[tilespmem:s25], [sflag:$0x1] =	stream.indirect_vreg.gather [hbm4b:s5+s3], $0x80, v3, vm0, $0xb8;
	[tilespmem:$0x1E580] =	vst v63  }
0x604: {  	s7 =	simm.s32 $0xBD80  }
0x605: {  	[tilespmem:s7], [sflag:$0x1] =	stream.indirect_vreg.gather [hbm4b:s6+s3], $0x80, v3, vm0, $0xb8;
	[tilespmem:$0x1E580] =	vst v63  }
0x606: {  	_ =	swait.ge [sflag:s4], $0x6000  }
0x607: {  	s8 =	sld [smem:$0x7F1]  }
0x608: {  	[sflag:s4] =	ssyncset.done $0x0  }
0x609: {  	s0 =	simm.s32 $0x12580;
	[sflag:s4] =	ssyncadd.s32 $0xFFFFA000  }
0x60a: {  	[hbm4b:s8+s3] =	stream.linear.scatter [tilespmem:s0], [sflag:$0x2], $0x6000, $0x38;
	[tilespmem:$0x1E580] =	vst v63  }
0x60b: {  	_ =	swait.ge [sflag:s24], $0x6000  }
0x60c: {  	[sflag:s24] =	ssyncset.done $0x0  }
0x60d: {  	[sflag:s24] =	ssyncadd.s32 $0xFFFFA000  }
0x60e: {  	v3 =	vld [tilespmem:$0x480];
	_ =	sdelay $0x4  }
0x60f: {  	v48 =	vshrl.u32 v3, $0x3  }
0x610: {  	v4 =	vmul.u32 $0x30, v48  }
0x611: {  	v3 =	vand.u32 $0x7, v3  }
0x612: {  	v3 =	vor.u32 v3, v4  }
0x613: {  	v4 =	vperm.xlane v3, v0;
	_ =	sdelay $0x1  }
0x614: {  	v4 =	vadd.s32 v1, v4;
	_ =	sdelay $0x3  }
0x615: {  	v3 =	vperm.xlane v3, v2  }
0x616: {  	[tilespmem:s1], [sflag:$0x1] =	stream.indirect_vreg.gather [hbm4b:s2+s3], $0x80, v4, vm0, $0xb8;
	[tilespmem:$0x1E580] =	vst v63  }
0x617: {  	v3 =	vadd.s32 v1, v3  }
0x618: {  	[tilespmem:s23], [sflag:$0x1] =	stream.indirect_vreg.gather [hbm4b:s5+s3], $0x80, v4, vm0, $0xb8;
	[tilespmem:$0x1E580] =	vst v63  }
0x619: {  	_ = 	snop  }
0x61a: {  	[tilespmem:s11], [sflag:$0x1] =	stream.indirect_vreg.gather [hbm4b:s6+s3], $0x80, v4, vm0, $0xb8;
	[tilespmem:$0x1E580] =	vst v63  }
0x61b: {  	_ = 	snop  }
0x61c: {  	[tilespmem:s16], [sflag:$0x1] =	stream.indirect_vreg.gather [hbm4b:s2+s3], $0x80, v3, vm0, $0xb8;
	[tilespmem:$0x1E580] =	vst v63  }
0x61d: {  	_ = 	snop  }
0x61e: {  	[tilespmem:s12], [sflag:$0x1] =	stream.indirect_vreg.gather [hbm4b:s5+s3], $0x80, v3, vm0, $0xb8;
	[tilespmem:$0x1E580] =	vst v63  }
0x61f: {  	s25 =	simm.s32 $0xED80  }
0x620: {  	[tilespmem:s25], [sflag:$0x1] =	stream.indirect_vreg.gather [hbm4b:s6+s3], $0x80, v3, vm0, $0xb8;
	[tilespmem:$0x1E580] =	vst v63  }
0x621: {  	v3 =	vld [tilespmem:$0x490];
	_ =	sdelay $0x4  }
0x622: {  	v49 =	vshrl.u32 v3, $0x3  }
0x623: {  	v4 =	vmul.u32 $0x30, v49  }
0x624: {  	v3 =	vand.u32 $0x7, v3  }
0x625: {  	v3 =	vor.u32 v3, v4  }
0x626: {  	v4 =	vperm.xlane v3, v0;
	_ =	sdelay $0x1  }
0x627: {  	v4 =	vadd.s32 v1, v4;
	_ =	sdelay $0x3  }
0x628: {  	s7 =	simm.s32 $0xF580;
	v3 =	vperm.xlane v3, v2  }
0x629: {  	[tilespmem:s7], [sflag:$0x1] =	stream.indirect_vreg.gather [hbm4b:s2+s3], $0x80, v4, vm0, $0xb8;
	[tilespmem:$0x1E580] =	vst v63  }
0x62a: {  	v3 =	vadd.s32 v1, v3  }
0x62b: {  	[tilespmem:s13], [sflag:$0x1] =	stream.indirect_vreg.gather [hbm4b:s5+s3], $0x80, v4, vm0, $0xb8;
	[tilespmem:$0x1E580] =	vst v63  }
0x62c: {  	_ = 	snop  }
0x62d: {  	[tilespmem:s17], [sflag:$0x1] =	stream.indirect_vreg.gather [hbm4b:s6+s3], $0x80, v4, vm0, $0xb8;
	[tilespmem:$0x1E580] =	vst v63  }
0x62e: {  	_ = 	snop  }
0x62f: {  	[tilespmem:s14], [sflag:$0x1] =	stream.indirect_vreg.gather [hbm4b:s2+s3], $0x80, v3, vm0, $0xb8;
	[tilespmem:$0x1E580] =	vst v63  }
0x630: {  	_ = 	snop  }
0x631: {  	[tilespmem:s15], [sflag:$0x1] =	stream.indirect_vreg.gather [hbm4b:s5+s3], $0x80, v3, vm0, $0xb8;
	[tilespmem:$0x1E580] =	vst v63  }
0x632: {  	s8 =	simm.s32 $0x11D80  }
0x633: {  	[tilespmem:s8], [sflag:$0x1] =	stream.indirect_vreg.gather [hbm4b:s6+s3], $0x80, v3, vm0, $0xb8;
	[tilespmem:$0x1E580] =	vst v63  }
0x634: {  	_ =	swait.ge [sflag:s4], $0x6000  }
0x635: {  	s11 =	sld [smem:$0x7F2]  }
0x636: {  	[sflag:s4] =	ssyncset.done $0x0  }
0x637: {  	s8 =	simm.s32 $0x18580;
	[sflag:s4] =	ssyncadd.s32 $0xFFFFA000  }
0x638: {  	[hbm4b:s11+s3] =	stream.linear.scatter [tilespmem:s8], [sflag:$0x2], $0x6000, $0x38;
	[tilespmem:$0x1E580] =	vst v63  }
0x639: {  	_ =	swait.ge [sflag:s24], $0x6000  }
0x63a: {  	[sflag:s24] =	ssyncset.done $0x0  }
0x63b: {  	[sflag:s24] =	ssyncadd.s32 $0xFFFFA000  }
0x63c: {  	v3 =	vld [tilespmem:$0x4A0];
	_ =	sdelay $0x4  }
0x63d: {  	v50 =	vshrl.u32 v3, $0x3  }
0x63e: {  	v4 =	vmul.u32 $0x30, v50  }
0x63f: {  	v3 =	vand.u32 $0x7, v3  }
0x640: {  	v3 =	vor.u32 v3, v4  }
0x641: {  	v4 =	vperm.xlane v3, v0;
	_ =	sdelay $0x1  }
0x642: {  	v4 =	vadd.s32 v1, v4;
	_ =	sdelay $0x3  }
0x643: {  	v3 =	vperm.xlane v3, v2  }
0x644: {  	[tilespmem:s0], [sflag:$0x1] =	stream.indirect_vreg.gather [hbm4b:s2+s3], $0x80, v4, vm0, $0xb8;
	[tilespmem:$0x1E580] =	vst v63  }
0x645: {  	s1 =	simm.s32 $0x12D80;
	v3 =	vadd.s32 v1, v3  }
0x646: {  	[tilespmem:s1], [sflag:$0x1] =	stream.indirect_vreg.gather [hbm4b:s5+s3], $0x80, v4, vm0, $0xb8;
	[tilespmem:$0x1E580] =	vst v63  }
0x647: {  	_ = 	snop  }
0x648: {  	[tilespmem:s10], [sflag:$0x1] =	stream.indirect_vreg.gather [hbm4b:s6+s3], $0x80, v4, vm0, $0xb8;
	[tilespmem:$0x1E580] =	vst v63  }
0x649: {  	s7 =	simm.s32 $0x13D80  }
0x64a: {  	[tilespmem:s7], [sflag:$0x1] =	stream.indirect_vreg.gather [hbm4b:s2+s3], $0x80, v3, vm0, $0xb8;
	[tilespmem:$0x1E580] =	vst v63  }
0x64b: {  	_ = 	snop  }
0x64c: {  	[tilespmem:s9], [sflag:$0x1] =	stream.indirect_vreg.gather [hbm4b:s5+s3], $0x80, v3, vm0, $0xb8;
	[tilespmem:$0x1E580] =	vst v63  }
0x64d: {  	s9 =	simm.s32 $0x14D80  }
0x64e: {  	[tilespmem:s9], [sflag:$0x1] =	stream.indirect_vreg.gather [hbm4b:s6+s3], $0x80, v3, vm0, $0xb8;
	[tilespmem:$0x1E580] =	vst v63  }
0x64f: {  	v3 =	vld [tilespmem:$0x4B0];
	_ =	sdelay $0x4  }
0x650: {  	v51 =	vshrl.u32 v3, $0x3  }
0x651: {  	v4 =	vmul.u32 $0x30, v51  }
0x652: {  	v3 =	vand.u32 $0x7, v3  }
0x653: {  	v3 =	vor.u32 v3, v4  }
0x654: {  	v4 =	vperm.xlane v3, v0;
	_ =	sdelay $0x1  }
0x655: {  	v4 =	vadd.s32 v1, v4;
	_ =	sdelay $0x3  }
0x656: {  	s10 =	simm.s32 $0x15580;
	v3 =	vperm.xlane v3, v2  }
0x657: {  	[tilespmem:s10], [sflag:$0x1] =	stream.indirect_vreg.gather [hbm4b:s2+s3], $0x80, v4, vm0, $0xb8;
	[tilespmem:$0x1E580] =	vst v63  }
0x658: {  	v3 =	vadd.s32 v1, v3  }
0x659: {  	[tilespmem:s18], [sflag:$0x1] =	stream.indirect_vreg.gather [hbm4b:s5+s3], $0x80, v4, vm0, $0xb8;
	[tilespmem:$0x1E580] =	vst v63  }
0x65a: {  	_ = 	snop  }
0x65b: {  	[tilespmem:s19], [sflag:$0x1] =	stream.indirect_vreg.gather [hbm4b:s6+s3], $0x80, v4, vm0, $0xb8;
	[tilespmem:$0x1E580] =	vst v63  }
0x65c: {  	_ = 	snop  }
0x65d: {  	[tilespmem:s20], [sflag:$0x1] =	stream.indirect_vreg.gather [hbm4b:s2+s3], $0x80, v3, vm0, $0xb8;
	[tilespmem:$0x1E580] =	vst v63  }
0x65e: {  	s25 =	simm.s32 $0x17580  }
0x65f: {  	[tilespmem:s25], [sflag:$0x1] =	stream.indirect_vreg.gather [hbm4b:s5+s3], $0x80, v3, vm0, $0xb8;
	[tilespmem:$0x1E580] =	vst v63  }
0x660: {  	s0 =	simm.s32 $0x17D80  }
0x661: {  	[tilespmem:s0], [sflag:$0x1] =	stream.indirect_vreg.gather [hbm4b:s6+s3], $0x80, v3, vm0, $0xb8;
	[tilespmem:$0x1E580] =	vst v63  }
0x662: {  	_ =	swait.ge [sflag:s4], $0x6000  }
0x663: {  	s7 =	sld [smem:$0x7F3]  }
0x664: {  	[sflag:s4] =	ssyncset.done $0x0  }
0x665: {  	s1 =	simm.s32 $0x580;
	[sflag:s4] =	ssyncadd.s32 $0xFFFFA000  }
0x666: {  	[hbm4b:s7+s3] =	stream.linear.scatter [tilespmem:s1], [sflag:$0x2], $0x6000, $0x38;
	[tilespmem:$0x1E580] =	vst v63  }
0x667: {  	_ =	swait.ge [sflag:s24], $0x6000  }
0x668: {  	[sflag:s24] =	ssyncset.done $0x0  }
0x669: {  	[sflag:s24] =	ssyncadd.s32 $0xFFFFA000  }
0x66a: {  	v3 =	vld [tilespmem:$0x4C0];
	_ =	sdelay $0x4  }
0x66b: {  	v52 =	vshrl.u32 v3, $0x3  }
0x66c: {  	v4 =	vmul.u32 $0x30, v52  }
0x66d: {  	v3 =	vand.u32 $0x7, v3  }
0x66e: {  	v3 =	vor.u32 v3, v4  }
0x66f: {  	v4 =	vperm.xlane v3, v0;
	_ =	sdelay $0x1  }
0x670: {  	v4 =	vadd.s32 v1, v4;
	_ =	sdelay $0x3  }
0x671: {  	v3 =	vperm.xlane v3, v2  }
0x672: {  	[tilespmem:s8], [sflag:$0x1] =	stream.indirect_vreg.gather [hbm4b:s2+s3], $0x80, v4, vm0, $0xb8;
	[tilespmem:$0x1E580] =	vst v63  }
0x673: {  	v3 =	vadd.s32 v1, v3  }
0x674: {  	[tilespmem:s28], [sflag:$0x1] =	stream.indirect_vreg.gather [hbm4b:s5+s3], $0x80, v4, vm0, $0xb8;
	[tilespmem:$0x1E580] =	vst v63  }
0x675: {  	_ = 	snop  }
0x676: {  	[tilespmem:s29], [sflag:$0x1] =	stream.indirect_vreg.gather [hbm4b:s6+s3], $0x80, v4, vm0, $0xb8;
	[tilespmem:$0x1E580] =	vst v63  }
0x677: {  	_ = 	snop  }
0x678: {  	[tilespmem:s30], [sflag:$0x1] =	stream.indirect_vreg.gather [hbm4b:s2+s3], $0x80, v3, vm0, $0xb8;
	[tilespmem:$0x1E580] =	vst v63  }
0x679: {  	_ = 	snop  }
0x67a: {  	[tilespmem:s31], [sflag:$0x1] =	stream.indirect_vreg.gather [hbm4b:s5+s3], $0x80, v3, vm0, $0xb8;
	[tilespmem:$0x1E580] =	vst v63  }
0x67b: {  	s0 =	simm.s32 $0x1AD80  }
0x67c: {  	[tilespmem:s0], [sflag:$0x1] =	stream.indirect_vreg.gather [hbm4b:s6+s3], $0x80, v3, vm0, $0xb8;
	[tilespmem:$0x1E580] =	vst v63  }
0x67d: {  	v3 =	vld [tilespmem:$0x4D0];
	_ =	sdelay $0x4  }
0x67e: {  	v53 =	vshrl.u32 v3, $0x3  }
0x67f: {  	v4 =	vmul.u32 $0x30, v53  }
0x680: {  	v3 =	vand.u32 $0x7, v3  }
0x681: {  	v3 =	vor.u32 v3, v4  }
0x682: {  	v4 =	vperm.xlane v3, v0;
	_ =	sdelay $0x1  }
0x683: {  	v4 =	vadd.s32 v1, v4;
	_ =	sdelay $0x3  }
0x684: {  	s8 =	simm.s32 $0x1B580;
	v3 =	vperm.xlane v3, v2  }
0x685: {  	[tilespmem:s8], [sflag:$0x1] =	stream.indirect_vreg.gather [hbm4b:s2+s3], $0x80, v4, vm0, $0xb8;
	[tilespmem:$0x1E580] =	vst v63  }
0x686: {  	s0 =	simm.s32 $0x1BD80;
	v3 =	vadd.s32 v1, v3  }
0x687: {  	[tilespmem:s0], [sflag:$0x1] =	stream.indirect_vreg.gather [hbm4b:s5+s3], $0x80, v4, vm0, $0xb8;
	[tilespmem:$0x1E580] =	vst v63  }
0x688: {  	s8 =	simm.s32 $0x1C580  }
0x689: {  	[tilespmem:s8], [sflag:$0x1] =	stream.indirect_vreg.gather [hbm4b:s6+s3], $0x80, v4, vm0, $0xb8;
	[tilespmem:$0x1E580] =	vst v63  }
0x68a: {  	s0 =	simm.s32 $0x1CD80  }
0x68b: {  	[tilespmem:s0], [sflag:$0x1] =	stream.indirect_vreg.gather [hbm4b:s2+s3], $0x80, v3, vm0, $0xb8;
	[tilespmem:$0x1E580] =	vst v63  }
0x68c: {  	s8 =	simm.s32 $0x1D580  }
0x68d: {  	[tilespmem:s8], [sflag:$0x1] =	stream.indirect_vreg.gather [hbm4b:s5+s3], $0x80, v3, vm0, $0xb8;
	[tilespmem:$0x1E580] =	vst v63  }
0x68e: {  	s0 =	simm.s32 $0x1DD80  }
0x68f: {  	[tilespmem:s0], [sflag:$0x1] =	stream.indirect_vreg.gather [hbm4b:s6+s3], $0x80, v3, vm0, $0xb8;
	[tilespmem:$0x1E580] =	vst v63  }
0x690: {  	_ =	swait.ge [sflag:s4], $0x6000  }
0x691: {  	s8 =	sld [smem:$0x7F4]  }
0x692: {  	[sflag:s4] =	ssyncset.done $0x0  }
0x693: {  	s26 =	simm.s32 $0x6580;
	[sflag:s4] =	ssyncadd.s32 $0xFFFFA000  }
0x694: {  	[hbm4b:s8+s3] =	stream.linear.scatter [tilespmem:s26], [sflag:$0x2], $0x6000, $0x38;
	[tilespmem:$0x1E580] =	vst v63  }
0x695: {  	_ =	swait.ge [sflag:s24], $0x6000  }
0x696: {  	[sflag:s24] =	ssyncset.done $0x0  }
0x697: {  	[sflag:s24] =	ssyncadd.s32 $0xFFFFA000  }
0x698: {  	v3 =	vld [tilespmem:$0x4E0];
	_ =	sdelay $0x4  }
0x699: {  	v54 =	vshrl.u32 v3, $0x3  }
0x69a: {  	v4 =	vmul.u32 $0x30, v54  }
0x69b: {  	v3 =	vand.u32 $0x7, v3  }
0x69c: {  	v3 =	vor.u32 v3, v4  }
0x69d: {  	v4 =	vperm.xlane v3, v0;
	_ =	sdelay $0x1  }
0x69e: {  	v4 =	vadd.s32 v1, v4;
	_ =	sdelay $0x3  }
0x69f: {  	v3 =	vperm.xlane v3, v2  }
0x6a0: {  	[tilespmem:s1], [sflag:$0x1] =	stream.indirect_vreg.gather [hbm4b:s2+s3], $0x80, v4, vm0, $0xb8;
	[tilespmem:$0x1E580] =	vst v63  }
0x6a1: {  	s25 =	simm.s32 $0xD80;
	v3 =	vadd.s32 v1, v3  }
0x6a2: {  	[tilespmem:s25], [sflag:$0x1] =	stream.indirect_vreg.gather [hbm4b:s5+s3], $0x80, v4, vm0, $0xb8;
	[tilespmem:$0x1E580] =	vst v63  }
0x6a3: {  	s8 =	simm.s32 $0x1580  }
0x6a4: {  	[tilespmem:s8], [sflag:$0x1] =	stream.indirect_vreg.gather [hbm4b:s6+s3], $0x80, v4, vm0, $0xb8;
	[tilespmem:$0x1E580] =	vst v63  }
0x6a5: {  	s25 =	simm.s32 $0x1D80  }
0x6a6: {  	[tilespmem:s25], [sflag:$0x1] =	stream.indirect_vreg.gather [hbm4b:s2+s3], $0x80, v3, vm0, $0xb8;
	[tilespmem:$0x1E580] =	vst v63  }
0x6a7: {  	s8 =	simm.s32 $0x2580  }
0x6a8: {  	[tilespmem:s8], [sflag:$0x1] =	stream.indirect_vreg.gather [hbm4b:s5+s3], $0x80, v3, vm0, $0xb8;
	[tilespmem:$0x1E580] =	vst v63  }
0x6a9: {  	s25 =	simm.s32 $0x2D80  }
0x6aa: {  	[tilespmem:s25], [sflag:$0x1] =	stream.indirect_vreg.gather [hbm4b:s6+s3], $0x80, v3, vm0, $0xb8;
	[tilespmem:$0x1E580] =	vst v63  }
0x6ab: {  	v3 =	vld [tilespmem:$0x4F0];
	_ =	sdelay $0x4  }
0x6ac: {  	v55 =	vshrl.u32 v3, $0x3  }
0x6ad: {  	v4 =	vmul.u32 $0x30, v55  }
0x6ae: {  	v3 =	vand.u32 $0x7, v3  }
0x6af: {  	v3 =	vor.u32 v3, v4  }
0x6b0: {  	v4 =	vperm.xlane v3, v0;
	_ =	sdelay $0x1  }
0x6b1: {  	v4 =	vadd.s32 v1, v4;
	_ =	sdelay $0x3  }
0x6b2: {  	s8 =	simm.s32 $0x3580;
	v3 =	vperm.xlane v3, v2  }
0x6b3: {  	[tilespmem:s8], [sflag:$0x1] =	stream.indirect_vreg.gather [hbm4b:s2+s3], $0x80, v4, vm0, $0xb8;
	[tilespmem:$0x1E580] =	vst v63  }
0x6b4: {  	s25 =	simm.s32 $0x3D80;
	v3 =	vadd.s32 v1, v3  }
0x6b5: {  	[tilespmem:s25], [sflag:$0x1] =	stream.indirect_vreg.gather [hbm4b:s5+s3], $0x80, v4, vm0, $0xb8;
	[tilespmem:$0x1E580] =	vst v63  }
0x6b6: {  	s8 =	simm.s32 $0x4580  }
0x6b7: {  	[tilespmem:s8], [sflag:$0x1] =	stream.indirect_vreg.gather [hbm4b:s6+s3], $0x80, v4, vm0, $0xb8;
	[tilespmem:$0x1E580] =	vst v63  }
0x6b8: {  	s25 =	simm.s32 $0x4D80  }
0x6b9: {  	[tilespmem:s25], [sflag:$0x1] =	stream.indirect_vreg.gather [hbm4b:s2+s3], $0x80, v3, vm0, $0xb8;
	[tilespmem:$0x1E580] =	vst v63  }
0x6ba: {  	s8 =	simm.s32 $0x5580  }
0x6bb: {  	[tilespmem:s8], [sflag:$0x1] =	stream.indirect_vreg.gather [hbm4b:s5+s3], $0x80, v3, vm0, $0xb8;
	[tilespmem:$0x1E580] =	vst v63  }
0x6bc: {  	s25 =	simm.s32 $0x5D80  }
0x6bd: {  	[tilespmem:s25], [sflag:$0x1] =	stream.indirect_vreg.gather [hbm4b:s6+s3], $0x80, v3, vm0, $0xb8;
	[tilespmem:$0x1E580] =	vst v63  }
0x6be: {  	_ =	swait.ge [sflag:s4], $0x6000  }
0x6bf: {  	s8 =	sld [smem:$0x7F5]  }
0x6c0: {  	[sflag:s4] =	ssyncset.done $0x0  }
0x6c1: {  	s0 =	simm.s32 $0xC580;
	[sflag:s4] =	ssyncadd.s32 $0xFFFFA000  }
0x6c2: {  	[hbm4b:s8+s3] =	stream.linear.scatter [tilespmem:s0], [sflag:$0x2], $0x6000, $0x38;
	[tilespmem:$0x1E580] =	vst v63  }
0x6c3: {  	_ =	swait.ge [sflag:s24], $0x6000  }
0x6c4: {  	[sflag:s24] =	ssyncset.done $0x0  }
0x6c5: {  	[sflag:s24] =	ssyncadd.s32 $0xFFFFA000  }
0x6c6: {  	v3 =	vld [tilespmem:$0x500];
	_ =	sdelay $0x4  }
0x6c7: {  	v56 =	vshrl.u32 v3, $0x3  }
0x6c8: {  	v4 =	vmul.u32 $0x30, v56  }
0x6c9: {  	v3 =	vand.u32 $0x7, v3  }
0x6ca: {  	v3 =	vor.u32 v3, v4  }
0x6cb: {  	v4 =	vperm.xlane v3, v0;
	_ =	sdelay $0x1  }
0x6cc: {  	v4 =	vadd.s32 v1, v4;
	_ =	sdelay $0x3  }
0x6cd: {  	v3 =	vperm.xlane v3, v2  }
0x6ce: {  	[tilespmem:s26], [sflag:$0x1] =	stream.indirect_vreg.gather [hbm4b:s2+s3], $0x80, v4, vm0, $0xb8;
	[tilespmem:$0x1E580] =	vst v63  }
0x6cf: {  	s21 =	simm.s32 $0x6D80;
	v3 =	vadd.s32 v1, v3  }
0x6d0: {  	[tilespmem:s21], [sflag:$0x1] =	stream.indirect_vreg.gather [hbm4b:s5+s3], $0x80, v4, vm0, $0xb8;
	[tilespmem:$0x1E580] =	vst v63  }
0x6d1: {  	s22 =	simm.s32 $0x7580  }
0x6d2: {  	[tilespmem:s22], [sflag:$0x1] =	stream.indirect_vreg.gather [hbm4b:s6+s3], $0x80, v4, vm0, $0xb8;
	[tilespmem:$0x1E580] =	vst v63  }
0x6d3: {  	s22 =	simm.s32 $0x7D80  }
0x6d4: {  	[tilespmem:s22], [sflag:$0x1] =	stream.indirect_vreg.gather [hbm4b:s2+s3], $0x80, v3, vm0, $0xb8;
	[tilespmem:$0x1E580] =	vst v63  }
0x6d5: {  	s25 =	simm.s32 $0x8580  }
0x6d6: {  	[tilespmem:s25], [sflag:$0x1] =	stream.indirect_vreg.gather [hbm4b:s5+s3], $0x80, v3, vm0, $0xb8;
	[tilespmem:$0x1E580] =	vst v63  }
0x6d7: {  	s21 =	simm.s32 $0x8D80  }
0x6d8: {  	[tilespmem:s21], [sflag:$0x1] =	stream.indirect_vreg.gather [hbm4b:s6+s3], $0x80, v3, vm0, $0xb8;
	[tilespmem:$0x1E580] =	vst v63  }
0x6d9: {  	v3 =	vld [tilespmem:$0x510];
	_ =	sdelay $0x4  }
0x6da: {  	v57 =	vshrl.u32 v3, $0x3  }
0x6db: {  	v4 =	vmul.u32 $0x30, v57  }
0x6dc: {  	v3 =	vand.u32 $0x7, v3  }
0x6dd: {  	v3 =	vor.u32 v3, v4  }
0x6de: {  	v4 =	vperm.xlane v3, v0;
	_ =	sdelay $0x1  }
0x6df: {  	v4 =	vadd.s32 v1, v4;
	_ =	sdelay $0x3  }
0x6e0: {  	s22 =	simm.s32 $0x9580;
	v3 =	vperm.xlane v3, v2  }
0x6e1: {  	[tilespmem:s22], [sflag:$0x1] =	stream.indirect_vreg.gather [hbm4b:s2+s3], $0x80, v4, vm0, $0xb8;
	[tilespmem:$0x1E580] =	vst v63  }
0x6e2: {  	s25 =	simm.s32 $0x9D80;
	v3 =	vadd.s32 v1, v3  }
0x6e3: {  	[tilespmem:s25], [sflag:$0x1] =	stream.indirect_vreg.gather [hbm4b:s5+s3], $0x80, v4, vm0, $0xb8;
	[tilespmem:$0x1E580] =	vst v63  }
0x6e4: {  	s21 =	simm.s32 $0xA580  }
0x6e5: {  	[tilespmem:s21], [sflag:$0x1] =	stream.indirect_vreg.gather [hbm4b:s6+s3], $0x80, v4, vm0, $0xb8;
	[tilespmem:$0x1E580] =	vst v63  }
0x6e6: {  	s22 =	simm.s32 $0xAD80  }
0x6e7: {  	[tilespmem:s22], [sflag:$0x1] =	stream.indirect_vreg.gather [hbm4b:s2+s3], $0x80, v3, vm0, $0xb8;
	[tilespmem:$0x1E580] =	vst v63  }
0x6e8: {  	s25 =	simm.s32 $0xB580  }
0x6e9: {  	[tilespmem:s25], [sflag:$0x1] =	stream.indirect_vreg.gather [hbm4b:s5+s3], $0x80, v3, vm0, $0xb8;
	[tilespmem:$0x1E580] =	vst v63  }
0x6ea: {  	s21 =	simm.s32 $0xBD80  }
0x6eb: {  	[tilespmem:s21], [sflag:$0x1] =	stream.indirect_vreg.gather [hbm4b:s6+s3], $0x80, v3, vm0, $0xb8;
	[tilespmem:$0x1E580] =	vst v63  }
0x6ec: {  	_ =	swait.ge [sflag:s4], $0x6000  }
0x6ed: {  	s22 =	sld [smem:$0x7F6]  }
0x6ee: {  	[sflag:s4] =	ssyncset.done $0x0  }
0x6ef: {  	s11 =	simm.s32 $0x12580;
	[sflag:s4] =	ssyncadd.s32 $0xFFFFA000  }
0x6f0: {  	[hbm4b:s22+s3] =	stream.linear.scatter [tilespmem:s11], [sflag:$0x2], $0x6000, $0x38;
	[tilespmem:$0x1E580] =	vst v63  }
0x6f1: {  	_ =	swait.ge [sflag:s24], $0x6000  }
0x6f2: {  	[sflag:s24] =	ssyncset.done $0x0  }
0x6f3: {  	[sflag:s24] =	ssyncadd.s32 $0xFFFFA000  }
0x6f4: {  	v3 =	vld [tilespmem:$0x520];
	_ =	sdelay $0x4  }
0x6f5: {  	v58 =	vshrl.u32 v3, $0x3  }
0x6f6: {  	v4 =	vmul.u32 $0x30, v58  }
0x6f7: {  	v3 =	vand.u32 $0x7, v3  }
0x6f8: {  	v3 =	vor.u32 v3, v4  }
0x6f9: {  	v4 =	vperm.xlane v3, v0;
	_ =	sdelay $0x1  }
0x6fa: {  	v4 =	vadd.s32 v1, v4;
	_ =	sdelay $0x3  }
0x6fb: {  	v3 =	vperm.xlane v3, v2  }
0x6fc: {  	[tilespmem:s0], [sflag:$0x1] =	stream.indirect_vreg.gather [hbm4b:s2+s3], $0x80, v4, vm0, $0xb8;
	[tilespmem:$0x1E580] =	vst v63  }
0x6fd: {  	s23 =	simm.s32 $0xCD80;
	v3 =	vadd.s32 v1, v3  }
0x6fe: {  	[tilespmem:s23], [sflag:$0x1] =	stream.indirect_vreg.gather [hbm4b:s5+s3], $0x80, v4, vm0, $0xb8;
	[tilespmem:$0x1E580] =	vst v63  }
0x6ff: {  	s8 =	simm.s32 $0xD580  }
0x700: {  	[tilespmem:s8], [sflag:$0x1] =	stream.indirect_vreg.gather [hbm4b:s6+s3], $0x80, v4, vm0, $0xb8;
	[tilespmem:$0x1E580] =	vst v63  }
0x701: {  	s16 =	simm.s32 $0xDD80  }
0x702: {  	[tilespmem:s16], [sflag:$0x1] =	stream.indirect_vreg.gather [hbm4b:s2+s3], $0x80, v3, vm0, $0xb8;
	[tilespmem:$0x1E580] =	vst v63  }
0x703: {  	s12 =	simm.s32 $0xE580  }
0x704: {  	[tilespmem:s12], [sflag:$0x1] =	stream.indirect_vreg.gather [hbm4b:s5+s3], $0x80, v3, vm0, $0xb8;
	[tilespmem:$0x1E580] =	vst v63  }
0x705: {  	s12 =	simm.s32 $0xED80  }
0x706: {  	[tilespmem:s12], [sflag:$0x1] =	stream.indirect_vreg.gather [hbm4b:s6+s3], $0x80, v3, vm0, $0xb8;
	[tilespmem:$0x1E580] =	vst v63  }
0x707: {  	v3 =	vld [tilespmem:$0x530];
	_ =	sdelay $0x4  }
0x708: {  	v59 =	vshrl.u32 v3, $0x3  }
0x709: {  	v4 =	vmul.u32 $0x30, v59  }
0x70a: {  	v3 =	vand.u32 $0x7, v3  }
0x70b: {  	v3 =	vor.u32 v3, v4  }
0x70c: {  	v4 =	vperm.xlane v3, v0;
	_ =	sdelay $0x1  }
0x70d: {  	v4 =	vadd.s32 v1, v4;
	_ =	sdelay $0x3  }
0x70e: {  	s16 =	simm.s32 $0xF580;
	v3 =	vperm.xlane v3, v2  }
0x70f: {  	[tilespmem:s16], [sflag:$0x1] =	stream.indirect_vreg.gather [hbm4b:s2+s3], $0x80, v4, vm0, $0xb8;
	[tilespmem:$0x1E580] =	vst v63  }
0x710: {  	s13 =	simm.s32 $0xFD80;
	v3 =	vadd.s32 v1, v3  }
0x711: {  	[tilespmem:s13], [sflag:$0x1] =	stream.indirect_vreg.gather [hbm4b:s5+s3], $0x80, v4, vm0, $0xb8;
	[tilespmem:$0x1E580] =	vst v63  }
0x712: {  	s17 =	simm.s32 $0x10580  }
0x713: {  	[tilespmem:s17], [sflag:$0x1] =	stream.indirect_vreg.gather [hbm4b:s6+s3], $0x80, v4, vm0, $0xb8;
	[tilespmem:$0x1E580] =	vst v63  }
0x714: {  	s14 =	simm.s32 $0x10D80  }
0x715: {  	[tilespmem:s14], [sflag:$0x1] =	stream.indirect_vreg.gather [hbm4b:s2+s3], $0x80, v3, vm0, $0xb8;
	[tilespmem:$0x1E580] =	vst v63  }
0x716: {  	s15 =	simm.s32 $0x11580  }
0x717: {  	[tilespmem:s15], [sflag:$0x1] =	stream.indirect_vreg.gather [hbm4b:s5+s3], $0x80, v3, vm0, $0xb8;
	[tilespmem:$0x1E580] =	vst v63  }
0x718: {  	s17 =	simm.s32 $0x11D80  }
0x719: {  	[tilespmem:s17], [sflag:$0x1] =	stream.indirect_vreg.gather [hbm4b:s6+s3], $0x80, v3, vm0, $0xb8;
	[tilespmem:$0x1E580] =	vst v63  }
0x71a: {  	_ =	swait.ge [sflag:s4], $0x6000  }
0x71b: {  	s22 =	sld [smem:$0x7F7]  }
0x71c: {  	[sflag:s4] =	ssyncset.done $0x0  }
0x71d: {  	s7 =	simm.s32 $0x18580;
	[sflag:s4] =	ssyncadd.s32 $0xFFFFA000  }
0x71e: {  	[hbm4b:s22+s3] =	stream.linear.scatter [tilespmem:s7], [sflag:$0x2], $0x6000, $0x38;
	[tilespmem:$0x1E580] =	vst v63  }
0x71f: {  	_ =	swait.ge [sflag:s24], $0x6000  }
0x720: {  	[sflag:s24] =	ssyncset.done $0x0  }
0x721: {  	[sflag:s24] =	ssyncadd.s32 $0xFFFFA000  }
0x722: {  	v3 =	vld [tilespmem:$0x540];
	_ =	sdelay $0x4  }
0x723: {  	v60 =	vshrl.u32 v3, $0x3  }
0x724: {  	v4 =	vmul.u32 $0x30, v60  }
0x725: {  	v3 =	vand.u32 $0x7, v3  }
0x726: {  	v3 =	vor.u32 v3, v4  }
0x727: {  	v4 =	vperm.xlane v3, v0;
	_ =	sdelay $0x1  }
0x728: {  	v4 =	vadd.s32 v1, v4;
	_ =	sdelay $0x3  }
0x729: {  	v3 =	vperm.xlane v3, v2  }
0x72a: {  	[tilespmem:s11], [sflag:$0x1] =	stream.indirect_vreg.gather [hbm4b:s2+s3], $0x80, v4, vm0, $0xb8;
	[tilespmem:$0x1E580] =	vst v63  }
0x72b: {  	s23 =	simm.s32 $0x12D80;
	v3 =	vadd.s32 v1, v3  }
0x72c: {  	[tilespmem:s23], [sflag:$0x1] =	stream.indirect_vreg.gather [hbm4b:s5+s3], $0x80, v4, vm0, $0xb8;
	[tilespmem:$0x1E580] =	vst v63  }
0x72d: {  	s25 =	simm.s32 $0x13580  }
0x72e: {  	[tilespmem:s25], [sflag:$0x1] =	stream.indirect_vreg.gather [hbm4b:s6+s3], $0x80, v4, vm0, $0xb8;
	[tilespmem:$0x1E580] =	vst v63  }
0x72f: {  	s8 =	simm.s32 $0x13D80  }
0x730: {  	[tilespmem:s8], [sflag:$0x1] =	stream.indirect_vreg.gather [hbm4b:s2+s3], $0x80, v3, vm0, $0xb8;
	[tilespmem:$0x1E580] =	vst v63  }
0x731: {  	s12 =	simm.s32 $0x14580  }
0x732: {  	[tilespmem:s12], [sflag:$0x1] =	stream.indirect_vreg.gather [hbm4b:s5+s3], $0x80, v3, vm0, $0xb8;
	[tilespmem:$0x1E580] =	vst v63  }
0x733: {  	s9 =	simm.s32 $0x14D80  }
0x734: {  	[tilespmem:s9], [sflag:$0x1] =	stream.indirect_vreg.gather [hbm4b:s6+s3], $0x80, v3, vm0, $0xb8;
	[tilespmem:$0x1E580] =	vst v63  }
0x735: {  	v3 =	vld [tilespmem:$0x550];
	_ =	sdelay $0x4  }
0x736: {  	v61 =	vshrl.u32 v3, $0x3  }
0x737: {  	v4 =	vmul.u32 $0x30, v61  }
0x738: {  	v3 =	vand.u32 $0x7, v3  }
0x739: {  	v3 =	vor.u32 v3, v4  }
0x73a: {  	v4 =	vperm.xlane v3, v0;
	_ =	sdelay $0x1  }
0x73b: {  	v4 =	vadd.s32 v1, v4;
	_ =	sdelay $0x3  }
0x73c: {  	s13 =	simm.s32 $0x15580;
	v3 =	vperm.xlane v3, v2  }
0x73d: {  	[tilespmem:s13], [sflag:$0x1] =	stream.indirect_vreg.gather [hbm4b:s2+s3], $0x80, v4, vm0, $0xb8;
	[tilespmem:$0x1E580] =	vst v63  }
0x73e: {  	s18 =	simm.s32 $0x15D80;
	v3 =	vadd.s32 v1, v3  }
0x73f: {  	[tilespmem:s18], [sflag:$0x1] =	stream.indirect_vreg.gather [hbm4b:s5+s3], $0x80, v4, vm0, $0xb8;
	[tilespmem:$0x1E580] =	vst v63  }
0x740: {  	s19 =	simm.s32 $0x16580  }
0x741: {  	[tilespmem:s19], [sflag:$0x1] =	stream.indirect_vreg.gather [hbm4b:s6+s3], $0x80, v4, vm0, $0xb8;
	[tilespmem:$0x1E580] =	vst v63  }
0x742: {  	s20 =	simm.s32 $0x16D80  }
0x743: {  	[tilespmem:s20], [sflag:$0x1] =	stream.indirect_vreg.gather [hbm4b:s2+s3], $0x80, v3, vm0, $0xb8;
	[tilespmem:$0x1E580] =	vst v63  }
0x744: {  	s10 =	simm.s32 $0x17580  }
0x745: {  	[tilespmem:s10], [sflag:$0x1] =	stream.indirect_vreg.gather [hbm4b:s5+s3], $0x80, v3, vm0, $0xb8;
	[tilespmem:$0x1E580] =	vst v63  }
0x746: {  	s14 =	simm.s32 $0x17D80  }
0x747: {  	[tilespmem:s14], [sflag:$0x1] =	stream.indirect_vreg.gather [hbm4b:s6+s3], $0x80, v3, vm0, $0xb8;
	[tilespmem:$0x1E580] =	vst v63  }
0x748: {  	s15 =	sld [smem:$0x7F0];
	_ =	swait.ge [sflag:s4], $0x6000  }
0x749: {  	s16 =	sld [smem:$0x7F8]  }
0x74a: {  	[sflag:s4] =	ssyncset.done $0x0  }
0x74b: {  	s1 =	simm.s32 $0x580;
	[sflag:s4] =	ssyncadd.s32 $0xFFFFA000  }
0x74c: {  	[hbm4b:s16+s3] =	stream.linear.scatter [tilespmem:s1], [sflag:$0x2], $0x6000, $0x38;
	[tilespmem:$0x1E580] =	vst v63  }
0x74d: {  	_ =	swait.ge [sflag:s24], $0x6000  }
0x74e: {  	[sflag:s24] =	ssyncset.done $0x0  }
0x74f: {  	[sflag:s24] =	ssyncadd.s32 $0xFFFFA000  }
0x750: {  	v3 =	vld [tilespmem:$0x560];
	_ =	sdelay $0x4  }
0x751: {  	v62 =	vshrl.u32 v3, $0x3  }
0x752: {  	v4 =	vmul.u32 $0x30, v62  }
0x753: {  	v3 =	vand.u32 $0x7, v3  }
0x754: {  	v3 =	vor.u32 v3, v4  }
0x755: {  	v4 =	vperm.xlane v3, v0;
	_ =	sdelay $0x1  }
0x756: {  	v4 =	vadd.s32 v1, v4;
	_ =	sdelay $0x3  }
0x757: {  	v3 =	vperm.xlane v3, v2  }
0x758: {  	[tilespmem:s7], [sflag:$0x1] =	stream.indirect_vreg.gather [hbm4b:s2+s3], $0x80, v4, vm0, $0xb8;
	[tilespmem:$0x1E580] =	vst v63  }
0x759: {  	s28 =	simm.s32 $0x18D80;
	v3 =	vadd.s32 v1, v3  }
0x75a: {  	[tilespmem:s28], [sflag:$0x1] =	stream.indirect_vreg.gather [hbm4b:s5+s3], $0x80, v4, vm0, $0xb8;
	[tilespmem:$0x1E580] =	vst v63  }
0x75b: {  	s29 =	simm.s32 $0x19580  }
0x75c: {  	[tilespmem:s29], [sflag:$0x1] =	stream.indirect_vreg.gather [hbm4b:s6+s3], $0x80, v4, vm0, $0xb8;
	[tilespmem:$0x1E580] =	vst v63  }
0x75d: {  	s30 =	simm.s32 $0x19D80  }
0x75e: {  	[tilespmem:s30], [sflag:$0x1] =	stream.indirect_vreg.gather [hbm4b:s2+s3], $0x80, v3, vm0, $0xb8;
	[tilespmem:$0x1E580] =	vst v63  }
0x75f: {  	s31 =	simm.s32 $0x1A580  }
0x760: {  	[tilespmem:s31], [sflag:$0x1] =	stream.indirect_vreg.gather [hbm4b:s5+s3], $0x80, v3, vm0, $0xb8;
	[tilespmem:$0x1E580] =	vst v63  }
0x761: {  	s17 =	simm.s32 $0x1AD80  }
0x762: {  	[tilespmem:s17], [sflag:$0x1] =	stream.indirect_vreg.gather [hbm4b:s6+s3], $0x80, v3, vm0, $0xb8;
	[tilespmem:$0x1E580] =	vst v63  }
0x763: {  	v3 =	vld [tilespmem:$0x570];
	_ =	sdelay $0x4  }
0x764: {  	v63 =	vshrl.u32 v3, $0x3  }
0x765: {  	v4 =	vmul.u32 $0x30, v63  }
0x766: {  	v3 =	vand.u32 $0x7, v3  }
0x767: {  	v3 =	vor.u32 v3, v4  }
0x768: {  	v4 =	vperm.xlane v3, v0;
	_ =	sdelay $0x1  }
0x769: {  	v4 =	vadd.s32 v1, v4;
	_ =	sdelay $0x3  }
0x76a: {  	s18 =	simm.s32 $0x1B580;
	v3 =	vperm.xlane v3, v2  }
0x76b: {  	[tilespmem:s18], [sflag:$0x1] =	stream.indirect_vreg.gather [hbm4b:s2+s3], $0x80, v4, vm0, $0xb8;
	[tilespmem:$0x1E580] =	vst v63  }
0x76c: {  	s19 =	simm.s32 $0x1BD80;
	v3 =	vadd.s32 v1, v3  }
0x76d: {  	[tilespmem:s19], [sflag:$0x1] =	stream.indirect_vreg.gather [hbm4b:s5+s3], $0x80, v4, vm0, $0xb8;
	[tilespmem:$0x1E580] =	vst v63  }
0x76e: {  	s20 =	simm.s32 $0x1C580  }
0x76f: {  	[tilespmem:s20], [sflag:$0x1] =	stream.indirect_vreg.gather [hbm4b:s6+s3], $0x80, v4, vm0, $0xb8;
	[tilespmem:$0x1E580] =	vst v63  }
0x770: {  	s22 =	simm.s32 $0x1CD80  }
0x771: {  	[tilespmem:s22], [sflag:$0x1] =	stream.indirect_vreg.gather [hbm4b:s2+s3], $0x80, v3, vm0, $0xb8;
	[tilespmem:$0x1E580] =	vst v63  }
0x772: {  	s23 =	simm.s32 $0x1D580  }
0x773: {  	[tilespmem:s23], [sflag:$0x1] =	stream.indirect_vreg.gather [hbm4b:s5+s3], $0x80, v3, vm0, $0xb8;
	[tilespmem:$0x1E580] =	vst v63  }
0x774: {  	s25 =	simm.s32 $0x1DD80  }
0x775: {  	[tilespmem:s25], [sflag:$0x1] =	stream.indirect_vreg.gather [hbm4b:s6+s3], $0x80, v3, vm0, $0xb8;
	[tilespmem:$0x1E580] =	vst v63  }
0x776: {  	_ =	swait.ge [sflag:s4], $0x6000  }
0x777: {  	s28 =	sld [smem:$0x7F9]  }
0x778: {  	[sflag:s4] =	ssyncset.done $0x0  }
0x779: {  	[sflag:s4] =	ssyncadd.s32 $0xFFFFA000  }
0x77a: {  	[hbm4b:s28+s3] =	stream.linear.scatter [tilespmem:s26], [sflag:$0x2], $0x6000, $0x38;
	[tilespmem:$0x1E580] =	vst v63  }
0x77b: {  	_ =	swait.ge [sflag:s4], $0x6000  }
0x77c: {  	s29 =	sld [smem:$0x7FA]  }
0x77d: {  	[sflag:s4] =	ssyncset.done $0x0  }
0x77e: {  	s21 =	simm.s32 $0xC580;
	[sflag:s4] =	ssyncadd.s32 $0xFFFFA000  }
0x77f: {  	[hbm4b:s29+s3] =	stream.linear.scatter [tilespmem:s21], [sflag:$0x2], $0x6000, $0x38;
	[tilespmem:$0x1E580] =	vst v63  }
0x780: {  	_ =	swait.ge [sflag:s4], $0x6000  }
0x781: {  	s30 =	sld [smem:$0x7FB]  }
0x782: {  	[sflag:s4] =	ssyncset.done $0x0  }
0x783: {  	[sflag:s4] =	ssyncadd.s32 $0xFFFFA000  }
0x784: {  	[hbm4b:s30+s3] =	stream.linear.scatter [tilespmem:s11], [sflag:$0x2], $0x6000, $0x38;
	[tilespmem:$0x1E580] =	vst v63  }
0x785: {  	_ =	swait.ge [sflag:s4], $0x6000  }
0x786: {  	s31 =	sld [smem:$0x7FD]  }
0x787: {  	[sflag:s4] =	ssyncset.done $0x0  }
0x788: {  	[sflag:s4] =	ssyncadd.s32 $0xFFFFA000  }
0x789: {  	[hbm4b:s31+s3] =	stream.linear.scatter [tilespmem:s7], [sflag:$0x2], $0x6000, $0x38;
	[tilespmem:$0x1E580] =	vst v63  }
0x78a: {  	_ =	swait.ge [sflag:s24], $0x6000  }
0x78b: {  	[sflag:s24] =	ssyncset.done $0x0  }
0x78c: {  	[sflag:s24] =	ssyncadd.s32 $0xFFFFA000  }
0x78d: {  	_ =	swait.ge [sflag:s24], $0x6000  }
0x78e: {  	[sflag:s24] =	ssyncset.done $0x0  }
0x78f: {  	[sflag:s24] =	ssyncadd.s32 $0xFFFFA000  }
0x790: {  	_ =	swait.ge [sflag:s24], $0x6000  }
0x791: {  	[sflag:s24] =	ssyncset.done $0x0  }
0x792: {  	[sflag:s24] =	ssyncadd.s32 $0xFFFFA000  }
0x793: {  	p0 =	sne.s32 s15, $0x1;
	_ =	swait.ge [sflag:s24], $0x6000  }
.Ltmp0:
0x794: {  	[sflag:s24] =	ssyncset.done $0x0;
	(pc) =	sbr.rel @p0 .LBB2_1-.Ltmp0, $4  }
0x795: {  	[sflag:s24] =	ssyncadd.s32 $0xFFFFA000  }
0x796: {  	_ =	swait.ge [sflag:s24], $0x6000  }
0x797: {  	[sflag:s24] =	ssyncset.done $0x0  }
0x798: {  	s0 =	sadd.s32 $0xFFFFFFFF, s15;
	[sflag:s24] =	ssyncadd.s32 $0xFFFFA000  }
0x799: {  	_ =	sfence.sel $0x180000  }
0x79a: {  	[bflag:$0x0] =	sbarrier.arrive $0xFFFF  }
0x79b: {  	_ =	strace $0x90000047  }
0x79c: {  	s0 =	stileid.u32;
	[bflag:$0x2] =	sbarrier.arrive $0xFFFF  }
0x79d: {  	p0 =	sne.s32 s0, $0x0;
	s0 =	rddreg [dreg:$0x3]  }
0x79e: {  	s0 =	sadd.s32 @!p0 $0x100000, s0  }
0x79f: {  	[sflag:s0] =	ssyncadd.tile.s32 @!p0 $0x1;
	_ =	shalt  }
.Lfunc_end2:
_tile_overlayer_lowered:
.L_overlay_start_2:
0x7a0: {  	(tag) =	ssettag $0x2  }
0x7a1: {  	s0 =	rddreg [dreg:$0x0];
	s2 =	stileid.u32  }
0x7a2: {  	s1 =	rddreg [dreg:$0x1];
	p0 =	sne.s32 s2, $0x0  }
0x7a3: {  	s3 =	rddreg [dreg:$0x2];
	[bflag:$0x3] =	sbarrier.arrive $0xFFFF;
	s2 =	simm.s32 @!p0 $0x1C03  }
0x7a4: {  	[timem:s3], [sflag:s2] =	dma.local @!p0 [hbm:s0], s1  }
0x7a5: {  	s0 =	simm.s32 @!p0 $0x3  }
0x7a6: {  	_ =	swait.ge @!p0 [sflag:s0], s1  }
0x7a7: {  	s1 =	ssub.s32 @!p0 $0x0, s1;
	[sflag:s0] =	ssyncset.done @!p0 $0x0  }
0x7a8: {  	[sflag:s0] =	ssyncadd.s32 @!p0 s1  }
0x7a9: {  	[bflag:$0x3] =	sbarrier.arrive $0xFFFF  }
0x7aa: {  	_ =	shalt  }

</sc_bundles>
